<compile_context>
chip_gen: v7x
topology: tpu7x:2x2x1
jax: 0.10.2.dev20260603
libtpu: 0.0.44.dev20260713+nightly
codegen_flags: <defaults>
</compile_context>

<pallas_src>
import functools

import jax
import jax.numpy as jnp
from jax import lax
from jax.experimental import pallas as pl
from jax.experimental.pallas import tpu as pltpu
from jax.experimental.pallas import tpu_sc as plsc

NUM_USERS = 1000000
NUM_ITEMS = 1000000
LATENT_DIM = 32
BATCH = 16384
WIN = 128

_INFO = plsc.get_sparse_core_info()
NC, NS, L = _INFO.num_cores, _INFO.num_subcores, _INFO.num_lanes
NW = NC * NS
BPW = BATCH // NW
GRP = BPW // L

_MESH = plsc.VectorSubcoreMesh(core_axis_name="c", subcore_axis_name="s")


@functools.partial(
    pl.kernel,
    mesh=_MESH,
    compiler_params=pltpu.CompilerParams(needs_layout_passes=False,
                                         use_tc_tiling_on_sc=True),
    out_type=jax.ShapeDtypeStruct((BATCH,), jnp.float32),
    scratch_types=[
        pltpu.VMEM((BPW,), jnp.int32),
        pltpu.VMEM((BPW,), jnp.int32),
        pltpu.VMEM((LATENT_DIM, WIN), jnp.float32),
        pltpu.VMEM((LATENT_DIM, WIN), jnp.float32),
        pltpu.VMEM((LATENT_DIM, WIN), jnp.float32),
        pltpu.VMEM((LATENT_DIM, WIN), jnp.float32),
        pltpu.VMEM((LATENT_DIM, WIN), jnp.float32),
        pltpu.VMEM((LATENT_DIM, WIN), jnp.float32),
        pltpu.VMEM((LATENT_DIM, WIN), jnp.float32),
        pltpu.VMEM((LATENT_DIM, WIN), jnp.float32),
        pltpu.VMEM((LATENT_DIM, WIN), jnp.float32),
        pltpu.VMEM((LATENT_DIM, WIN), jnp.float32),
        pltpu.VMEM((LATENT_DIM, WIN), jnp.float32),
        pltpu.VMEM((LATENT_DIM, WIN), jnp.float32),
        pltpu.VMEM((LATENT_DIM, WIN), jnp.float32),
        pltpu.VMEM((LATENT_DIM, WIN), jnp.float32),
        pltpu.VMEM((LATENT_DIM, WIN), jnp.float32),
        pltpu.VMEM((LATENT_DIM, WIN), jnp.float32),
        pltpu.VMEM((L * L,), jnp.float32),
        pltpu.VMEM((L * L,), jnp.float32),
        pltpu.VMEM((BPW,), jnp.float32),
        pltpu.SemaphoreType.DMA,
        pltpu.SemaphoreType.DMA,
        pltpu.SemaphoreType.DMA,
        pltpu.SemaphoreType.DMA,
        pltpu.SemaphoreType.DMA,
        pltpu.SemaphoreType.DMA,
        pltpu.SemaphoreType.DMA,
        pltpu.SemaphoreType.DMA,
        pltpu.SemaphoreType.DMA,
        pltpu.SemaphoreType.DMA,
        pltpu.SemaphoreType.DMA,
        pltpu.SemaphoreType.DMA,
        pltpu.SemaphoreType.DMA,
        pltpu.SemaphoreType.DMA,
        pltpu.SemaphoreType.DMA,
        pltpu.SemaphoreType.DMA,
    ],
)
def _var_mf_sc(users_h, items_h, utt_h, itt_h, out_h,
               uidx_v, iidx_v, u0_v, u1_v, u2_v, u3_v, u4_v, u5_v, u6_v, u7_v, i0_v, i1_v, i2_v, i3_v, i4_v, i5_v, i6_v, i7_v,
               nbuf_v, dbuf_v, gout_v,
               sem_u0, sem_u1, sem_u2, sem_u3, sem_u4, sem_u5, sem_u6, sem_u7,
               sem_i0, sem_i1, sem_i2, sem_i3, sem_i4, sem_i5, sem_i6, sem_i7):
    wid = lax.axis_index("s") * NC + lax.axis_index("c")
    base = wid * BPW

    pltpu.sync_copy(users_h.at[pl.ds(base, BPW)], uidx_v)
    pltpu.sync_copy(items_h.at[pl.ds(base, BPW)], iidx_v)

    lane = lax.iota(jnp.int32, L)

    def sget(vref, r):
        chunk = vref[pl.ds((r // L) * L, L)]
        return jnp.sum(jnp.where(lane == r % L, chunk, 0))

    NSLOT = 8
    ubufs = (u0_v, u1_v, u2_v, u3_v, u4_v, u5_v, u6_v, u7_v)
    ibufs = (i0_v, i1_v, i2_v, i3_v, i4_v, i5_v, i6_v, i7_v)
    usems = (sem_u0, sem_u1, sem_u2, sem_u3, sem_u4, sem_u5, sem_u6, sem_u7)
    isems = (sem_i0, sem_i1, sem_i2, sem_i3, sem_i4, sem_i5, sem_i6, sem_i7)

    def fire(r, slot):
        rr = min(r, BPW - 1) if isinstance(r, int) else lax.min(r, BPW - 1)
        tu = lax.shift_right_logical(sget(uidx_v, rr), 7)
        ti = lax.shift_right_logical(sget(iidx_v, rr), 7)
        pltpu.async_copy(
            utt_h.at[:, pl.ds(pl.multiple_of(tu * WIN, WIN), WIN)],
            ubufs[slot], usems[slot])
        pltpu.async_copy(
            itt_h.at[:, pl.ds(pl.multiple_of(ti * WIN, WIN), WIN)],
            ibufs[slot], isems[slot])

    def wait(slot):
        pltpu.make_async_copy(utt_h.at[:, pl.ds(0, WIN)],
                              ubufs[slot], usems[slot]).wait()
        pltpu.make_async_copy(itt_h.at[:, pl.ds(0, WIN)],
                              ibufs[slot], isems[slot]).wait()

    for p in range(NSLOT):
        fire(p, p)

    rowbase = lane * L

    def group(g, _):
        for rr in range(L):
            slot = rr % NSLOT
            r = g * L + rr
            wait(slot)
            uchunk = uidx_v[pl.ds(g * L, L)]
            ichunk = iidx_v[pl.ds(g * L, L)]
            sel = jnp.full((L,), rr, jnp.int32)
            luv = jnp.take(uchunk, sel) & (WIN - 1)
            liv = jnp.take(ichunk, sel) & (WIN - 1)
            uv0 = plsc.load_gather(ubufs[slot], [lane, luv])
            uv1 = plsc.load_gather(ubufs[slot], [lane + L, luv])
            iv0 = plsc.load_gather(ibufs[slot], [lane, liv])
            iv1 = plsc.load_gather(ibufs[slot], [lane + L, liv])
            fire(r + NSLOT, slot)
            e0 = jnp.exp(iv0)
            e1 = jnp.exp(iv1)
            s0 = 1.0 / (1.0 + jnp.exp(-uv0))
            s1 = 1.0 / (1.0 + jnp.exp(-uv1))
            nbuf_v[pl.ds(rr * L, L)] = e0 * s0 + e1 * s1
            dbuf_v[pl.ds(rr * L, L)] = e0 + e1
        num = jnp.zeros((L,), jnp.float32)
        den = jnp.zeros((L,), jnp.float32)
        for k in range(L):
            num = num + plsc.load_gather(nbuf_v, [rowbase + k])
            den = den + plsc.load_gather(dbuf_v, [rowbase + k])
        gout_v[pl.ds(g * L, L)] = num / den
        return 0

    lax.fori_loop(0, GRP, group, 0)

    for p in range(NSLOT):
        wait(p)

    pltpu.sync_copy(gout_v, out_h.at[pl.ds(base, BPW)])


def kernel(users, items, user_table, item_table):
    users = users.astype(jnp.int32)
    items = items.astype(jnp.int32)
    return _var_mf_sc(users, items, user_table.T, item_table.T)

# --- scband reference (transcript-rebuilt; emitter-appended) ---
"""Pipeline reference for scband-var-mf-reg-5239860101645 (READ-ONLY COPY).

The authoritative reference and input builder live on the scoring server;
editing this copy changes nothing except your own understanding.
"""

import jax, jax.numpy as jnp
import numpy as np

NUM_USERS = 1000000
NUM_ITEMS = 1000000
LATENT_DIM = 32
BATCH = 16384


def setup_inputs(seed: int = 0) -> dict:
    key = jax.random.key(seed)
    k1, k2, k3, k4 = jax.random.split(key, 4)
    users = jax.random.randint(k1, (BATCH,), 0, NUM_USERS, dtype=jnp.int64 if jax.config.jax_enable_x64 else jnp.int32)
    items = jax.random.randint(k2, (BATCH,), 0, NUM_ITEMS, dtype=jnp.int64 if jax.config.jax_enable_x64 else jnp.int32)
    user_table = jax.random.normal(k3, (NUM_USERS, LATENT_DIM), dtype=jnp.float32)
    item_table = jax.random.normal(k4, (NUM_ITEMS, LATENT_DIM), dtype=jnp.float32)
    return {"users": users, "items": items, "user_table": user_table, "item_table": item_table}


def reference(users, items, user_table, item_table):
    # users_emb = sigmoid(embedding_user(users))
    users_emb = jnp.take(user_table, users, axis=0)
    users_emb = jax.nn.sigmoid(users_emb)
    # items_emb = softmax(embedding_item(items), dim=1)
    items_emb = jnp.take(item_table, items, axis=0)
    items_emb = jax.nn.softmax(items_emb, axis=1)
    inner_pro = users_emb * items_emb
    gamma = jnp.sum(inner_pro, axis=1)
    return gamma

if __name__ == "__main__":
    import jax
    _d = setup_inputs()
    print(jax.jit(kernel)(*tuple(_d.values())))

</pallas_src>

<mosaic_0001>
#map = affine_map<(d0, d1) -> (0)>
#map1 = affine_map<(d0, d1) -> (0, 0)>
module attributes {stable_mosaic.version = 14 : i64} {
  func.func @_var_mf_sc(%arg0: i32, %arg1: i32, %arg2: memref<16384xi32, #tpu.memory_space<hbm>>, %arg3: memref<16384xi32, #tpu.memory_space<hbm>>, %arg4: memref<32x1000000xf32, #tpu.memory_space<hbm>>, %arg5: memref<32x1000000xf32, #tpu.memory_space<hbm>>, %arg6: memref<16384xf32, #tpu.memory_space<hbm>>, %arg7: memref<512xi32, #tpu.memory_space<vmem>>, %arg8: memref<512xi32, #tpu.memory_space<vmem>>, %arg9: memref<32x128xf32, #tpu.memory_space<vmem>>, %arg10: memref<32x128xf32, #tpu.memory_space<vmem>>, %arg11: memref<32x128xf32, #tpu.memory_space<vmem>>, %arg12: memref<32x128xf32, #tpu.memory_space<vmem>>, %arg13: memref<32x128xf32, #tpu.memory_space<vmem>>, %arg14: memref<32x128xf32, #tpu.memory_space<vmem>>, %arg15: memref<32x128xf32, #tpu.memory_space<vmem>>, %arg16: memref<32x128xf32, #tpu.memory_space<vmem>>, %arg17: memref<32x128xf32, #tpu.memory_space<vmem>>, %arg18: memref<32x128xf32, #tpu.memory_space<vmem>>, %arg19: memref<32x128xf32, #tpu.memory_space<vmem>>, %arg20: memref<32x128xf32, #tpu.memory_space<vmem>>, %arg21: memref<32x128xf32, #tpu.memory_space<vmem>>, %arg22: memref<32x128xf32, #tpu.memory_space<vmem>>, %arg23: memref<32x128xf32, #tpu.memory_space<vmem>>, %arg24: memref<32x128xf32, #tpu.memory_space<vmem>>, %arg25: memref<256xf32, #tpu.memory_space<vmem>>, %arg26: memref<256xf32, #tpu.memory_space<vmem>>, %arg27: memref<512xf32, #tpu.memory_space<vmem>>, %arg28: memref<!tpu.dma_semaphore, #tpu.memory_space<semaphore_mem>>, %arg29: memref<!tpu.dma_semaphore, #tpu.memory_space<semaphore_mem>>, %arg30: memref<!tpu.dma_semaphore, #tpu.memory_space<semaphore_mem>>, %arg31: memref<!tpu.dma_semaphore, #tpu.memory_space<semaphore_mem>>, %arg32: memref<!tpu.dma_semaphore, #tpu.memory_space<semaphore_mem>>, %arg33: memref<!tpu.dma_semaphore, #tpu.memory_space<semaphore_mem>>, %arg34: memref<!tpu.dma_semaphore, #tpu.memory_space<semaphore_mem>>, %arg35: memref<!tpu.dma_semaphore, #tpu.memory_space<semaphore_mem>>, %arg36: memref<!tpu.dma_semaphore, #tpu.memory_space<semaphore_mem>>, %arg37: memref<!tpu.dma_semaphore, #tpu.memory_space<semaphore_mem>>, %arg38: memref<!tpu.dma_semaphore, #tpu.memory_space<semaphore_mem>>, %arg39: memref<!tpu.dma_semaphore, #tpu.memory_space<semaphore_mem>>, %arg40: memref<!tpu.dma_semaphore, #tpu.memory_space<semaphore_mem>>, %arg41: memref<!tpu.dma_semaphore, #tpu.memory_space<semaphore_mem>>, %arg42: memref<!tpu.dma_semaphore, #tpu.memory_space<semaphore_mem>>, %arg43: memref<!tpu.dma_semaphore, #tpu.memory_space<semaphore_mem>>) attributes {dimension_semantics = [#tpu.dimension_semantics<core_parallel>, #tpu.dimension_semantics<subcore_parallel>], iteration_bounds = array<i64: 2, 16>, scalar_prefetch = 0 : i64, scratch_operands = 37 : i64, tpu.core_type = #tpu.core_type<sc_vector_subcore>, window_params = [{transform_indices = #map}, {transform_indices = #map}, {transform_indices = #map1}, {transform_indices = #map1}, {transform_indices = #map}]} {
    %mul3A = arith.constant 2 : i32
    %mul3A_0 = arith.muli %arg1, %mul3A : i32
    %add3A = arith.addi %mul3A_0, %arg0 : i32
    %mul3A_1 = arith.constant 512 : i32
    %mul3A_2 = arith.muli %add3A, %mul3A_1 : i32
    "tpu.region"() ({
      %run_scoped3A = tpu.sem_alloc : memref<!tpu.dma_semaphore, #tpu.memory_space<semaphore_mem>>
      %dma_start3A_434 = tpu.memref_slice %arg2[%mul3A_2] : memref<16384xi32, #tpu.memory_space<hbm>> -> memref<512xi32, #tpu.memory_space<hbm>>
      %dma_start3A_435 = tpu.memref_slice %arg2[%mul3A_2] : memref<16384xi32, #tpu.memory_space<hbm>> -> memref<512xi32, #tpu.memory_space<hbm>>
      tpu.enqueue_dma source(%dma_start3A_435 : memref<512xi32, #tpu.memory_space<hbm>>) target(%arg7 : memref<512xi32, #tpu.memory_space<vmem>>) target_semaphore(%run_scoped3A : memref<!tpu.dma_semaphore, #tpu.memory_space<semaphore_mem>>)
      %dma_wait3A_436 = tpu.memref_slice %arg2[%mul3A_2] : memref<16384xi32, #tpu.memory_space<hbm>> -> memref<512xi32, #tpu.memory_space<hbm>>
      %dma_wait3A_437 = tpu.memref_slice %arg2[%mul3A_2] : memref<16384xi32, #tpu.memory_space<hbm>> -> memref<512xi32, #tpu.memory_space<hbm>>
      tpu.wait_dma2 semaphore(%run_scoped3A : memref<!tpu.dma_semaphore, #tpu.memory_space<semaphore_mem>>) src(%dma_wait3A_437 : memref<512xi32, #tpu.memory_space<hbm>>) dst(%arg7 : memref<512xi32, #tpu.memory_space<vmem>>)
      tpu.yield
    }) : () -> ()
    "tpu.region"() ({
      %run_scoped3A = tpu.sem_alloc : memref<!tpu.dma_semaphore, #tpu.memory_space<semaphore_mem>>
      %dma_start3A_434 = tpu.memref_slice %arg3[%mul3A_2] : memref<16384xi32, #tpu.memory_space<hbm>> -> memref<512xi32, #tpu.memory_space<hbm>>
      %dma_start3A_435 = tpu.memref_slice %arg3[%mul3A_2] : memref<16384xi32, #tpu.memory_space<hbm>> -> memref<512xi32, #tpu.memory_space<hbm>>
      tpu.enqueue_dma source(%dma_start3A_435 : memref<512xi32, #tpu.memory_space<hbm>>) target(%arg8 : memref<512xi32, #tpu.memory_space<vmem>>) target_semaphore(%run_scoped3A : memref<!tpu.dma_semaphore, #tpu.memory_space<semaphore_mem>>)
      %dma_wait3A_436 = tpu.memref_slice %arg3[%mul3A_2] : memref<16384xi32, #tpu.memory_space<hbm>> -> memref<512xi32, #tpu.memory_space<hbm>>
      %dma_wait3A_437 = tpu.memref_slice %arg3[%mul3A_2] : memref<16384xi32, #tpu.memory_space<hbm>> -> memref<512xi32, #tpu.memory_space<hbm>>
      tpu.wait_dma2 semaphore(%run_scoped3A : memref<!tpu.dma_semaphore, #tpu.memory_space<semaphore_mem>>) src(%dma_wait3A_437 : memref<512xi32, #tpu.memory_space<hbm>>) dst(%arg8 : memref<512xi32, #tpu.memory_space<vmem>>)
      tpu.yield
    }) : () -> ()
    %iota3A = tpu.iota {dimensions = array<i32: 0>} : vector<16xi32>
    %get3A = arith.constant 0 : index
    %get3A_3 = tpu.vector_load %arg7[%get3A] {strides = array<i32>} : memref<512xi32, #tpu.memory_space<vmem>>, vector<16xi32>,
    %eq3A = arith.constant 0 : i32
    %eq3A_4 = vector.broadcast %eq3A : i32 to vector<16xi32>
    %eq3A_5 = arith.cmpi eq, %iota3A, %eq3A_4 : vector<16xi32>
    %jit3A = arith.constant 0 : i32
    %broadcast_in_dim3A = vector.broadcast %jit3A : i32 to vector<16xi32>
    %select_n3A = arith.select %eq3A_5, %get3A_3, %broadcast_in_dim3A : vector<16xi1>, vector<16xi32>
    %reduce_sum3A = arith.constant true
    %reduce_sum3A_6 = vector.broadcast %reduce_sum3A : i1 to vector<16xi1>
    %reduce_sum3A_7 = tpu.scan <sum>, %select_n3A masked %reduce_sum3A_6 : vector<16xi32>, vector<16xi1> -> vector<16xi32>
    %reduce_sum3A_8 = vector.extract %reduce_sum3A_7[15] : i32 from vector<16xi32>
    %shift_right_logical3A = arith.constant 7 : i32
    %shift_right_logical3A_9 = arith.shrui %reduce_sum3A_8, %shift_right_logical3A : i32
    %get3A_10 = arith.constant 0 : index
    %get3A_11 = tpu.vector_load %arg8[%get3A_10] {strides = array<i32>} : memref<512xi32, #tpu.memory_space<vmem>>, vector<16xi32>,
    %eq3A_12 = arith.constant 0 : i32
    %eq3A_13 = vector.broadcast %eq3A_12 : i32 to vector<16xi32>
    %eq3A_14 = arith.cmpi eq, %iota3A, %eq3A_13 : vector<16xi32>
    %jit3A_15 = arith.constant 0 : i32
    %broadcast_in_dim3A_16 = vector.broadcast %jit3A_15 : i32 to vector<16xi32>
    %select_n3A_17 = arith.select %eq3A_14, %get3A_11, %broadcast_in_dim3A_16 : vector<16xi1>, vector<16xi32>
    %reduce_sum3A_18 = arith.constant true
    %reduce_sum3A_19 = vector.broadcast %reduce_sum3A_18 : i1 to vector<16xi1>
    %reduce_sum3A_20 = tpu.scan <sum>, %select_n3A_17 masked %reduce_sum3A_19 : vector<16xi32>, vector<16xi1> -> vector<16xi32>
    %reduce_sum3A_21 = vector.extract %reduce_sum3A_20[15] : i32 from vector<16xi32>
    %shift_right_logical3A_22 = arith.constant 7 : i32
    %shift_right_logical3A_23 = arith.shrui %reduce_sum3A_21, %shift_right_logical3A_22 : i32
    %mul3A_24 = arith.constant 128 : i32
    %mul3A_25 = arith.muli %shift_right_logical3A_9, %mul3A_24 : i32
    %multiple_of3A = tpu.assume_multiple %mul3A_25, 128 : i32
    %dma_start3A = arith.constant 0 : i32
    %dma_start3A_26 = tpu.memref_slice %arg4[%dma_start3A, %multiple_of3A] : memref<32x1000000xf32, #tpu.memory_space<hbm>> -> memref<32x128xf32, #tpu.memory_space<hbm>>
    %dma_start3A_27 = arith.constant 0 : i32
    %dma_start3A_28 = tpu.memref_slice %arg4[%dma_start3A_27, %multiple_of3A] : memref<32x1000000xf32, #tpu.memory_space<hbm>> -> memref<32x128xf32, #tpu.memory_space<hbm>>
    tpu.enqueue_dma source(%dma_start3A_28 : memref<32x128xf32, #tpu.memory_space<hbm>>) target(%arg9 : memref<32x128xf32, #tpu.memory_space<vmem>>) target_semaphore(%arg28 : memref<!tpu.dma_semaphore, #tpu.memory_space<semaphore_mem>>)
    %mul3A_29 = arith.constant 128 : i32
    %mul3A_30 = arith.muli %shift_right_logical3A_23, %mul3A_29 : i32
    %multiple_of3A_31 = tpu.assume_multiple %mul3A_30, 128 : i32
    %dma_start3A_32 = arith.constant 0 : i32
    %dma_start3A_33 = tpu.memref_slice %arg5[%dma_start3A_32, %multiple_of3A_31] : memref<32x1000000xf32, #tpu.memory_space<hbm>> -> memref<32x128xf32, #tpu.memory_space<hbm>>
    %dma_start3A_34 = arith.constant 0 : i32
    %dma_start3A_35 = tpu.memref_slice %arg5[%dma_start3A_34, %multiple_of3A_31] : memref<32x1000000xf32, #tpu.memory_space<hbm>> -> memref<32x128xf32, #tpu.memory_space<hbm>>
    tpu.enqueue_dma source(%dma_start3A_35 : memref<32x128xf32, #tpu.memory_space<hbm>>) target(%arg17 : memref<32x128xf32, #tpu.memory_space<vmem>>) target_semaphore(%arg36 : memref<!tpu.dma_semaphore, #tpu.memory_space<semaphore_mem>>)
    %get3A_36 = arith.constant 0 : index
    %get3A_37 = tpu.vector_load %arg7[%get3A_36] {strides = array<i32>} : memref<512xi32, #tpu.memory_space<vmem>>, vector<16xi32>,
    %eq3A_38 = arith.constant 1 : i32
    %eq3A_39 = vector.broadcast %eq3A_38 : i32 to vector<16xi32>
    %eq3A_40 = arith.cmpi eq, %iota3A, %eq3A_39 : vector<16xi32>
    %jit3A_41 = arith.constant 0 : i32
    %broadcast_in_dim3A_42 = vector.broadcast %jit3A_41 : i32 to vector<16xi32>
    %select_n3A_43 = arith.select %eq3A_40, %get3A_37, %broadcast_in_dim3A_42 : vector<16xi1>, vector<16xi32>
    %reduce_sum3A_44 = arith.constant true
    %reduce_sum3A_45 = vector.broadcast %reduce_sum3A_44 : i1 to vector<16xi1>
    %reduce_sum3A_46 = tpu.scan <sum>, %select_n3A_43 masked %reduce_sum3A_45 : vector<16xi32>, vector<16xi1> -> vector<16xi32>
    %reduce_sum3A_47 = vector.extract %reduce_sum3A_46[15] : i32 from vector<16xi32>
    %shift_right_logical3A_48 = arith.constant 7 : i32
    %shift_right_logical3A_49 = arith.shrui %reduce_sum3A_47, %shift_right_logical3A_48 : i32
    %get3A_50 = arith.constant 0 : index
    %get3A_51 = tpu.vector_load %arg8[%get3A_50] {strides = array<i32>} : memref<512xi32, #tpu.memory_space<vmem>>, vector<16xi32>,
    %eq3A_52 = arith.constant 1 : i32
    %eq3A_53 = vector.broadcast %eq3A_52 : i32 to vector<16xi32>
    %eq3A_54 = arith.cmpi eq, %iota3A, %eq3A_53 : vector<16xi32>
    %jit3A_55 = arith.constant 0 : i32
    %broadcast_in_dim3A_56 = vector.broadcast %jit3A_55 : i32 to vector<16xi32>
    %select_n3A_57 = arith.select %eq3A_54, %get3A_51, %broadcast_in_dim3A_56 : vector<16xi1>, vector<16xi32>
    %reduce_sum3A_58 = arith.constant true
    %reduce_sum3A_59 = vector.broadcast %reduce_sum3A_58 : i1 to vector<16xi1>
    %reduce_sum3A_60 = tpu.scan <sum>, %select_n3A_57 masked %reduce_sum3A_59 : vector<16xi32>, vector<16xi1> -> vector<16xi32>
    %reduce_sum3A_61 = vector.extract %reduce_sum3A_60[15] : i32 from vector<16xi32>
    %shift_right_logical3A_62 = arith.constant 7 : i32
    %shift_right_logical3A_63 = arith.shrui %reduce_sum3A_61, %shift_right_logical3A_62 : i32
    %mul3A_64 = arith.constant 128 : i32
    %mul3A_65 = arith.muli %shift_right_logical3A_49, %mul3A_64 : i32
    %multiple_of3A_66 = tpu.assume_multiple %mul3A_65, 128 : i32
    %dma_start3A_67 = arith.constant 0 : i32
    %dma_start3A_68 = tpu.memref_slice %arg4[%dma_start3A_67, %multiple_of3A_66] : memref<32x1000000xf32, #tpu.memory_space<hbm>> -> memref<32x128xf32, #tpu.memory_space<hbm>>
    %dma_start3A_69 = arith.constant 0 : i32
    %dma_start3A_70 = tpu.memref_slice %arg4[%dma_start3A_69, %multiple_of3A_66] : memref<32x1000000xf32, #tpu.memory_space<hbm>> -> memref<32x128xf32, #tpu.memory_space<hbm>>
    tpu.enqueue_dma source(%dma_start3A_70 : memref<32x128xf32, #tpu.memory_space<hbm>>) target(%arg10 : memref<32x128xf32, #tpu.memory_space<vmem>>) target_semaphore(%arg29 : memref<!tpu.dma_semaphore, #tpu.memory_space<semaphore_mem>>)
    %mul3A_71 = arith.constant 128 : i32
    %mul3A_72 = arith.muli %shift_right_logical3A_63, %mul3A_71 : i32
    %multiple_of3A_73 = tpu.assume_multiple %mul3A_72, 128 : i32
    %dma_start3A_74 = arith.constant 0 : i32
    %dma_start3A_75 = tpu.memref_slice %arg5[%dma_start3A_74, %multiple_of3A_73] : memref<32x1000000xf32, #tpu.memory_space<hbm>> -> memref<32x128xf32, #tpu.memory_space<hbm>>
    %dma_start3A_76 = arith.constant 0 : i32
    %dma_start3A_77 = tpu.memref_slice %arg5[%dma_start3A_76, %multiple_of3A_73] : memref<32x1000000xf32, #tpu.memory_space<hbm>> -> memref<32x128xf32, #tpu.memory_space<hbm>>
    tpu.enqueue_dma source(%dma_start3A_77 : memref<32x128xf32, #tpu.memory_space<hbm>>) target(%arg18 : memref<32x128xf32, #tpu.memory_space<vmem>>) target_semaphore(%arg37 : memref<!tpu.dma_semaphore, #tpu.memory_space<semaphore_mem>>)
    %get3A_78 = arith.constant 0 : index
    %get3A_79 = tpu.vector_load %arg7[%get3A_78] {strides = array<i32>} : memref<512xi32, #tpu.memory_space<vmem>>, vector<16xi32>,
    %eq3A_80 = arith.constant 2 : i32
    %eq3A_81 = vector.broadcast %eq3A_80 : i32 to vector<16xi32>
    %eq3A_82 = arith.cmpi eq, %iota3A, %eq3A_81 : vector<16xi32>
    %jit3A_83 = arith.constant 0 : i32
    %broadcast_in_dim3A_84 = vector.broadcast %jit3A_83 : i32 to vector<16xi32>
    %select_n3A_85 = arith.select %eq3A_82, %get3A_79, %broadcast_in_dim3A_84 : vector<16xi1>, vector<16xi32>
    %reduce_sum3A_86 = arith.constant true
    %reduce_sum3A_87 = vector.broadcast %reduce_sum3A_86 : i1 to vector<16xi1>
    %reduce_sum3A_88 = tpu.scan <sum>, %select_n3A_85 masked %reduce_sum3A_87 : vector<16xi32>, vector<16xi1> -> vector<16xi32>
    %reduce_sum3A_89 = vector.extract %reduce_sum3A_88[15] : i32 from vector<16xi32>
    %shift_right_logical3A_90 = arith.constant 7 : i32
    %shift_right_logical3A_91 = arith.shrui %reduce_sum3A_89, %shift_right_logical3A_90 : i32
    %get3A_92 = arith.constant 0 : index
    %get3A_93 = tpu.vector_load %arg8[%get3A_92] {strides = array<i32>} : memref<512xi32, #tpu.memory_space<vmem>>, vector<16xi32>,
    %eq3A_94 = arith.constant 2 : i32
    %eq3A_95 = vector.broadcast %eq3A_94 : i32 to vector<16xi32>
    %eq3A_96 = arith.cmpi eq, %iota3A, %eq3A_95 : vector<16xi32>
    %jit3A_97 = arith.constant 0 : i32
    %broadcast_in_dim3A_98 = vector.broadcast %jit3A_97 : i32 to vector<16xi32>
    %select_n3A_99 = arith.select %eq3A_96, %get3A_93, %broadcast_in_dim3A_98 : vector<16xi1>, vector<16xi32>
    %reduce_sum3A_100 = arith.constant true
    %reduce_sum3A_101 = vector.broadcast %reduce_sum3A_100 : i1 to vector<16xi1>
    %reduce_sum3A_102 = tpu.scan <sum>, %select_n3A_99 masked %reduce_sum3A_101 : vector<16xi32>, vector<16xi1> -> vector<16xi32>
    %reduce_sum3A_103 = vector.extract %reduce_sum3A_102[15] : i32 from vector<16xi32>
    %shift_right_logical3A_104 = arith.constant 7 : i32
    %shift_right_logical3A_105 = arith.shrui %reduce_sum3A_103, %shift_right_logical3A_104 : i32
    %mul3A_106 = arith.constant 128 : i32
    %mul3A_107 = arith.muli %shift_right_logical3A_91, %mul3A_106 : i32
    %multiple_of3A_108 = tpu.assume_multiple %mul3A_107, 128 : i32
    %dma_start3A_109 = arith.constant 0 : i32
    %dma_start3A_110 = tpu.memref_slice %arg4[%dma_start3A_109, %multiple_of3A_108] : memref<32x1000000xf32, #tpu.memory_space<hbm>> -> memref<32x128xf32, #tpu.memory_space<hbm>>
    %dma_start3A_111 = arith.constant 0 : i32
    %dma_start3A_112 = tpu.memref_slice %arg4[%dma_start3A_111, %multiple_of3A_108] : memref<32x1000000xf32, #tpu.memory_space<hbm>> -> memref<32x128xf32, #tpu.memory_space<hbm>>
    tpu.enqueue_dma source(%dma_start3A_112 : memref<32x128xf32, #tpu.memory_space<hbm>>) target(%arg11 : memref<32x128xf32, #tpu.memory_space<vmem>>) target_semaphore(%arg30 : memref<!tpu.dma_semaphore, #tpu.memory_space<semaphore_mem>>)
    %mul3A_113 = arith.constant 128 : i32
    %mul3A_114 = arith.muli %shift_right_logical3A_105, %mul3A_113 : i32
    %multiple_of3A_115 = tpu.assume_multiple %mul3A_114, 128 : i32
    %dma_start3A_116 = arith.constant 0 : i32
    %dma_start3A_117 = tpu.memref_slice %arg5[%dma_start3A_116, %multiple_of3A_115] : memref<32x1000000xf32, #tpu.memory_space<hbm>> -> memref<32x128xf32, #tpu.memory_space<hbm>>
    %dma_start3A_118 = arith.constant 0 : i32
    %dma_start3A_119 = tpu.memref_slice %arg5[%dma_start3A_118, %multiple_of3A_115] : memref<32x1000000xf32, #tpu.memory_space<hbm>> -> memref<32x128xf32, #tpu.memory_space<hbm>>
    tpu.enqueue_dma source(%dma_start3A_119 : memref<32x128xf32, #tpu.memory_space<hbm>>) target(%arg19 : memref<32x128xf32, #tpu.memory_space<vmem>>) target_semaphore(%arg38 : memref<!tpu.dma_semaphore, #tpu.memory_space<semaphore_mem>>)
    %get3A_120 = arith.constant 0 : index
    %get3A_121 = tpu.vector_load %arg7[%get3A_120] {strides = array<i32>} : memref<512xi32, #tpu.memory_space<vmem>>, vector<16xi32>,
    %eq3A_122 = arith.constant 3 : i32
    %eq3A_123 = vector.broadcast %eq3A_122 : i32 to vector<16xi32>
    %eq3A_124 = arith.cmpi eq, %iota3A, %eq3A_123 : vector<16xi32>
    %jit3A_125 = arith.constant 0 : i32
    %broadcast_in_dim3A_126 = vector.broadcast %jit3A_125 : i32 to vector<16xi32>
    %select_n3A_127 = arith.select %eq3A_124, %get3A_121, %broadcast_in_dim3A_126 : vector<16xi1>, vector<16xi32>
    %reduce_sum3A_128 = arith.constant true
    %reduce_sum3A_129 = vector.broadcast %reduce_sum3A_128 : i1 to vector<16xi1>
    %reduce_sum3A_130 = tpu.scan <sum>, %select_n3A_127 masked %reduce_sum3A_129 : vector<16xi32>, vector<16xi1> -> vector<16xi32>
    %reduce_sum3A_131 = vector.extract %reduce_sum3A_130[15] : i32 from vector<16xi32>
    %shift_right_logical3A_132 = arith.constant 7 : i32
    %shift_right_logical3A_133 = arith.shrui %reduce_sum3A_131, %shift_right_logical3A_132 : i32
    %get3A_134 = arith.constant 0 : index
    %get3A_135 = tpu.vector_load %arg8[%get3A_134] {strides = array<i32>} : memref<512xi32, #tpu.memory_space<vmem>>, vector<16xi32>,
    %eq3A_136 = arith.constant 3 : i32
    %eq3A_137 = vector.broadcast %eq3A_136 : i32 to vector<16xi32>
    %eq3A_138 = arith.cmpi eq, %iota3A, %eq3A_137 : vector<16xi32>
    %jit3A_139 = arith.constant 0 : i32
    %broadcast_in_dim3A_140 = vector.broadcast %jit3A_139 : i32 to vector<16xi32>
    %select_n3A_141 = arith.select %eq3A_138, %get3A_135, %broadcast_in_dim3A_140 : vector<16xi1>, vector<16xi32>
    %reduce_sum3A_142 = arith.constant true
    %reduce_sum3A_143 = vector.broadcast %reduce_sum3A_142 : i1 to vector<16xi1>
    %reduce_sum3A_144 = tpu.scan <sum>, %select_n3A_141 masked %reduce_sum3A_143 : vector<16xi32>, vector<16xi1> -> vector<16xi32>
    %reduce_sum3A_145 = vector.extract %reduce_sum3A_144[15] : i32 from vector<16xi32>
    %shift_right_logical3A_146 = arith.constant 7 : i32
    %shift_right_logical3A_147 = arith.shrui %reduce_sum3A_145, %shift_right_logical3A_146 : i32
    %mul3A_148 = arith.constant 128 : i32
    %mul3A_149 = arith.muli %shift_right_logical3A_133, %mul3A_148 : i32
    %multiple_of3A_150 = tpu.assume_multiple %mul3A_149, 128 : i32
    %dma_start3A_151 = arith.constant 0 : i32
    %dma_start3A_152 = tpu.memref_slice %arg4[%dma_start3A_151, %multiple_of3A_150] : memref<32x1000000xf32, #tpu.memory_space<hbm>> -> memref<32x128xf32, #tpu.memory_space<hbm>>
    %dma_start3A_153 = arith.constant 0 : i32
    %dma_start3A_154 = tpu.memref_slice %arg4[%dma_start3A_153, %multiple_of3A_150] : memref<32x1000000xf32, #tpu.memory_space<hbm>> -> memref<32x128xf32, #tpu.memory_space<hbm>>
    tpu.enqueue_dma source(%dma_start3A_154 : memref<32x128xf32, #tpu.memory_space<hbm>>) target(%arg12 : memref<32x128xf32, #tpu.memory_space<vmem>>) target_semaphore(%arg31 : memref<!tpu.dma_semaphore, #tpu.memory_space<semaphore_mem>>)
    %mul3A_155 = arith.constant 128 : i32
    %mul3A_156 = arith.muli %shift_right_logical3A_147, %mul3A_155 : i32
    %multiple_of3A_157 = tpu.assume_multiple %mul3A_156, 128 : i32
    %dma_start3A_158 = arith.constant 0 : i32
    %dma_start3A_159 = tpu.memref_slice %arg5[%dma_start3A_158, %multiple_of3A_157] : memref<32x1000000xf32, #tpu.memory_space<hbm>> -> memref<32x128xf32, #tpu.memory_space<hbm>>
    %dma_start3A_160 = arith.constant 0 : i32
    %dma_start3A_161 = tpu.memref_slice %arg5[%dma_start3A_160, %multiple_of3A_157] : memref<32x1000000xf32, #tpu.memory_space<hbm>> -> memref<32x128xf32, #tpu.memory_space<hbm>>
    tpu.enqueue_dma source(%dma_start3A_161 : memref<32x128xf32, #tpu.memory_space<hbm>>) target(%arg20 : memref<32x128xf32, #tpu.memory_space<vmem>>) target_semaphore(%arg39 : memref<!tpu.dma_semaphore, #tpu.memory_space<semaphore_mem>>)
    %get3A_162 = arith.constant 0 : index
    %get3A_163 = tpu.vector_load %arg7[%get3A_162] {strides = array<i32>} : memref<512xi32, #tpu.memory_space<vmem>>, vector<16xi32>,
    %eq3A_164 = arith.constant 4 : i32
    %eq3A_165 = vector.broadcast %eq3A_164 : i32 to vector<16xi32>
    %eq3A_166 = arith.cmpi eq, %iota3A, %eq3A_165 : vector<16xi32>
    %jit3A_167 = arith.constant 0 : i32
    %broadcast_in_dim3A_168 = vector.broadcast %jit3A_167 : i32 to vector<16xi32>
    %select_n3A_169 = arith.select %eq3A_166, %get3A_163, %broadcast_in_dim3A_168 : vector<16xi1>, vector<16xi32>
    %reduce_sum3A_170 = arith.constant true
    %reduce_sum3A_171 = vector.broadcast %reduce_sum3A_170 : i1 to vector<16xi1>
    %reduce_sum3A_172 = tpu.scan <sum>, %select_n3A_169 masked %reduce_sum3A_171 : vector<16xi32>, vector<16xi1> -> vector<16xi32>
    %reduce_sum3A_173 = vector.extract %reduce_sum3A_172[15] : i32 from vector<16xi32>
    %shift_right_logical3A_174 = arith.constant 7 : i32
    %shift_right_logical3A_175 = arith.shrui %reduce_sum3A_173, %shift_right_logical3A_174 : i32
    %get3A_176 = arith.constant 0 : index
    %get3A_177 = tpu.vector_load %arg8[%get3A_176] {strides = array<i32>} : memref<512xi32, #tpu.memory_space<vmem>>, vector<16xi32>,
    %eq3A_178 = arith.constant 4 : i32
    %eq3A_179 = vector.broadcast %eq3A_178 : i32 to vector<16xi32>
    %eq3A_180 = arith.cmpi eq, %iota3A, %eq3A_179 : vector<16xi32>
    %jit3A_181 = arith.constant 0 : i32
    %broadcast_in_dim3A_182 = vector.broadcast %jit3A_181 : i32 to vector<16xi32>
    %select_n3A_183 = arith.select %eq3A_180, %get3A_177, %broadcast_in_dim3A_182 : vector<16xi1>, vector<16xi32>
    %reduce_sum3A_184 = arith.constant true
    %reduce_sum3A_185 = vector.broadcast %reduce_sum3A_184 : i1 to vector<16xi1>
    %reduce_sum3A_186 = tpu.scan <sum>, %select_n3A_183 masked %reduce_sum3A_185 : vector<16xi32>, vector<16xi1> -> vector<16xi32>
    %reduce_sum3A_187 = vector.extract %reduce_sum3A_186[15] : i32 from vector<16xi32>
    %shift_right_logical3A_188 = arith.constant 7 : i32
    %shift_right_logical3A_189 = arith.shrui %reduce_sum3A_187, %shift_right_logical3A_188 : i32
    %mul3A_190 = arith.constant 128 : i32
    %mul3A_191 = arith.muli %shift_right_logical3A_175, %mul3A_190 : i32
    %multiple_of3A_192 = tpu.assume_multiple %mul3A_191, 128 : i32
    %dma_start3A_193 = arith.constant 0 : i32
    %dma_start3A_194 = tpu.memref_slice %arg4[%dma_start3A_193, %multiple_of3A_192] : memref<32x1000000xf32, #tpu.memory_space<hbm>> -> memref<32x128xf32, #tpu.memory_space<hbm>>
    %dma_start3A_195 = arith.constant 0 : i32
    %dma_start3A_196 = tpu.memref_slice %arg4[%dma_start3A_195, %multiple_of3A_192] : memref<32x1000000xf32, #tpu.memory_space<hbm>> -> memref<32x128xf32, #tpu.memory_space<hbm>>
    tpu.enqueue_dma source(%dma_start3A_196 : memref<32x128xf32, #tpu.memory_space<hbm>>) target(%arg13 : memref<32x128xf32, #tpu.memory_space<vmem>>) target_semaphore(%arg32 : memref<!tpu.dma_semaphore, #tpu.memory_space<semaphore_mem>>)
    %mul3A_197 = arith.constant 128 : i32
    %mul3A_198 = arith.muli %shift_right_logical3A_189, %mul3A_197 : i32
    %multiple_of3A_199 = tpu.assume_multiple %mul3A_198, 128 : i32
    %dma_start3A_200 = arith.constant 0 : i32
    %dma_start3A_201 = tpu.memref_slice %arg5[%dma_start3A_200, %multiple_of3A_199] : memref<32x1000000xf32, #tpu.memory_space<hbm>> -> memref<32x128xf32, #tpu.memory_space<hbm>>
    %dma_start3A_202 = arith.constant 0 : i32
    %dma_start3A_203 = tpu.memref_slice %arg5[%dma_start3A_202, %multiple_of3A_199] : memref<32x1000000xf32, #tpu.memory_space<hbm>> -> memref<32x128xf32, #tpu.memory_space<hbm>>
    tpu.enqueue_dma source(%dma_start3A_203 : memref<32x128xf32, #tpu.memory_space<hbm>>) target(%arg21 : memref<32x128xf32, #tpu.memory_space<vmem>>) target_semaphore(%arg40 : memref<!tpu.dma_semaphore, #tpu.memory_space<semaphore_mem>>)
    %get3A_204 = arith.constant 0 : index
    %get3A_205 = tpu.vector_load %arg7[%get3A_204] {strides = array<i32>} : memref<512xi32, #tpu.memory_space<vmem>>, vector<16xi32>,
    %eq3A_206 = arith.constant 5 : i32
    %eq3A_207 = vector.broadcast %eq3A_206 : i32 to vector<16xi32>
    %eq3A_208 = arith.cmpi eq, %iota3A, %eq3A_207 : vector<16xi32>
    %jit3A_209 = arith.constant 0 : i32
    %broadcast_in_dim3A_210 = vector.broadcast %jit3A_209 : i32 to vector<16xi32>
    %select_n3A_211 = arith.select %eq3A_208, %get3A_205, %broadcast_in_dim3A_210 : vector<16xi1>, vector<16xi32>
    %reduce_sum3A_212 = arith.constant true
    %reduce_sum3A_213 = vector.broadcast %reduce_sum3A_212 : i1 to vector<16xi1>
    %reduce_sum3A_214 = tpu.scan <sum>, %select_n3A_211 masked %reduce_sum3A_213 : vector<16xi32>, vector<16xi1> -> vector<16xi32>
    %reduce_sum3A_215 = vector.extract %reduce_sum3A_214[15] : i32 from vector<16xi32>
    %shift_right_logical3A_216 = arith.constant 7 : i32
    %shift_right_logical3A_217 = arith.shrui %reduce_sum3A_215, %shift_right_logical3A_216 : i32
    %get3A_218 = arith.constant 0 : index
    %get3A_219 = tpu.vector_load %arg8[%get3A_218] {strides = array<i32>} : memref<512xi32, #tpu.memory_space<vmem>>, vector<16xi32>,
    %eq3A_220 = arith.constant 5 : i32
    %eq3A_221 = vector.broadcast %eq3A_220 : i32 to vector<16xi32>
    %eq3A_222 = arith.cmpi eq, %iota3A, %eq3A_221 : vector<16xi32>
    %jit3A_223 = arith.constant 0 : i32
    %broadcast_in_dim3A_224 = vector.broadcast %jit3A_223 : i32 to vector<16xi32>
    %select_n3A_225 = arith.select %eq3A_222, %get3A_219, %broadcast_in_dim3A_224 : vector<16xi1>, vector<16xi32>
    %reduce_sum3A_226 = arith.constant true
    %reduce_sum3A_227 = vector.broadcast %reduce_sum3A_226 : i1 to vector<16xi1>
    %reduce_sum3A_228 = tpu.scan <sum>, %select_n3A_225 masked %reduce_sum3A_227 : vector<16xi32>, vector<16xi1> -> vector<16xi32>
    %reduce_sum3A_229 = vector.extract %reduce_sum3A_228[15] : i32 from vector<16xi32>
    %shift_right_logical3A_230 = arith.constant 7 : i32
    %shift_right_logical3A_231 = arith.shrui %reduce_sum3A_229, %shift_right_logical3A_230 : i32
    %mul3A_232 = arith.constant 128 : i32
    %mul3A_233 = arith.muli %shift_right_logical3A_217, %mul3A_232 : i32
    %multiple_of3A_234 = tpu.assume_multiple %mul3A_233, 128 : i32
    %dma_start3A_235 = arith.constant 0 : i32
    %dma_start3A_236 = tpu.memref_slice %arg4[%dma_start3A_235, %multiple_of3A_234] : memref<32x1000000xf32, #tpu.memory_space<hbm>> -> memref<32x128xf32, #tpu.memory_space<hbm>>
    %dma_start3A_237 = arith.constant 0 : i32
    %dma_start3A_238 = tpu.memref_slice %arg4[%dma_start3A_237, %multiple_of3A_234] : memref<32x1000000xf32, #tpu.memory_space<hbm>> -> memref<32x128xf32, #tpu.memory_space<hbm>>
    tpu.enqueue_dma source(%dma_start3A_238 : memref<32x128xf32, #tpu.memory_space<hbm>>) target(%arg14 : memref<32x128xf32, #tpu.memory_space<vmem>>) target_semaphore(%arg33 : memref<!tpu.dma_semaphore, #tpu.memory_space<semaphore_mem>>)
    %mul3A_239 = arith.constant 128 : i32
    %mul3A_240 = arith.muli %shift_right_logical3A_231, %mul3A_239 : i32
    %multiple_of3A_241 = tpu.assume_multiple %mul3A_240, 128 : i32
    %dma_start3A_242 = arith.constant 0 : i32
    %dma_start3A_243 = tpu.memref_slice %arg5[%dma_start3A_242, %multiple_of3A_241] : memref<32x1000000xf32, #tpu.memory_space<hbm>> -> memref<32x128xf32, #tpu.memory_space<hbm>>
    %dma_start3A_244 = arith.constant 0 : i32
    %dma_start3A_245 = tpu.memref_slice %arg5[%dma_start3A_244, %multiple_of3A_241] : memref<32x1000000xf32, #tpu.memory_space<hbm>> -> memref<32x128xf32, #tpu.memory_space<hbm>>
    tpu.enqueue_dma source(%dma_start3A_245 : memref<32x128xf32, #tpu.memory_space<hbm>>) target(%arg22 : memref<32x128xf32, #tpu.memory_space<vmem>>) target_semaphore(%arg41 : memref<!tpu.dma_semaphore, #tpu.memory_space<semaphore_mem>>)
    %get3A_246 = arith.constant 0 : index
    %get3A_247 = tpu.vector_load %arg7[%get3A_246] {strides = array<i32>} : memref<512xi32, #tpu.memory_space<vmem>>, vector<16xi32>,
    %eq3A_248 = arith.constant 6 : i32
    %eq3A_249 = vector.broadcast %eq3A_248 : i32 to vector<16xi32>
    %eq3A_250 = arith.cmpi eq, %iota3A, %eq3A_249 : vector<16xi32>
    %jit3A_251 = arith.constant 0 : i32
    %broadcast_in_dim3A_252 = vector.broadcast %jit3A_251 : i32 to vector<16xi32>
    %select_n3A_253 = arith.select %eq3A_250, %get3A_247, %broadcast_in_dim3A_252 : vector<16xi1>, vector<16xi32>
    %reduce_sum3A_254 = arith.constant true
    %reduce_sum3A_255 = vector.broadcast %reduce_sum3A_254 : i1 to vector<16xi1>
    %reduce_sum3A_256 = tpu.scan <sum>, %select_n3A_253 masked %reduce_sum3A_255 : vector<16xi32>, vector<16xi1> -> vector<16xi32>
    %reduce_sum3A_257 = vector.extract %reduce_sum3A_256[15] : i32 from vector<16xi32>
    %shift_right_logical3A_258 = arith.constant 7 : i32
    %shift_right_logical3A_259 = arith.shrui %reduce_sum3A_257, %shift_right_logical3A_258 : i32
    %get3A_260 = arith.constant 0 : index
    %get3A_261 = tpu.vector_load %arg8[%get3A_260] {strides = array<i32>} : memref<512xi32, #tpu.memory_space<vmem>>, vector<16xi32>,
    %eq3A_262 = arith.constant 6 : i32
    %eq3A_263 = vector.broadcast %eq3A_262 : i32 to vector<16xi32>
    %eq3A_264 = arith.cmpi eq, %iota3A, %eq3A_263 : vector<16xi32>
    %jit3A_265 = arith.constant 0 : i32
    %broadcast_in_dim3A_266 = vector.broadcast %jit3A_265 : i32 to vector<16xi32>
    %select_n3A_267 = arith.select %eq3A_264, %get3A_261, %broadcast_in_dim3A_266 : vector<16xi1>, vector<16xi32>
    %reduce_sum3A_268 = arith.constant true
    %reduce_sum3A_269 = vector.broadcast %reduce_sum3A_268 : i1 to vector<16xi1>
    %reduce_sum3A_270 = tpu.scan <sum>, %select_n3A_267 masked %reduce_sum3A_269 : vector<16xi32>, vector<16xi1> -> vector<16xi32>
    %reduce_sum3A_271 = vector.extract %reduce_sum3A_270[15] : i32 from vector<16xi32>
    %shift_right_logical3A_272 = arith.constant 7 : i32
    %shift_right_logical3A_273 = arith.shrui %reduce_sum3A_271, %shift_right_logical3A_272 : i32
    %mul3A_274 = arith.constant 128 : i32
    %mul3A_275 = arith.muli %shift_right_logical3A_259, %mul3A_274 : i32
    %multiple_of3A_276 = tpu.assume_multiple %mul3A_275, 128 : i32
    %dma_start3A_277 = arith.constant 0 : i32
    %dma_start3A_278 = tpu.memref_slice %arg4[%dma_start3A_277, %multiple_of3A_276] : memref<32x1000000xf32, #tpu.memory_space<hbm>> -> memref<32x128xf32, #tpu.memory_space<hbm>>
    %dma_start3A_279 = arith.constant 0 : i32
    %dma_start3A_280 = tpu.memref_slice %arg4[%dma_start3A_279, %multiple_of3A_276] : memref<32x1000000xf32, #tpu.memory_space<hbm>> -> memref<32x128xf32, #tpu.memory_space<hbm>>
    tpu.enqueue_dma source(%dma_start3A_280 : memref<32x128xf32, #tpu.memory_space<hbm>>) target(%arg15 : memref<32x128xf32, #tpu.memory_space<vmem>>) target_semaphore(%arg34 : memref<!tpu.dma_semaphore, #tpu.memory_space<semaphore_mem>>)
    %mul3A_281 = arith.constant 128 : i32
    %mul3A_282 = arith.muli %shift_right_logical3A_273, %mul3A_281 : i32
    %multiple_of3A_283 = tpu.assume_multiple %mul3A_282, 128 : i32
    %dma_start3A_284 = arith.constant 0 : i32
    %dma_start3A_285 = tpu.memref_slice %arg5[%dma_start3A_284, %multiple_of3A_283] : memref<32x1000000xf32, #tpu.memory_space<hbm>> -> memref<32x128xf32, #tpu.memory_space<hbm>>
    %dma_start3A_286 = arith.constant 0 : i32
    %dma_start3A_287 = tpu.memref_slice %arg5[%dma_start3A_286, %multiple_of3A_283] : memref<32x1000000xf32, #tpu.memory_space<hbm>> -> memref<32x128xf32, #tpu.memory_space<hbm>>
    tpu.enqueue_dma source(%dma_start3A_287 : memref<32x128xf32, #tpu.memory_space<hbm>>) target(%arg23 : memref<32x128xf32, #tpu.memory_space<vmem>>) target_semaphore(%arg42 : memref<!tpu.dma_semaphore, #tpu.memory_space<semaphore_mem>>)
    %get3A_288 = arith.constant 0 : index
    %get3A_289 = tpu.vector_load %arg7[%get3A_288] {strides = array<i32>} : memref<512xi32, #tpu.memory_space<vmem>>, vector<16xi32>,
    %eq3A_290 = arith.constant 7 : i32
    %eq3A_291 = vector.broadcast %eq3A_290 : i32 to vector<16xi32>
    %eq3A_292 = arith.cmpi eq, %iota3A, %eq3A_291 : vector<16xi32>
    %jit3A_293 = arith.constant 0 : i32
    %broadcast_in_dim3A_294 = vector.broadcast %jit3A_293 : i32 to vector<16xi32>
    %select_n3A_295 = arith.select %eq3A_292, %get3A_289, %broadcast_in_dim3A_294 : vector<16xi1>, vector<16xi32>
    %reduce_sum3A_296 = arith.constant true
    %reduce_sum3A_297 = vector.broadcast %reduce_sum3A_296 : i1 to vector<16xi1>
    %reduce_sum3A_298 = tpu.scan <sum>, %select_n3A_295 masked %reduce_sum3A_297 : vector<16xi32>, vector<16xi1> -> vector<16xi32>
    %reduce_sum3A_299 = vector.extract %reduce_sum3A_298[15] : i32 from vector<16xi32>
    %shift_right_logical3A_300 = arith.constant 7 : i32
    %shift_right_logical3A_301 = arith.shrui %reduce_sum3A_299, %shift_right_logical3A_300 : i32
    %get3A_302 = arith.constant 0 : index
    %get3A_303 = tpu.vector_load %arg8[%get3A_302] {strides = array<i32>} : memref<512xi32, #tpu.memory_space<vmem>>, vector<16xi32>,
    %eq3A_304 = arith.constant 7 : i32
    %eq3A_305 = vector.broadcast %eq3A_304 : i32 to vector<16xi32>
    %eq3A_306 = arith.cmpi eq, %iota3A, %eq3A_305 : vector<16xi32>
    %jit3A_307 = arith.constant 0 : i32
    %broadcast_in_dim3A_308 = vector.broadcast %jit3A_307 : i32 to vector<16xi32>
    %select_n3A_309 = arith.select %eq3A_306, %get3A_303, %broadcast_in_dim3A_308 : vector<16xi1>, vector<16xi32>
    %reduce_sum3A_310 = arith.constant true
    %reduce_sum3A_311 = vector.broadcast %reduce_sum3A_310 : i1 to vector<16xi1>
    %reduce_sum3A_312 = tpu.scan <sum>, %select_n3A_309 masked %reduce_sum3A_311 : vector<16xi32>, vector<16xi1> -> vector<16xi32>
    %reduce_sum3A_313 = vector.extract %reduce_sum3A_312[15] : i32 from vector<16xi32>
    %shift_right_logical3A_314 = arith.constant 7 : i32
    %shift_right_logical3A_315 = arith.shrui %reduce_sum3A_313, %shift_right_logical3A_314 : i32
    %mul3A_316 = arith.constant 128 : i32
    %mul3A_317 = arith.muli %shift_right_logical3A_301, %mul3A_316 : i32
    %multiple_of3A_318 = tpu.assume_multiple %mul3A_317, 128 : i32
    %dma_start3A_319 = arith.constant 0 : i32
    %dma_start3A_320 = tpu.memref_slice %arg4[%dma_start3A_319, %multiple_of3A_318] : memref<32x1000000xf32, #tpu.memory_space<hbm>> -> memref<32x128xf32, #tpu.memory_space<hbm>>
    %dma_start3A_321 = arith.constant 0 : i32
    %dma_start3A_322 = tpu.memref_slice %arg4[%dma_start3A_321, %multiple_of3A_318] : memref<32x1000000xf32, #tpu.memory_space<hbm>> -> memref<32x128xf32, #tpu.memory_space<hbm>>
    tpu.enqueue_dma source(%dma_start3A_322 : memref<32x128xf32, #tpu.memory_space<hbm>>) target(%arg16 : memref<32x128xf32, #tpu.memory_space<vmem>>) target_semaphore(%arg35 : memref<!tpu.dma_semaphore, #tpu.memory_space<semaphore_mem>>)
    %mul3A_323 = arith.constant 128 : i32
    %mul3A_324 = arith.muli %shift_right_logical3A_315, %mul3A_323 : i32
    %multiple_of3A_325 = tpu.assume_multiple %mul3A_324, 128 : i32
    %dma_start3A_326 = arith.constant 0 : i32
    %dma_start3A_327 = tpu.memref_slice %arg5[%dma_start3A_326, %multiple_of3A_325] : memref<32x1000000xf32, #tpu.memory_space<hbm>> -> memref<32x128xf32, #tpu.memory_space<hbm>>
    %dma_start3A_328 = arith.constant 0 : i32
    %dma_start3A_329 = tpu.memref_slice %arg5[%dma_start3A_328, %multiple_of3A_325] : memref<32x1000000xf32, #tpu.memory_space<hbm>> -> memref<32x128xf32, #tpu.memory_space<hbm>>
    tpu.enqueue_dma source(%dma_start3A_329 : memref<32x128xf32, #tpu.memory_space<hbm>>) target(%arg24 : memref<32x128xf32, #tpu.memory_space<vmem>>) target_semaphore(%arg43 : memref<!tpu.dma_semaphore, #tpu.memory_space<semaphore_mem>>)
    %mul3A_330 = arith.constant 16 : i32
    %mul3A_331 = vector.broadcast %mul3A_330 : i32 to vector<16xi32>
    %mul3A_332 = arith.muli %iota3A, %mul3A_331 : vector<16xi32>
    %scan3A = arith.constant 0 : i32
    %scan3A_333 = arith.constant 0 : i32
    %scan3A_334 = arith.constant 32 : i32
    %scan3A_335 = arith.addi %scan3A_333, %scan3A_334 : i32
    %scan3A_336 = arith.constant 1 : i32
    %scan3A_337 = scf.for %scan3A_434 = %scan3A_333 to %scan3A_335 step %scan3A_336 iter_args(%scan3A_435 = %scan3A) -> (i32)  : i32 {
      %mul3A_436 = arith.constant 16 : i32
      %mul3A_437 = arith.muli %scan3A_434, %mul3A_436 : i32
      %add3A_438 = arith.constant 0 : i32
      %add3A_439 = arith.addi %mul3A_437, %add3A_438 : i32
      %dma_wait3A_440 = arith.constant 0 : i32
      %dma_wait3A_441 = arith.constant 0 : i32
      %dma_wait3A_442 = tpu.memref_slice %arg4[%dma_wait3A_440, %dma_wait3A_441] : memref<32x1000000xf32, #tpu.memory_space<hbm>> -> memref<32x128xf32, #tpu.memory_space<hbm>>
      %dma_wait3A_443 = arith.constant 0 : i32
      %dma_wait3A_444 = arith.constant 0 : i32
      %dma_wait3A_445 = tpu.memref_slice %arg4[%dma_wait3A_443, %dma_wait3A_444] : memref<32x1000000xf32, #tpu.memory_space<hbm>> -> memref<32x128xf32, #tpu.memory_space<hbm>>
      tpu.wait_dma2 semaphore(%arg28 : memref<!tpu.dma_semaphore, #tpu.memory_space<semaphore_mem>>) src(%dma_wait3A_445 : memref<32x128xf32, #tpu.memory_space<hbm>>) dst(%arg9 : memref<32x128xf32, #tpu.memory_space<vmem>>)
      %dma_wait3A_446 = arith.constant 0 : i32
      %dma_wait3A_447 = arith.constant 0 : i32
      %dma_wait3A_448 = tpu.memref_slice %arg5[%dma_wait3A_446, %dma_wait3A_447] : memref<32x1000000xf32, #tpu.memory_space<hbm>> -> memref<32x128xf32, #tpu.memory_space<hbm>>
      %dma_wait3A_449 = arith.constant 0 : i32
      %dma_wait3A_450 = arith.constant 0 : i32
      %dma_wait3A_451 = tpu.memref_slice %arg5[%dma_wait3A_449, %dma_wait3A_450] : memref<32x1000000xf32, #tpu.memory_space<hbm>> -> memref<32x128xf32, #tpu.memory_space<hbm>>
      tpu.wait_dma2 semaphore(%arg36 : memref<!tpu.dma_semaphore, #tpu.memory_space<semaphore_mem>>) src(%dma_wait3A_451 : memref<32x128xf32, #tpu.memory_space<hbm>>) dst(%arg17 : memref<32x128xf32, #tpu.memory_space<vmem>>)
      %mul3A_452 = arith.constant 16 : i32
      %mul3A_453 = arith.muli %scan3A_434, %mul3A_452 : i32
      %get3A_454 = arith.index_cast %mul3A_453 : i32 to index
      %get3A_455 = tpu.vector_load %arg7[%get3A_454] {strides = array<i32>} : memref<512xi32, #tpu.memory_space<vmem>>, vector<16xi32>,
      %mul3A_456 = arith.constant 16 : i32
      %mul3A_457 = arith.muli %scan3A_434, %mul3A_456 : i32
      %get3A_458 = arith.index_cast %mul3A_457 : i32 to index
      %get3A_459 = tpu.vector_load %arg8[%get3A_458] {strides = array<i32>} : memref<512xi32, #tpu.memory_space<vmem>>, vector<16xi32>,
      %broadcast_in_dim3A_460 = arith.constant 0 : i32
      %broadcast_in_dim3A_461 = vector.broadcast %broadcast_in_dim3A_460 : i32 to vector<16xi32>
      %lt3A = arith.constant 0 : i32
      %lt3A_462 = vector.broadcast %lt3A : i32 to vector<16xi32>
      %lt3A_463 = arith.cmpi slt, %broadcast_in_dim3A_461, %lt3A_462 : vector<16xi32>
      %add3A_464 = arith.constant 16 : i32
      %add3A_465 = vector.broadcast %add3A_464 : i32 to vector<16xi32>
      %add3A_466 = arith.addi %broadcast_in_dim3A_461, %add3A_465 : vector<16xi32>
      %select_n3A_467 = arith.select %lt3A_463, %add3A_466, %broadcast_in_dim3A_461 : vector<16xi1>, vector<16xi32>
      %broadcast_in_dim3A_468 = vector.shape_cast %select_n3A_467 : vector<16xi32> to vector<16x1xi32>
      %gather3A = vector.shape_cast %broadcast_in_dim3A_468 : vector<16x1xi32> to vector<16xi32>
      %gather3A_469 = tpu.dynamic_gather %get3A_455[%gather3A] in [0] : vector<16xi32>, vector<16xi32> -> vector<16xi32>
      %and3A = arith.constant 127 : i32
      %and3A_470 = vector.broadcast %and3A : i32 to vector<16xi32>
      %and3A_471 = arith.andi %gather3A_469, %and3A_470 : vector<16xi32>
      %lt3A_472 = arith.constant 0 : i32
      %lt3A_473 = vector.broadcast %lt3A_472 : i32 to vector<16xi32>
      %lt3A_474 = arith.cmpi slt, %broadcast_in_dim3A_461, %lt3A_473 : vector<16xi32>
      %add3A_475 = arith.constant 16 : i32
      %add3A_476 = vector.broadcast %add3A_475 : i32 to vector<16xi32>
      %add3A_477 = arith.addi %broadcast_in_dim3A_461, %add3A_476 : vector<16xi32>
      %select_n3A_478 = arith.select %lt3A_474, %add3A_477, %broadcast_in_dim3A_461 : vector<16xi1>, vector<16xi32>
      %broadcast_in_dim3A_479 = vector.shape_cast %select_n3A_478 : vector<16xi32> to vector<16x1xi32>
      %gather3A_480 = vector.shape_cast %broadcast_in_dim3A_479 : vector<16x1xi32> to vector<16xi32>
      %gather3A_481 = tpu.dynamic_gather %get3A_459[%gather3A_480] in [0] : vector<16xi32>, vector<16xi32> -> vector<16xi32>
      %and3A_482 = arith.constant 127 : i32
      %and3A_483 = vector.broadcast %and3A_482 : i32 to vector<16xi32>
      %and3A_484 = arith.andi %gather3A_481, %and3A_483 : vector<16xi32>
      %gather3A_485 = tpu.vector_load_idx %arg9[%iota3A, %and3A_471] : memref<32x128xf32, #tpu.memory_space<vmem>>[vector<16xi32>, vector<16xi32>], vector<16xf32>,
      %add3A_486 = arith.constant 16 : i32
      %add3A_487 = vector.broadcast %add3A_486 : i32 to vector<16xi32>
      %add3A_488 = arith.addi %iota3A, %add3A_487 : vector<16xi32>
      %gather3A_489 = tpu.vector_load_idx %arg9[%add3A_488, %and3A_471] : memref<32x128xf32, #tpu.memory_space<vmem>>[vector<16xi32>, vector<16xi32>], vector<16xf32>,
      %gather3A_490 = tpu.vector_load_idx %arg17[%iota3A, %and3A_484] : memref<32x128xf32, #tpu.memory_space<vmem>>[vector<16xi32>, vector<16xi32>], vector<16xf32>,
      %add3A_491 = arith.constant 16 : i32
      %add3A_492 = vector.broadcast %add3A_491 : i32 to vector<16xi32>
      %add3A_493 = arith.addi %iota3A, %add3A_492 : vector<16xi32>
      %gather3A_494 = tpu.vector_load_idx %arg17[%add3A_493, %and3A_484] : memref<32x128xf32, #tpu.memory_space<vmem>>[vector<16xi32>, vector<16xi32>], vector<16xf32>,
      %add3A_495 = arith.constant 8 : i32
      %add3A_496 = arith.addi %add3A_439, %add3A_495 : i32
      %min3A = arith.constant 511 : i32
      %min3A_497 = arith.minsi %add3A_496, %min3A : i32
      %jit3A_498 = arith.constant 16 : i32
      %div3A = arith.divsi %min3A_497, %jit3A_498 : i32
      %sign3A = arith.constant 0 : i32
      %sign3A_499 = arith.cmpi sgt, %min3A_497, %sign3A : i32
      %sign3A_500 = arith.extui %sign3A_499 : i1 to i32
      %sign3A_501 = arith.constant 0 : i32
      %sign3A_502 = arith.cmpi slt, %min3A_497, %sign3A_501 : i32
      %sign3A_503 = arith.extui %sign3A_502 : i1 to i32
      %sign3A_504 = arith.subi %sign3A_500, %sign3A_503 : i32
      %sign3A_505 = arith.constant 0 : i32
      %sign3A_506 = arith.cmpi sgt, %jit3A_498, %sign3A_505 : i32
      %sign3A_507 = arith.extui %sign3A_506 : i1 to i32
      %sign3A_508 = arith.constant 0 : i32
      %sign3A_509 = arith.cmpi slt, %jit3A_498, %sign3A_508 : i32
      %sign3A_510 = arith.extui %sign3A_509 : i1 to i32
      %sign3A_511 = arith.subi %sign3A_507, %sign3A_510 : i32
      %ne3A = arith.cmpi ne, %sign3A_504, %sign3A_511 : i32
      %rem3A = arith.remsi %min3A_497, %jit3A_498 : i32
      %ne3A_512 = arith.constant 0 : i32
      %ne3A_513 = arith.cmpi ne, %rem3A, %ne3A_512 : i32
      %and3A_514 = arith.andi %ne3A, %ne3A_513 : i1
      %sub3A = arith.constant 1 : i32
      %sub3A_515 = arith.subi %div3A, %sub3A : i32
      %select_n3A_516 = arith.select %and3A_514, %sub3A_515, %div3A : i32
      %mul3A_517 = arith.constant 16 : i32
      %mul3A_518 = arith.muli %select_n3A_516, %mul3A_517 : i32
      %get3A_519 = arith.index_cast %mul3A_518 : i32 to index
      %get3A_520 = tpu.vector_load %arg7[%get3A_519] {strides = array<i32>} : memref<512xi32, #tpu.memory_space<vmem>>, vector<16xi32>,
      %jit3A_521 = arith.constant 16 : i32
      %eq3A_522 = arith.constant 0 : i32
      %eq3A_523 = arith.cmpi eq, %jit3A_521, %eq3A_522 : i32
      %jit3A_524 = arith.constant 1 : i32
      %select_n3A_525 = arith.select %eq3A_523, %jit3A_524, %jit3A_521 : i32
      %rem3A_526 = arith.remsi %min3A_497, %select_n3A_525 : i32
      %ne3A_527 = arith.constant 0 : i32
      %ne3A_528 = arith.cmpi ne, %rem3A_526, %ne3A_527 : i32
      %lt3A_529 = arith.constant 0 : i32
      %lt3A_530 = arith.cmpi slt, %rem3A_526, %lt3A_529 : i32
      %lt3A_531 = arith.constant 0 : i32
      %lt3A_532 = arith.cmpi slt, %select_n3A_525, %lt3A_531 : i32
      %ne3A_533 = arith.xori %lt3A_530, %lt3A_532 : i1
      %and3A_534 = arith.andi %ne3A_533, %ne3A_528 : i1
      %add3A_535 = arith.addi %rem3A_526, %select_n3A_525 : i32
      %select_n3A_536 = arith.select %and3A_534, %add3A_535, %rem3A_526 : i32
      %eq3A_537 = vector.broadcast %select_n3A_536 : i32 to vector<16xi32>
      %eq3A_538 = arith.cmpi eq, %iota3A, %eq3A_537 : vector<16xi32>
      %jit3A_539 = arith.constant 0 : i32
      %broadcast_in_dim3A_540 = vector.broadcast %jit3A_539 : i32 to vector<16xi32>
      %select_n3A_541 = arith.select %eq3A_538, %get3A_520, %broadcast_in_dim3A_540 : vector<16xi1>, vector<16xi32>
      %reduce_sum3A_542 = arith.constant true
      %reduce_sum3A_543 = vector.broadcast %reduce_sum3A_542 : i1 to vector<16xi1>
      %reduce_sum3A_544 = tpu.scan <sum>, %select_n3A_541 masked %reduce_sum3A_543 : vector<16xi32>, vector<16xi1> -> vector<16xi32>
      %reduce_sum3A_545 = vector.extract %reduce_sum3A_544[15] : i32 from vector<16xi32>
      %shift_right_logical3A_546 = arith.constant 7 : i32
      %shift_right_logical3A_547 = arith.shrui %reduce_sum3A_545, %shift_right_logical3A_546 : i32
      %jit3A_548 = arith.constant 16 : i32
      %div3A_549 = arith.divsi %min3A_497, %jit3A_548 : i32
      %sign3A_550 = arith.constant 0 : i32
      %sign3A_551 = arith.cmpi sgt, %min3A_497, %sign3A_550 : i32
      %sign3A_552 = arith.extui %sign3A_551 : i1 to i32
      %sign3A_553 = arith.constant 0 : i32
      %sign3A_554 = arith.cmpi slt, %min3A_497, %sign3A_553 : i32
      %sign3A_555 = arith.extui %sign3A_554 : i1 to i32
      %sign3A_556 = arith.subi %sign3A_552, %sign3A_555 : i32
      %sign3A_557 = arith.constant 0 : i32
      %sign3A_558 = arith.cmpi sgt, %jit3A_548, %sign3A_557 : i32
      %sign3A_559 = arith.extui %sign3A_558 : i1 to i32
      %sign3A_560 = arith.constant 0 : i32
      %sign3A_561 = arith.cmpi slt, %jit3A_548, %sign3A_560 : i32
      %sign3A_562 = arith.extui %sign3A_561 : i1 to i32
      %sign3A_563 = arith.subi %sign3A_559, %sign3A_562 : i32
      %ne3A_564 = arith.cmpi ne, %sign3A_556, %sign3A_563 : i32
      %rem3A_565 = arith.remsi %min3A_497, %jit3A_548 : i32
      %ne3A_566 = arith.constant 0 : i32
      %ne3A_567 = arith.cmpi ne, %rem3A_565, %ne3A_566 : i32
      %and3A_568 = arith.andi %ne3A_564, %ne3A_567 : i1
      %sub3A_569 = arith.constant 1 : i32
      %sub3A_570 = arith.subi %div3A_549, %sub3A_569 : i32
      %select_n3A_571 = arith.select %and3A_568, %sub3A_570, %div3A_549 : i32
      %mul3A_572 = arith.constant 16 : i32
      %mul3A_573 = arith.muli %select_n3A_571, %mul3A_572 : i32
      %get3A_574 = arith.index_cast %mul3A_573 : i32 to index
      %get3A_575 = tpu.vector_load %arg8[%get3A_574] {strides = array<i32>} : memref<512xi32, #tpu.memory_space<vmem>>, vector<16xi32>,
      %jit3A_576 = arith.constant 16 : i32
      %eq3A_577 = arith.constant 0 : i32
      %eq3A_578 = arith.cmpi eq, %jit3A_576, %eq3A_577 : i32
      %jit3A_579 = arith.constant 1 : i32
      %select_n3A_580 = arith.select %eq3A_578, %jit3A_579, %jit3A_576 : i32
      %rem3A_581 = arith.remsi %min3A_497, %select_n3A_580 : i32
      %ne3A_582 = arith.constant 0 : i32
      %ne3A_583 = arith.cmpi ne, %rem3A_581, %ne3A_582 : i32
      %lt3A_584 = arith.constant 0 : i32
      %lt3A_585 = arith.cmpi slt, %rem3A_581, %lt3A_584 : i32
      %lt3A_586 = arith.constant 0 : i32
      %lt3A_587 = arith.cmpi slt, %select_n3A_580, %lt3A_586 : i32
      %ne3A_588 = arith.xori %lt3A_585, %lt3A_587 : i1
      %and3A_589 = arith.andi %ne3A_588, %ne3A_583 : i1
      %add3A_590 = arith.addi %rem3A_581, %select_n3A_580 : i32
      %select_n3A_591 = arith.select %and3A_589, %add3A_590, %rem3A_581 : i32
      %eq3A_592 = vector.broadcast %select_n3A_591 : i32 to vector<16xi32>
      %eq3A_593 = arith.cmpi eq, %iota3A, %eq3A_592 : vector<16xi32>
      %jit3A_594 = arith.constant 0 : i32
      %broadcast_in_dim3A_595 = vector.broadcast %jit3A_594 : i32 to vector<16xi32>
      %select_n3A_596 = arith.select %eq3A_593, %get3A_575, %broadcast_in_dim3A_595 : vector<16xi1>, vector<16xi32>
      %reduce_sum3A_597 = arith.constant true
      %reduce_sum3A_598 = vector.broadcast %reduce_sum3A_597 : i1 to vector<16xi1>
      %reduce_sum3A_599 = tpu.scan <sum>, %select_n3A_596 masked %reduce_sum3A_598 : vector<16xi32>, vector<16xi1> -> vector<16xi32>
      %reduce_sum3A_600 = vector.extract %reduce_sum3A_599[15] : i32 from vector<16xi32>
      %shift_right_logical3A_601 = arith.constant 7 : i32
      %shift_right_logical3A_602 = arith.shrui %reduce_sum3A_600, %shift_right_logical3A_601 : i32
      %mul3A_603 = arith.constant 128 : i32
      %mul3A_604 = arith.muli %shift_right_logical3A_547, %mul3A_603 : i32
      %multiple_of3A_605 = tpu.assume_multiple %mul3A_604, 128 : i32
      %dma_start3A_606 = arith.constant 0 : i32
      %dma_start3A_607 = tpu.memref_slice %arg4[%dma_start3A_606, %multiple_of3A_605] : memref<32x1000000xf32, #tpu.memory_space<hbm>> -> memref<32x128xf32, #tpu.memory_space<hbm>>
      %dma_start3A_608 = arith.constant 0 : i32
      %dma_start3A_609 = tpu.memref_slice %arg4[%dma_start3A_608, %multiple_of3A_605] : memref<32x1000000xf32, #tpu.memory_space<hbm>> -> memref<32x128xf32, #tpu.memory_space<hbm>>
      tpu.enqueue_dma source(%dma_start3A_609 : memref<32x128xf32, #tpu.memory_space<hbm>>) target(%arg9 : memref<32x128xf32, #tpu.memory_space<vmem>>) target_semaphore(%arg28 : memref<!tpu.dma_semaphore, #tpu.memory_space<semaphore_mem>>)
      %mul3A_610 = arith.constant 128 : i32
      %mul3A_611 = arith.muli %shift_right_logical3A_602, %mul3A_610 : i32
      %multiple_of3A_612 = tpu.assume_multiple %mul3A_611, 128 : i32
      %dma_start3A_613 = arith.constant 0 : i32
      %dma_start3A_614 = tpu.memref_slice %arg5[%dma_start3A_613, %multiple_of3A_612] : memref<32x1000000xf32, #tpu.memory_space<hbm>> -> memref<32x128xf32, #tpu.memory_space<hbm>>
      %dma_start3A_615 = arith.constant 0 : i32
      %dma_start3A_616 = tpu.memref_slice %arg5[%dma_start3A_615, %multiple_of3A_612] : memref<32x1000000xf32, #tpu.memory_space<hbm>> -> memref<32x128xf32, #tpu.memory_space<hbm>>
      tpu.enqueue_dma source(%dma_start3A_616 : memref<32x128xf32, #tpu.memory_space<hbm>>) target(%arg17 : memref<32x128xf32, #tpu.memory_space<vmem>>) target_semaphore(%arg36 : memref<!tpu.dma_semaphore, #tpu.memory_space<semaphore_mem>>)
      %exp3A = math.exp %gather3A_490 : vector<16xf32>
      %exp3A_617 = math.exp %gather3A_494 : vector<16xf32>
      %neg3A = arith.constant 0.000000e+00 : f32
      %neg3A_618 = vector.broadcast %neg3A : f32 to vector<16xf32>
      %neg3A_619 = arith.subf %neg3A_618, %gather3A_485 : vector<16xf32>
      %exp3A_620 = math.exp %neg3A_619 : vector<16xf32>
      %add3A_621 = arith.constant 1.000000e+00 : f32
      %add3A_622 = vector.broadcast %add3A_621 : f32 to vector<16xf32>
      %add3A_623 = arith.addf %add3A_622, %exp3A_620 : vector<16xf32>
      %div3A_624 = arith.constant 1.000000e+00 : f32
      %div3A_625 = vector.broadcast %div3A_624 : f32 to vector<16xf32>
      %div3A_626 = arith.divf %div3A_625, %add3A_623 : vector<16xf32>
      %neg3A_627 = arith.constant 0.000000e+00 : f32
      %neg3A_628 = vector.broadcast %neg3A_627 : f32 to vector<16xf32>
      %neg3A_629 = arith.subf %neg3A_628, %gather3A_489 : vector<16xf32>
      %exp3A_630 = math.exp %neg3A_629 : vector<16xf32>
      %add3A_631 = arith.constant 1.000000e+00 : f32
      %add3A_632 = vector.broadcast %add3A_631 : f32 to vector<16xf32>
      %add3A_633 = arith.addf %add3A_632, %exp3A_630 : vector<16xf32>
      %div3A_634 = arith.constant 1.000000e+00 : f32
      %div3A_635 = vector.broadcast %div3A_634 : f32 to vector<16xf32>
      %div3A_636 = arith.divf %div3A_635, %add3A_633 : vector<16xf32>
      %mul3A_637 = arith.mulf %exp3A, %div3A_626 : vector<16xf32>
      %mul3A_638 = arith.mulf %exp3A_617, %div3A_636 : vector<16xf32>
      %add3A_639 = arith.addf %mul3A_637, %mul3A_638 : vector<16xf32>
      %swap3A = arith.constant 0 : index
      %swap3A_640 = tpu.vector_load %arg25[%swap3A] {strides = array<i32>} : memref<256xf32, #tpu.memory_space<vmem>>, vector<16xf32>,
      tpu.vector_store %arg25[%swap3A], %add3A_639 {strides = array<i32>} : memref<256xf32, #tpu.memory_space<vmem>>, vector<16xf32>,
      %add3A_641 = arith.addf %exp3A, %exp3A_617 : vector<16xf32>
      %swap3A_642 = arith.constant 0 : index
      %swap3A_643 = tpu.vector_load %arg26[%swap3A_642] {strides = array<i32>} : memref<256xf32, #tpu.memory_space<vmem>>, vector<16xf32>,
      tpu.vector_store %arg26[%swap3A_642], %add3A_641 {strides = array<i32>} : memref<256xf32, #tpu.memory_space<vmem>>, vector<16xf32>,
      %mul3A_644 = arith.constant 16 : i32
      %mul3A_645 = arith.muli %scan3A_434, %mul3A_644 : i32
      %add3A_646 = arith.constant 1 : i32
      %add3A_647 = arith.addi %mul3A_645, %add3A_646 : i32
      %dma_wait3A_648 = arith.constant 0 : i32
      %dma_wait3A_649 = arith.constant 0 : i32
      %dma_wait3A_650 = tpu.memref_slice %arg4[%dma_wait3A_648, %dma_wait3A_649] : memref<32x1000000xf32, #tpu.memory_space<hbm>> -> memref<32x128xf32, #tpu.memory_space<hbm>>
      %dma_wait3A_651 = arith.constant 0 : i32
      %dma_wait3A_652 = arith.constant 0 : i32
      %dma_wait3A_653 = tpu.memref_slice %arg4[%dma_wait3A_651, %dma_wait3A_652] : memref<32x1000000xf32, #tpu.memory_space<hbm>> -> memref<32x128xf32, #tpu.memory_space<hbm>>
      tpu.wait_dma2 semaphore(%arg29 : memref<!tpu.dma_semaphore, #tpu.memory_space<semaphore_mem>>) src(%dma_wait3A_653 : memref<32x128xf32, #tpu.memory_space<hbm>>) dst(%arg10 : memref<32x128xf32, #tpu.memory_space<vmem>>)
      %dma_wait3A_654 = arith.constant 0 : i32
      %dma_wait3A_655 = arith.constant 0 : i32
      %dma_wait3A_656 = tpu.memref_slice %arg5[%dma_wait3A_654, %dma_wait3A_655] : memref<32x1000000xf32, #tpu.memory_space<hbm>> -> memref<32x128xf32, #tpu.memory_space<hbm>>
      %dma_wait3A_657 = arith.constant 0 : i32
      %dma_wait3A_658 = arith.constant 0 : i32
      %dma_wait3A_659 = tpu.memref_slice %arg5[%dma_wait3A_657, %dma_wait3A_658] : memref<32x1000000xf32, #tpu.memory_space<hbm>> -> memref<32x128xf32, #tpu.memory_space<hbm>>
      tpu.wait_dma2 semaphore(%arg37 : memref<!tpu.dma_semaphore, #tpu.memory_space<semaphore_mem>>) src(%dma_wait3A_659 : memref<32x128xf32, #tpu.memory_space<hbm>>) dst(%arg18 : memref<32x128xf32, #tpu.memory_space<vmem>>)
      %mul3A_660 = arith.constant 16 : i32
      %mul3A_661 = arith.muli %scan3A_434, %mul3A_660 : i32
      %get3A_662 = arith.index_cast %mul3A_661 : i32 to index
      %get3A_663 = tpu.vector_load %arg7[%get3A_662] {strides = array<i32>} : memref<512xi32, #tpu.memory_space<vmem>>, vector<16xi32>,
      %mul3A_664 = arith.constant 16 : i32
      %mul3A_665 = arith.muli %scan3A_434, %mul3A_664 : i32
      %get3A_666 = arith.index_cast %mul3A_665 : i32 to index
      %get3A_667 = tpu.vector_load %arg8[%get3A_666] {strides = array<i32>} : memref<512xi32, #tpu.memory_space<vmem>>, vector<16xi32>,
      %broadcast_in_dim3A_668 = arith.constant 1 : i32
      %broadcast_in_dim3A_669 = vector.broadcast %broadcast_in_dim3A_668 : i32 to vector<16xi32>
      %lt3A_670 = arith.constant 0 : i32
      %lt3A_671 = vector.broadcast %lt3A_670 : i32 to vector<16xi32>
      %lt3A_672 = arith.cmpi slt, %broadcast_in_dim3A_669, %lt3A_671 : vector<16xi32>
      %add3A_673 = arith.constant 16 : i32
      %add3A_674 = vector.broadcast %add3A_673 : i32 to vector<16xi32>
      %add3A_675 = arith.addi %broadcast_in_dim3A_669, %add3A_674 : vector<16xi32>
      %select_n3A_676 = arith.select %lt3A_672, %add3A_675, %broadcast_in_dim3A_669 : vector<16xi1>, vector<16xi32>
      %broadcast_in_dim3A_677 = vector.shape_cast %select_n3A_676 : vector<16xi32> to vector<16x1xi32>
      %gather3A_678 = vector.shape_cast %broadcast_in_dim3A_677 : vector<16x1xi32> to vector<16xi32>
      %gather3A_679 = tpu.dynamic_gather %get3A_663[%gather3A_678] in [0] : vector<16xi32>, vector<16xi32> -> vector<16xi32>
      %and3A_680 = arith.constant 127 : i32
      %and3A_681 = vector.broadcast %and3A_680 : i32 to vector<16xi32>
      %and3A_682 = arith.andi %gather3A_679, %and3A_681 : vector<16xi32>
      %lt3A_683 = arith.constant 0 : i32
      %lt3A_684 = vector.broadcast %lt3A_683 : i32 to vector<16xi32>
      %lt3A_685 = arith.cmpi slt, %broadcast_in_dim3A_669, %lt3A_684 : vector<16xi32>
      %add3A_686 = arith.constant 16 : i32
      %add3A_687 = vector.broadcast %add3A_686 : i32 to vector<16xi32>
      %add3A_688 = arith.addi %broadcast_in_dim3A_669, %add3A_687 : vector<16xi32>
      %select_n3A_689 = arith.select %lt3A_685, %add3A_688, %broadcast_in_dim3A_669 : vector<16xi1>, vector<16xi32>
      %broadcast_in_dim3A_690 = vector.shape_cast %select_n3A_689 : vector<16xi32> to vector<16x1xi32>
      %gather3A_691 = vector.shape_cast %broadcast_in_dim3A_690 : vector<16x1xi32> to vector<16xi32>
      %gather3A_692 = tpu.dynamic_gather %get3A_667[%gather3A_691] in [0] : vector<16xi32>, vector<16xi32> -> vector<16xi32>
      %and3A_693 = arith.constant 127 : i32
      %and3A_694 = vector.broadcast %and3A_693 : i32 to vector<16xi32>
      %and3A_695 = arith.andi %gather3A_692, %and3A_694 : vector<16xi32>
      %gather3A_696 = tpu.vector_load_idx %arg10[%iota3A, %and3A_682] : memref<32x128xf32, #tpu.memory_space<vmem>>[vector<16xi32>, vector<16xi32>], vector<16xf32>,
      %add3A_697 = arith.constant 16 : i32
      %add3A_698 = vector.broadcast %add3A_697 : i32 to vector<16xi32>
      %add3A_699 = arith.addi %iota3A, %add3A_698 : vector<16xi32>
      %gather3A_700 = tpu.vector_load_idx %arg10[%add3A_699, %and3A_682] : memref<32x128xf32, #tpu.memory_space<vmem>>[vector<16xi32>, vector<16xi32>], vector<16xf32>,
      %gather3A_701 = tpu.vector_load_idx %arg18[%iota3A, %and3A_695] : memref<32x128xf32, #tpu.memory_space<vmem>>[vector<16xi32>, vector<16xi32>], vector<16xf32>,
      %add3A_702 = arith.constant 16 : i32
      %add3A_703 = vector.broadcast %add3A_702 : i32 to vector<16xi32>
      %add3A_704 = arith.addi %iota3A, %add3A_703 : vector<16xi32>
      %gather3A_705 = tpu.vector_load_idx %arg18[%add3A_704, %and3A_695] : memref<32x128xf32, #tpu.memory_space<vmem>>[vector<16xi32>, vector<16xi32>], vector<16xf32>,
      %add3A_706 = arith.constant 8 : i32
      %add3A_707 = arith.addi %add3A_647, %add3A_706 : i32
      %min3A_708 = arith.constant 511 : i32
      %min3A_709 = arith.minsi %add3A_707, %min3A_708 : i32
      %jit3A_710 = arith.constant 16 : i32
      %div3A_711 = arith.divsi %min3A_709, %jit3A_710 : i32
      %sign3A_712 = arith.constant 0 : i32
      %sign3A_713 = arith.cmpi sgt, %min3A_709, %sign3A_712 : i32
      %sign3A_714 = arith.extui %sign3A_713 : i1 to i32
      %sign3A_715 = arith.constant 0 : i32
      %sign3A_716 = arith.cmpi slt, %min3A_709, %sign3A_715 : i32
      %sign3A_717 = arith.extui %sign3A_716 : i1 to i32
      %sign3A_718 = arith.subi %sign3A_714, %sign3A_717 : i32
      %sign3A_719 = arith.constant 0 : i32
      %sign3A_720 = arith.cmpi sgt, %jit3A_710, %sign3A_719 : i32
      %sign3A_721 = arith.extui %sign3A_720 : i1 to i32
      %sign3A_722 = arith.constant 0 : i32
      %sign3A_723 = arith.cmpi slt, %jit3A_710, %sign3A_722 : i32
      %sign3A_724 = arith.extui %sign3A_723 : i1 to i32
      %sign3A_725 = arith.subi %sign3A_721, %sign3A_724 : i32
      %ne3A_726 = arith.cmpi ne, %sign3A_718, %sign3A_725 : i32
      %rem3A_727 = arith.remsi %min3A_709, %jit3A_710 : i32
      %ne3A_728 = arith.constant 0 : i32
      %ne3A_729 = arith.cmpi ne, %rem3A_727, %ne3A_728 : i32
      %and3A_730 = arith.andi %ne3A_726, %ne3A_729 : i1
      %sub3A_731 = arith.constant 1 : i32
      %sub3A_732 = arith.subi %div3A_711, %sub3A_731 : i32
      %select_n3A_733 = arith.select %and3A_730, %sub3A_732, %div3A_711 : i32
      %mul3A_734 = arith.constant 16 : i32
      %mul3A_735 = arith.muli %select_n3A_733, %mul3A_734 : i32
      %get3A_736 = arith.index_cast %mul3A_735 : i32 to index
      %get3A_737 = tpu.vector_load %arg7[%get3A_736] {strides = array<i32>} : memref<512xi32, #tpu.memory_space<vmem>>, vector<16xi32>,
      %jit3A_738 = arith.constant 16 : i32
      %eq3A_739 = arith.constant 0 : i32
      %eq3A_740 = arith.cmpi eq, %jit3A_738, %eq3A_739 : i32
      %jit3A_741 = arith.constant 1 : i32
      %select_n3A_742 = arith.select %eq3A_740, %jit3A_741, %jit3A_738 : i32
      %rem3A_743 = arith.remsi %min3A_709, %select_n3A_742 : i32
      %ne3A_744 = arith.constant 0 : i32
      %ne3A_745 = arith.cmpi ne, %rem3A_743, %ne3A_744 : i32
      %lt3A_746 = arith.constant 0 : i32
      %lt3A_747 = arith.cmpi slt, %rem3A_743, %lt3A_746 : i32
      %lt3A_748 = arith.constant 0 : i32
      %lt3A_749 = arith.cmpi slt, %select_n3A_742, %lt3A_748 : i32
      %ne3A_750 = arith.xori %lt3A_747, %lt3A_749 : i1
      %and3A_751 = arith.andi %ne3A_750, %ne3A_745 : i1
      %add3A_752 = arith.addi %rem3A_743, %select_n3A_742 : i32
      %select_n3A_753 = arith.select %and3A_751, %add3A_752, %rem3A_743 : i32
      %eq3A_754 = vector.broadcast %select_n3A_753 : i32 to vector<16xi32>
      %eq3A_755 = arith.cmpi eq, %iota3A, %eq3A_754 : vector<16xi32>
      %jit3A_756 = arith.constant 0 : i32
      %broadcast_in_dim3A_757 = vector.broadcast %jit3A_756 : i32 to vector<16xi32>
      %select_n3A_758 = arith.select %eq3A_755, %get3A_737, %broadcast_in_dim3A_757 : vector<16xi1>, vector<16xi32>
      %reduce_sum3A_759 = arith.constant true
      %reduce_sum3A_760 = vector.broadcast %reduce_sum3A_759 : i1 to vector<16xi1>
      %reduce_sum3A_761 = tpu.scan <sum>, %select_n3A_758 masked %reduce_sum3A_760 : vector<16xi32>, vector<16xi1> -> vector<16xi32>
      %reduce_sum3A_762 = vector.extract %reduce_sum3A_761[15] : i32 from vector<16xi32>
      %shift_right_logical3A_763 = arith.constant 7 : i32
      %shift_right_logical3A_764 = arith.shrui %reduce_sum3A_762, %shift_right_logical3A_763 : i32
      %jit3A_765 = arith.constant 16 : i32
      %div3A_766 = arith.divsi %min3A_709, %jit3A_765 : i32
      %sign3A_767 = arith.constant 0 : i32
      %sign3A_768 = arith.cmpi sgt, %min3A_709, %sign3A_767 : i32
      %sign3A_769 = arith.extui %sign3A_768 : i1 to i32
      %sign3A_770 = arith.constant 0 : i32
      %sign3A_771 = arith.cmpi slt, %min3A_709, %sign3A_770 : i32
      %sign3A_772 = arith.extui %sign3A_771 : i1 to i32
      %sign3A_773 = arith.subi %sign3A_769, %sign3A_772 : i32
      %sign3A_774 = arith.constant 0 : i32
      %sign3A_775 = arith.cmpi sgt, %jit3A_765, %sign3A_774 : i32
      %sign3A_776 = arith.extui %sign3A_775 : i1 to i32
      %sign3A_777 = arith.constant 0 : i32
      %sign3A_778 = arith.cmpi slt, %jit3A_765, %sign3A_777 : i32
      %sign3A_779 = arith.extui %sign3A_778 : i1 to i32
      %sign3A_780 = arith.subi %sign3A_776, %sign3A_779 : i32
      %ne3A_781 = arith.cmpi ne, %sign3A_773, %sign3A_780 : i32
      %rem3A_782 = arith.remsi %min3A_709, %jit3A_765 : i32
      %ne3A_783 = arith.constant 0 : i32
      %ne3A_784 = arith.cmpi ne, %rem3A_782, %ne3A_783 : i32
      %and3A_785 = arith.andi %ne3A_781, %ne3A_784 : i1
      %sub3A_786 = arith.constant 1 : i32
      %sub3A_787 = arith.subi %div3A_766, %sub3A_786 : i32
      %select_n3A_788 = arith.select %and3A_785, %sub3A_787, %div3A_766 : i32
      %mul3A_789 = arith.constant 16 : i32
      %mul3A_790 = arith.muli %select_n3A_788, %mul3A_789 : i32
      %get3A_791 = arith.index_cast %mul3A_790 : i32 to index
      %get3A_792 = tpu.vector_load %arg8[%get3A_791] {strides = array<i32>} : memref<512xi32, #tpu.memory_space<vmem>>, vector<16xi32>,
      %jit3A_793 = arith.constant 16 : i32
      %eq3A_794 = arith.constant 0 : i32
      %eq3A_795 = arith.cmpi eq, %jit3A_793, %eq3A_794 : i32
      %jit3A_796 = arith.constant 1 : i32
      %select_n3A_797 = arith.select %eq3A_795, %jit3A_796, %jit3A_793 : i32
      %rem3A_798 = arith.remsi %min3A_709, %select_n3A_797 : i32
      %ne3A_799 = arith.constant 0 : i32
      %ne3A_800 = arith.cmpi ne, %rem3A_798, %ne3A_799 : i32
      %lt3A_801 = arith.constant 0 : i32
      %lt3A_802 = arith.cmpi slt, %rem3A_798, %lt3A_801 : i32
      %lt3A_803 = arith.constant 0 : i32
      %lt3A_804 = arith.cmpi slt, %select_n3A_797, %lt3A_803 : i32
      %ne3A_805 = arith.xori %lt3A_802, %lt3A_804 : i1
      %and3A_806 = arith.andi %ne3A_805, %ne3A_800 : i1
      %add3A_807 = arith.addi %rem3A_798, %select_n3A_797 : i32
      %select_n3A_808 = arith.select %and3A_806, %add3A_807, %rem3A_798 : i32
      %eq3A_809 = vector.broadcast %select_n3A_808 : i32 to vector<16xi32>
      %eq3A_810 = arith.cmpi eq, %iota3A, %eq3A_809 : vector<16xi32>
      %jit3A_811 = arith.constant 0 : i32
      %broadcast_in_dim3A_812 = vector.broadcast %jit3A_811 : i32 to vector<16xi32>
      %select_n3A_813 = arith.select %eq3A_810, %get3A_792, %broadcast_in_dim3A_812 : vector<16xi1>, vector<16xi32>
      %reduce_sum3A_814 = arith.constant true
      %reduce_sum3A_815 = vector.broadcast %reduce_sum3A_814 : i1 to vector<16xi1>
      %reduce_sum3A_816 = tpu.scan <sum>, %select_n3A_813 masked %reduce_sum3A_815 : vector<16xi32>, vector<16xi1> -> vector<16xi32>
      %reduce_sum3A_817 = vector.extract %reduce_sum3A_816[15] : i32 from vector<16xi32>
      %shift_right_logical3A_818 = arith.constant 7 : i32
      %shift_right_logical3A_819 = arith.shrui %reduce_sum3A_817, %shift_right_logical3A_818 : i32
      %mul3A_820 = arith.constant 128 : i32
      %mul3A_821 = arith.muli %shift_right_logical3A_764, %mul3A_820 : i32
      %multiple_of3A_822 = tpu.assume_multiple %mul3A_821, 128 : i32
      %dma_start3A_823 = arith.constant 0 : i32
      %dma_start3A_824 = tpu.memref_slice %arg4[%dma_start3A_823, %multiple_of3A_822] : memref<32x1000000xf32, #tpu.memory_space<hbm>> -> memref<32x128xf32, #tpu.memory_space<hbm>>
      %dma_start3A_825 = arith.constant 0 : i32
      %dma_start3A_826 = tpu.memref_slice %arg4[%dma_start3A_825, %multiple_of3A_822] : memref<32x1000000xf32, #tpu.memory_space<hbm>> -> memref<32x128xf32, #tpu.memory_space<hbm>>
      tpu.enqueue_dma source(%dma_start3A_826 : memref<32x128xf32, #tpu.memory_space<hbm>>) target(%arg10 : memref<32x128xf32, #tpu.memory_space<vmem>>) target_semaphore(%arg29 : memref<!tpu.dma_semaphore, #tpu.memory_space<semaphore_mem>>)
      %mul3A_827 = arith.constant 128 : i32
      %mul3A_828 = arith.muli %shift_right_logical3A_819, %mul3A_827 : i32
      %multiple_of3A_829 = tpu.assume_multiple %mul3A_828, 128 : i32
      %dma_start3A_830 = arith.constant 0 : i32
      %dma_start3A_831 = tpu.memref_slice %arg5[%dma_start3A_830, %multiple_of3A_829] : memref<32x1000000xf32, #tpu.memory_space<hbm>> -> memref<32x128xf32, #tpu.memory_space<hbm>>
      %dma_start3A_832 = arith.constant 0 : i32
      %dma_start3A_833 = tpu.memref_slice %arg5[%dma_start3A_832, %multiple_of3A_829] : memref<32x1000000xf32, #tpu.memory_space<hbm>> -> memref<32x128xf32, #tpu.memory_space<hbm>>
      tpu.enqueue_dma source(%dma_start3A_833 : memref<32x128xf32, #tpu.memory_space<hbm>>) target(%arg18 : memref<32x128xf32, #tpu.memory_space<vmem>>) target_semaphore(%arg37 : memref<!tpu.dma_semaphore, #tpu.memory_space<semaphore_mem>>)
      %exp3A_834 = math.exp %gather3A_701 : vector<16xf32>
      %exp3A_835 = math.exp %gather3A_705 : vector<16xf32>
      %neg3A_836 = arith.constant 0.000000e+00 : f32
      %neg3A_837 = vector.broadcast %neg3A_836 : f32 to vector<16xf32>
      %neg3A_838 = arith.subf %neg3A_837, %gather3A_696 : vector<16xf32>
      %exp3A_839 = math.exp %neg3A_838 : vector<16xf32>
      %add3A_840 = arith.constant 1.000000e+00 : f32
      %add3A_841 = vector.broadcast %add3A_840 : f32 to vector<16xf32>
      %add3A_842 = arith.addf %add3A_841, %exp3A_839 : vector<16xf32>
      %div3A_843 = arith.constant 1.000000e+00 : f32
      %div3A_844 = vector.broadcast %div3A_843 : f32 to vector<16xf32>
      %div3A_845 = arith.divf %div3A_844, %add3A_842 : vector<16xf32>
      %neg3A_846 = arith.constant 0.000000e+00 : f32
      %neg3A_847 = vector.broadcast %neg3A_846 : f32 to vector<16xf32>
      %neg3A_848 = arith.subf %neg3A_847, %gather3A_700 : vector<16xf32>
      %exp3A_849 = math.exp %neg3A_848 : vector<16xf32>
      %add3A_850 = arith.constant 1.000000e+00 : f32
      %add3A_851 = vector.broadcast %add3A_850 : f32 to vector<16xf32>
      %add3A_852 = arith.addf %add3A_851, %exp3A_849 : vector<16xf32>
      %div3A_853 = arith.constant 1.000000e+00 : f32
      %div3A_854 = vector.broadcast %div3A_853 : f32 to vector<16xf32>
      %div3A_855 = arith.divf %div3A_854, %add3A_852 : vector<16xf32>
      %mul3A_856 = arith.mulf %exp3A_834, %div3A_845 : vector<16xf32>
      %mul3A_857 = arith.mulf %exp3A_835, %div3A_855 : vector<16xf32>
      %add3A_858 = arith.addf %mul3A_856, %mul3A_857 : vector<16xf32>
      %swap3A_859 = arith.constant 16 : index
      %swap3A_860 = tpu.vector_load %arg25[%swap3A_859] {strides = array<i32>} : memref<256xf32, #tpu.memory_space<vmem>>, vector<16xf32>,
      tpu.vector_store %arg25[%swap3A_859], %add3A_858 {strides = array<i32>} : memref<256xf32, #tpu.memory_space<vmem>>, vector<16xf32>,
      %add3A_861 = arith.addf %exp3A_834, %exp3A_835 : vector<16xf32>
      %swap3A_862 = arith.constant 16 : index
      %swap3A_863 = tpu.vector_load %arg26[%swap3A_862] {strides = array<i32>} : memref<256xf32, #tpu.memory_space<vmem>>, vector<16xf32>,
      tpu.vector_store %arg26[%swap3A_862], %add3A_861 {strides = array<i32>} : memref<256xf32, #tpu.memory_space<vmem>>, vector<16xf32>,
      %mul3A_864 = arith.constant 16 : i32
      %mul3A_865 = arith.muli %scan3A_434, %mul3A_864 : i32
      %add3A_866 = arith.constant 2 : i32
      %add3A_867 = arith.addi %mul3A_865, %add3A_866 : i32
      %dma_wait3A_868 = arith.constant 0 : i32
      %dma_wait3A_869 = arith.constant 0 : i32
      %dma_wait3A_870 = tpu.memref_slice %arg4[%dma_wait3A_868, %dma_wait3A_869] : memref<32x1000000xf32, #tpu.memory_space<hbm>> -> memref<32x128xf32, #tpu.memory_space<hbm>>
      %dma_wait3A_871 = arith.constant 0 : i32
      %dma_wait3A_872 = arith.constant 0 : i32
      %dma_wait3A_873 = tpu.memref_slice %arg4[%dma_wait3A_871, %dma_wait3A_872] : memref<32x1000000xf32, #tpu.memory_space<hbm>> -> memref<32x128xf32, #tpu.memory_space<hbm>>
      tpu.wait_dma2 semaphore(%arg30 : memref<!tpu.dma_semaphore, #tpu.memory_space<semaphore_mem>>) src(%dma_wait3A_873 : memref<32x128xf32, #tpu.memory_space<hbm>>) dst(%arg11 : memref<32x128xf32, #tpu.memory_space<vmem>>)
      %dma_wait3A_874 = arith.constant 0 : i32
      %dma_wait3A_875 = arith.constant 0 : i32
      %dma_wait3A_876 = tpu.memref_slice %arg5[%dma_wait3A_874, %dma_wait3A_875] : memref<32x1000000xf32, #tpu.memory_space<hbm>> -> memref<32x128xf32, #tpu.memory_space<hbm>>
      %dma_wait3A_877 = arith.constant 0 : i32
      %dma_wait3A_878 = arith.constant 0 : i32
      %dma_wait3A_879 = tpu.memref_slice %arg5[%dma_wait3A_877, %dma_wait3A_878] : memref<32x1000000xf32, #tpu.memory_space<hbm>> -> memref<32x128xf32, #tpu.memory_space<hbm>>
      tpu.wait_dma2 semaphore(%arg38 : memref<!tpu.dma_semaphore, #tpu.memory_space<semaphore_mem>>) src(%dma_wait3A_879 : memref<32x128xf32, #tpu.memory_space<hbm>>) dst(%arg19 : memref<32x128xf32, #tpu.memory_space<vmem>>)
      %mul3A_880 = arith.constant 16 : i32
      %mul3A_881 = arith.muli %scan3A_434, %mul3A_880 : i32
      %get3A_882 = arith.index_cast %mul3A_881 : i32 to index
      %get3A_883 = tpu.vector_load %arg7[%get3A_882] {strides = array<i32>} : memref<512xi32, #tpu.memory_space<vmem>>, vector<16xi32>,
      %mul3A_884 = arith.constant 16 : i32
      %mul3A_885 = arith.muli %scan3A_434, %mul3A_884 : i32
      %get3A_886 = arith.index_cast %mul3A_885 : i32 to index
      %get3A_887 = tpu.vector_load %arg8[%get3A_886] {strides = array<i32>} : memref<512xi32, #tpu.memory_space<vmem>>, vector<16xi32>,
      %broadcast_in_dim3A_888 = arith.constant 2 : i32
      %broadcast_in_dim3A_889 = vector.broadcast %broadcast_in_dim3A_888 : i32 to vector<16xi32>
      %lt3A_890 = arith.constant 0 : i32
      %lt3A_891 = vector.broadcast %lt3A_890 : i32 to vector<16xi32>
      %lt3A_892 = arith.cmpi slt, %broadcast_in_dim3A_889, %lt3A_891 : vector<16xi32>
      %add3A_893 = arith.constant 16 : i32
      %add3A_894 = vector.broadcast %add3A_893 : i32 to vector<16xi32>
      %add3A_895 = arith.addi %broadcast_in_dim3A_889, %add3A_894 : vector<16xi32>
      %select_n3A_896 = arith.select %lt3A_892, %add3A_895, %broadcast_in_dim3A_889 : vector<16xi1>, vector<16xi32>
      %broadcast_in_dim3A_897 = vector.shape_cast %select_n3A_896 : vector<16xi32> to vector<16x1xi32>
      %gather3A_898 = vector.shape_cast %broadcast_in_dim3A_897 : vector<16x1xi32> to vector<16xi32>
      %gather3A_899 = tpu.dynamic_gather %get3A_883[%gather3A_898] in [0] : vector<16xi32>, vector<16xi32> -> vector<16xi32>
      %and3A_900 = arith.constant 127 : i32
      %and3A_901 = vector.broadcast %and3A_900 : i32 to vector<16xi32>
      %and3A_902 = arith.andi %gather3A_899, %and3A_901 : vector<16xi32>
      %lt3A_903 = arith.constant 0 : i32
      %lt3A_904 = vector.broadcast %lt3A_903 : i32 to vector<16xi32>
      %lt3A_905 = arith.cmpi slt, %broadcast_in_dim3A_889, %lt3A_904 : vector<16xi32>
      %add3A_906 = arith.constant 16 : i32
      %add3A_907 = vector.broadcast %add3A_906 : i32 to vector<16xi32>
      %add3A_908 = arith.addi %broadcast_in_dim3A_889, %add3A_907 : vector<16xi32>
      %select_n3A_909 = arith.select %lt3A_905, %add3A_908, %broadcast_in_dim3A_889 : vector<16xi1>, vector<16xi32>
      %broadcast_in_dim3A_910 = vector.shape_cast %select_n3A_909 : vector<16xi32> to vector<16x1xi32>
      %gather3A_911 = vector.shape_cast %broadcast_in_dim3A_910 : vector<16x1xi32> to vector<16xi32>
      %gather3A_912 = tpu.dynamic_gather %get3A_887[%gather3A_911] in [0] : vector<16xi32>, vector<16xi32> -> vector<16xi32>
      %and3A_913 = arith.constant 127 : i32
      %and3A_914 = vector.broadcast %and3A_913 : i32 to vector<16xi32>
      %and3A_915 = arith.andi %gather3A_912, %and3A_914 : vector<16xi32>
      %gather3A_916 = tpu.vector_load_idx %arg11[%iota3A, %and3A_902] : memref<32x128xf32, #tpu.memory_space<vmem>>[vector<16xi32>, vector<16xi32>], vector<16xf32>,
      %add3A_917 = arith.constant 16 : i32
      %add3A_918 = vector.broadcast %add3A_917 : i32 to vector<16xi32>
      %add3A_919 = arith.addi %iota3A, %add3A_918 : vector<16xi32>
      %gather3A_920 = tpu.vector_load_idx %arg11[%add3A_919, %and3A_902] : memref<32x128xf32, #tpu.memory_space<vmem>>[vector<16xi32>, vector<16xi32>], vector<16xf32>,
      %gather3A_921 = tpu.vector_load_idx %arg19[%iota3A, %and3A_915] : memref<32x128xf32, #tpu.memory_space<vmem>>[vector<16xi32>, vector<16xi32>], vector<16xf32>,
      %add3A_922 = arith.constant 16 : i32
      %add3A_923 = vector.broadcast %add3A_922 : i32 to vector<16xi32>
      %add3A_924 = arith.addi %iota3A, %add3A_923 : vector<16xi32>
      %gather3A_925 = tpu.vector_load_idx %arg19[%add3A_924, %and3A_915] : memref<32x128xf32, #tpu.memory_space<vmem>>[vector<16xi32>, vector<16xi32>], vector<16xf32>,
      %add3A_926 = arith.constant 8 : i32
      %add3A_927 = arith.addi %add3A_867, %add3A_926 : i32
      %min3A_928 = arith.constant 511 : i32
      %min3A_929 = arith.minsi %add3A_927, %min3A_928 : i32
      %jit3A_930 = arith.constant 16 : i32
      %div3A_931 = arith.divsi %min3A_929, %jit3A_930 : i32
      %sign3A_932 = arith.constant 0 : i32
      %sign3A_933 = arith.cmpi sgt, %min3A_929, %sign3A_932 : i32
      %sign3A_934 = arith.extui %sign3A_933 : i1 to i32
      %sign3A_935 = arith.constant 0 : i32
      %sign3A_936 = arith.cmpi slt, %min3A_929, %sign3A_935 : i32
      %sign3A_937 = arith.extui %sign3A_936 : i1 to i32
      %sign3A_938 = arith.subi %sign3A_934, %sign3A_937 : i32
      %sign3A_939 = arith.constant 0 : i32
      %sign3A_940 = arith.cmpi sgt, %jit3A_930, %sign3A_939 : i32
      %sign3A_941 = arith.extui %sign3A_940 : i1 to i32
      %sign3A_942 = arith.constant 0 : i32
      %sign3A_943 = arith.cmpi slt, %jit3A_930, %sign3A_942 : i32
      %sign3A_944 = arith.extui %sign3A_943 : i1 to i32
      %sign3A_945 = arith.subi %sign3A_941, %sign3A_944 : i32
      %ne3A_946 = arith.cmpi ne, %sign3A_938, %sign3A_945 : i32
      %rem3A_947 = arith.remsi %min3A_929, %jit3A_930 : i32
      %ne3A_948 = arith.constant 0 : i32
      %ne3A_949 = arith.cmpi ne, %rem3A_947, %ne3A_948 : i32
      %and3A_950 = arith.andi %ne3A_946, %ne3A_949 : i1
      %sub3A_951 = arith.constant 1 : i32
      %sub3A_952 = arith.subi %div3A_931, %sub3A_951 : i32
      %select_n3A_953 = arith.select %and3A_950, %sub3A_952, %div3A_931 : i32
      %mul3A_954 = arith.constant 16 : i32
      %mul3A_955 = arith.muli %select_n3A_953, %mul3A_954 : i32
      %get3A_956 = arith.index_cast %mul3A_955 : i32 to index
      %get3A_957 = tpu.vector_load %arg7[%get3A_956] {strides = array<i32>} : memref<512xi32, #tpu.memory_space<vmem>>, vector<16xi32>,
      %jit3A_958 = arith.constant 16 : i32
      %eq3A_959 = arith.constant 0 : i32
      %eq3A_960 = arith.cmpi eq, %jit3A_958, %eq3A_959 : i32
      %jit3A_961 = arith.constant 1 : i32
      %select_n3A_962 = arith.select %eq3A_960, %jit3A_961, %jit3A_958 : i32
      %rem3A_963 = arith.remsi %min3A_929, %select_n3A_962 : i32
      %ne3A_964 = arith.constant 0 : i32
      %ne3A_965 = arith.cmpi ne, %rem3A_963, %ne3A_964 : i32
      %lt3A_966 = arith.constant 0 : i32
      %lt3A_967 = arith.cmpi slt, %rem3A_963, %lt3A_966 : i32
      %lt3A_968 = arith.constant 0 : i32
      %lt3A_969 = arith.cmpi slt, %select_n3A_962, %lt3A_968 : i32
      %ne3A_970 = arith.xori %lt3A_967, %lt3A_969 : i1
      %and3A_971 = arith.andi %ne3A_970, %ne3A_965 : i1
      %add3A_972 = arith.addi %rem3A_963, %select_n3A_962 : i32
      %select_n3A_973 = arith.select %and3A_971, %add3A_972, %rem3A_963 : i32
      %eq3A_974 = vector.broadcast %select_n3A_973 : i32 to vector<16xi32>
      %eq3A_975 = arith.cmpi eq, %iota3A, %eq3A_974 : vector<16xi32>
      %jit3A_976 = arith.constant 0 : i32
      %broadcast_in_dim3A_977 = vector.broadcast %jit3A_976 : i32 to vector<16xi32>
      %select_n3A_978 = arith.select %eq3A_975, %get3A_957, %broadcast_in_dim3A_977 : vector<16xi1>, vector<16xi32>
      %reduce_sum3A_979 = arith.constant true
      %reduce_sum3A_980 = vector.broadcast %reduce_sum3A_979 : i1 to vector<16xi1>
      %reduce_sum3A_981 = tpu.scan <sum>, %select_n3A_978 masked %reduce_sum3A_980 : vector<16xi32>, vector<16xi1> -> vector<16xi32>
      %reduce_sum3A_982 = vector.extract %reduce_sum3A_981[15] : i32 from vector<16xi32>
      %shift_right_logical3A_983 = arith.constant 7 : i32
      %shift_right_logical3A_984 = arith.shrui %reduce_sum3A_982, %shift_right_logical3A_983 : i32
      %jit3A_985 = arith.constant 16 : i32
      %div3A_986 = arith.divsi %min3A_929, %jit3A_985 : i32
      %sign3A_987 = arith.constant 0 : i32
      %sign3A_988 = arith.cmpi sgt, %min3A_929, %sign3A_987 : i32
      %sign3A_989 = arith.extui %sign3A_988 : i1 to i32
      %sign3A_990 = arith.constant 0 : i32
      %sign3A_991 = arith.cmpi slt, %min3A_929, %sign3A_990 : i32
      %sign3A_992 = arith.extui %sign3A_991 : i1 to i32
      %sign3A_993 = arith.subi %sign3A_989, %sign3A_992 : i32
      %sign3A_994 = arith.constant 0 : i32
      %sign3A_995 = arith.cmpi sgt, %jit3A_985, %sign3A_994 : i32
      %sign3A_996 = arith.extui %sign3A_995 : i1 to i32
      %sign3A_997 = arith.constant 0 : i32
      %sign3A_998 = arith.cmpi slt, %jit3A_985, %sign3A_997 : i32
      %sign3A_999 = arith.extui %sign3A_998 : i1 to i32
      %sign3A_1000 = arith.subi %sign3A_996, %sign3A_999 : i32
      %ne3A_1001 = arith.cmpi ne, %sign3A_993, %sign3A_1000 : i32
      %rem3A_1002 = arith.remsi %min3A_929, %jit3A_985 : i32
      %ne3A_1003 = arith.constant 0 : i32
      %ne3A_1004 = arith.cmpi ne, %rem3A_1002, %ne3A_1003 : i32
      %and3A_1005 = arith.andi %ne3A_1001, %ne3A_1004 : i1
      %sub3A_1006 = arith.constant 1 : i32
      %sub3A_1007 = arith.subi %div3A_986, %sub3A_1006 : i32
      %select_n3A_1008 = arith.select %and3A_1005, %sub3A_1007, %div3A_986 : i32
      %mul3A_1009 = arith.constant 16 : i32
      %mul3A_1010 = arith.muli %select_n3A_1008, %mul3A_1009 : i32
      %get3A_1011 = arith.index_cast %mul3A_1010 : i32 to index
      %get3A_1012 = tpu.vector_load %arg8[%get3A_1011] {strides = array<i32>} : memref<512xi32, #tpu.memory_space<vmem>>, vector<16xi32>,
      %jit3A_1013 = arith.constant 16 : i32
      %eq3A_1014 = arith.constant 0 : i32
      %eq3A_1015 = arith.cmpi eq, %jit3A_1013, %eq3A_1014 : i32
      %jit3A_1016 = arith.constant 1 : i32
      %select_n3A_1017 = arith.select %eq3A_1015, %jit3A_1016, %jit3A_1013 : i32
      %rem3A_1018 = arith.remsi %min3A_929, %select_n3A_1017 : i32
      %ne3A_1019 = arith.constant 0 : i32
      %ne3A_1020 = arith.cmpi ne, %rem3A_1018, %ne3A_1019 : i32
      %lt3A_1021 = arith.constant 0 : i32
      %lt3A_1022 = arith.cmpi slt, %rem3A_1018, %lt3A_1021 : i32
      %lt3A_1023 = arith.constant 0 : i32
      %lt3A_1024 = arith.cmpi slt, %select_n3A_1017, %lt3A_1023 : i32
      %ne3A_1025 = arith.xori %lt3A_1022, %lt3A_1024 : i1
      %and3A_1026 = arith.andi %ne3A_1025, %ne3A_1020 : i1
      %add3A_1027 = arith.addi %rem3A_1018, %select_n3A_1017 : i32
      %select_n3A_1028 = arith.select %and3A_1026, %add3A_1027, %rem3A_1018 : i32
      %eq3A_1029 = vector.broadcast %select_n3A_1028 : i32 to vector<16xi32>
      %eq3A_1030 = arith.cmpi eq, %iota3A, %eq3A_1029 : vector<16xi32>
      %jit3A_1031 = arith.constant 0 : i32
      %broadcast_in_dim3A_1032 = vector.broadcast %jit3A_1031 : i32 to vector<16xi32>
      %select_n3A_1033 = arith.select %eq3A_1030, %get3A_1012, %broadcast_in_dim3A_1032 : vector<16xi1>, vector<16xi32>
      %reduce_sum3A_1034 = arith.constant true
      %reduce_sum3A_1035 = vector.broadcast %reduce_sum3A_1034 : i1 to vector<16xi1>
      %reduce_sum3A_1036 = tpu.scan <sum>, %select_n3A_1033 masked %reduce_sum3A_1035 : vector<16xi32>, vector<16xi1> -> vector<16xi32>
      %reduce_sum3A_1037 = vector.extract %reduce_sum3A_1036[15] : i32 from vector<16xi32>
      %shift_right_logical3A_1038 = arith.constant 7 : i32
      %shift_right_logical3A_1039 = arith.shrui %reduce_sum3A_1037, %shift_right_logical3A_1038 : i32
      %mul3A_1040 = arith.constant 128 : i32
      %mul3A_1041 = arith.muli %shift_right_logical3A_984, %mul3A_1040 : i32
      %multiple_of3A_1042 = tpu.assume_multiple %mul3A_1041, 128 : i32
      %dma_start3A_1043 = arith.constant 0 : i32
      %dma_start3A_1044 = tpu.memref_slice %arg4[%dma_start3A_1043, %multiple_of3A_1042] : memref<32x1000000xf32, #tpu.memory_space<hbm>> -> memref<32x128xf32, #tpu.memory_space<hbm>>
      %dma_start3A_1045 = arith.constant 0 : i32
      %dma_start3A_1046 = tpu.memref_slice %arg4[%dma_start3A_1045, %multiple_of3A_1042] : memref<32x1000000xf32, #tpu.memory_space<hbm>> -> memref<32x128xf32, #tpu.memory_space<hbm>>
      tpu.enqueue_dma source(%dma_start3A_1046 : memref<32x128xf32, #tpu.memory_space<hbm>>) target(%arg11 : memref<32x128xf32, #tpu.memory_space<vmem>>) target_semaphore(%arg30 : memref<!tpu.dma_semaphore, #tpu.memory_space<semaphore_mem>>)
      %mul3A_1047 = arith.constant 128 : i32
      %mul3A_1048 = arith.muli %shift_right_logical3A_1039, %mul3A_1047 : i32
      %multiple_of3A_1049 = tpu.assume_multiple %mul3A_1048, 128 : i32
      %dma_start3A_1050 = arith.constant 0 : i32
      %dma_start3A_1051 = tpu.memref_slice %arg5[%dma_start3A_1050, %multiple_of3A_1049] : memref<32x1000000xf32, #tpu.memory_space<hbm>> -> memref<32x128xf32, #tpu.memory_space<hbm>>
      %dma_start3A_1052 = arith.constant 0 : i32
      %dma_start3A_1053 = tpu.memref_slice %arg5[%dma_start3A_1052, %multiple_of3A_1049] : memref<32x1000000xf32, #tpu.memory_space<hbm>> -> memref<32x128xf32, #tpu.memory_space<hbm>>
      tpu.enqueue_dma source(%dma_start3A_1053 : memref<32x128xf32, #tpu.memory_space<hbm>>) target(%arg19 : memref<32x128xf32, #tpu.memory_space<vmem>>) target_semaphore(%arg38 : memref<!tpu.dma_semaphore, #tpu.memory_space<semaphore_mem>>)
      %exp3A_1054 = math.exp %gather3A_921 : vector<16xf32>
      %exp3A_1055 = math.exp %gather3A_925 : vector<16xf32>
      %neg3A_1056 = arith.constant 0.000000e+00 : f32
      %neg3A_1057 = vector.broadcast %neg3A_1056 : f32 to vector<16xf32>
      %neg3A_1058 = arith.subf %neg3A_1057, %gather3A_916 : vector<16xf32>
      %exp3A_1059 = math.exp %neg3A_1058 : vector<16xf32>
      %add3A_1060 = arith.constant 1.000000e+00 : f32
      %add3A_1061 = vector.broadcast %add3A_1060 : f32 to vector<16xf32>
      %add3A_1062 = arith.addf %add3A_1061, %exp3A_1059 : vector<16xf32>
      %div3A_1063 = arith.constant 1.000000e+00 : f32
      %div3A_1064 = vector.broadcast %div3A_1063 : f32 to vector<16xf32>
      %div3A_1065 = arith.divf %div3A_1064, %add3A_1062 : vector<16xf32>
      %neg3A_1066 = arith.constant 0.000000e+00 : f32
      %neg3A_1067 = vector.broadcast %neg3A_1066 : f32 to vector<16xf32>
      %neg3A_1068 = arith.subf %neg3A_1067, %gather3A_920 : vector<16xf32>
      %exp3A_1069 = math.exp %neg3A_1068 : vector<16xf32>
      %add3A_1070 = arith.constant 1.000000e+00 : f32
      %add3A_1071 = vector.broadcast %add3A_1070 : f32 to vector<16xf32>
      %add3A_1072 = arith.addf %add3A_1071, %exp3A_1069 : vector<16xf32>
      %div3A_1073 = arith.constant 1.000000e+00 : f32
      %div3A_1074 = vector.broadcast %div3A_1073 : f32 to vector<16xf32>
      %div3A_1075 = arith.divf %div3A_1074, %add3A_1072 : vector<16xf32>
      %mul3A_1076 = arith.mulf %exp3A_1054, %div3A_1065 : vector<16xf32>
      %mul3A_1077 = arith.mulf %exp3A_1055, %div3A_1075 : vector<16xf32>
      %add3A_1078 = arith.addf %mul3A_1076, %mul3A_1077 : vector<16xf32>
      %swap3A_1079 = arith.constant 32 : index
      %swap3A_1080 = tpu.vector_load %arg25[%swap3A_1079] {strides = array<i32>} : memref<256xf32, #tpu.memory_space<vmem>>, vector<16xf32>,
      tpu.vector_store %arg25[%swap3A_1079], %add3A_1078 {strides = array<i32>} : memref<256xf32, #tpu.memory_space<vmem>>, vector<16xf32>,
      %add3A_1081 = arith.addf %exp3A_1054, %exp3A_1055 : vector<16xf32>
      %swap3A_1082 = arith.constant 32 : index
      %swap3A_1083 = tpu.vector_load %arg26[%swap3A_1082] {strides = array<i32>} : memref<256xf32, #tpu.memory_space<vmem>>, vector<16xf32>,
      tpu.vector_store %arg26[%swap3A_1082], %add3A_1081 {strides = array<i32>} : memref<256xf32, #tpu.memory_space<vmem>>, vector<16xf32>,
      %mul3A_1084 = arith.constant 16 : i32
      %mul3A_1085 = arith.muli %scan3A_434, %mul3A_1084 : i32
      %add3A_1086 = arith.constant 3 : i32
      %add3A_1087 = arith.addi %mul3A_1085, %add3A_1086 : i32
      %dma_wait3A_1088 = arith.constant 0 : i32
      %dma_wait3A_1089 = arith.constant 0 : i32
      %dma_wait3A_1090 = tpu.memref_slice %arg4[%dma_wait3A_1088, %dma_wait3A_1089] : memref<32x1000000xf32, #tpu.memory_space<hbm>> -> memref<32x128xf32, #tpu.memory_space<hbm>>
      %dma_wait3A_1091 = arith.constant 0 : i32
      %dma_wait3A_1092 = arith.constant 0 : i32
      %dma_wait3A_1093 = tpu.memref_slice %arg4[%dma_wait3A_1091, %dma_wait3A_1092] : memref<32x1000000xf32, #tpu.memory_space<hbm>> -> memref<32x128xf32, #tpu.memory_space<hbm>>
      tpu.wait_dma2 semaphore(%arg31 : memref<!tpu.dma_semaphore, #tpu.memory_space<semaphore_mem>>) src(%dma_wait3A_1093 : memref<32x128xf32, #tpu.memory_space<hbm>>) dst(%arg12 : memref<32x128xf32, #tpu.memory_space<vmem>>)
      %dma_wait3A_1094 = arith.constant 0 : i32
      %dma_wait3A_1095 = arith.constant 0 : i32
      %dma_wait3A_1096 = tpu.memref_slice %arg5[%dma_wait3A_1094, %dma_wait3A_1095] : memref<32x1000000xf32, #tpu.memory_space<hbm>> -> memref<32x128xf32, #tpu.memory_space<hbm>>
      %dma_wait3A_1097 = arith.constant 0 : i32
      %dma_wait3A_1098 = arith.constant 0 : i32
      %dma_wait3A_1099 = tpu.memref_slice %arg5[%dma_wait3A_1097, %dma_wait3A_1098] : memref<32x1000000xf32, #tpu.memory_space<hbm>> -> memref<32x128xf32, #tpu.memory_space<hbm>>
      tpu.wait_dma2 semaphore(%arg39 : memref<!tpu.dma_semaphore, #tpu.memory_space<semaphore_mem>>) src(%dma_wait3A_1099 : memref<32x128xf32, #tpu.memory_space<hbm>>) dst(%arg20 : memref<32x128xf32, #tpu.memory_space<vmem>>)
      %mul3A_1100 = arith.constant 16 : i32
      %mul3A_1101 = arith.muli %scan3A_434, %mul3A_1100 : i32
      %get3A_1102 = arith.index_cast %mul3A_1101 : i32 to index
      %get3A_1103 = tpu.vector_load %arg7[%get3A_1102] {strides = array<i32>} : memref<512xi32, #tpu.memory_space<vmem>>, vector<16xi32>,
      %mul3A_1104 = arith.constant 16 : i32
      %mul3A_1105 = arith.muli %scan3A_434, %mul3A_1104 : i32
      %get3A_1106 = arith.index_cast %mul3A_1105 : i32 to index
      %get3A_1107 = tpu.vector_load %arg8[%get3A_1106] {strides = array<i32>} : memref<512xi32, #tpu.memory_space<vmem>>, vector<16xi32>,
      %broadcast_in_dim3A_1108 = arith.constant 3 : i32
      %broadcast_in_dim3A_1109 = vector.broadcast %broadcast_in_dim3A_1108 : i32 to vector<16xi32>
      %lt3A_1110 = arith.constant 0 : i32
      %lt3A_1111 = vector.broadcast %lt3A_1110 : i32 to vector<16xi32>
      %lt3A_1112 = arith.cmpi slt, %broadcast_in_dim3A_1109, %lt3A_1111 : vector<16xi32>
      %add3A_1113 = arith.constant 16 : i32
      %add3A_1114 = vector.broadcast %add3A_1113 : i32 to vector<16xi32>
      %add3A_1115 = arith.addi %broadcast_in_dim3A_1109, %add3A_1114 : vector<16xi32>
      %select_n3A_1116 = arith.select %lt3A_1112, %add3A_1115, %broadcast_in_dim3A_1109 : vector<16xi1>, vector<16xi32>
      %broadcast_in_dim3A_1117 = vector.shape_cast %select_n3A_1116 : vector<16xi32> to vector<16x1xi32>
      %gather3A_1118 = vector.shape_cast %broadcast_in_dim3A_1117 : vector<16x1xi32> to vector<16xi32>
      %gather3A_1119 = tpu.dynamic_gather %get3A_1103[%gather3A_1118] in [0] : vector<16xi32>, vector<16xi32> -> vector<16xi32>
      %and3A_1120 = arith.constant 127 : i32
      %and3A_1121 = vector.broadcast %and3A_1120 : i32 to vector<16xi32>
      %and3A_1122 = arith.andi %gather3A_1119, %and3A_1121 : vector<16xi32>
      %lt3A_1123 = arith.constant 0 : i32
      %lt3A_1124 = vector.broadcast %lt3A_1123 : i32 to vector<16xi32>
      %lt3A_1125 = arith.cmpi slt, %broadcast_in_dim3A_1109, %lt3A_1124 : vector<16xi32>
      %add3A_1126 = arith.constant 16 : i32
      %add3A_1127 = vector.broadcast %add3A_1126 : i32 to vector<16xi32>
      %add3A_1128 = arith.addi %broadcast_in_dim3A_1109, %add3A_1127 : vector<16xi32>
      %select_n3A_1129 = arith.select %lt3A_1125, %add3A_1128, %broadcast_in_dim3A_1109 : vector<16xi1>, vector<16xi32>
      %broadcast_in_dim3A_1130 = vector.shape_cast %select_n3A_1129 : vector<16xi32> to vector<16x1xi32>
      %gather3A_1131 = vector.shape_cast %broadcast_in_dim3A_1130 : vector<16x1xi32> to vector<16xi32>
      %gather3A_1132 = tpu.dynamic_gather %get3A_1107[%gather3A_1131] in [0] : vector<16xi32>, vector<16xi32> -> vector<16xi32>
      %and3A_1133 = arith.constant 127 : i32
      %and3A_1134 = vector.broadcast %and3A_1133 : i32 to vector<16xi32>
      %and3A_1135 = arith.andi %gather3A_1132, %and3A_1134 : vector<16xi32>
      %gather3A_1136 = tpu.vector_load_idx %arg12[%iota3A, %and3A_1122] : memref<32x128xf32, #tpu.memory_space<vmem>>[vector<16xi32>, vector<16xi32>], vector<16xf32>,
      %add3A_1137 = arith.constant 16 : i32
      %add3A_1138 = vector.broadcast %add3A_1137 : i32 to vector<16xi32>
      %add3A_1139 = arith.addi %iota3A, %add3A_1138 : vector<16xi32>
      %gather3A_1140 = tpu.vector_load_idx %arg12[%add3A_1139, %and3A_1122] : memref<32x128xf32, #tpu.memory_space<vmem>>[vector<16xi32>, vector<16xi32>], vector<16xf32>,
      %gather3A_1141 = tpu.vector_load_idx %arg20[%iota3A, %and3A_1135] : memref<32x128xf32, #tpu.memory_space<vmem>>[vector<16xi32>, vector<16xi32>], vector<16xf32>,
      %add3A_1142 = arith.constant 16 : i32
      %add3A_1143 = vector.broadcast %add3A_1142 : i32 to vector<16xi32>
      %add3A_1144 = arith.addi %iota3A, %add3A_1143 : vector<16xi32>
      %gather3A_1145 = tpu.vector_load_idx %arg20[%add3A_1144, %and3A_1135] : memref<32x128xf32, #tpu.memory_space<vmem>>[vector<16xi32>, vector<16xi32>], vector<16xf32>,
      %add3A_1146 = arith.constant 8 : i32
      %add3A_1147 = arith.addi %add3A_1087, %add3A_1146 : i32
      %min3A_1148 = arith.constant 511 : i32
      %min3A_1149 = arith.minsi %add3A_1147, %min3A_1148 : i32
      %jit3A_1150 = arith.constant 16 : i32
      %div3A_1151 = arith.divsi %min3A_1149, %jit3A_1150 : i32
      %sign3A_1152 = arith.constant 0 : i32
      %sign3A_1153 = arith.cmpi sgt, %min3A_1149, %sign3A_1152 : i32
      %sign3A_1154 = arith.extui %sign3A_1153 : i1 to i32
      %sign3A_1155 = arith.constant 0 : i32
      %sign3A_1156 = arith.cmpi slt, %min3A_1149, %sign3A_1155 : i32
      %sign3A_1157 = arith.extui %sign3A_1156 : i1 to i32
      %sign3A_1158 = arith.subi %sign3A_1154, %sign3A_1157 : i32
      %sign3A_1159 = arith.constant 0 : i32
      %sign3A_1160 = arith.cmpi sgt, %jit3A_1150, %sign3A_1159 : i32
      %sign3A_1161 = arith.extui %sign3A_1160 : i1 to i32
      %sign3A_1162 = arith.constant 0 : i32
      %sign3A_1163 = arith.cmpi slt, %jit3A_1150, %sign3A_1162 : i32
      %sign3A_1164 = arith.extui %sign3A_1163 : i1 to i32
      %sign3A_1165 = arith.subi %sign3A_1161, %sign3A_1164 : i32
      %ne3A_1166 = arith.cmpi ne, %sign3A_1158, %sign3A_1165 : i32
      %rem3A_1167 = arith.remsi %min3A_1149, %jit3A_1150 : i32
      %ne3A_1168 = arith.constant 0 : i32
      %ne3A_1169 = arith.cmpi ne, %rem3A_1167, %ne3A_1168 : i32
      %and3A_1170 = arith.andi %ne3A_1166, %ne3A_1169 : i1
      %sub3A_1171 = arith.constant 1 : i32
      %sub3A_1172 = arith.subi %div3A_1151, %sub3A_1171 : i32
      %select_n3A_1173 = arith.select %and3A_1170, %sub3A_1172, %div3A_1151 : i32
      %mul3A_1174 = arith.constant 16 : i32
      %mul3A_1175 = arith.muli %select_n3A_1173, %mul3A_1174 : i32
      %get3A_1176 = arith.index_cast %mul3A_1175 : i32 to index
      %get3A_1177 = tpu.vector_load %arg7[%get3A_1176] {strides = array<i32>} : memref<512xi32, #tpu.memory_space<vmem>>, vector<16xi32>,
      %jit3A_1178 = arith.constant 16 : i32
      %eq3A_1179 = arith.constant 0 : i32
      %eq3A_1180 = arith.cmpi eq, %jit3A_1178, %eq3A_1179 : i32
      %jit3A_1181 = arith.constant 1 : i32
      %select_n3A_1182 = arith.select %eq3A_1180, %jit3A_1181, %jit3A_1178 : i32
      %rem3A_1183 = arith.remsi %min3A_1149, %select_n3A_1182 : i32
      %ne3A_1184 = arith.constant 0 : i32
      %ne3A_1185 = arith.cmpi ne, %rem3A_1183, %ne3A_1184 : i32
      %lt3A_1186 = arith.constant 0 : i32
      %lt3A_1187 = arith.cmpi slt, %rem3A_1183, %lt3A_1186 : i32
      %lt3A_1188 = arith.constant 0 : i32
      %lt3A_1189 = arith.cmpi slt, %select_n3A_1182, %lt3A_1188 : i32
      %ne3A_1190 = arith.xori %lt3A_1187, %lt3A_1189 : i1
      %and3A_1191 = arith.andi %ne3A_1190, %ne3A_1185 : i1
      %add3A_1192 = arith.addi %rem3A_1183, %select_n3A_1182 : i32
      %select_n3A_1193 = arith.select %and3A_1191, %add3A_1192, %rem3A_1183 : i32
      %eq3A_1194 = vector.broadcast %select_n3A_1193 : i32 to vector<16xi32>
      %eq3A_1195 = arith.cmpi eq, %iota3A, %eq3A_1194 : vector<16xi32>
      %jit3A_1196 = arith.constant 0 : i32
      %broadcast_in_dim3A_1197 = vector.broadcast %jit3A_1196 : i32 to vector<16xi32>
      %select_n3A_1198 = arith.select %eq3A_1195, %get3A_1177, %broadcast_in_dim3A_1197 : vector<16xi1>, vector<16xi32>
      %reduce_sum3A_1199 = arith.constant true
      %reduce_sum3A_1200 = vector.broadcast %reduce_sum3A_1199 : i1 to vector<16xi1>
      %reduce_sum3A_1201 = tpu.scan <sum>, %select_n3A_1198 masked %reduce_sum3A_1200 : vector<16xi32>, vector<16xi1> -> vector<16xi32>
      %reduce_sum3A_1202 = vector.extract %reduce_sum3A_1201[15] : i32 from vector<16xi32>
      %shift_right_logical3A_1203 = arith.constant 7 : i32
      %shift_right_logical3A_1204 = arith.shrui %reduce_sum3A_1202, %shift_right_logical3A_1203 : i32
      %jit3A_1205 = arith.constant 16 : i32
      %div3A_1206 = arith.divsi %min3A_1149, %jit3A_1205 : i32
      %sign3A_1207 = arith.constant 0 : i32
      %sign3A_1208 = arith.cmpi sgt, %min3A_1149, %sign3A_1207 : i32
      %sign3A_1209 = arith.extui %sign3A_1208 : i1 to i32
      %sign3A_1210 = arith.constant 0 : i32
      %sign3A_1211 = arith.cmpi slt, %min3A_1149, %sign3A_1210 : i32
      %sign3A_1212 = arith.extui %sign3A_1211 : i1 to i32
      %sign3A_1213 = arith.subi %sign3A_1209, %sign3A_1212 : i32
      %sign3A_1214 = arith.constant 0 : i32
      %sign3A_1215 = arith.cmpi sgt, %jit3A_1205, %sign3A_1214 : i32
      %sign3A_1216 = arith.extui %sign3A_1215 : i1 to i32
      %sign3A_1217 = arith.constant 0 : i32
      %sign3A_1218 = arith.cmpi slt, %jit3A_1205, %sign3A_1217 : i32
      %sign3A_1219 = arith.extui %sign3A_1218 : i1 to i32
      %sign3A_1220 = arith.subi %sign3A_1216, %sign3A_1219 : i32
      %ne3A_1221 = arith.cmpi ne, %sign3A_1213, %sign3A_1220 : i32
      %rem3A_1222 = arith.remsi %min3A_1149, %jit3A_1205 : i32
      %ne3A_1223 = arith.constant 0 : i32
      %ne3A_1224 = arith.cmpi ne, %rem3A_1222, %ne3A_1223 : i32
      %and3A_1225 = arith.andi %ne3A_1221, %ne3A_1224 : i1
      %sub3A_1226 = arith.constant 1 : i32
      %sub3A_1227 = arith.subi %div3A_1206, %sub3A_1226 : i32
      %select_n3A_1228 = arith.select %and3A_1225, %sub3A_1227, %div3A_1206 : i32
      %mul3A_1229 = arith.constant 16 : i32
      %mul3A_1230 = arith.muli %select_n3A_1228, %mul3A_1229 : i32
      %get3A_1231 = arith.index_cast %mul3A_1230 : i32 to index
      %get3A_1232 = tpu.vector_load %arg8[%get3A_1231] {strides = array<i32>} : memref<512xi32, #tpu.memory_space<vmem>>, vector<16xi32>,
      %jit3A_1233 = arith.constant 16 : i32
      %eq3A_1234 = arith.constant 0 : i32
      %eq3A_1235 = arith.cmpi eq, %jit3A_1233, %eq3A_1234 : i32
      %jit3A_1236 = arith.constant 1 : i32
      %select_n3A_1237 = arith.select %eq3A_1235, %jit3A_1236, %jit3A_1233 : i32
      %rem3A_1238 = arith.remsi %min3A_1149, %select_n3A_1237 : i32
      %ne3A_1239 = arith.constant 0 : i32
      %ne3A_1240 = arith.cmpi ne, %rem3A_1238, %ne3A_1239 : i32
      %lt3A_1241 = arith.constant 0 : i32
      %lt3A_1242 = arith.cmpi slt, %rem3A_1238, %lt3A_1241 : i32
      %lt3A_1243 = arith.constant 0 : i32
      %lt3A_1244 = arith.cmpi slt, %select_n3A_1237, %lt3A_1243 : i32
      %ne3A_1245 = arith.xori %lt3A_1242, %lt3A_1244 : i1
      %and3A_1246 = arith.andi %ne3A_1245, %ne3A_1240 : i1
      %add3A_1247 = arith.addi %rem3A_1238, %select_n3A_1237 : i32
      %select_n3A_1248 = arith.select %and3A_1246, %add3A_1247, %rem3A_1238 : i32
      %eq3A_1249 = vector.broadcast %select_n3A_1248 : i32 to vector<16xi32>
      %eq3A_1250 = arith.cmpi eq, %iota3A, %eq3A_1249 : vector<16xi32>
      %jit3A_1251 = arith.constant 0 : i32
      %broadcast_in_dim3A_1252 = vector.broadcast %jit3A_1251 : i32 to vector<16xi32>
      %select_n3A_1253 = arith.select %eq3A_1250, %get3A_1232, %broadcast_in_dim3A_1252 : vector<16xi1>, vector<16xi32>
      %reduce_sum3A_1254 = arith.constant true
      %reduce_sum3A_1255 = vector.broadcast %reduce_sum3A_1254 : i1 to vector<16xi1>
      %reduce_sum3A_1256 = tpu.scan <sum>, %select_n3A_1253 masked %reduce_sum3A_1255 : vector<16xi32>, vector<16xi1> -> vector<16xi32>
      %reduce_sum3A_1257 = vector.extract %reduce_sum3A_1256[15] : i32 from vector<16xi32>
      %shift_right_logical3A_1258 = arith.constant 7 : i32
      %shift_right_logical3A_1259 = arith.shrui %reduce_sum3A_1257, %shift_right_logical3A_1258 : i32
      %mul3A_1260 = arith.constant 128 : i32
      %mul3A_1261 = arith.muli %shift_right_logical3A_1204, %mul3A_1260 : i32
      %multiple_of3A_1262 = tpu.assume_multiple %mul3A_1261, 128 : i32
      %dma_start3A_1263 = arith.constant 0 : i32
      %dma_start3A_1264 = tpu.memref_slice %arg4[%dma_start3A_1263, %multiple_of3A_1262] : memref<32x1000000xf32, #tpu.memory_space<hbm>> -> memref<32x128xf32, #tpu.memory_space<hbm>>
      %dma_start3A_1265 = arith.constant 0 : i32
      %dma_start3A_1266 = tpu.memref_slice %arg4[%dma_start3A_1265, %multiple_of3A_1262] : memref<32x1000000xf32, #tpu.memory_space<hbm>> -> memref<32x128xf32, #tpu.memory_space<hbm>>
      tpu.enqueue_dma source(%dma_start3A_1266 : memref<32x128xf32, #tpu.memory_space<hbm>>) target(%arg12 : memref<32x128xf32, #tpu.memory_space<vmem>>) target_semaphore(%arg31 : memref<!tpu.dma_semaphore, #tpu.memory_space<semaphore_mem>>)
      %mul3A_1267 = arith.constant 128 : i32
      %mul3A_1268 = arith.muli %shift_right_logical3A_1259, %mul3A_1267 : i32
      %multiple_of3A_1269 = tpu.assume_multiple %mul3A_1268, 128 : i32
      %dma_start3A_1270 = arith.constant 0 : i32
      %dma_start3A_1271 = tpu.memref_slice %arg5[%dma_start3A_1270, %multiple_of3A_1269] : memref<32x1000000xf32, #tpu.memory_space<hbm>> -> memref<32x128xf32, #tpu.memory_space<hbm>>
      %dma_start3A_1272 = arith.constant 0 : i32
      %dma_start3A_1273 = tpu.memref_slice %arg5[%dma_start3A_1272, %multiple_of3A_1269] : memref<32x1000000xf32, #tpu.memory_space<hbm>> -> memref<32x128xf32, #tpu.memory_space<hbm>>
      tpu.enqueue_dma source(%dma_start3A_1273 : memref<32x128xf32, #tpu.memory_space<hbm>>) target(%arg20 : memref<32x128xf32, #tpu.memory_space<vmem>>) target_semaphore(%arg39 : memref<!tpu.dma_semaphore, #tpu.memory_space<semaphore_mem>>)
      %exp3A_1274 = math.exp %gather3A_1141 : vector<16xf32>
      %exp3A_1275 = math.exp %gather3A_1145 : vector<16xf32>
      %neg3A_1276 = arith.constant 0.000000e+00 : f32
      %neg3A_1277 = vector.broadcast %neg3A_1276 : f32 to vector<16xf32>
      %neg3A_1278 = arith.subf %neg3A_1277, %gather3A_1136 : vector<16xf32>
      %exp3A_1279 = math.exp %neg3A_1278 : vector<16xf32>
      %add3A_1280 = arith.constant 1.000000e+00 : f32
      %add3A_1281 = vector.broadcast %add3A_1280 : f32 to vector<16xf32>
      %add3A_1282 = arith.addf %add3A_1281, %exp3A_1279 : vector<16xf32>
      %div3A_1283 = arith.constant 1.000000e+00 : f32
      %div3A_1284 = vector.broadcast %div3A_1283 : f32 to vector<16xf32>
      %div3A_1285 = arith.divf %div3A_1284, %add3A_1282 : vector<16xf32>
      %neg3A_1286 = arith.constant 0.000000e+00 : f32
      %neg3A_1287 = vector.broadcast %neg3A_1286 : f32 to vector<16xf32>
      %neg3A_1288 = arith.subf %neg3A_1287, %gather3A_1140 : vector<16xf32>
      %exp3A_1289 = math.exp %neg3A_1288 : vector<16xf32>
      %add3A_1290 = arith.constant 1.000000e+00 : f32
      %add3A_1291 = vector.broadcast %add3A_1290 : f32 to vector<16xf32>
      %add3A_1292 = arith.addf %add3A_1291, %exp3A_1289 : vector<16xf32>
      %div3A_1293 = arith.constant 1.000000e+00 : f32
      %div3A_1294 = vector.broadcast %div3A_1293 : f32 to vector<16xf32>
      %div3A_1295 = arith.divf %div3A_1294, %add3A_1292 : vector<16xf32>
      %mul3A_1296 = arith.mulf %exp3A_1274, %div3A_1285 : vector<16xf32>
      %mul3A_1297 = arith.mulf %exp3A_1275, %div3A_1295 : vector<16xf32>
      %add3A_1298 = arith.addf %mul3A_1296, %mul3A_1297 : vector<16xf32>
      %swap3A_1299 = arith.constant 48 : index
      %swap3A_1300 = tpu.vector_load %arg25[%swap3A_1299] {strides = array<i32>} : memref<256xf32, #tpu.memory_space<vmem>>, vector<16xf32>,
      tpu.vector_store %arg25[%swap3A_1299], %add3A_1298 {strides = array<i32>} : memref<256xf32, #tpu.memory_space<vmem>>, vector<16xf32>,
      %add3A_1301 = arith.addf %exp3A_1274, %exp3A_1275 : vector<16xf32>
      %swap3A_1302 = arith.constant 48 : index
      %swap3A_1303 = tpu.vector_load %arg26[%swap3A_1302] {strides = array<i32>} : memref<256xf32, #tpu.memory_space<vmem>>, vector<16xf32>,
      tpu.vector_store %arg26[%swap3A_1302], %add3A_1301 {strides = array<i32>} : memref<256xf32, #tpu.memory_space<vmem>>, vector<16xf32>,
      %mul3A_1304 = arith.constant 16 : i32
      %mul3A_1305 = arith.muli %scan3A_434, %mul3A_1304 : i32
      %add3A_1306 = arith.constant 4 : i32
      %add3A_1307 = arith.addi %mul3A_1305, %add3A_1306 : i32
      %dma_wait3A_1308 = arith.constant 0 : i32
      %dma_wait3A_1309 = arith.constant 0 : i32
      %dma_wait3A_1310 = tpu.memref_slice %arg4[%dma_wait3A_1308, %dma_wait3A_1309] : memref<32x1000000xf32, #tpu.memory_space<hbm>> -> memref<32x128xf32, #tpu.memory_space<hbm>>
      %dma_wait3A_1311 = arith.constant 0 : i32
      %dma_wait3A_1312 = arith.constant 0 : i32
      %dma_wait3A_1313 = tpu.memref_slice %arg4[%dma_wait3A_1311, %dma_wait3A_1312] : memref<32x1000000xf32, #tpu.memory_space<hbm>> -> memref<32x128xf32, #tpu.memory_space<hbm>>
      tpu.wait_dma2 semaphore(%arg32 : memref<!tpu.dma_semaphore, #tpu.memory_space<semaphore_mem>>) src(%dma_wait3A_1313 : memref<32x128xf32, #tpu.memory_space<hbm>>) dst(%arg13 : memref<32x128xf32, #tpu.memory_space<vmem>>)
      %dma_wait3A_1314 = arith.constant 0 : i32
      %dma_wait3A_1315 = arith.constant 0 : i32
      %dma_wait3A_1316 = tpu.memref_slice %arg5[%dma_wait3A_1314, %dma_wait3A_1315] : memref<32x1000000xf32, #tpu.memory_space<hbm>> -> memref<32x128xf32, #tpu.memory_space<hbm>>
      %dma_wait3A_1317 = arith.constant 0 : i32
      %dma_wait3A_1318 = arith.constant 0 : i32
      %dma_wait3A_1319 = tpu.memref_slice %arg5[%dma_wait3A_1317, %dma_wait3A_1318] : memref<32x1000000xf32, #tpu.memory_space<hbm>> -> memref<32x128xf32, #tpu.memory_space<hbm>>
      tpu.wait_dma2 semaphore(%arg40 : memref<!tpu.dma_semaphore, #tpu.memory_space<semaphore_mem>>) src(%dma_wait3A_1319 : memref<32x128xf32, #tpu.memory_space<hbm>>) dst(%arg21 : memref<32x128xf32, #tpu.memory_space<vmem>>)
      %mul3A_1320 = arith.constant 16 : i32
      %mul3A_1321 = arith.muli %scan3A_434, %mul3A_1320 : i32
      %get3A_1322 = arith.index_cast %mul3A_1321 : i32 to index
      %get3A_1323 = tpu.vector_load %arg7[%get3A_1322] {strides = array<i32>} : memref<512xi32, #tpu.memory_space<vmem>>, vector<16xi32>,
      %mul3A_1324 = arith.constant 16 : i32
      %mul3A_1325 = arith.muli %scan3A_434, %mul3A_1324 : i32
      %get3A_1326 = arith.index_cast %mul3A_1325 : i32 to index
      %get3A_1327 = tpu.vector_load %arg8[%get3A_1326] {strides = array<i32>} : memref<512xi32, #tpu.memory_space<vmem>>, vector<16xi32>,
      %broadcast_in_dim3A_1328 = arith.constant 4 : i32
      %broadcast_in_dim3A_1329 = vector.broadcast %broadcast_in_dim3A_1328 : i32 to vector<16xi32>
      %lt3A_1330 = arith.constant 0 : i32
      %lt3A_1331 = vector.broadcast %lt3A_1330 : i32 to vector<16xi32>
      %lt3A_1332 = arith.cmpi slt, %broadcast_in_dim3A_1329, %lt3A_1331 : vector<16xi32>
      %add3A_1333 = arith.constant 16 : i32
      %add3A_1334 = vector.broadcast %add3A_1333 : i32 to vector<16xi32>
      %add3A_1335 = arith.addi %broadcast_in_dim3A_1329, %add3A_1334 : vector<16xi32>
      %select_n3A_1336 = arith.select %lt3A_1332, %add3A_1335, %broadcast_in_dim3A_1329 : vector<16xi1>, vector<16xi32>
      %broadcast_in_dim3A_1337 = vector.shape_cast %select_n3A_1336 : vector<16xi32> to vector<16x1xi32>
      %gather3A_1338 = vector.shape_cast %broadcast_in_dim3A_1337 : vector<16x1xi32> to vector<16xi32>
      %gather3A_1339 = tpu.dynamic_gather %get3A_1323[%gather3A_1338] in [0] : vector<16xi32>, vector<16xi32> -> vector<16xi32>
      %and3A_1340 = arith.constant 127 : i32
      %and3A_1341 = vector.broadcast %and3A_1340 : i32 to vector<16xi32>
      %and3A_1342 = arith.andi %gather3A_1339, %and3A_1341 : vector<16xi32>
      %lt3A_1343 = arith.constant 0 : i32
      %lt3A_1344 = vector.broadcast %lt3A_1343 : i32 to vector<16xi32>
      %lt3A_1345 = arith.cmpi slt, %broadcast_in_dim3A_1329, %lt3A_1344 : vector<16xi32>
      %add3A_1346 = arith.constant 16 : i32
      %add3A_1347 = vector.broadcast %add3A_1346 : i32 to vector<16xi32>
      %add3A_1348 = arith.addi %broadcast_in_dim3A_1329, %add3A_1347 : vector<16xi32>
      %select_n3A_1349 = arith.select %lt3A_1345, %add3A_1348, %broadcast_in_dim3A_1329 : vector<16xi1>, vector<16xi32>
      %broadcast_in_dim3A_1350 = vector.shape_cast %select_n3A_1349 : vector<16xi32> to vector<16x1xi32>
      %gather3A_1351 = vector.shape_cast %broadcast_in_dim3A_1350 : vector<16x1xi32> to vector<16xi32>
      %gather3A_1352 = tpu.dynamic_gather %get3A_1327[%gather3A_1351] in [0] : vector<16xi32>, vector<16xi32> -> vector<16xi32>
      %and3A_1353 = arith.constant 127 : i32
      %and3A_1354 = vector.broadcast %and3A_1353 : i32 to vector<16xi32>
      %and3A_1355 = arith.andi %gather3A_1352, %and3A_1354 : vector<16xi32>
      %gather3A_1356 = tpu.vector_load_idx %arg13[%iota3A, %and3A_1342] : memref<32x128xf32, #tpu.memory_space<vmem>>[vector<16xi32>, vector<16xi32>], vector<16xf32>,
      %add3A_1357 = arith.constant 16 : i32
      %add3A_1358 = vector.broadcast %add3A_1357 : i32 to vector<16xi32>
      %add3A_1359 = arith.addi %iota3A, %add3A_1358 : vector<16xi32>
      %gather3A_1360 = tpu.vector_load_idx %arg13[%add3A_1359, %and3A_1342] : memref<32x128xf32, #tpu.memory_space<vmem>>[vector<16xi32>, vector<16xi32>], vector<16xf32>,
      %gather3A_1361 = tpu.vector_load_idx %arg21[%iota3A, %and3A_1355] : memref<32x128xf32, #tpu.memory_space<vmem>>[vector<16xi32>, vector<16xi32>], vector<16xf32>,
      %add3A_1362 = arith.constant 16 : i32
      %add3A_1363 = vector.broadcast %add3A_1362 : i32 to vector<16xi32>
      %add3A_1364 = arith.addi %iota3A, %add3A_1363 : vector<16xi32>
      %gather3A_1365 = tpu.vector_load_idx %arg21[%add3A_1364, %and3A_1355] : memref<32x128xf32, #tpu.memory_space<vmem>>[vector<16xi32>, vector<16xi32>], vector<16xf32>,
      %add3A_1366 = arith.constant 8 : i32
      %add3A_1367 = arith.addi %add3A_1307, %add3A_1366 : i32
      %min3A_1368 = arith.constant 511 : i32
      %min3A_1369 = arith.minsi %add3A_1367, %min3A_1368 : i32
      %jit3A_1370 = arith.constant 16 : i32
      %div3A_1371 = arith.divsi %min3A_1369, %jit3A_1370 : i32
      %sign3A_1372 = arith.constant 0 : i32
      %sign3A_1373 = arith.cmpi sgt, %min3A_1369, %sign3A_1372 : i32
      %sign3A_1374 = arith.extui %sign3A_1373 : i1 to i32
      %sign3A_1375 = arith.constant 0 : i32
      %sign3A_1376 = arith.cmpi slt, %min3A_1369, %sign3A_1375 : i32
      %sign3A_1377 = arith.extui %sign3A_1376 : i1 to i32
      %sign3A_1378 = arith.subi %sign3A_1374, %sign3A_1377 : i32
      %sign3A_1379 = arith.constant 0 : i32
      %sign3A_1380 = arith.cmpi sgt, %jit3A_1370, %sign3A_1379 : i32
      %sign3A_1381 = arith.extui %sign3A_1380 : i1 to i32
      %sign3A_1382 = arith.constant 0 : i32
      %sign3A_1383 = arith.cmpi slt, %jit3A_1370, %sign3A_1382 : i32
      %sign3A_1384 = arith.extui %sign3A_1383 : i1 to i32
      %sign3A_1385 = arith.subi %sign3A_1381, %sign3A_1384 : i32
      %ne3A_1386 = arith.cmpi ne, %sign3A_1378, %sign3A_1385 : i32
      %rem3A_1387 = arith.remsi %min3A_1369, %jit3A_1370 : i32
      %ne3A_1388 = arith.constant 0 : i32
      %ne3A_1389 = arith.cmpi ne, %rem3A_1387, %ne3A_1388 : i32
      %and3A_1390 = arith.andi %ne3A_1386, %ne3A_1389 : i1
      %sub3A_1391 = arith.constant 1 : i32
      %sub3A_1392 = arith.subi %div3A_1371, %sub3A_1391 : i32
      %select_n3A_1393 = arith.select %and3A_1390, %sub3A_1392, %div3A_1371 : i32
      %mul3A_1394 = arith.constant 16 : i32
      %mul3A_1395 = arith.muli %select_n3A_1393, %mul3A_1394 : i32
      %get3A_1396 = arith.index_cast %mul3A_1395 : i32 to index
      %get3A_1397 = tpu.vector_load %arg7[%get3A_1396] {strides = array<i32>} : memref<512xi32, #tpu.memory_space<vmem>>, vector<16xi32>,
      %jit3A_1398 = arith.constant 16 : i32
      %eq3A_1399 = arith.constant 0 : i32
      %eq3A_1400 = arith.cmpi eq, %jit3A_1398, %eq3A_1399 : i32
      %jit3A_1401 = arith.constant 1 : i32
      %select_n3A_1402 = arith.select %eq3A_1400, %jit3A_1401, %jit3A_1398 : i32
      %rem3A_1403 = arith.remsi %min3A_1369, %select_n3A_1402 : i32
      %ne3A_1404 = arith.constant 0 : i32
      %ne3A_1405 = arith.cmpi ne, %rem3A_1403, %ne3A_1404 : i32
      %lt3A_1406 = arith.constant 0 : i32
      %lt3A_1407 = arith.cmpi slt, %rem3A_1403, %lt3A_1406 : i32
      %lt3A_1408 = arith.constant 0 : i32
      %lt3A_1409 = arith.cmpi slt, %select_n3A_1402, %lt3A_1408 : i32
      %ne3A_1410 = arith.xori %lt3A_1407, %lt3A_1409 : i1
      %and3A_1411 = arith.andi %ne3A_1410, %ne3A_1405 : i1
      %add3A_1412 = arith.addi %rem3A_1403, %select_n3A_1402 : i32
      %select_n3A_1413 = arith.select %and3A_1411, %add3A_1412, %rem3A_1403 : i32
      %eq3A_1414 = vector.broadcast %select_n3A_1413 : i32 to vector<16xi32>
      %eq3A_1415 = arith.cmpi eq, %iota3A, %eq3A_1414 : vector<16xi32>
      %jit3A_1416 = arith.constant 0 : i32
      %broadcast_in_dim3A_1417 = vector.broadcast %jit3A_1416 : i32 to vector<16xi32>
      %select_n3A_1418 = arith.select %eq3A_1415, %get3A_1397, %broadcast_in_dim3A_1417 : vector<16xi1>, vector<16xi32>
      %reduce_sum3A_1419 = arith.constant true
      %reduce_sum3A_1420 = vector.broadcast %reduce_sum3A_1419 : i1 to vector<16xi1>
      %reduce_sum3A_1421 = tpu.scan <sum>, %select_n3A_1418 masked %reduce_sum3A_1420 : vector<16xi32>, vector<16xi1> -> vector<16xi32>
      %reduce_sum3A_1422 = vector.extract %reduce_sum3A_1421[15] : i32 from vector<16xi32>
      %shift_right_logical3A_1423 = arith.constant 7 : i32
      %shift_right_logical3A_1424 = arith.shrui %reduce_sum3A_1422, %shift_right_logical3A_1423 : i32
      %jit3A_1425 = arith.constant 16 : i32
      %div3A_1426 = arith.divsi %min3A_1369, %jit3A_1425 : i32
      %sign3A_1427 = arith.constant 0 : i32
      %sign3A_1428 = arith.cmpi sgt, %min3A_1369, %sign3A_1427 : i32
      %sign3A_1429 = arith.extui %sign3A_1428 : i1 to i32
      %sign3A_1430 = arith.constant 0 : i32
      %sign3A_1431 = arith.cmpi slt, %min3A_1369, %sign3A_1430 : i32
      %sign3A_1432 = arith.extui %sign3A_1431 : i1 to i32
      %sign3A_1433 = arith.subi %sign3A_1429, %sign3A_1432 : i32
      %sign3A_1434 = arith.constant 0 : i32
      %sign3A_1435 = arith.cmpi sgt, %jit3A_1425, %sign3A_1434 : i32
      %sign3A_1436 = arith.extui %sign3A_1435 : i1 to i32
      %sign3A_1437 = arith.constant 0 : i32
      %sign3A_1438 = arith.cmpi slt, %jit3A_1425, %sign3A_1437 : i32
      %sign3A_1439 = arith.extui %sign3A_1438 : i1 to i32
      %sign3A_1440 = arith.subi %sign3A_1436, %sign3A_1439 : i32
      %ne3A_1441 = arith.cmpi ne, %sign3A_1433, %sign3A_1440 : i32
      %rem3A_1442 = arith.remsi %min3A_1369, %jit3A_1425 : i32
      %ne3A_1443 = arith.constant 0 : i32
      %ne3A_1444 = arith.cmpi ne, %rem3A_1442, %ne3A_1443 : i32
      %and3A_1445 = arith.andi %ne3A_1441, %ne3A_1444 : i1
      %sub3A_1446 = arith.constant 1 : i32
      %sub3A_1447 = arith.subi %div3A_1426, %sub3A_1446 : i32
      %select_n3A_1448 = arith.select %and3A_1445, %sub3A_1447, %div3A_1426 : i32
      %mul3A_1449 = arith.constant 16 : i32
      %mul3A_1450 = arith.muli %select_n3A_1448, %mul3A_1449 : i32
      %get3A_1451 = arith.index_cast %mul3A_1450 : i32 to index
      %get3A_1452 = tpu.vector_load %arg8[%get3A_1451] {strides = array<i32>} : memref<512xi32, #tpu.memory_space<vmem>>, vector<16xi32>,
      %jit3A_1453 = arith.constant 16 : i32
      %eq3A_1454 = arith.constant 0 : i32
      %eq3A_1455 = arith.cmpi eq, %jit3A_1453, %eq3A_1454 : i32
      %jit3A_1456 = arith.constant 1 : i32
      %select_n3A_1457 = arith.select %eq3A_1455, %jit3A_1456, %jit3A_1453 : i32
      %rem3A_1458 = arith.remsi %min3A_1369, %select_n3A_1457 : i32
      %ne3A_1459 = arith.constant 0 : i32
      %ne3A_1460 = arith.cmpi ne, %rem3A_1458, %ne3A_1459 : i32
      %lt3A_1461 = arith.constant 0 : i32
      %lt3A_1462 = arith.cmpi slt, %rem3A_1458, %lt3A_1461 : i32
      %lt3A_1463 = arith.constant 0 : i32
      %lt3A_1464 = arith.cmpi slt, %select_n3A_1457, %lt3A_1463 : i32
      %ne3A_1465 = arith.xori %lt3A_1462, %lt3A_1464 : i1
      %and3A_1466 = arith.andi %ne3A_1465, %ne3A_1460 : i1
      %add3A_1467 = arith.addi %rem3A_1458, %select_n3A_1457 : i32
      %select_n3A_1468 = arith.select %and3A_1466, %add3A_1467, %rem3A_1458 : i32
      %eq3A_1469 = vector.broadcast %select_n3A_1468 : i32 to vector<16xi32>
      %eq3A_1470 = arith.cmpi eq, %iota3A, %eq3A_1469 : vector<16xi32>
      %jit3A_1471 = arith.constant 0 : i32
      %broadcast_in_dim3A_1472 = vector.broadcast %jit3A_1471 : i32 to vector<16xi32>
      %select_n3A_1473 = arith.select %eq3A_1470, %get3A_1452, %broadcast_in_dim3A_1472 : vector<16xi1>, vector<16xi32>
      %reduce_sum3A_1474 = arith.constant true
      %reduce_sum3A_1475 = vector.broadcast %reduce_sum3A_1474 : i1 to vector<16xi1>
      %reduce_sum3A_1476 = tpu.scan <sum>, %select_n3A_1473 masked %reduce_sum3A_1475 : vector<16xi32>, vector<16xi1> -> vector<16xi32>
      %reduce_sum3A_1477 = vector.extract %reduce_sum3A_1476[15] : i32 from vector<16xi32>
      %shift_right_logical3A_1478 = arith.constant 7 : i32
      %shift_right_logical3A_1479 = arith.shrui %reduce_sum3A_1477, %shift_right_logical3A_1478 : i32
      %mul3A_1480 = arith.constant 128 : i32
      %mul3A_1481 = arith.muli %shift_right_logical3A_1424, %mul3A_1480 : i32
      %multiple_of3A_1482 = tpu.assume_multiple %mul3A_1481, 128 : i32
      %dma_start3A_1483 = arith.constant 0 : i32
      %dma_start3A_1484 = tpu.memref_slice %arg4[%dma_start3A_1483, %multiple_of3A_1482] : memref<32x1000000xf32, #tpu.memory_space<hbm>> -> memref<32x128xf32, #tpu.memory_space<hbm>>
      %dma_start3A_1485 = arith.constant 0 : i32
      %dma_start3A_1486 = tpu.memref_slice %arg4[%dma_start3A_1485, %multiple_of3A_1482] : memref<32x1000000xf32, #tpu.memory_space<hbm>> -> memref<32x128xf32, #tpu.memory_space<hbm>>
      tpu.enqueue_dma source(%dma_start3A_1486 : memref<32x128xf32, #tpu.memory_space<hbm>>) target(%arg13 : memref<32x128xf32, #tpu.memory_space<vmem>>) target_semaphore(%arg32 : memref<!tpu.dma_semaphore, #tpu.memory_space<semaphore_mem>>)
      %mul3A_1487 = arith.constant 128 : i32
      %mul3A_1488 = arith.muli %shift_right_logical3A_1479, %mul3A_1487 : i32
      %multiple_of3A_1489 = tpu.assume_multiple %mul3A_1488, 128 : i32
      %dma_start3A_1490 = arith.constant 0 : i32
      %dma_start3A_1491 = tpu.memref_slice %arg5[%dma_start3A_1490, %multiple_of3A_1489] : memref<32x1000000xf32, #tpu.memory_space<hbm>> -> memref<32x128xf32, #tpu.memory_space<hbm>>
      %dma_start3A_1492 = arith.constant 0 : i32
      %dma_start3A_1493 = tpu.memref_slice %arg5[%dma_start3A_1492, %multiple_of3A_1489] : memref<32x1000000xf32, #tpu.memory_space<hbm>> -> memref<32x128xf32, #tpu.memory_space<hbm>>
      tpu.enqueue_dma source(%dma_start3A_1493 : memref<32x128xf32, #tpu.memory_space<hbm>>) target(%arg21 : memref<32x128xf32, #tpu.memory_space<vmem>>) target_semaphore(%arg40 : memref<!tpu.dma_semaphore, #tpu.memory_space<semaphore_mem>>)
      %exp3A_1494 = math.exp %gather3A_1361 : vector<16xf32>
      %exp3A_1495 = math.exp %gather3A_1365 : vector<16xf32>
      %neg3A_1496 = arith.constant 0.000000e+00 : f32
      %neg3A_1497 = vector.broadcast %neg3A_1496 : f32 to vector<16xf32>
      %neg3A_1498 = arith.subf %neg3A_1497, %gather3A_1356 : vector<16xf32>
      %exp3A_1499 = math.exp %neg3A_1498 : vector<16xf32>
      %add3A_1500 = arith.constant 1.000000e+00 : f32
      %add3A_1501 = vector.broadcast %add3A_1500 : f32 to vector<16xf32>
      %add3A_1502 = arith.addf %add3A_1501, %exp3A_1499 : vector<16xf32>
      %div3A_1503 = arith.constant 1.000000e+00 : f32
      %div3A_1504 = vector.broadcast %div3A_1503 : f32 to vector<16xf32>
      %div3A_1505 = arith.divf %div3A_1504, %add3A_1502 : vector<16xf32>
      %neg3A_1506 = arith.constant 0.000000e+00 : f32
      %neg3A_1507 = vector.broadcast %neg3A_1506 : f32 to vector<16xf32>
      %neg3A_1508 = arith.subf %neg3A_1507, %gather3A_1360 : vector<16xf32>
      %exp3A_1509 = math.exp %neg3A_1508 : vector<16xf32>
      %add3A_1510 = arith.constant 1.000000e+00 : f32
      %add3A_1511 = vector.broadcast %add3A_1510 : f32 to vector<16xf32>
      %add3A_1512 = arith.addf %add3A_1511, %exp3A_1509 : vector<16xf32>
      %div3A_1513 = arith.constant 1.000000e+00 : f32
      %div3A_1514 = vector.broadcast %div3A_1513 : f32 to vector<16xf32>
      %div3A_1515 = arith.divf %div3A_1514, %add3A_1512 : vector<16xf32>
      %mul3A_1516 = arith.mulf %exp3A_1494, %div3A_1505 : vector<16xf32>
      %mul3A_1517 = arith.mulf %exp3A_1495, %div3A_1515 : vector<16xf32>
      %add3A_1518 = arith.addf %mul3A_1516, %mul3A_1517 : vector<16xf32>
      %swap3A_1519 = arith.constant 64 : index
      %swap3A_1520 = tpu.vector_load %arg25[%swap3A_1519] {strides = array<i32>} : memref<256xf32, #tpu.memory_space<vmem>>, vector<16xf32>,
      tpu.vector_store %arg25[%swap3A_1519], %add3A_1518 {strides = array<i32>} : memref<256xf32, #tpu.memory_space<vmem>>, vector<16xf32>,
      %add3A_1521 = arith.addf %exp3A_1494, %exp3A_1495 : vector<16xf32>
      %swap3A_1522 = arith.constant 64 : index
      %swap3A_1523 = tpu.vector_load %arg26[%swap3A_1522] {strides = array<i32>} : memref<256xf32, #tpu.memory_space<vmem>>, vector<16xf32>,
      tpu.vector_store %arg26[%swap3A_1522], %add3A_1521 {strides = array<i32>} : memref<256xf32, #tpu.memory_space<vmem>>, vector<16xf32>,
      %mul3A_1524 = arith.constant 16 : i32
      %mul3A_1525 = arith.muli %scan3A_434, %mul3A_1524 : i32
      %add3A_1526 = arith.constant 5 : i32
      %add3A_1527 = arith.addi %mul3A_1525, %add3A_1526 : i32
      %dma_wait3A_1528 = arith.constant 0 : i32
      %dma_wait3A_1529 = arith.constant 0 : i32
      %dma_wait3A_1530 = tpu.memref_slice %arg4[%dma_wait3A_1528, %dma_wait3A_1529] : memref<32x1000000xf32, #tpu.memory_space<hbm>> -> memref<32x128xf32, #tpu.memory_space<hbm>>
      %dma_wait3A_1531 = arith.constant 0 : i32
      %dma_wait3A_1532 = arith.constant 0 : i32
      %dma_wait3A_1533 = tpu.memref_slice %arg4[%dma_wait3A_1531, %dma_wait3A_1532] : memref<32x1000000xf32, #tpu.memory_space<hbm>> -> memref<32x128xf32, #tpu.memory_space<hbm>>
      tpu.wait_dma2 semaphore(%arg33 : memref<!tpu.dma_semaphore, #tpu.memory_space<semaphore_mem>>) src(%dma_wait3A_1533 : memref<32x128xf32, #tpu.memory_space<hbm>>) dst(%arg14 : memref<32x128xf32, #tpu.memory_space<vmem>>)
      %dma_wait3A_1534 = arith.constant 0 : i32
      %dma_wait3A_1535 = arith.constant 0 : i32
      %dma_wait3A_1536 = tpu.memref_slice %arg5[%dma_wait3A_1534, %dma_wait3A_1535] : memref<32x1000000xf32, #tpu.memory_space<hbm>> -> memref<32x128xf32, #tpu.memory_space<hbm>>
      %dma_wait3A_1537 = arith.constant 0 : i32
      %dma_wait3A_1538 = arith.constant 0 : i32
      %dma_wait3A_1539 = tpu.memref_slice %arg5[%dma_wait3A_1537, %dma_wait3A_1538] : memref<32x1000000xf32, #tpu.memory_space<hbm>> -> memref<32x128xf32, #tpu.memory_space<hbm>>
      tpu.wait_dma2 semaphore(%arg41 : memref<!tpu.dma_semaphore, #tpu.memory_space<semaphore_mem>>) src(%dma_wait3A_1539 : memref<32x128xf32, #tpu.memory_space<hbm>>) dst(%arg22 : memref<32x128xf32, #tpu.memory_space<vmem>>)
      %mul3A_1540 = arith.constant 16 : i32
      %mul3A_1541 = arith.muli %scan3A_434, %mul3A_1540 : i32
      %get3A_1542 = arith.index_cast %mul3A_1541 : i32 to index
      %get3A_1543 = tpu.vector_load %arg7[%get3A_1542] {strides = array<i32>} : memref<512xi32, #tpu.memory_space<vmem>>, vector<16xi32>,
      %mul3A_1544 = arith.constant 16 : i32
      %mul3A_1545 = arith.muli %scan3A_434, %mul3A_1544 : i32
      %get3A_1546 = arith.index_cast %mul3A_1545 : i32 to index
      %get3A_1547 = tpu.vector_load %arg8[%get3A_1546] {strides = array<i32>} : memref<512xi32, #tpu.memory_space<vmem>>, vector<16xi32>,
      %broadcast_in_dim3A_1548 = arith.constant 5 : i32
      %broadcast_in_dim3A_1549 = vector.broadcast %broadcast_in_dim3A_1548 : i32 to vector<16xi32>
      %lt3A_1550 = arith.constant 0 : i32
      %lt3A_1551 = vector.broadcast %lt3A_1550 : i32 to vector<16xi32>
      %lt3A_1552 = arith.cmpi slt, %broadcast_in_dim3A_1549, %lt3A_1551 : vector<16xi32>
      %add3A_1553 = arith.constant 16 : i32
      %add3A_1554 = vector.broadcast %add3A_1553 : i32 to vector<16xi32>
      %add3A_1555 = arith.addi %broadcast_in_dim3A_1549, %add3A_1554 : vector<16xi32>
      %select_n3A_1556 = arith.select %lt3A_1552, %add3A_1555, %broadcast_in_dim3A_1549 : vector<16xi1>, vector<16xi32>
      %broadcast_in_dim3A_1557 = vector.shape_cast %select_n3A_1556 : vector<16xi32> to vector<16x1xi32>
      %gather3A_1558 = vector.shape_cast %broadcast_in_dim3A_1557 : vector<16x1xi32> to vector<16xi32>
      %gather3A_1559 = tpu.dynamic_gather %get3A_1543[%gather3A_1558] in [0] : vector<16xi32>, vector<16xi32> -> vector<16xi32>
      %and3A_1560 = arith.constant 127 : i32
      %and3A_1561 = vector.broadcast %and3A_1560 : i32 to vector<16xi32>
      %and3A_1562 = arith.andi %gather3A_1559, %and3A_1561 : vector<16xi32>
      %lt3A_1563 = arith.constant 0 : i32
      %lt3A_1564 = vector.broadcast %lt3A_1563 : i32 to vector<16xi32>
      %lt3A_1565 = arith.cmpi slt, %broadcast_in_dim3A_1549, %lt3A_1564 : vector<16xi32>
      %add3A_1566 = arith.constant 16 : i32
      %add3A_1567 = vector.broadcast %add3A_1566 : i32 to vector<16xi32>
      %add3A_1568 = arith.addi %broadcast_in_dim3A_1549, %add3A_1567 : vector<16xi32>
      %select_n3A_1569 = arith.select %lt3A_1565, %add3A_1568, %broadcast_in_dim3A_1549 : vector<16xi1>, vector<16xi32>
      %broadcast_in_dim3A_1570 = vector.shape_cast %select_n3A_1569 : vector<16xi32> to vector<16x1xi32>
      %gather3A_1571 = vector.shape_cast %broadcast_in_dim3A_1570 : vector<16x1xi32> to vector<16xi32>
      %gather3A_1572 = tpu.dynamic_gather %get3A_1547[%gather3A_1571] in [0] : vector<16xi32>, vector<16xi32> -> vector<16xi32>
      %and3A_1573 = arith.constant 127 : i32
      %and3A_1574 = vector.broadcast %and3A_1573 : i32 to vector<16xi32>
      %and3A_1575 = arith.andi %gather3A_1572, %and3A_1574 : vector<16xi32>
      %gather3A_1576 = tpu.vector_load_idx %arg14[%iota3A, %and3A_1562] : memref<32x128xf32, #tpu.memory_space<vmem>>[vector<16xi32>, vector<16xi32>], vector<16xf32>,
      %add3A_1577 = arith.constant 16 : i32
      %add3A_1578 = vector.broadcast %add3A_1577 : i32 to vector<16xi32>
      %add3A_1579 = arith.addi %iota3A, %add3A_1578 : vector<16xi32>
      %gather3A_1580 = tpu.vector_load_idx %arg14[%add3A_1579, %and3A_1562] : memref<32x128xf32, #tpu.memory_space<vmem>>[vector<16xi32>, vector<16xi32>], vector<16xf32>,
      %gather3A_1581 = tpu.vector_load_idx %arg22[%iota3A, %and3A_1575] : memref<32x128xf32, #tpu.memory_space<vmem>>[vector<16xi32>, vector<16xi32>], vector<16xf32>,
      %add3A_1582 = arith.constant 16 : i32
      %add3A_1583 = vector.broadcast %add3A_1582 : i32 to vector<16xi32>
      %add3A_1584 = arith.addi %iota3A, %add3A_1583 : vector<16xi32>
      %gather3A_1585 = tpu.vector_load_idx %arg22[%add3A_1584, %and3A_1575] : memref<32x128xf32, #tpu.memory_space<vmem>>[vector<16xi32>, vector<16xi32>], vector<16xf32>,
      %add3A_1586 = arith.constant 8 : i32
      %add3A_1587 = arith.addi %add3A_1527, %add3A_1586 : i32
      %min3A_1588 = arith.constant 511 : i32
      %min3A_1589 = arith.minsi %add3A_1587, %min3A_1588 : i32
      %jit3A_1590 = arith.constant 16 : i32
      %div3A_1591 = arith.divsi %min3A_1589, %jit3A_1590 : i32
      %sign3A_1592 = arith.constant 0 : i32
      %sign3A_1593 = arith.cmpi sgt, %min3A_1589, %sign3A_1592 : i32
      %sign3A_1594 = arith.extui %sign3A_1593 : i1 to i32
      %sign3A_1595 = arith.constant 0 : i32
      %sign3A_1596 = arith.cmpi slt, %min3A_1589, %sign3A_1595 : i32
      %sign3A_1597 = arith.extui %sign3A_1596 : i1 to i32
      %sign3A_1598 = arith.subi %sign3A_1594, %sign3A_1597 : i32
      %sign3A_1599 = arith.constant 0 : i32
      %sign3A_1600 = arith.cmpi sgt, %jit3A_1590, %sign3A_1599 : i32
      %sign3A_1601 = arith.extui %sign3A_1600 : i1 to i32
      %sign3A_1602 = arith.constant 0 : i32
      %sign3A_1603 = arith.cmpi slt, %jit3A_1590, %sign3A_1602 : i32
      %sign3A_1604 = arith.extui %sign3A_1603 : i1 to i32
      %sign3A_1605 = arith.subi %sign3A_1601, %sign3A_1604 : i32
      %ne3A_1606 = arith.cmpi ne, %sign3A_1598, %sign3A_1605 : i32
      %rem3A_1607 = arith.remsi %min3A_1589, %jit3A_1590 : i32
      %ne3A_1608 = arith.constant 0 : i32
      %ne3A_1609 = arith.cmpi ne, %rem3A_1607, %ne3A_1608 : i32
      %and3A_1610 = arith.andi %ne3A_1606, %ne3A_1609 : i1
      %sub3A_1611 = arith.constant 1 : i32
      %sub3A_1612 = arith.subi %div3A_1591, %sub3A_1611 : i32
      %select_n3A_1613 = arith.select %and3A_1610, %sub3A_1612, %div3A_1591 : i32
      %mul3A_1614 = arith.constant 16 : i32
      %mul3A_1615 = arith.muli %select_n3A_1613, %mul3A_1614 : i32
      %get3A_1616 = arith.index_cast %mul3A_1615 : i32 to index
      %get3A_1617 = tpu.vector_load %arg7[%get3A_1616] {strides = array<i32>} : memref<512xi32, #tpu.memory_space<vmem>>, vector<16xi32>,
      %jit3A_1618 = arith.constant 16 : i32
      %eq3A_1619 = arith.constant 0 : i32
      %eq3A_1620 = arith.cmpi eq, %jit3A_1618, %eq3A_1619 : i32
      %jit3A_1621 = arith.constant 1 : i32
      %select_n3A_1622 = arith.select %eq3A_1620, %jit3A_1621, %jit3A_1618 : i32
      %rem3A_1623 = arith.remsi %min3A_1589, %select_n3A_1622 : i32
      %ne3A_1624 = arith.constant 0 : i32
      %ne3A_1625 = arith.cmpi ne, %rem3A_1623, %ne3A_1624 : i32
      %lt3A_1626 = arith.constant 0 : i32
      %lt3A_1627 = arith.cmpi slt, %rem3A_1623, %lt3A_1626 : i32
      %lt3A_1628 = arith.constant 0 : i32
      %lt3A_1629 = arith.cmpi slt, %select_n3A_1622, %lt3A_1628 : i32
      %ne3A_1630 = arith.xori %lt3A_1627, %lt3A_1629 : i1
      %and3A_1631 = arith.andi %ne3A_1630, %ne3A_1625 : i1
      %add3A_1632 = arith.addi %rem3A_1623, %select_n3A_1622 : i32
      %select_n3A_1633 = arith.select %and3A_1631, %add3A_1632, %rem3A_1623 : i32
      %eq3A_1634 = vector.broadcast %select_n3A_1633 : i32 to vector<16xi32>
      %eq3A_1635 = arith.cmpi eq, %iota3A, %eq3A_1634 : vector<16xi32>
      %jit3A_1636 = arith.constant 0 : i32
      %broadcast_in_dim3A_1637 = vector.broadcast %jit3A_1636 : i32 to vector<16xi32>
      %select_n3A_1638 = arith.select %eq3A_1635, %get3A_1617, %broadcast_in_dim3A_1637 : vector<16xi1>, vector<16xi32>
      %reduce_sum3A_1639 = arith.constant true
      %reduce_sum3A_1640 = vector.broadcast %reduce_sum3A_1639 : i1 to vector<16xi1>
      %reduce_sum3A_1641 = tpu.scan <sum>, %select_n3A_1638 masked %reduce_sum3A_1640 : vector<16xi32>, vector<16xi1> -> vector<16xi32>
      %reduce_sum3A_1642 = vector.extract %reduce_sum3A_1641[15] : i32 from vector<16xi32>
      %shift_right_logical3A_1643 = arith.constant 7 : i32
      %shift_right_logical3A_1644 = arith.shrui %reduce_sum3A_1642, %shift_right_logical3A_1643 : i32
      %jit3A_1645 = arith.constant 16 : i32
      %div3A_1646 = arith.divsi %min3A_1589, %jit3A_1645 : i32
      %sign3A_1647 = arith.constant 0 : i32
      %sign3A_1648 = arith.cmpi sgt, %min3A_1589, %sign3A_1647 : i32
      %sign3A_1649 = arith.extui %sign3A_1648 : i1 to i32
      %sign3A_1650 = arith.constant 0 : i32
      %sign3A_1651 = arith.cmpi slt, %min3A_1589, %sign3A_1650 : i32
      %sign3A_1652 = arith.extui %sign3A_1651 : i1 to i32
      %sign3A_1653 = arith.subi %sign3A_1649, %sign3A_1652 : i32
      %sign3A_1654 = arith.constant 0 : i32
      %sign3A_1655 = arith.cmpi sgt, %jit3A_1645, %sign3A_1654 : i32
      %sign3A_1656 = arith.extui %sign3A_1655 : i1 to i32
      %sign3A_1657 = arith.constant 0 : i32
      %sign3A_1658 = arith.cmpi slt, %jit3A_1645, %sign3A_1657 : i32
      %sign3A_1659 = arith.extui %sign3A_1658 : i1 to i32
      %sign3A_1660 = arith.subi %sign3A_1656, %sign3A_1659 : i32
      %ne3A_1661 = arith.cmpi ne, %sign3A_1653, %sign3A_1660 : i32
      %rem3A_1662 = arith.remsi %min3A_1589, %jit3A_1645 : i32
      %ne3A_1663 = arith.constant 0 : i32
      %ne3A_1664 = arith.cmpi ne, %rem3A_1662, %ne3A_1663 : i32
      %and3A_1665 = arith.andi %ne3A_1661, %ne3A_1664 : i1
      %sub3A_1666 = arith.constant 1 : i32
      %sub3A_1667 = arith.subi %div3A_1646, %sub3A_1666 : i32
      %select_n3A_1668 = arith.select %and3A_1665, %sub3A_1667, %div3A_1646 : i32
      %mul3A_1669 = arith.constant 16 : i32
      %mul3A_1670 = arith.muli %select_n3A_1668, %mul3A_1669 : i32
      %get3A_1671 = arith.index_cast %mul3A_1670 : i32 to index
      %get3A_1672 = tpu.vector_load %arg8[%get3A_1671] {strides = array<i32>} : memref<512xi32, #tpu.memory_space<vmem>>, vector<16xi32>,
      %jit3A_1673 = arith.constant 16 : i32
      %eq3A_1674 = arith.constant 0 : i32
      %eq3A_1675 = arith.cmpi eq, %jit3A_1673, %eq3A_1674 : i32
      %jit3A_1676 = arith.constant 1 : i32
      %select_n3A_1677 = arith.select %eq3A_1675, %jit3A_1676, %jit3A_1673 : i32
      %rem3A_1678 = arith.remsi %min3A_1589, %select_n3A_1677 : i32
      %ne3A_1679 = arith.constant 0 : i32
      %ne3A_1680 = arith.cmpi ne, %rem3A_1678, %ne3A_1679 : i32
      %lt3A_1681 = arith.constant 0 : i32
      %lt3A_1682 = arith.cmpi slt, %rem3A_1678, %lt3A_1681 : i32
      %lt3A_1683 = arith.constant 0 : i32
      %lt3A_1684 = arith.cmpi slt, %select_n3A_1677, %lt3A_1683 : i32
      %ne3A_1685 = arith.xori %lt3A_1682, %lt3A_1684 : i1
      %and3A_1686 = arith.andi %ne3A_1685, %ne3A_1680 : i1
      %add3A_1687 = arith.addi %rem3A_1678, %select_n3A_1677 : i32
      %select_n3A_1688 = arith.select %and3A_1686, %add3A_1687, %rem3A_1678 : i32
      %eq3A_1689 = vector.broadcast %select_n3A_1688 : i32 to vector<16xi32>
      %eq3A_1690 = arith.cmpi eq, %iota3A, %eq3A_1689 : vector<16xi32>
      %jit3A_1691 = arith.constant 0 : i32
      %broadcast_in_dim3A_1692 = vector.broadcast %jit3A_1691 : i32 to vector<16xi32>
      %select_n3A_1693 = arith.select %eq3A_1690, %get3A_1672, %broadcast_in_dim3A_1692 : vector<16xi1>, vector<16xi32>
      %reduce_sum3A_1694 = arith.constant true
      %reduce_sum3A_1695 = vector.broadcast %reduce_sum3A_1694 : i1 to vector<16xi1>
      %reduce_sum3A_1696 = tpu.scan <sum>, %select_n3A_1693 masked %reduce_sum3A_1695 : vector<16xi32>, vector<16xi1> -> vector<16xi32>
      %reduce_sum3A_1697 = vector.extract %reduce_sum3A_1696[15] : i32 from vector<16xi32>
      %shift_right_logical3A_1698 = arith.constant 7 : i32
      %shift_right_logical3A_1699 = arith.shrui %reduce_sum3A_1697, %shift_right_logical3A_1698 : i32
      %mul3A_1700 = arith.constant 128 : i32
      %mul3A_1701 = arith.muli %shift_right_logical3A_1644, %mul3A_1700 : i32
      %multiple_of3A_1702 = tpu.assume_multiple %mul3A_1701, 128 : i32
      %dma_start3A_1703 = arith.constant 0 : i32
      %dma_start3A_1704 = tpu.memref_slice %arg4[%dma_start3A_1703, %multiple_of3A_1702] : memref<32x1000000xf32, #tpu.memory_space<hbm>> -> memref<32x128xf32, #tpu.memory_space<hbm>>
      %dma_start3A_1705 = arith.constant 0 : i32
      %dma_start3A_1706 = tpu.memref_slice %arg4[%dma_start3A_1705, %multiple_of3A_1702] : memref<32x1000000xf32, #tpu.memory_space<hbm>> -> memref<32x128xf32, #tpu.memory_space<hbm>>
      tpu.enqueue_dma source(%dma_start3A_1706 : memref<32x128xf32, #tpu.memory_space<hbm>>) target(%arg14 : memref<32x128xf32, #tpu.memory_space<vmem>>) target_semaphore(%arg33 : memref<!tpu.dma_semaphore, #tpu.memory_space<semaphore_mem>>)
      %mul3A_1707 = arith.constant 128 : i32
      %mul3A_1708 = arith.muli %shift_right_logical3A_1699, %mul3A_1707 : i32
      %multiple_of3A_1709 = tpu.assume_multiple %mul3A_1708, 128 : i32
      %dma_start3A_1710 = arith.constant 0 : i32
      %dma_start3A_1711 = tpu.memref_slice %arg5[%dma_start3A_1710, %multiple_of3A_1709] : memref<32x1000000xf32, #tpu.memory_space<hbm>> -> memref<32x128xf32, #tpu.memory_space<hbm>>
      %dma_start3A_1712 = arith.constant 0 : i32
      %dma_start3A_1713 = tpu.memref_slice %arg5[%dma_start3A_1712, %multiple_of3A_1709] : memref<32x1000000xf32, #tpu.memory_space<hbm>> -> memref<32x128xf32, #tpu.memory_space<hbm>>
      tpu.enqueue_dma source(%dma_start3A_1713 : memref<32x128xf32, #tpu.memory_space<hbm>>) target(%arg22 : memref<32x128xf32, #tpu.memory_space<vmem>>) target_semaphore(%arg41 : memref<!tpu.dma_semaphore, #tpu.memory_space<semaphore_mem>>)
      %exp3A_1714 = math.exp %gather3A_1581 : vector<16xf32>
      %exp3A_1715 = math.exp %gather3A_1585 : vector<16xf32>
      %neg3A_1716 = arith.constant 0.000000e+00 : f32
      %neg3A_1717 = vector.broadcast %neg3A_1716 : f32 to vector<16xf32>
      %neg3A_1718 = arith.subf %neg3A_1717, %gather3A_1576 : vector<16xf32>
      %exp3A_1719 = math.exp %neg3A_1718 : vector<16xf32>
      %add3A_1720 = arith.constant 1.000000e+00 : f32
      %add3A_1721 = vector.broadcast %add3A_1720 : f32 to vector<16xf32>
      %add3A_1722 = arith.addf %add3A_1721, %exp3A_1719 : vector<16xf32>
      %div3A_1723 = arith.constant 1.000000e+00 : f32
      %div3A_1724 = vector.broadcast %div3A_1723 : f32 to vector<16xf32>
      %div3A_1725 = arith.divf %div3A_1724, %add3A_1722 : vector<16xf32>
      %neg3A_1726 = arith.constant 0.000000e+00 : f32
      %neg3A_1727 = vector.broadcast %neg3A_1726 : f32 to vector<16xf32>
      %neg3A_1728 = arith.subf %neg3A_1727, %gather3A_1580 : vector<16xf32>
      %exp3A_1729 = math.exp %neg3A_1728 : vector<16xf32>
      %add3A_1730 = arith.constant 1.000000e+00 : f32
      %add3A_1731 = vector.broadcast %add3A_1730 : f32 to vector<16xf32>
      %add3A_1732 = arith.addf %add3A_1731, %exp3A_1729 : vector<16xf32>
      %div3A_1733 = arith.constant 1.000000e+00 : f32
      %div3A_1734 = vector.broadcast %div3A_1733 : f32 to vector<16xf32>
      %div3A_1735 = arith.divf %div3A_1734, %add3A_1732 : vector<16xf32>
      %mul3A_1736 = arith.mulf %exp3A_1714, %div3A_1725 : vector<16xf32>
      %mul3A_1737 = arith.mulf %exp3A_1715, %div3A_1735 : vector<16xf32>
      %add3A_1738 = arith.addf %mul3A_1736, %mul3A_1737 : vector<16xf32>
      %swap3A_1739 = arith.constant 80 : index
      %swap3A_1740 = tpu.vector_load %arg25[%swap3A_1739] {strides = array<i32>} : memref<256xf32, #tpu.memory_space<vmem>>, vector<16xf32>,
      tpu.vector_store %arg25[%swap3A_1739], %add3A_1738 {strides = array<i32>} : memref<256xf32, #tpu.memory_space<vmem>>, vector<16xf32>,
      %add3A_1741 = arith.addf %exp3A_1714, %exp3A_1715 : vector<16xf32>
      %swap3A_1742 = arith.constant 80 : index
      %swap3A_1743 = tpu.vector_load %arg26[%swap3A_1742] {strides = array<i32>} : memref<256xf32, #tpu.memory_space<vmem>>, vector<16xf32>,
      tpu.vector_store %arg26[%swap3A_1742], %add3A_1741 {strides = array<i32>} : memref<256xf32, #tpu.memory_space<vmem>>, vector<16xf32>,
      %mul3A_1744 = arith.constant 16 : i32
      %mul3A_1745 = arith.muli %scan3A_434, %mul3A_1744 : i32
      %add3A_1746 = arith.constant 6 : i32
      %add3A_1747 = arith.addi %mul3A_1745, %add3A_1746 : i32
      %dma_wait3A_1748 = arith.constant 0 : i32
      %dma_wait3A_1749 = arith.constant 0 : i32
      %dma_wait3A_1750 = tpu.memref_slice %arg4[%dma_wait3A_1748, %dma_wait3A_1749] : memref<32x1000000xf32, #tpu.memory_space<hbm>> -> memref<32x128xf32, #tpu.memory_space<hbm>>
      %dma_wait3A_1751 = arith.constant 0 : i32
      %dma_wait3A_1752 = arith.constant 0 : i32
      %dma_wait3A_1753 = tpu.memref_slice %arg4[%dma_wait3A_1751, %dma_wait3A_1752] : memref<32x1000000xf32, #tpu.memory_space<hbm>> -> memref<32x128xf32, #tpu.memory_space<hbm>>
      tpu.wait_dma2 semaphore(%arg34 : memref<!tpu.dma_semaphore, #tpu.memory_space<semaphore_mem>>) src(%dma_wait3A_1753 : memref<32x128xf32, #tpu.memory_space<hbm>>) dst(%arg15 : memref<32x128xf32, #tpu.memory_space<vmem>>)
      %dma_wait3A_1754 = arith.constant 0 : i32
      %dma_wait3A_1755 = arith.constant 0 : i32
      %dma_wait3A_1756 = tpu.memref_slice %arg5[%dma_wait3A_1754, %dma_wait3A_1755] : memref<32x1000000xf32, #tpu.memory_space<hbm>> -> memref<32x128xf32, #tpu.memory_space<hbm>>
      %dma_wait3A_1757 = arith.constant 0 : i32
      %dma_wait3A_1758 = arith.constant 0 : i32
      %dma_wait3A_1759 = tpu.memref_slice %arg5[%dma_wait3A_1757, %dma_wait3A_1758] : memref<32x1000000xf32, #tpu.memory_space<hbm>> -> memref<32x128xf32, #tpu.memory_space<hbm>>
      tpu.wait_dma2 semaphore(%arg42 : memref<!tpu.dma_semaphore, #tpu.memory_space<semaphore_mem>>) src(%dma_wait3A_1759 : memref<32x128xf32, #tpu.memory_space<hbm>>) dst(%arg23 : memref<32x128xf32, #tpu.memory_space<vmem>>)
      %mul3A_1760 = arith.constant 16 : i32
      %mul3A_1761 = arith.muli %scan3A_434, %mul3A_1760 : i32
      %get3A_1762 = arith.index_cast %mul3A_1761 : i32 to index
      %get3A_1763 = tpu.vector_load %arg7[%get3A_1762] {strides = array<i32>} : memref<512xi32, #tpu.memory_space<vmem>>, vector<16xi32>,
      %mul3A_1764 = arith.constant 16 : i32
      %mul3A_1765 = arith.muli %scan3A_434, %mul3A_1764 : i32
      %get3A_1766 = arith.index_cast %mul3A_1765 : i32 to index
      %get3A_1767 = tpu.vector_load %arg8[%get3A_1766] {strides = array<i32>} : memref<512xi32, #tpu.memory_space<vmem>>, vector<16xi32>,
      %broadcast_in_dim3A_1768 = arith.constant 6 : i32
      %broadcast_in_dim3A_1769 = vector.broadcast %broadcast_in_dim3A_1768 : i32 to vector<16xi32>
      %lt3A_1770 = arith.constant 0 : i32
      %lt3A_1771 = vector.broadcast %lt3A_1770 : i32 to vector<16xi32>
      %lt3A_1772 = arith.cmpi slt, %broadcast_in_dim3A_1769, %lt3A_1771 : vector<16xi32>
      %add3A_1773 = arith.constant 16 : i32
      %add3A_1774 = vector.broadcast %add3A_1773 : i32 to vector<16xi32>
      %add3A_1775 = arith.addi %broadcast_in_dim3A_1769, %add3A_1774 : vector<16xi32>
      %select_n3A_1776 = arith.select %lt3A_1772, %add3A_1775, %broadcast_in_dim3A_1769 : vector<16xi1>, vector<16xi32>
      %broadcast_in_dim3A_1777 = vector.shape_cast %select_n3A_1776 : vector<16xi32> to vector<16x1xi32>
      %gather3A_1778 = vector.shape_cast %broadcast_in_dim3A_1777 : vector<16x1xi32> to vector<16xi32>
      %gather3A_1779 = tpu.dynamic_gather %get3A_1763[%gather3A_1778] in [0] : vector<16xi32>, vector<16xi32> -> vector<16xi32>
      %and3A_1780 = arith.constant 127 : i32
      %and3A_1781 = vector.broadcast %and3A_1780 : i32 to vector<16xi32>
      %and3A_1782 = arith.andi %gather3A_1779, %and3A_1781 : vector<16xi32>
      %lt3A_1783 = arith.constant 0 : i32
      %lt3A_1784 = vector.broadcast %lt3A_1783 : i32 to vector<16xi32>
      %lt3A_1785 = arith.cmpi slt, %broadcast_in_dim3A_1769, %lt3A_1784 : vector<16xi32>
      %add3A_1786 = arith.constant 16 : i32
      %add3A_1787 = vector.broadcast %add3A_1786 : i32 to vector<16xi32>
      %add3A_1788 = arith.addi %broadcast_in_dim3A_1769, %add3A_1787 : vector<16xi32>
      %select_n3A_1789 = arith.select %lt3A_1785, %add3A_1788, %broadcast_in_dim3A_1769 : vector<16xi1>, vector<16xi32>
      %broadcast_in_dim3A_1790 = vector.shape_cast %select_n3A_1789 : vector<16xi32> to vector<16x1xi32>
      %gather3A_1791 = vector.shape_cast %broadcast_in_dim3A_1790 : vector<16x1xi32> to vector<16xi32>
      %gather3A_1792 = tpu.dynamic_gather %get3A_1767[%gather3A_1791] in [0] : vector<16xi32>, vector<16xi32> -> vector<16xi32>
      %and3A_1793 = arith.constant 127 : i32
      %and3A_1794 = vector.broadcast %and3A_1793 : i32 to vector<16xi32>
      %and3A_1795 = arith.andi %gather3A_1792, %and3A_1794 : vector<16xi32>
      %gather3A_1796 = tpu.vector_load_idx %arg15[%iota3A, %and3A_1782] : memref<32x128xf32, #tpu.memory_space<vmem>>[vector<16xi32>, vector<16xi32>], vector<16xf32>,
      %add3A_1797 = arith.constant 16 : i32
      %add3A_1798 = vector.broadcast %add3A_1797 : i32 to vector<16xi32>
      %add3A_1799 = arith.addi %iota3A, %add3A_1798 : vector<16xi32>
      %gather3A_1800 = tpu.vector_load_idx %arg15[%add3A_1799, %and3A_1782] : memref<32x128xf32, #tpu.memory_space<vmem>>[vector<16xi32>, vector<16xi32>], vector<16xf32>,
      %gather3A_1801 = tpu.vector_load_idx %arg23[%iota3A, %and3A_1795] : memref<32x128xf32, #tpu.memory_space<vmem>>[vector<16xi32>, vector<16xi32>], vector<16xf32>,
      %add3A_1802 = arith.constant 16 : i32
      %add3A_1803 = vector.broadcast %add3A_1802 : i32 to vector<16xi32>
      %add3A_1804 = arith.addi %iota3A, %add3A_1803 : vector<16xi32>
      %gather3A_1805 = tpu.vector_load_idx %arg23[%add3A_1804, %and3A_1795] : memref<32x128xf32, #tpu.memory_space<vmem>>[vector<16xi32>, vector<16xi32>], vector<16xf32>,
      %add3A_1806 = arith.constant 8 : i32
      %add3A_1807 = arith.addi %add3A_1747, %add3A_1806 : i32
      %min3A_1808 = arith.constant 511 : i32
      %min3A_1809 = arith.minsi %add3A_1807, %min3A_1808 : i32
      %jit3A_1810 = arith.constant 16 : i32
      %div3A_1811 = arith.divsi %min3A_1809, %jit3A_1810 : i32
      %sign3A_1812 = arith.constant 0 : i32
      %sign3A_1813 = arith.cmpi sgt, %min3A_1809, %sign3A_1812 : i32
      %sign3A_1814 = arith.extui %sign3A_1813 : i1 to i32
      %sign3A_1815 = arith.constant 0 : i32
      %sign3A_1816 = arith.cmpi slt, %min3A_1809, %sign3A_1815 : i32
      %sign3A_1817 = arith.extui %sign3A_1816 : i1 to i32
      %sign3A_1818 = arith.subi %sign3A_1814, %sign3A_1817 : i32
      %sign3A_1819 = arith.constant 0 : i32
      %sign3A_1820 = arith.cmpi sgt, %jit3A_1810, %sign3A_1819 : i32
      %sign3A_1821 = arith.extui %sign3A_1820 : i1 to i32
      %sign3A_1822 = arith.constant 0 : i32
      %sign3A_1823 = arith.cmpi slt, %jit3A_1810, %sign3A_1822 : i32
      %sign3A_1824 = arith.extui %sign3A_1823 : i1 to i32
      %sign3A_1825 = arith.subi %sign3A_1821, %sign3A_1824 : i32
      %ne3A_1826 = arith.cmpi ne, %sign3A_1818, %sign3A_1825 : i32
      %rem3A_1827 = arith.remsi %min3A_1809, %jit3A_1810 : i32
      %ne3A_1828 = arith.constant 0 : i32
      %ne3A_1829 = arith.cmpi ne, %rem3A_1827, %ne3A_1828 : i32
      %and3A_1830 = arith.andi %ne3A_1826, %ne3A_1829 : i1
      %sub3A_1831 = arith.constant 1 : i32
      %sub3A_1832 = arith.subi %div3A_1811, %sub3A_1831 : i32
      %select_n3A_1833 = arith.select %and3A_1830, %sub3A_1832, %div3A_1811 : i32
      %mul3A_1834 = arith.constant 16 : i32
      %mul3A_1835 = arith.muli %select_n3A_1833, %mul3A_1834 : i32
      %get3A_1836 = arith.index_cast %mul3A_1835 : i32 to index
      %get3A_1837 = tpu.vector_load %arg7[%get3A_1836] {strides = array<i32>} : memref<512xi32, #tpu.memory_space<vmem>>, vector<16xi32>,
      %jit3A_1838 = arith.constant 16 : i32
      %eq3A_1839 = arith.constant 0 : i32
      %eq3A_1840 = arith.cmpi eq, %jit3A_1838, %eq3A_1839 : i32
      %jit3A_1841 = arith.constant 1 : i32
      %select_n3A_1842 = arith.select %eq3A_1840, %jit3A_1841, %jit3A_1838 : i32
      %rem3A_1843 = arith.remsi %min3A_1809, %select_n3A_1842 : i32
      %ne3A_1844 = arith.constant 0 : i32
      %ne3A_1845 = arith.cmpi ne, %rem3A_1843, %ne3A_1844 : i32
      %lt3A_1846 = arith.constant 0 : i32
      %lt3A_1847 = arith.cmpi slt, %rem3A_1843, %lt3A_1846 : i32
      %lt3A_1848 = arith.constant 0 : i32
      %lt3A_1849 = arith.cmpi slt, %select_n3A_1842, %lt3A_1848 : i32
      %ne3A_1850 = arith.xori %lt3A_1847, %lt3A_1849 : i1
      %and3A_1851 = arith.andi %ne3A_1850, %ne3A_1845 : i1
      %add3A_1852 = arith.addi %rem3A_1843, %select_n3A_1842 : i32
      %select_n3A_1853 = arith.select %and3A_1851, %add3A_1852, %rem3A_1843 : i32
      %eq3A_1854 = vector.broadcast %select_n3A_1853 : i32 to vector<16xi32>
      %eq3A_1855 = arith.cmpi eq, %iota3A, %eq3A_1854 : vector<16xi32>
      %jit3A_1856 = arith.constant 0 : i32
      %broadcast_in_dim3A_1857 = vector.broadcast %jit3A_1856 : i32 to vector<16xi32>
      %select_n3A_1858 = arith.select %eq3A_1855, %get3A_1837, %broadcast_in_dim3A_1857 : vector<16xi1>, vector<16xi32>
      %reduce_sum3A_1859 = arith.constant true
      %reduce_sum3A_1860 = vector.broadcast %reduce_sum3A_1859 : i1 to vector<16xi1>
      %reduce_sum3A_1861 = tpu.scan <sum>, %select_n3A_1858 masked %reduce_sum3A_1860 : vector<16xi32>, vector<16xi1> -> vector<16xi32>
      %reduce_sum3A_1862 = vector.extract %reduce_sum3A_1861[15] : i32 from vector<16xi32>
      %shift_right_logical3A_1863 = arith.constant 7 : i32
      %shift_right_logical3A_1864 = arith.shrui %reduce_sum3A_1862, %shift_right_logical3A_1863 : i32
      %jit3A_1865 = arith.constant 16 : i32
      %div3A_1866 = arith.divsi %min3A_1809, %jit3A_1865 : i32
      %sign3A_1867 = arith.constant 0 : i32
      %sign3A_1868 = arith.cmpi sgt, %min3A_1809, %sign3A_1867 : i32
      %sign3A_1869 = arith.extui %sign3A_1868 : i1 to i32
      %sign3A_1870 = arith.constant 0 : i32
      %sign3A_1871 = arith.cmpi slt, %min3A_1809, %sign3A_1870 : i32
      %sign3A_1872 = arith.extui %sign3A_1871 : i1 to i32
      %sign3A_1873 = arith.subi %sign3A_1869, %sign3A_1872 : i32
      %sign3A_1874 = arith.constant 0 : i32
      %sign3A_1875 = arith.cmpi sgt, %jit3A_1865, %sign3A_1874 : i32
      %sign3A_1876 = arith.extui %sign3A_1875 : i1 to i32
      %sign3A_1877 = arith.constant 0 : i32
      %sign3A_1878 = arith.cmpi slt, %jit3A_1865, %sign3A_1877 : i32
      %sign3A_1879 = arith.extui %sign3A_1878 : i1 to i32
      %sign3A_1880 = arith.subi %sign3A_1876, %sign3A_1879 : i32
      %ne3A_1881 = arith.cmpi ne, %sign3A_1873, %sign3A_1880 : i32
      %rem3A_1882 = arith.remsi %min3A_1809, %jit3A_1865 : i32
      %ne3A_1883 = arith.constant 0 : i32
      %ne3A_1884 = arith.cmpi ne, %rem3A_1882, %ne3A_1883 : i32
      %and3A_1885 = arith.andi %ne3A_1881, %ne3A_1884 : i1
      %sub3A_1886 = arith.constant 1 : i32
      %sub3A_1887 = arith.subi %div3A_1866, %sub3A_1886 : i32
      %select_n3A_1888 = arith.select %and3A_1885, %sub3A_1887, %div3A_1866 : i32
      %mul3A_1889 = arith.constant 16 : i32
      %mul3A_1890 = arith.muli %select_n3A_1888, %mul3A_1889 : i32
      %get3A_1891 = arith.index_cast %mul3A_1890 : i32 to index
      %get3A_1892 = tpu.vector_load %arg8[%get3A_1891] {strides = array<i32>} : memref<512xi32, #tpu.memory_space<vmem>>, vector<16xi32>,
      %jit3A_1893 = arith.constant 16 : i32
      %eq3A_1894 = arith.constant 0 : i32
      %eq3A_1895 = arith.cmpi eq, %jit3A_1893, %eq3A_1894 : i32
      %jit3A_1896 = arith.constant 1 : i32
      %select_n3A_1897 = arith.select %eq3A_1895, %jit3A_1896, %jit3A_1893 : i32
      %rem3A_1898 = arith.remsi %min3A_1809, %select_n3A_1897 : i32
      %ne3A_1899 = arith.constant 0 : i32
      %ne3A_1900 = arith.cmpi ne, %rem3A_1898, %ne3A_1899 : i32
      %lt3A_1901 = arith.constant 0 : i32
      %lt3A_1902 = arith.cmpi slt, %rem3A_1898, %lt3A_1901 : i32
      %lt3A_1903 = arith.constant 0 : i32
      %lt3A_1904 = arith.cmpi slt, %select_n3A_1897, %lt3A_1903 : i32
      %ne3A_1905 = arith.xori %lt3A_1902, %lt3A_1904 : i1
      %and3A_1906 = arith.andi %ne3A_1905, %ne3A_1900 : i1
      %add3A_1907 = arith.addi %rem3A_1898, %select_n3A_1897 : i32
      %select_n3A_1908 = arith.select %and3A_1906, %add3A_1907, %rem3A_1898 : i32
      %eq3A_1909 = vector.broadcast %select_n3A_1908 : i32 to vector<16xi32>
      %eq3A_1910 = arith.cmpi eq, %iota3A, %eq3A_1909 : vector<16xi32>
      %jit3A_1911 = arith.constant 0 : i32
      %broadcast_in_dim3A_1912 = vector.broadcast %jit3A_1911 : i32 to vector<16xi32>
      %select_n3A_1913 = arith.select %eq3A_1910, %get3A_1892, %broadcast_in_dim3A_1912 : vector<16xi1>, vector<16xi32>
      %reduce_sum3A_1914 = arith.constant true
      %reduce_sum3A_1915 = vector.broadcast %reduce_sum3A_1914 : i1 to vector<16xi1>
      %reduce_sum3A_1916 = tpu.scan <sum>, %select_n3A_1913 masked %reduce_sum3A_1915 : vector<16xi32>, vector<16xi1> -> vector<16xi32>
      %reduce_sum3A_1917 = vector.extract %reduce_sum3A_1916[15] : i32 from vector<16xi32>
      %shift_right_logical3A_1918 = arith.constant 7 : i32
      %shift_right_logical3A_1919 = arith.shrui %reduce_sum3A_1917, %shift_right_logical3A_1918 : i32
      %mul3A_1920 = arith.constant 128 : i32
      %mul3A_1921 = arith.muli %shift_right_logical3A_1864, %mul3A_1920 : i32
      %multiple_of3A_1922 = tpu.assume_multiple %mul3A_1921, 128 : i32
      %dma_start3A_1923 = arith.constant 0 : i32
      %dma_start3A_1924 = tpu.memref_slice %arg4[%dma_start3A_1923, %multiple_of3A_1922] : memref<32x1000000xf32, #tpu.memory_space<hbm>> -> memref<32x128xf32, #tpu.memory_space<hbm>>
      %dma_start3A_1925 = arith.constant 0 : i32
      %dma_start3A_1926 = tpu.memref_slice %arg4[%dma_start3A_1925, %multiple_of3A_1922] : memref<32x1000000xf32, #tpu.memory_space<hbm>> -> memref<32x128xf32, #tpu.memory_space<hbm>>
      tpu.enqueue_dma source(%dma_start3A_1926 : memref<32x128xf32, #tpu.memory_space<hbm>>) target(%arg15 : memref<32x128xf32, #tpu.memory_space<vmem>>) target_semaphore(%arg34 : memref<!tpu.dma_semaphore, #tpu.memory_space<semaphore_mem>>)
      %mul3A_1927 = arith.constant 128 : i32
      %mul3A_1928 = arith.muli %shift_right_logical3A_1919, %mul3A_1927 : i32
      %multiple_of3A_1929 = tpu.assume_multiple %mul3A_1928, 128 : i32
      %dma_start3A_1930 = arith.constant 0 : i32
      %dma_start3A_1931 = tpu.memref_slice %arg5[%dma_start3A_1930, %multiple_of3A_1929] : memref<32x1000000xf32, #tpu.memory_space<hbm>> -> memref<32x128xf32, #tpu.memory_space<hbm>>
      %dma_start3A_1932 = arith.constant 0 : i32
      %dma_start3A_1933 = tpu.memref_slice %arg5[%dma_start3A_1932, %multiple_of3A_1929] : memref<32x1000000xf32, #tpu.memory_space<hbm>> -> memref<32x128xf32, #tpu.memory_space<hbm>>
      tpu.enqueue_dma source(%dma_start3A_1933 : memref<32x128xf32, #tpu.memory_space<hbm>>) target(%arg23 : memref<32x128xf32, #tpu.memory_space<vmem>>) target_semaphore(%arg42 : memref<!tpu.dma_semaphore, #tpu.memory_space<semaphore_mem>>)
      %exp3A_1934 = math.exp %gather3A_1801 : vector<16xf32>
      %exp3A_1935 = math.exp %gather3A_1805 : vector<16xf32>
      %neg3A_1936 = arith.constant 0.000000e+00 : f32
      %neg3A_1937 = vector.broadcast %neg3A_1936 : f32 to vector<16xf32>
      %neg3A_1938 = arith.subf %neg3A_1937, %gather3A_1796 : vector<16xf32>
      %exp3A_1939 = math.exp %neg3A_1938 : vector<16xf32>
      %add3A_1940 = arith.constant 1.000000e+00 : f32
      %add3A_1941 = vector.broadcast %add3A_1940 : f32 to vector<16xf32>
      %add3A_1942 = arith.addf %add3A_1941, %exp3A_1939 : vector<16xf32>
      %div3A_1943 = arith.constant 1.000000e+00 : f32
      %div3A_1944 = vector.broadcast %div3A_1943 : f32 to vector<16xf32>
      %div3A_1945 = arith.divf %div3A_1944, %add3A_1942 : vector<16xf32>
      %neg3A_1946 = arith.constant 0.000000e+00 : f32
      %neg3A_1947 = vector.broadcast %neg3A_1946 : f32 to vector<16xf32>
      %neg3A_1948 = arith.subf %neg3A_1947, %gather3A_1800 : vector<16xf32>
      %exp3A_1949 = math.exp %neg3A_1948 : vector<16xf32>
      %add3A_1950 = arith.constant 1.000000e+00 : f32
      %add3A_1951 = vector.broadcast %add3A_1950 : f32 to vector<16xf32>
      %add3A_1952 = arith.addf %add3A_1951, %exp3A_1949 : vector<16xf32>
      %div3A_1953 = arith.constant 1.000000e+00 : f32
      %div3A_1954 = vector.broadcast %div3A_1953 : f32 to vector<16xf32>
      %div3A_1955 = arith.divf %div3A_1954, %add3A_1952 : vector<16xf32>
      %mul3A_1956 = arith.mulf %exp3A_1934, %div3A_1945 : vector<16xf32>
      %mul3A_1957 = arith.mulf %exp3A_1935, %div3A_1955 : vector<16xf32>
      %add3A_1958 = arith.addf %mul3A_1956, %mul3A_1957 : vector<16xf32>
      %swap3A_1959 = arith.constant 96 : index
      %swap3A_1960 = tpu.vector_load %arg25[%swap3A_1959] {strides = array<i32>} : memref<256xf32, #tpu.memory_space<vmem>>, vector<16xf32>,
      tpu.vector_store %arg25[%swap3A_1959], %add3A_1958 {strides = array<i32>} : memref<256xf32, #tpu.memory_space<vmem>>, vector<16xf32>,
      %add3A_1961 = arith.addf %exp3A_1934, %exp3A_1935 : vector<16xf32>
      %swap3A_1962 = arith.constant 96 : index
      %swap3A_1963 = tpu.vector_load %arg26[%swap3A_1962] {strides = array<i32>} : memref<256xf32, #tpu.memory_space<vmem>>, vector<16xf32>,
      tpu.vector_store %arg26[%swap3A_1962], %add3A_1961 {strides = array<i32>} : memref<256xf32, #tpu.memory_space<vmem>>, vector<16xf32>,
      %mul3A_1964 = arith.constant 16 : i32
      %mul3A_1965 = arith.muli %scan3A_434, %mul3A_1964 : i32
      %add3A_1966 = arith.constant 7 : i32
      %add3A_1967 = arith.addi %mul3A_1965, %add3A_1966 : i32
      %dma_wait3A_1968 = arith.constant 0 : i32
      %dma_wait3A_1969 = arith.constant 0 : i32
      %dma_wait3A_1970 = tpu.memref_slice %arg4[%dma_wait3A_1968, %dma_wait3A_1969] : memref<32x1000000xf32, #tpu.memory_space<hbm>> -> memref<32x128xf32, #tpu.memory_space<hbm>>
      %dma_wait3A_1971 = arith.constant 0 : i32
      %dma_wait3A_1972 = arith.constant 0 : i32
      %dma_wait3A_1973 = tpu.memref_slice %arg4[%dma_wait3A_1971, %dma_wait3A_1972] : memref<32x1000000xf32, #tpu.memory_space<hbm>> -> memref<32x128xf32, #tpu.memory_space<hbm>>
      tpu.wait_dma2 semaphore(%arg35 : memref<!tpu.dma_semaphore, #tpu.memory_space<semaphore_mem>>) src(%dma_wait3A_1973 : memref<32x128xf32, #tpu.memory_space<hbm>>) dst(%arg16 : memref<32x128xf32, #tpu.memory_space<vmem>>)
      %dma_wait3A_1974 = arith.constant 0 : i32
      %dma_wait3A_1975 = arith.constant 0 : i32
      %dma_wait3A_1976 = tpu.memref_slice %arg5[%dma_wait3A_1974, %dma_wait3A_1975] : memref<32x1000000xf32, #tpu.memory_space<hbm>> -> memref<32x128xf32, #tpu.memory_space<hbm>>
      %dma_wait3A_1977 = arith.constant 0 : i32
      %dma_wait3A_1978 = arith.constant 0 : i32
      %dma_wait3A_1979 = tpu.memref_slice %arg5[%dma_wait3A_1977, %dma_wait3A_1978] : memref<32x1000000xf32, #tpu.memory_space<hbm>> -> memref<32x128xf32, #tpu.memory_space<hbm>>
      tpu.wait_dma2 semaphore(%arg43 : memref<!tpu.dma_semaphore, #tpu.memory_space<semaphore_mem>>) src(%dma_wait3A_1979 : memref<32x128xf32, #tpu.memory_space<hbm>>) dst(%arg24 : memref<32x128xf32, #tpu.memory_space<vmem>>)
      %mul3A_1980 = arith.constant 16 : i32
      %mul3A_1981 = arith.muli %scan3A_434, %mul3A_1980 : i32
      %get3A_1982 = arith.index_cast %mul3A_1981 : i32 to index
      %get3A_1983 = tpu.vector_load %arg7[%get3A_1982] {strides = array<i32>} : memref<512xi32, #tpu.memory_space<vmem>>, vector<16xi32>,
      %mul3A_1984 = arith.constant 16 : i32
      %mul3A_1985 = arith.muli %scan3A_434, %mul3A_1984 : i32
      %get3A_1986 = arith.index_cast %mul3A_1985 : i32 to index
      %get3A_1987 = tpu.vector_load %arg8[%get3A_1986] {strides = array<i32>} : memref<512xi32, #tpu.memory_space<vmem>>, vector<16xi32>,
      %broadcast_in_dim3A_1988 = arith.constant 7 : i32
      %broadcast_in_dim3A_1989 = vector.broadcast %broadcast_in_dim3A_1988 : i32 to vector<16xi32>
      %lt3A_1990 = arith.constant 0 : i32
      %lt3A_1991 = vector.broadcast %lt3A_1990 : i32 to vector<16xi32>
      %lt3A_1992 = arith.cmpi slt, %broadcast_in_dim3A_1989, %lt3A_1991 : vector<16xi32>
      %add3A_1993 = arith.constant 16 : i32
      %add3A_1994 = vector.broadcast %add3A_1993 : i32 to vector<16xi32>
      %add3A_1995 = arith.addi %broadcast_in_dim3A_1989, %add3A_1994 : vector<16xi32>
      %select_n3A_1996 = arith.select %lt3A_1992, %add3A_1995, %broadcast_in_dim3A_1989 : vector<16xi1>, vector<16xi32>
      %broadcast_in_dim3A_1997 = vector.shape_cast %select_n3A_1996 : vector<16xi32> to vector<16x1xi32>
      %gather3A_1998 = vector.shape_cast %broadcast_in_dim3A_1997 : vector<16x1xi32> to vector<16xi32>
      %gather3A_1999 = tpu.dynamic_gather %get3A_1983[%gather3A_1998] in [0] : vector<16xi32>, vector<16xi32> -> vector<16xi32>
      %and3A_2000 = arith.constant 127 : i32
      %and3A_2001 = vector.broadcast %and3A_2000 : i32 to vector<16xi32>
      %and3A_2002 = arith.andi %gather3A_1999, %and3A_2001 : vector<16xi32>
      %lt3A_2003 = arith.constant 0 : i32
      %lt3A_2004 = vector.broadcast %lt3A_2003 : i32 to vector<16xi32>
      %lt3A_2005 = arith.cmpi slt, %broadcast_in_dim3A_1989, %lt3A_2004 : vector<16xi32>
      %add3A_2006 = arith.constant 16 : i32
      %add3A_2007 = vector.broadcast %add3A_2006 : i32 to vector<16xi32>
      %add3A_2008 = arith.addi %broadcast_in_dim3A_1989, %add3A_2007 : vector<16xi32>
      %select_n3A_2009 = arith.select %lt3A_2005, %add3A_2008, %broadcast_in_dim3A_1989 : vector<16xi1>, vector<16xi32>
      %broadcast_in_dim3A_2010 = vector.shape_cast %select_n3A_2009 : vector<16xi32> to vector<16x1xi32>
      %gather3A_2011 = vector.shape_cast %broadcast_in_dim3A_2010 : vector<16x1xi32> to vector<16xi32>
      %gather3A_2012 = tpu.dynamic_gather %get3A_1987[%gather3A_2011] in [0] : vector<16xi32>, vector<16xi32> -> vector<16xi32>
      %and3A_2013 = arith.constant 127 : i32
      %and3A_2014 = vector.broadcast %and3A_2013 : i32 to vector<16xi32>
      %and3A_2015 = arith.andi %gather3A_2012, %and3A_2014 : vector<16xi32>
      %gather3A_2016 = tpu.vector_load_idx %arg16[%iota3A, %and3A_2002] : memref<32x128xf32, #tpu.memory_space<vmem>>[vector<16xi32>, vector<16xi32>], vector<16xf32>,
      %add3A_2017 = arith.constant 16 : i32
      %add3A_2018 = vector.broadcast %add3A_2017 : i32 to vector<16xi32>
      %add3A_2019 = arith.addi %iota3A, %add3A_2018 : vector<16xi32>
      %gather3A_2020 = tpu.vector_load_idx %arg16[%add3A_2019, %and3A_2002] : memref<32x128xf32, #tpu.memory_space<vmem>>[vector<16xi32>, vector<16xi32>], vector<16xf32>,
      %gather3A_2021 = tpu.vector_load_idx %arg24[%iota3A, %and3A_2015] : memref<32x128xf32, #tpu.memory_space<vmem>>[vector<16xi32>, vector<16xi32>], vector<16xf32>,
      %add3A_2022 = arith.constant 16 : i32
      %add3A_2023 = vector.broadcast %add3A_2022 : i32 to vector<16xi32>
      %add3A_2024 = arith.addi %iota3A, %add3A_2023 : vector<16xi32>
      %gather3A_2025 = tpu.vector_load_idx %arg24[%add3A_2024, %and3A_2015] : memref<32x128xf32, #tpu.memory_space<vmem>>[vector<16xi32>, vector<16xi32>], vector<16xf32>,
      %add3A_2026 = arith.constant 8 : i32
      %add3A_2027 = arith.addi %add3A_1967, %add3A_2026 : i32
      %min3A_2028 = arith.constant 511 : i32
      %min3A_2029 = arith.minsi %add3A_2027, %min3A_2028 : i32
      %jit3A_2030 = arith.constant 16 : i32
      %div3A_2031 = arith.divsi %min3A_2029, %jit3A_2030 : i32
      %sign3A_2032 = arith.constant 0 : i32
      %sign3A_2033 = arith.cmpi sgt, %min3A_2029, %sign3A_2032 : i32
      %sign3A_2034 = arith.extui %sign3A_2033 : i1 to i32
      %sign3A_2035 = arith.constant 0 : i32
      %sign3A_2036 = arith.cmpi slt, %min3A_2029, %sign3A_2035 : i32
      %sign3A_2037 = arith.extui %sign3A_2036 : i1 to i32
      %sign3A_2038 = arith.subi %sign3A_2034, %sign3A_2037 : i32
      %sign3A_2039 = arith.constant 0 : i32
      %sign3A_2040 = arith.cmpi sgt, %jit3A_2030, %sign3A_2039 : i32
      %sign3A_2041 = arith.extui %sign3A_2040 : i1 to i32
      %sign3A_2042 = arith.constant 0 : i32
      %sign3A_2043 = arith.cmpi slt, %jit3A_2030, %sign3A_2042 : i32
      %sign3A_2044 = arith.extui %sign3A_2043 : i1 to i32
      %sign3A_2045 = arith.subi %sign3A_2041, %sign3A_2044 : i32
      %ne3A_2046 = arith.cmpi ne, %sign3A_2038, %sign3A_2045 : i32
      %rem3A_2047 = arith.remsi %min3A_2029, %jit3A_2030 : i32
      %ne3A_2048 = arith.constant 0 : i32
      %ne3A_2049 = arith.cmpi ne, %rem3A_2047, %ne3A_2048 : i32
      %and3A_2050 = arith.andi %ne3A_2046, %ne3A_2049 : i1
      %sub3A_2051 = arith.constant 1 : i32
      %sub3A_2052 = arith.subi %div3A_2031, %sub3A_2051 : i32
      %select_n3A_2053 = arith.select %and3A_2050, %sub3A_2052, %div3A_2031 : i32
      %mul3A_2054 = arith.constant 16 : i32
      %mul3A_2055 = arith.muli %select_n3A_2053, %mul3A_2054 : i32
      %get3A_2056 = arith.index_cast %mul3A_2055 : i32 to index
      %get3A_2057 = tpu.vector_load %arg7[%get3A_2056] {strides = array<i32>} : memref<512xi32, #tpu.memory_space<vmem>>, vector<16xi32>,
      %jit3A_2058 = arith.constant 16 : i32
      %eq3A_2059 = arith.constant 0 : i32
      %eq3A_2060 = arith.cmpi eq, %jit3A_2058, %eq3A_2059 : i32
      %jit3A_2061 = arith.constant 1 : i32
      %select_n3A_2062 = arith.select %eq3A_2060, %jit3A_2061, %jit3A_2058 : i32
      %rem3A_2063 = arith.remsi %min3A_2029, %select_n3A_2062 : i32
      %ne3A_2064 = arith.constant 0 : i32
      %ne3A_2065 = arith.cmpi ne, %rem3A_2063, %ne3A_2064 : i32
      %lt3A_2066 = arith.constant 0 : i32
      %lt3A_2067 = arith.cmpi slt, %rem3A_2063, %lt3A_2066 : i32
      %lt3A_2068 = arith.constant 0 : i32
      %lt3A_2069 = arith.cmpi slt, %select_n3A_2062, %lt3A_2068 : i32
      %ne3A_2070 = arith.xori %lt3A_2067, %lt3A_2069 : i1
      %and3A_2071 = arith.andi %ne3A_2070, %ne3A_2065 : i1
      %add3A_2072 = arith.addi %rem3A_2063, %select_n3A_2062 : i32
      %select_n3A_2073 = arith.select %and3A_2071, %add3A_2072, %rem3A_2063 : i32
      %eq3A_2074 = vector.broadcast %select_n3A_2073 : i32 to vector<16xi32>
      %eq3A_2075 = arith.cmpi eq, %iota3A, %eq3A_2074 : vector<16xi32>
      %jit3A_2076 = arith.constant 0 : i32
      %broadcast_in_dim3A_2077 = vector.broadcast %jit3A_2076 : i32 to vector<16xi32>
      %select_n3A_2078 = arith.select %eq3A_2075, %get3A_2057, %broadcast_in_dim3A_2077 : vector<16xi1>, vector<16xi32>
      %reduce_sum3A_2079 = arith.constant true
      %reduce_sum3A_2080 = vector.broadcast %reduce_sum3A_2079 : i1 to vector<16xi1>
      %reduce_sum3A_2081 = tpu.scan <sum>, %select_n3A_2078 masked %reduce_sum3A_2080 : vector<16xi32>, vector<16xi1> -> vector<16xi32>
      %reduce_sum3A_2082 = vector.extract %reduce_sum3A_2081[15] : i32 from vector<16xi32>
      %shift_right_logical3A_2083 = arith.constant 7 : i32
      %shift_right_logical3A_2084 = arith.shrui %reduce_sum3A_2082, %shift_right_logical3A_2083 : i32
      %jit3A_2085 = arith.constant 16 : i32
      %div3A_2086 = arith.divsi %min3A_2029, %jit3A_2085 : i32
      %sign3A_2087 = arith.constant 0 : i32
      %sign3A_2088 = arith.cmpi sgt, %min3A_2029, %sign3A_2087 : i32
      %sign3A_2089 = arith.extui %sign3A_2088 : i1 to i32
      %sign3A_2090 = arith.constant 0 : i32
      %sign3A_2091 = arith.cmpi slt, %min3A_2029, %sign3A_2090 : i32
      %sign3A_2092 = arith.extui %sign3A_2091 : i1 to i32
      %sign3A_2093 = arith.subi %sign3A_2089, %sign3A_2092 : i32
      %sign3A_2094 = arith.constant 0 : i32
      %sign3A_2095 = arith.cmpi sgt, %jit3A_2085, %sign3A_2094 : i32
      %sign3A_2096 = arith.extui %sign3A_2095 : i1 to i32
      %sign3A_2097 = arith.constant 0 : i32
      %sign3A_2098 = arith.cmpi slt, %jit3A_2085, %sign3A_2097 : i32
      %sign3A_2099 = arith.extui %sign3A_2098 : i1 to i32
      %sign3A_2100 = arith.subi %sign3A_2096, %sign3A_2099 : i32
      %ne3A_2101 = arith.cmpi ne, %sign3A_2093, %sign3A_2100 : i32
      %rem3A_2102 = arith.remsi %min3A_2029, %jit3A_2085 : i32
      %ne3A_2103 = arith.constant 0 : i32
      %ne3A_2104 = arith.cmpi ne, %rem3A_2102, %ne3A_2103 : i32
      %and3A_2105 = arith.andi %ne3A_2101, %ne3A_2104 : i1
      %sub3A_2106 = arith.constant 1 : i32
      %sub3A_2107 = arith.subi %div3A_2086, %sub3A_2106 : i32
      %select_n3A_2108 = arith.select %and3A_2105, %sub3A_2107, %div3A_2086 : i32
      %mul3A_2109 = arith.constant 16 : i32
      %mul3A_2110 = arith.muli %select_n3A_2108, %mul3A_2109 : i32
      %get3A_2111 = arith.index_cast %mul3A_2110 : i32 to index
      %get3A_2112 = tpu.vector_load %arg8[%get3A_2111] {strides = array<i32>} : memref<512xi32, #tpu.memory_space<vmem>>, vector<16xi32>,
      %jit3A_2113 = arith.constant 16 : i32
      %eq3A_2114 = arith.constant 0 : i32
      %eq3A_2115 = arith.cmpi eq, %jit3A_2113, %eq3A_2114 : i32
      %jit3A_2116 = arith.constant 1 : i32
      %select_n3A_2117 = arith.select %eq3A_2115, %jit3A_2116, %jit3A_2113 : i32
      %rem3A_2118 = arith.remsi %min3A_2029, %select_n3A_2117 : i32
      %ne3A_2119 = arith.constant 0 : i32
      %ne3A_2120 = arith.cmpi ne, %rem3A_2118, %ne3A_2119 : i32
      %lt3A_2121 = arith.constant 0 : i32
      %lt3A_2122 = arith.cmpi slt, %rem3A_2118, %lt3A_2121 : i32
      %lt3A_2123 = arith.constant 0 : i32
      %lt3A_2124 = arith.cmpi slt, %select_n3A_2117, %lt3A_2123 : i32
      %ne3A_2125 = arith.xori %lt3A_2122, %lt3A_2124 : i1
      %and3A_2126 = arith.andi %ne3A_2125, %ne3A_2120 : i1
      %add3A_2127 = arith.addi %rem3A_2118, %select_n3A_2117 : i32
      %select_n3A_2128 = arith.select %and3A_2126, %add3A_2127, %rem3A_2118 : i32
      %eq3A_2129 = vector.broadcast %select_n3A_2128 : i32 to vector<16xi32>
      %eq3A_2130 = arith.cmpi eq, %iota3A, %eq3A_2129 : vector<16xi32>
      %jit3A_2131 = arith.constant 0 : i32
      %broadcast_in_dim3A_2132 = vector.broadcast %jit3A_2131 : i32 to vector<16xi32>
      %select_n3A_2133 = arith.select %eq3A_2130, %get3A_2112, %broadcast_in_dim3A_2132 : vector<16xi1>, vector<16xi32>
      %reduce_sum3A_2134 = arith.constant true
      %reduce_sum3A_2135 = vector.broadcast %reduce_sum3A_2134 : i1 to vector<16xi1>
      %reduce_sum3A_2136 = tpu.scan <sum>, %select_n3A_2133 masked %reduce_sum3A_2135 : vector<16xi32>, vector<16xi1> -> vector<16xi32>
      %reduce_sum3A_2137 = vector.extract %reduce_sum3A_2136[15] : i32 from vector<16xi32>
      %shift_right_logical3A_2138 = arith.constant 7 : i32
      %shift_right_logical3A_2139 = arith.shrui %reduce_sum3A_2137, %shift_right_logical3A_2138 : i32
      %mul3A_2140 = arith.constant 128 : i32
      %mul3A_2141 = arith.muli %shift_right_logical3A_2084, %mul3A_2140 : i32
      %multiple_of3A_2142 = tpu.assume_multiple %mul3A_2141, 128 : i32
      %dma_start3A_2143 = arith.constant 0 : i32
      %dma_start3A_2144 = tpu.memref_slice %arg4[%dma_start3A_2143, %multiple_of3A_2142] : memref<32x1000000xf32, #tpu.memory_space<hbm>> -> memref<32x128xf32, #tpu.memory_space<hbm>>
      %dma_start3A_2145 = arith.constant 0 : i32
      %dma_start3A_2146 = tpu.memref_slice %arg4[%dma_start3A_2145, %multiple_of3A_2142] : memref<32x1000000xf32, #tpu.memory_space<hbm>> -> memref<32x128xf32, #tpu.memory_space<hbm>>
      tpu.enqueue_dma source(%dma_start3A_2146 : memref<32x128xf32, #tpu.memory_space<hbm>>) target(%arg16 : memref<32x128xf32, #tpu.memory_space<vmem>>) target_semaphore(%arg35 : memref<!tpu.dma_semaphore, #tpu.memory_space<semaphore_mem>>)
      %mul3A_2147 = arith.constant 128 : i32
      %mul3A_2148 = arith.muli %shift_right_logical3A_2139, %mul3A_2147 : i32
      %multiple_of3A_2149 = tpu.assume_multiple %mul3A_2148, 128 : i32
      %dma_start3A_2150 = arith.constant 0 : i32
      %dma_start3A_2151 = tpu.memref_slice %arg5[%dma_start3A_2150, %multiple_of3A_2149] : memref<32x1000000xf32, #tpu.memory_space<hbm>> -> memref<32x128xf32, #tpu.memory_space<hbm>>
      %dma_start3A_2152 = arith.constant 0 : i32
      %dma_start3A_2153 = tpu.memref_slice %arg5[%dma_start3A_2152, %multiple_of3A_2149] : memref<32x1000000xf32, #tpu.memory_space<hbm>> -> memref<32x128xf32, #tpu.memory_space<hbm>>
      tpu.enqueue_dma source(%dma_start3A_2153 : memref<32x128xf32, #tpu.memory_space<hbm>>) target(%arg24 : memref<32x128xf32, #tpu.memory_space<vmem>>) target_semaphore(%arg43 : memref<!tpu.dma_semaphore, #tpu.memory_space<semaphore_mem>>)
      %exp3A_2154 = math.exp %gather3A_2021 : vector<16xf32>
      %exp3A_2155 = math.exp %gather3A_2025 : vector<16xf32>
      %neg3A_2156 = arith.constant 0.000000e+00 : f32
      %neg3A_2157 = vector.broadcast %neg3A_2156 : f32 to vector<16xf32>
      %neg3A_2158 = arith.subf %neg3A_2157, %gather3A_2016 : vector<16xf32>
      %exp3A_2159 = math.exp %neg3A_2158 : vector<16xf32>
      %add3A_2160 = arith.constant 1.000000e+00 : f32
      %add3A_2161 = vector.broadcast %add3A_2160 : f32 to vector<16xf32>
      %add3A_2162 = arith.addf %add3A_2161, %exp3A_2159 : vector<16xf32>
      %div3A_2163 = arith.constant 1.000000e+00 : f32
      %div3A_2164 = vector.broadcast %div3A_2163 : f32 to vector<16xf32>
      %div3A_2165 = arith.divf %div3A_2164, %add3A_2162 : vector<16xf32>
      %neg3A_2166 = arith.constant 0.000000e+00 : f32
      %neg3A_2167 = vector.broadcast %neg3A_2166 : f32 to vector<16xf32>
      %neg3A_2168 = arith.subf %neg3A_2167, %gather3A_2020 : vector<16xf32>
      %exp3A_2169 = math.exp %neg3A_2168 : vector<16xf32>
      %add3A_2170 = arith.constant 1.000000e+00 : f32
      %add3A_2171 = vector.broadcast %add3A_2170 : f32 to vector<16xf32>
      %add3A_2172 = arith.addf %add3A_2171, %exp3A_2169 : vector<16xf32>
      %div3A_2173 = arith.constant 1.000000e+00 : f32
      %div3A_2174 = vector.broadcast %div3A_2173 : f32 to vector<16xf32>
      %div3A_2175 = arith.divf %div3A_2174, %add3A_2172 : vector<16xf32>
      %mul3A_2176 = arith.mulf %exp3A_2154, %div3A_2165 : vector<16xf32>
      %mul3A_2177 = arith.mulf %exp3A_2155, %div3A_2175 : vector<16xf32>
      %add3A_2178 = arith.addf %mul3A_2176, %mul3A_2177 : vector<16xf32>
      %swap3A_2179 = arith.constant 112 : index
      %swap3A_2180 = tpu.vector_load %arg25[%swap3A_2179] {strides = array<i32>} : memref<256xf32, #tpu.memory_space<vmem>>, vector<16xf32>,
      tpu.vector_store %arg25[%swap3A_2179], %add3A_2178 {strides = array<i32>} : memref<256xf32, #tpu.memory_space<vmem>>, vector<16xf32>,
      %add3A_2181 = arith.addf %exp3A_2154, %exp3A_2155 : vector<16xf32>
      %swap3A_2182 = arith.constant 112 : index
      %swap3A_2183 = tpu.vector_load %arg26[%swap3A_2182] {strides = array<i32>} : memref<256xf32, #tpu.memory_space<vmem>>, vector<16xf32>,
      tpu.vector_store %arg26[%swap3A_2182], %add3A_2181 {strides = array<i32>} : memref<256xf32, #tpu.memory_space<vmem>>, vector<16xf32>,
      %mul3A_2184 = arith.constant 16 : i32
      %mul3A_2185 = arith.muli %scan3A_434, %mul3A_2184 : i32
      %add3A_2186 = arith.constant 8 : i32
      %add3A_2187 = arith.addi %mul3A_2185, %add3A_2186 : i32
      %dma_wait3A_2188 = arith.constant 0 : i32
      %dma_wait3A_2189 = arith.constant 0 : i32
      %dma_wait3A_2190 = tpu.memref_slice %arg4[%dma_wait3A_2188, %dma_wait3A_2189] : memref<32x1000000xf32, #tpu.memory_space<hbm>> -> memref<32x128xf32, #tpu.memory_space<hbm>>
      %dma_wait3A_2191 = arith.constant 0 : i32
      %dma_wait3A_2192 = arith.constant 0 : i32
      %dma_wait3A_2193 = tpu.memref_slice %arg4[%dma_wait3A_2191, %dma_wait3A_2192] : memref<32x1000000xf32, #tpu.memory_space<hbm>> -> memref<32x128xf32, #tpu.memory_space<hbm>>
      tpu.wait_dma2 semaphore(%arg28 : memref<!tpu.dma_semaphore, #tpu.memory_space<semaphore_mem>>) src(%dma_wait3A_2193 : memref<32x128xf32, #tpu.memory_space<hbm>>) dst(%arg9 : memref<32x128xf32, #tpu.memory_space<vmem>>)
      %dma_wait3A_2194 = arith.constant 0 : i32
      %dma_wait3A_2195 = arith.constant 0 : i32
      %dma_wait3A_2196 = tpu.memref_slice %arg5[%dma_wait3A_2194, %dma_wait3A_2195] : memref<32x1000000xf32, #tpu.memory_space<hbm>> -> memref<32x128xf32, #tpu.memory_space<hbm>>
      %dma_wait3A_2197 = arith.constant 0 : i32
      %dma_wait3A_2198 = arith.constant 0 : i32
      %dma_wait3A_2199 = tpu.memref_slice %arg5[%dma_wait3A_2197, %dma_wait3A_2198] : memref<32x1000000xf32, #tpu.memory_space<hbm>> -> memref<32x128xf32, #tpu.memory_space<hbm>>
      tpu.wait_dma2 semaphore(%arg36 : memref<!tpu.dma_semaphore, #tpu.memory_space<semaphore_mem>>) src(%dma_wait3A_2199 : memref<32x128xf32, #tpu.memory_space<hbm>>) dst(%arg17 : memref<32x128xf32, #tpu.memory_space<vmem>>)
      %mul3A_2200 = arith.constant 16 : i32
      %mul3A_2201 = arith.muli %scan3A_434, %mul3A_2200 : i32
      %get3A_2202 = arith.index_cast %mul3A_2201 : i32 to index
      %get3A_2203 = tpu.vector_load %arg7[%get3A_2202] {strides = array<i32>} : memref<512xi32, #tpu.memory_space<vmem>>, vector<16xi32>,
      %mul3A_2204 = arith.constant 16 : i32
      %mul3A_2205 = arith.muli %scan3A_434, %mul3A_2204 : i32
      %get3A_2206 = arith.index_cast %mul3A_2205 : i32 to index
      %get3A_2207 = tpu.vector_load %arg8[%get3A_2206] {strides = array<i32>} : memref<512xi32, #tpu.memory_space<vmem>>, vector<16xi32>,
      %broadcast_in_dim3A_2208 = arith.constant 8 : i32
      %broadcast_in_dim3A_2209 = vector.broadcast %broadcast_in_dim3A_2208 : i32 to vector<16xi32>
      %lt3A_2210 = arith.constant 0 : i32
      %lt3A_2211 = vector.broadcast %lt3A_2210 : i32 to vector<16xi32>
      %lt3A_2212 = arith.cmpi slt, %broadcast_in_dim3A_2209, %lt3A_2211 : vector<16xi32>
      %add3A_2213 = arith.constant 16 : i32
      %add3A_2214 = vector.broadcast %add3A_2213 : i32 to vector<16xi32>
      %add3A_2215 = arith.addi %broadcast_in_dim3A_2209, %add3A_2214 : vector<16xi32>
      %select_n3A_2216 = arith.select %lt3A_2212, %add3A_2215, %broadcast_in_dim3A_2209 : vector<16xi1>, vector<16xi32>
      %broadcast_in_dim3A_2217 = vector.shape_cast %select_n3A_2216 : vector<16xi32> to vector<16x1xi32>
      %gather3A_2218 = vector.shape_cast %broadcast_in_dim3A_2217 : vector<16x1xi32> to vector<16xi32>
      %gather3A_2219 = tpu.dynamic_gather %get3A_2203[%gather3A_2218] in [0] : vector<16xi32>, vector<16xi32> -> vector<16xi32>
      %and3A_2220 = arith.constant 127 : i32
      %and3A_2221 = vector.broadcast %and3A_2220 : i32 to vector<16xi32>
      %and3A_2222 = arith.andi %gather3A_2219, %and3A_2221 : vector<16xi32>
      %lt3A_2223 = arith.constant 0 : i32
      %lt3A_2224 = vector.broadcast %lt3A_2223 : i32 to vector<16xi32>
      %lt3A_2225 = arith.cmpi slt, %broadcast_in_dim3A_2209, %lt3A_2224 : vector<16xi32>
      %add3A_2226 = arith.constant 16 : i32
      %add3A_2227 = vector.broadcast %add3A_2226 : i32 to vector<16xi32>
      %add3A_2228 = arith.addi %broadcast_in_dim3A_2209, %add3A_2227 : vector<16xi32>
      %select_n3A_2229 = arith.select %lt3A_2225, %add3A_2228, %broadcast_in_dim3A_2209 : vector<16xi1>, vector<16xi32>
      %broadcast_in_dim3A_2230 = vector.shape_cast %select_n3A_2229 : vector<16xi32> to vector<16x1xi32>
      %gather3A_2231 = vector.shape_cast %broadcast_in_dim3A_2230 : vector<16x1xi32> to vector<16xi32>
      %gather3A_2232 = tpu.dynamic_gather %get3A_2207[%gather3A_2231] in [0] : vector<16xi32>, vector<16xi32> -> vector<16xi32>
      %and3A_2233 = arith.constant 127 : i32
      %and3A_2234 = vector.broadcast %and3A_2233 : i32 to vector<16xi32>
      %and3A_2235 = arith.andi %gather3A_2232, %and3A_2234 : vector<16xi32>
      %gather3A_2236 = tpu.vector_load_idx %arg9[%iota3A, %and3A_2222] : memref<32x128xf32, #tpu.memory_space<vmem>>[vector<16xi32>, vector<16xi32>], vector<16xf32>,
      %add3A_2237 = arith.constant 16 : i32
      %add3A_2238 = vector.broadcast %add3A_2237 : i32 to vector<16xi32>
      %add3A_2239 = arith.addi %iota3A, %add3A_2238 : vector<16xi32>
      %gather3A_2240 = tpu.vector_load_idx %arg9[%add3A_2239, %and3A_2222] : memref<32x128xf32, #tpu.memory_space<vmem>>[vector<16xi32>, vector<16xi32>], vector<16xf32>,
      %gather3A_2241 = tpu.vector_load_idx %arg17[%iota3A, %and3A_2235] : memref<32x128xf32, #tpu.memory_space<vmem>>[vector<16xi32>, vector<16xi32>], vector<16xf32>,
      %add3A_2242 = arith.constant 16 : i32
      %add3A_2243 = vector.broadcast %add3A_2242 : i32 to vector<16xi32>
      %add3A_2244 = arith.addi %iota3A, %add3A_2243 : vector<16xi32>
      %gather3A_2245 = tpu.vector_load_idx %arg17[%add3A_2244, %and3A_2235] : memref<32x128xf32, #tpu.memory_space<vmem>>[vector<16xi32>, vector<16xi32>], vector<16xf32>,
      %add3A_2246 = arith.constant 8 : i32
      %add3A_2247 = arith.addi %add3A_2187, %add3A_2246 : i32
      %min3A_2248 = arith.constant 511 : i32
      %min3A_2249 = arith.minsi %add3A_2247, %min3A_2248 : i32
      %jit3A_2250 = arith.constant 16 : i32
      %div3A_2251 = arith.divsi %min3A_2249, %jit3A_2250 : i32
      %sign3A_2252 = arith.constant 0 : i32
      %sign3A_2253 = arith.cmpi sgt, %min3A_2249, %sign3A_2252 : i32
      %sign3A_2254 = arith.extui %sign3A_2253 : i1 to i32
      %sign3A_2255 = arith.constant 0 : i32
      %sign3A_2256 = arith.cmpi slt, %min3A_2249, %sign3A_2255 : i32
      %sign3A_2257 = arith.extui %sign3A_2256 : i1 to i32
      %sign3A_2258 = arith.subi %sign3A_2254, %sign3A_2257 : i32
      %sign3A_2259 = arith.constant 0 : i32
      %sign3A_2260 = arith.cmpi sgt, %jit3A_2250, %sign3A_2259 : i32
      %sign3A_2261 = arith.extui %sign3A_2260 : i1 to i32
      %sign3A_2262 = arith.constant 0 : i32
      %sign3A_2263 = arith.cmpi slt, %jit3A_2250, %sign3A_2262 : i32
      %sign3A_2264 = arith.extui %sign3A_2263 : i1 to i32
      %sign3A_2265 = arith.subi %sign3A_2261, %sign3A_2264 : i32
      %ne3A_2266 = arith.cmpi ne, %sign3A_2258, %sign3A_2265 : i32
      %rem3A_2267 = arith.remsi %min3A_2249, %jit3A_2250 : i32
      %ne3A_2268 = arith.constant 0 : i32
      %ne3A_2269 = arith.cmpi ne, %rem3A_2267, %ne3A_2268 : i32
      %and3A_2270 = arith.andi %ne3A_2266, %ne3A_2269 : i1
      %sub3A_2271 = arith.constant 1 : i32
      %sub3A_2272 = arith.subi %div3A_2251, %sub3A_2271 : i32
      %select_n3A_2273 = arith.select %and3A_2270, %sub3A_2272, %div3A_2251 : i32
      %mul3A_2274 = arith.constant 16 : i32
      %mul3A_2275 = arith.muli %select_n3A_2273, %mul3A_2274 : i32
      %get3A_2276 = arith.index_cast %mul3A_2275 : i32 to index
      %get3A_2277 = tpu.vector_load %arg7[%get3A_2276] {strides = array<i32>} : memref<512xi32, #tpu.memory_space<vmem>>, vector<16xi32>,
      %jit3A_2278 = arith.constant 16 : i32
      %eq3A_2279 = arith.constant 0 : i32
      %eq3A_2280 = arith.cmpi eq, %jit3A_2278, %eq3A_2279 : i32
      %jit3A_2281 = arith.constant 1 : i32
      %select_n3A_2282 = arith.select %eq3A_2280, %jit3A_2281, %jit3A_2278 : i32
      %rem3A_2283 = arith.remsi %min3A_2249, %select_n3A_2282 : i32
      %ne3A_2284 = arith.constant 0 : i32
      %ne3A_2285 = arith.cmpi ne, %rem3A_2283, %ne3A_2284 : i32
      %lt3A_2286 = arith.constant 0 : i32
      %lt3A_2287 = arith.cmpi slt, %rem3A_2283, %lt3A_2286 : i32
      %lt3A_2288 = arith.constant 0 : i32
      %lt3A_2289 = arith.cmpi slt, %select_n3A_2282, %lt3A_2288 : i32
      %ne3A_2290 = arith.xori %lt3A_2287, %lt3A_2289 : i1
      %and3A_2291 = arith.andi %ne3A_2290, %ne3A_2285 : i1
      %add3A_2292 = arith.addi %rem3A_2283, %select_n3A_2282 : i32
      %select_n3A_2293 = arith.select %and3A_2291, %add3A_2292, %rem3A_2283 : i32
      %eq3A_2294 = vector.broadcast %select_n3A_2293 : i32 to vector<16xi32>
      %eq3A_2295 = arith.cmpi eq, %iota3A, %eq3A_2294 : vector<16xi32>
      %jit3A_2296 = arith.constant 0 : i32
      %broadcast_in_dim3A_2297 = vector.broadcast %jit3A_2296 : i32 to vector<16xi32>
      %select_n3A_2298 = arith.select %eq3A_2295, %get3A_2277, %broadcast_in_dim3A_2297 : vector<16xi1>, vector<16xi32>
      %reduce_sum3A_2299 = arith.constant true
      %reduce_sum3A_2300 = vector.broadcast %reduce_sum3A_2299 : i1 to vector<16xi1>
      %reduce_sum3A_2301 = tpu.scan <sum>, %select_n3A_2298 masked %reduce_sum3A_2300 : vector<16xi32>, vector<16xi1> -> vector<16xi32>
      %reduce_sum3A_2302 = vector.extract %reduce_sum3A_2301[15] : i32 from vector<16xi32>
      %shift_right_logical3A_2303 = arith.constant 7 : i32
      %shift_right_logical3A_2304 = arith.shrui %reduce_sum3A_2302, %shift_right_logical3A_2303 : i32
      %jit3A_2305 = arith.constant 16 : i32
      %div3A_2306 = arith.divsi %min3A_2249, %jit3A_2305 : i32
      %sign3A_2307 = arith.constant 0 : i32
      %sign3A_2308 = arith.cmpi sgt, %min3A_2249, %sign3A_2307 : i32
      %sign3A_2309 = arith.extui %sign3A_2308 : i1 to i32
      %sign3A_2310 = arith.constant 0 : i32
      %sign3A_2311 = arith.cmpi slt, %min3A_2249, %sign3A_2310 : i32
      %sign3A_2312 = arith.extui %sign3A_2311 : i1 to i32
      %sign3A_2313 = arith.subi %sign3A_2309, %sign3A_2312 : i32
      %sign3A_2314 = arith.constant 0 : i32
      %sign3A_2315 = arith.cmpi sgt, %jit3A_2305, %sign3A_2314 : i32
      %sign3A_2316 = arith.extui %sign3A_2315 : i1 to i32
      %sign3A_2317 = arith.constant 0 : i32
      %sign3A_2318 = arith.cmpi slt, %jit3A_2305, %sign3A_2317 : i32
      %sign3A_2319 = arith.extui %sign3A_2318 : i1 to i32
      %sign3A_2320 = arith.subi %sign3A_2316, %sign3A_2319 : i32
      %ne3A_2321 = arith.cmpi ne, %sign3A_2313, %sign3A_2320 : i32
      %rem3A_2322 = arith.remsi %min3A_2249, %jit3A_2305 : i32
      %ne3A_2323 = arith.constant 0 : i32
      %ne3A_2324 = arith.cmpi ne, %rem3A_2322, %ne3A_2323 : i32
      %and3A_2325 = arith.andi %ne3A_2321, %ne3A_2324 : i1
      %sub3A_2326 = arith.constant 1 : i32
      %sub3A_2327 = arith.subi %div3A_2306, %sub3A_2326 : i32
      %select_n3A_2328 = arith.select %and3A_2325, %sub3A_2327, %div3A_2306 : i32
      %mul3A_2329 = arith.constant 16 : i32
      %mul3A_2330 = arith.muli %select_n3A_2328, %mul3A_2329 : i32
      %get3A_2331 = arith.index_cast %mul3A_2330 : i32 to index
      %get3A_2332 = tpu.vector_load %arg8[%get3A_2331] {strides = array<i32>} : memref<512xi32, #tpu.memory_space<vmem>>, vector<16xi32>,
      %jit3A_2333 = arith.constant 16 : i32
      %eq3A_2334 = arith.constant 0 : i32
      %eq3A_2335 = arith.cmpi eq, %jit3A_2333, %eq3A_2334 : i32
      %jit3A_2336 = arith.constant 1 : i32
      %select_n3A_2337 = arith.select %eq3A_2335, %jit3A_2336, %jit3A_2333 : i32
      %rem3A_2338 = arith.remsi %min3A_2249, %select_n3A_2337 : i32
      %ne3A_2339 = arith.constant 0 : i32
      %ne3A_2340 = arith.cmpi ne, %rem3A_2338, %ne3A_2339 : i32
      %lt3A_2341 = arith.constant 0 : i32
      %lt3A_2342 = arith.cmpi slt, %rem3A_2338, %lt3A_2341 : i32
      %lt3A_2343 = arith.constant 0 : i32
      %lt3A_2344 = arith.cmpi slt, %select_n3A_2337, %lt3A_2343 : i32
      %ne3A_2345 = arith.xori %lt3A_2342, %lt3A_2344 : i1
      %and3A_2346 = arith.andi %ne3A_2345, %ne3A_2340 : i1
      %add3A_2347 = arith.addi %rem3A_2338, %select_n3A_2337 : i32
      %select_n3A_2348 = arith.select %and3A_2346, %add3A_2347, %rem3A_2338 : i32
      %eq3A_2349 = vector.broadcast %select_n3A_2348 : i32 to vector<16xi32>
      %eq3A_2350 = arith.cmpi eq, %iota3A, %eq3A_2349 : vector<16xi32>
      %jit3A_2351 = arith.constant 0 : i32
      %broadcast_in_dim3A_2352 = vector.broadcast %jit3A_2351 : i32 to vector<16xi32>
      %select_n3A_2353 = arith.select %eq3A_2350, %get3A_2332, %broadcast_in_dim3A_2352 : vector<16xi1>, vector<16xi32>
      %reduce_sum3A_2354 = arith.constant true
      %reduce_sum3A_2355 = vector.broadcast %reduce_sum3A_2354 : i1 to vector<16xi1>
      %reduce_sum3A_2356 = tpu.scan <sum>, %select_n3A_2353 masked %reduce_sum3A_2355 : vector<16xi32>, vector<16xi1> -> vector<16xi32>
      %reduce_sum3A_2357 = vector.extract %reduce_sum3A_2356[15] : i32 from vector<16xi32>
      %shift_right_logical3A_2358 = arith.constant 7 : i32
      %shift_right_logical3A_2359 = arith.shrui %reduce_sum3A_2357, %shift_right_logical3A_2358 : i32
      %mul3A_2360 = arith.constant 128 : i32
      %mul3A_2361 = arith.muli %shift_right_logical3A_2304, %mul3A_2360 : i32
      %multiple_of3A_2362 = tpu.assume_multiple %mul3A_2361, 128 : i32
      %dma_start3A_2363 = arith.constant 0 : i32
      %dma_start3A_2364 = tpu.memref_slice %arg4[%dma_start3A_2363, %multiple_of3A_2362] : memref<32x1000000xf32, #tpu.memory_space<hbm>> -> memref<32x128xf32, #tpu.memory_space<hbm>>
      %dma_start3A_2365 = arith.constant 0 : i32
      %dma_start3A_2366 = tpu.memref_slice %arg4[%dma_start3A_2365, %multiple_of3A_2362] : memref<32x1000000xf32, #tpu.memory_space<hbm>> -> memref<32x128xf32, #tpu.memory_space<hbm>>
      tpu.enqueue_dma source(%dma_start3A_2366 : memref<32x128xf32, #tpu.memory_space<hbm>>) target(%arg9 : memref<32x128xf32, #tpu.memory_space<vmem>>) target_semaphore(%arg28 : memref<!tpu.dma_semaphore, #tpu.memory_space<semaphore_mem>>)
      %mul3A_2367 = arith.constant 128 : i32
      %mul3A_2368 = arith.muli %shift_right_logical3A_2359, %mul3A_2367 : i32
      %multiple_of3A_2369 = tpu.assume_multiple %mul3A_2368, 128 : i32
      %dma_start3A_2370 = arith.constant 0 : i32
      %dma_start3A_2371 = tpu.memref_slice %arg5[%dma_start3A_2370, %multiple_of3A_2369] : memref<32x1000000xf32, #tpu.memory_space<hbm>> -> memref<32x128xf32, #tpu.memory_space<hbm>>
      %dma_start3A_2372 = arith.constant 0 : i32
      %dma_start3A_2373 = tpu.memref_slice %arg5[%dma_start3A_2372, %multiple_of3A_2369] : memref<32x1000000xf32, #tpu.memory_space<hbm>> -> memref<32x128xf32, #tpu.memory_space<hbm>>
      tpu.enqueue_dma source(%dma_start3A_2373 : memref<32x128xf32, #tpu.memory_space<hbm>>) target(%arg17 : memref<32x128xf32, #tpu.memory_space<vmem>>) target_semaphore(%arg36 : memref<!tpu.dma_semaphore, #tpu.memory_space<semaphore_mem>>)
      %exp3A_2374 = math.exp %gather3A_2241 : vector<16xf32>
      %exp3A_2375 = math.exp %gather3A_2245 : vector<16xf32>
      %neg3A_2376 = arith.constant 0.000000e+00 : f32
      %neg3A_2377 = vector.broadcast %neg3A_2376 : f32 to vector<16xf32>
      %neg3A_2378 = arith.subf %neg3A_2377, %gather3A_2236 : vector<16xf32>
      %exp3A_2379 = math.exp %neg3A_2378 : vector<16xf32>
      %add3A_2380 = arith.constant 1.000000e+00 : f32
      %add3A_2381 = vector.broadcast %add3A_2380 : f32 to vector<16xf32>
      %add3A_2382 = arith.addf %add3A_2381, %exp3A_2379 : vector<16xf32>
      %div3A_2383 = arith.constant 1.000000e+00 : f32
      %div3A_2384 = vector.broadcast %div3A_2383 : f32 to vector<16xf32>
      %div3A_2385 = arith.divf %div3A_2384, %add3A_2382 : vector<16xf32>
      %neg3A_2386 = arith.constant 0.000000e+00 : f32
      %neg3A_2387 = vector.broadcast %neg3A_2386 : f32 to vector<16xf32>
      %neg3A_2388 = arith.subf %neg3A_2387, %gather3A_2240 : vector<16xf32>
      %exp3A_2389 = math.exp %neg3A_2388 : vector<16xf32>
      %add3A_2390 = arith.constant 1.000000e+00 : f32
      %add3A_2391 = vector.broadcast %add3A_2390 : f32 to vector<16xf32>
      %add3A_2392 = arith.addf %add3A_2391, %exp3A_2389 : vector<16xf32>
      %div3A_2393 = arith.constant 1.000000e+00 : f32
      %div3A_2394 = vector.broadcast %div3A_2393 : f32 to vector<16xf32>
      %div3A_2395 = arith.divf %div3A_2394, %add3A_2392 : vector<16xf32>
      %mul3A_2396 = arith.mulf %exp3A_2374, %div3A_2385 : vector<16xf32>
      %mul3A_2397 = arith.mulf %exp3A_2375, %div3A_2395 : vector<16xf32>
      %add3A_2398 = arith.addf %mul3A_2396, %mul3A_2397 : vector<16xf32>
      %swap3A_2399 = arith.constant 128 : index
      %swap3A_2400 = tpu.vector_load %arg25[%swap3A_2399] {strides = array<i32>} : memref<256xf32, #tpu.memory_space<vmem>>, vector<16xf32>,
      tpu.vector_store %arg25[%swap3A_2399], %add3A_2398 {strides = array<i32>} : memref<256xf32, #tpu.memory_space<vmem>>, vector<16xf32>,
      %add3A_2401 = arith.addf %exp3A_2374, %exp3A_2375 : vector<16xf32>
      %swap3A_2402 = arith.constant 128 : index
      %swap3A_2403 = tpu.vector_load %arg26[%swap3A_2402] {strides = array<i32>} : memref<256xf32, #tpu.memory_space<vmem>>, vector<16xf32>,
      tpu.vector_store %arg26[%swap3A_2402], %add3A_2401 {strides = array<i32>} : memref<256xf32, #tpu.memory_space<vmem>>, vector<16xf32>,
      %mul3A_2404 = arith.constant 16 : i32
      %mul3A_2405 = arith.muli %scan3A_434, %mul3A_2404 : i32
      %add3A_2406 = arith.constant 9 : i32
      %add3A_2407 = arith.addi %mul3A_2405, %add3A_2406 : i32
      %dma_wait3A_2408 = arith.constant 0 : i32
      %dma_wait3A_2409 = arith.constant 0 : i32
      %dma_wait3A_2410 = tpu.memref_slice %arg4[%dma_wait3A_2408, %dma_wait3A_2409] : memref<32x1000000xf32, #tpu.memory_space<hbm>> -> memref<32x128xf32, #tpu.memory_space<hbm>>
      %dma_wait3A_2411 = arith.constant 0 : i32
      %dma_wait3A_2412 = arith.constant 0 : i32
      %dma_wait3A_2413 = tpu.memref_slice %arg4[%dma_wait3A_2411, %dma_wait3A_2412] : memref<32x1000000xf32, #tpu.memory_space<hbm>> -> memref<32x128xf32, #tpu.memory_space<hbm>>
      tpu.wait_dma2 semaphore(%arg29 : memref<!tpu.dma_semaphore, #tpu.memory_space<semaphore_mem>>) src(%dma_wait3A_2413 : memref<32x128xf32, #tpu.memory_space<hbm>>) dst(%arg10 : memref<32x128xf32, #tpu.memory_space<vmem>>)
      %dma_wait3A_2414 = arith.constant 0 : i32
      %dma_wait3A_2415 = arith.constant 0 : i32
      %dma_wait3A_2416 = tpu.memref_slice %arg5[%dma_wait3A_2414, %dma_wait3A_2415] : memref<32x1000000xf32, #tpu.memory_space<hbm>> -> memref<32x128xf32, #tpu.memory_space<hbm>>
      %dma_wait3A_2417 = arith.constant 0 : i32
      %dma_wait3A_2418 = arith.constant 0 : i32
      %dma_wait3A_2419 = tpu.memref_slice %arg5[%dma_wait3A_2417, %dma_wait3A_2418] : memref<32x1000000xf32, #tpu.memory_space<hbm>> -> memref<32x128xf32, #tpu.memory_space<hbm>>
      tpu.wait_dma2 semaphore(%arg37 : memref<!tpu.dma_semaphore, #tpu.memory_space<semaphore_mem>>) src(%dma_wait3A_2419 : memref<32x128xf32, #tpu.memory_space<hbm>>) dst(%arg18 : memref<32x128xf32, #tpu.memory_space<vmem>>)
      %mul3A_2420 = arith.constant 16 : i32
      %mul3A_2421 = arith.muli %scan3A_434, %mul3A_2420 : i32
      %get3A_2422 = arith.index_cast %mul3A_2421 : i32 to index
      %get3A_2423 = tpu.vector_load %arg7[%get3A_2422] {strides = array<i32>} : memref<512xi32, #tpu.memory_space<vmem>>, vector<16xi32>,
      %mul3A_2424 = arith.constant 16 : i32
      %mul3A_2425 = arith.muli %scan3A_434, %mul3A_2424 : i32
      %get3A_2426 = arith.index_cast %mul3A_2425 : i32 to index
      %get3A_2427 = tpu.vector_load %arg8[%get3A_2426] {strides = array<i32>} : memref<512xi32, #tpu.memory_space<vmem>>, vector<16xi32>,
      %broadcast_in_dim3A_2428 = arith.constant 9 : i32
      %broadcast_in_dim3A_2429 = vector.broadcast %broadcast_in_dim3A_2428 : i32 to vector<16xi32>
      %lt3A_2430 = arith.constant 0 : i32
      %lt3A_2431 = vector.broadcast %lt3A_2430 : i32 to vector<16xi32>
      %lt3A_2432 = arith.cmpi slt, %broadcast_in_dim3A_2429, %lt3A_2431 : vector<16xi32>
      %add3A_2433 = arith.constant 16 : i32
      %add3A_2434 = vector.broadcast %add3A_2433 : i32 to vector<16xi32>
      %add3A_2435 = arith.addi %broadcast_in_dim3A_2429, %add3A_2434 : vector<16xi32>
      %select_n3A_2436 = arith.select %lt3A_2432, %add3A_2435, %broadcast_in_dim3A_2429 : vector<16xi1>, vector<16xi32>
      %broadcast_in_dim3A_2437 = vector.shape_cast %select_n3A_2436 : vector<16xi32> to vector<16x1xi32>
      %gather3A_2438 = vector.shape_cast %broadcast_in_dim3A_2437 : vector<16x1xi32> to vector<16xi32>
      %gather3A_2439 = tpu.dynamic_gather %get3A_2423[%gather3A_2438] in [0] : vector<16xi32>, vector<16xi32> -> vector<16xi32>
      %and3A_2440 = arith.constant 127 : i32
      %and3A_2441 = vector.broadcast %and3A_2440 : i32 to vector<16xi32>
      %and3A_2442 = arith.andi %gather3A_2439, %and3A_2441 : vector<16xi32>
      %lt3A_2443 = arith.constant 0 : i32
      %lt3A_2444 = vector.broadcast %lt3A_2443 : i32 to vector<16xi32>
      %lt3A_2445 = arith.cmpi slt, %broadcast_in_dim3A_2429, %lt3A_2444 : vector<16xi32>
      %add3A_2446 = arith.constant 16 : i32
      %add3A_2447 = vector.broadcast %add3A_2446 : i32 to vector<16xi32>
      %add3A_2448 = arith.addi %broadcast_in_dim3A_2429, %add3A_2447 : vector<16xi32>
      %select_n3A_2449 = arith.select %lt3A_2445, %add3A_2448, %broadcast_in_dim3A_2429 : vector<16xi1>, vector<16xi32>
      %broadcast_in_dim3A_2450 = vector.shape_cast %select_n3A_2449 : vector<16xi32> to vector<16x1xi32>
      %gather3A_2451 = vector.shape_cast %broadcast_in_dim3A_2450 : vector<16x1xi32> to vector<16xi32>
      %gather3A_2452 = tpu.dynamic_gather %get3A_2427[%gather3A_2451] in [0] : vector<16xi32>, vector<16xi32> -> vector<16xi32>
      %and3A_2453 = arith.constant 127 : i32
      %and3A_2454 = vector.broadcast %and3A_2453 : i32 to vector<16xi32>
      %and3A_2455 = arith.andi %gather3A_2452, %and3A_2454 : vector<16xi32>
      %gather3A_2456 = tpu.vector_load_idx %arg10[%iota3A, %and3A_2442] : memref<32x128xf32, #tpu.memory_space<vmem>>[vector<16xi32>, vector<16xi32>], vector<16xf32>,
      %add3A_2457 = arith.constant 16 : i32
      %add3A_2458 = vector.broadcast %add3A_2457 : i32 to vector<16xi32>
      %add3A_2459 = arith.addi %iota3A, %add3A_2458 : vector<16xi32>
      %gather3A_2460 = tpu.vector_load_idx %arg10[%add3A_2459, %and3A_2442] : memref<32x128xf32, #tpu.memory_space<vmem>>[vector<16xi32>, vector<16xi32>], vector<16xf32>,
      %gather3A_2461 = tpu.vector_load_idx %arg18[%iota3A, %and3A_2455] : memref<32x128xf32, #tpu.memory_space<vmem>>[vector<16xi32>, vector<16xi32>], vector<16xf32>,
      %add3A_2462 = arith.constant 16 : i32
      %add3A_2463 = vector.broadcast %add3A_2462 : i32 to vector<16xi32>
      %add3A_2464 = arith.addi %iota3A, %add3A_2463 : vector<16xi32>
      %gather3A_2465 = tpu.vector_load_idx %arg18[%add3A_2464, %and3A_2455] : memref<32x128xf32, #tpu.memory_space<vmem>>[vector<16xi32>, vector<16xi32>], vector<16xf32>,
      %add3A_2466 = arith.constant 8 : i32
      %add3A_2467 = arith.addi %add3A_2407, %add3A_2466 : i32
      %min3A_2468 = arith.constant 511 : i32
      %min3A_2469 = arith.minsi %add3A_2467, %min3A_2468 : i32
      %jit3A_2470 = arith.constant 16 : i32
      %div3A_2471 = arith.divsi %min3A_2469, %jit3A_2470 : i32
      %sign3A_2472 = arith.constant 0 : i32
      %sign3A_2473 = arith.cmpi sgt, %min3A_2469, %sign3A_2472 : i32
      %sign3A_2474 = arith.extui %sign3A_2473 : i1 to i32
      %sign3A_2475 = arith.constant 0 : i32
      %sign3A_2476 = arith.cmpi slt, %min3A_2469, %sign3A_2475 : i32
      %sign3A_2477 = arith.extui %sign3A_2476 : i1 to i32
      %sign3A_2478 = arith.subi %sign3A_2474, %sign3A_2477 : i32
      %sign3A_2479 = arith.constant 0 : i32
      %sign3A_2480 = arith.cmpi sgt, %jit3A_2470, %sign3A_2479 : i32
      %sign3A_2481 = arith.extui %sign3A_2480 : i1 to i32
      %sign3A_2482 = arith.constant 0 : i32
      %sign3A_2483 = arith.cmpi slt, %jit3A_2470, %sign3A_2482 : i32
      %sign3A_2484 = arith.extui %sign3A_2483 : i1 to i32
      %sign3A_2485 = arith.subi %sign3A_2481, %sign3A_2484 : i32
      %ne3A_2486 = arith.cmpi ne, %sign3A_2478, %sign3A_2485 : i32
      %rem3A_2487 = arith.remsi %min3A_2469, %jit3A_2470 : i32
      %ne3A_2488 = arith.constant 0 : i32
      %ne3A_2489 = arith.cmpi ne, %rem3A_2487, %ne3A_2488 : i32
      %and3A_2490 = arith.andi %ne3A_2486, %ne3A_2489 : i1
      %sub3A_2491 = arith.constant 1 : i32
      %sub3A_2492 = arith.subi %div3A_2471, %sub3A_2491 : i32
      %select_n3A_2493 = arith.select %and3A_2490, %sub3A_2492, %div3A_2471 : i32
      %mul3A_2494 = arith.constant 16 : i32
      %mul3A_2495 = arith.muli %select_n3A_2493, %mul3A_2494 : i32
      %get3A_2496 = arith.index_cast %mul3A_2495 : i32 to index
      %get3A_2497 = tpu.vector_load %arg7[%get3A_2496] {strides = array<i32>} : memref<512xi32, #tpu.memory_space<vmem>>, vector<16xi32>,
      %jit3A_2498 = arith.constant 16 : i32
      %eq3A_2499 = arith.constant 0 : i32
      %eq3A_2500 = arith.cmpi eq, %jit3A_2498, %eq3A_2499 : i32
      %jit3A_2501 = arith.constant 1 : i32
      %select_n3A_2502 = arith.select %eq3A_2500, %jit3A_2501, %jit3A_2498 : i32
      %rem3A_2503 = arith.remsi %min3A_2469, %select_n3A_2502 : i32
      %ne3A_2504 = arith.constant 0 : i32
      %ne3A_2505 = arith.cmpi ne, %rem3A_2503, %ne3A_2504 : i32
      %lt3A_2506 = arith.constant 0 : i32
      %lt3A_2507 = arith.cmpi slt, %rem3A_2503, %lt3A_2506 : i32
      %lt3A_2508 = arith.constant 0 : i32
      %lt3A_2509 = arith.cmpi slt, %select_n3A_2502, %lt3A_2508 : i32
      %ne3A_2510 = arith.xori %lt3A_2507, %lt3A_2509 : i1
      %and3A_2511 = arith.andi %ne3A_2510, %ne3A_2505 : i1
      %add3A_2512 = arith.addi %rem3A_2503, %select_n3A_2502 : i32
      %select_n3A_2513 = arith.select %and3A_2511, %add3A_2512, %rem3A_2503 : i32
      %eq3A_2514 = vector.broadcast %select_n3A_2513 : i32 to vector<16xi32>
      %eq3A_2515 = arith.cmpi eq, %iota3A, %eq3A_2514 : vector<16xi32>
      %jit3A_2516 = arith.constant 0 : i32
      %broadcast_in_dim3A_2517 = vector.broadcast %jit3A_2516 : i32 to vector<16xi32>
      %select_n3A_2518 = arith.select %eq3A_2515, %get3A_2497, %broadcast_in_dim3A_2517 : vector<16xi1>, vector<16xi32>
      %reduce_sum3A_2519 = arith.constant true
      %reduce_sum3A_2520 = vector.broadcast %reduce_sum3A_2519 : i1 to vector<16xi1>
      %reduce_sum3A_2521 = tpu.scan <sum>, %select_n3A_2518 masked %reduce_sum3A_2520 : vector<16xi32>, vector<16xi1> -> vector<16xi32>
      %reduce_sum3A_2522 = vector.extract %reduce_sum3A_2521[15] : i32 from vector<16xi32>
      %shift_right_logical3A_2523 = arith.constant 7 : i32
      %shift_right_logical3A_2524 = arith.shrui %reduce_sum3A_2522, %shift_right_logical3A_2523 : i32
      %jit3A_2525 = arith.constant 16 : i32
      %div3A_2526 = arith.divsi %min3A_2469, %jit3A_2525 : i32
      %sign3A_2527 = arith.constant 0 : i32
      %sign3A_2528 = arith.cmpi sgt, %min3A_2469, %sign3A_2527 : i32
      %sign3A_2529 = arith.extui %sign3A_2528 : i1 to i32
      %sign3A_2530 = arith.constant 0 : i32
      %sign3A_2531 = arith.cmpi slt, %min3A_2469, %sign3A_2530 : i32
      %sign3A_2532 = arith.extui %sign3A_2531 : i1 to i32
      %sign3A_2533 = arith.subi %sign3A_2529, %sign3A_2532 : i32
      %sign3A_2534 = arith.constant 0 : i32
      %sign3A_2535 = arith.cmpi sgt, %jit3A_2525, %sign3A_2534 : i32
      %sign3A_2536 = arith.extui %sign3A_2535 : i1 to i32
      %sign3A_2537 = arith.constant 0 : i32
      %sign3A_2538 = arith.cmpi slt, %jit3A_2525, %sign3A_2537 : i32
      %sign3A_2539 = arith.extui %sign3A_2538 : i1 to i32
      %sign3A_2540 = arith.subi %sign3A_2536, %sign3A_2539 : i32
      %ne3A_2541 = arith.cmpi ne, %sign3A_2533, %sign3A_2540 : i32
      %rem3A_2542 = arith.remsi %min3A_2469, %jit3A_2525 : i32
      %ne3A_2543 = arith.constant 0 : i32
      %ne3A_2544 = arith.cmpi ne, %rem3A_2542, %ne3A_2543 : i32
      %and3A_2545 = arith.andi %ne3A_2541, %ne3A_2544 : i1
      %sub3A_2546 = arith.constant 1 : i32
      %sub3A_2547 = arith.subi %div3A_2526, %sub3A_2546 : i32
      %select_n3A_2548 = arith.select %and3A_2545, %sub3A_2547, %div3A_2526 : i32
      %mul3A_2549 = arith.constant 16 : i32
      %mul3A_2550 = arith.muli %select_n3A_2548, %mul3A_2549 : i32
      %get3A_2551 = arith.index_cast %mul3A_2550 : i32 to index
      %get3A_2552 = tpu.vector_load %arg8[%get3A_2551] {strides = array<i32>} : memref<512xi32, #tpu.memory_space<vmem>>, vector<16xi32>,
      %jit3A_2553 = arith.constant 16 : i32
      %eq3A_2554 = arith.constant 0 : i32
      %eq3A_2555 = arith.cmpi eq, %jit3A_2553, %eq3A_2554 : i32
      %jit3A_2556 = arith.constant 1 : i32
      %select_n3A_2557 = arith.select %eq3A_2555, %jit3A_2556, %jit3A_2553 : i32
      %rem3A_2558 = arith.remsi %min3A_2469, %select_n3A_2557 : i32
      %ne3A_2559 = arith.constant 0 : i32
      %ne3A_2560 = arith.cmpi ne, %rem3A_2558, %ne3A_2559 : i32
      %lt3A_2561 = arith.constant 0 : i32
      %lt3A_2562 = arith.cmpi slt, %rem3A_2558, %lt3A_2561 : i32
      %lt3A_2563 = arith.constant 0 : i32
      %lt3A_2564 = arith.cmpi slt, %select_n3A_2557, %lt3A_2563 : i32
      %ne3A_2565 = arith.xori %lt3A_2562, %lt3A_2564 : i1
      %and3A_2566 = arith.andi %ne3A_2565, %ne3A_2560 : i1
      %add3A_2567 = arith.addi %rem3A_2558, %select_n3A_2557 : i32
      %select_n3A_2568 = arith.select %and3A_2566, %add3A_2567, %rem3A_2558 : i32
      %eq3A_2569 = vector.broadcast %select_n3A_2568 : i32 to vector<16xi32>
      %eq3A_2570 = arith.cmpi eq, %iota3A, %eq3A_2569 : vector<16xi32>
      %jit3A_2571 = arith.constant 0 : i32
      %broadcast_in_dim3A_2572 = vector.broadcast %jit3A_2571 : i32 to vector<16xi32>
      %select_n3A_2573 = arith.select %eq3A_2570, %get3A_2552, %broadcast_in_dim3A_2572 : vector<16xi1>, vector<16xi32>
      %reduce_sum3A_2574 = arith.constant true
      %reduce_sum3A_2575 = vector.broadcast %reduce_sum3A_2574 : i1 to vector<16xi1>
      %reduce_sum3A_2576 = tpu.scan <sum>, %select_n3A_2573 masked %reduce_sum3A_2575 : vector<16xi32>, vector<16xi1> -> vector<16xi32>
      %reduce_sum3A_2577 = vector.extract %reduce_sum3A_2576[15] : i32 from vector<16xi32>
      %shift_right_logical3A_2578 = arith.constant 7 : i32
      %shift_right_logical3A_2579 = arith.shrui %reduce_sum3A_2577, %shift_right_logical3A_2578 : i32
      %mul3A_2580 = arith.constant 128 : i32
      %mul3A_2581 = arith.muli %shift_right_logical3A_2524, %mul3A_2580 : i32
      %multiple_of3A_2582 = tpu.assume_multiple %mul3A_2581, 128 : i32
      %dma_start3A_2583 = arith.constant 0 : i32
      %dma_start3A_2584 = tpu.memref_slice %arg4[%dma_start3A_2583, %multiple_of3A_2582] : memref<32x1000000xf32, #tpu.memory_space<hbm>> -> memref<32x128xf32, #tpu.memory_space<hbm>>
      %dma_start3A_2585 = arith.constant 0 : i32
      %dma_start3A_2586 = tpu.memref_slice %arg4[%dma_start3A_2585, %multiple_of3A_2582] : memref<32x1000000xf32, #tpu.memory_space<hbm>> -> memref<32x128xf32, #tpu.memory_space<hbm>>
      tpu.enqueue_dma source(%dma_start3A_2586 : memref<32x128xf32, #tpu.memory_space<hbm>>) target(%arg10 : memref<32x128xf32, #tpu.memory_space<vmem>>) target_semaphore(%arg29 : memref<!tpu.dma_semaphore, #tpu.memory_space<semaphore_mem>>)
      %mul3A_2587 = arith.constant 128 : i32
      %mul3A_2588 = arith.muli %shift_right_logical3A_2579, %mul3A_2587 : i32
      %multiple_of3A_2589 = tpu.assume_multiple %mul3A_2588, 128 : i32
      %dma_start3A_2590 = arith.constant 0 : i32
      %dma_start3A_2591 = tpu.memref_slice %arg5[%dma_start3A_2590, %multiple_of3A_2589] : memref<32x1000000xf32, #tpu.memory_space<hbm>> -> memref<32x128xf32, #tpu.memory_space<hbm>>
      %dma_start3A_2592 = arith.constant 0 : i32
      %dma_start3A_2593 = tpu.memref_slice %arg5[%dma_start3A_2592, %multiple_of3A_2589] : memref<32x1000000xf32, #tpu.memory_space<hbm>> -> memref<32x128xf32, #tpu.memory_space<hbm>>
      tpu.enqueue_dma source(%dma_start3A_2593 : memref<32x128xf32, #tpu.memory_space<hbm>>) target(%arg18 : memref<32x128xf32, #tpu.memory_space<vmem>>) target_semaphore(%arg37 : memref<!tpu.dma_semaphore, #tpu.memory_space<semaphore_mem>>)
      %exp3A_2594 = math.exp %gather3A_2461 : vector<16xf32>
      %exp3A_2595 = math.exp %gather3A_2465 : vector<16xf32>
      %neg3A_2596 = arith.constant 0.000000e+00 : f32
      %neg3A_2597 = vector.broadcast %neg3A_2596 : f32 to vector<16xf32>
      %neg3A_2598 = arith.subf %neg3A_2597, %gather3A_2456 : vector<16xf32>
      %exp3A_2599 = math.exp %neg3A_2598 : vector<16xf32>
      %add3A_2600 = arith.constant 1.000000e+00 : f32
      %add3A_2601 = vector.broadcast %add3A_2600 : f32 to vector<16xf32>
      %add3A_2602 = arith.addf %add3A_2601, %exp3A_2599 : vector<16xf32>
      %div3A_2603 = arith.constant 1.000000e+00 : f32
      %div3A_2604 = vector.broadcast %div3A_2603 : f32 to vector<16xf32>
      %div3A_2605 = arith.divf %div3A_2604, %add3A_2602 : vector<16xf32>
      %neg3A_2606 = arith.constant 0.000000e+00 : f32
      %neg3A_2607 = vector.broadcast %neg3A_2606 : f32 to vector<16xf32>
      %neg3A_2608 = arith.subf %neg3A_2607, %gather3A_2460 : vector<16xf32>
      %exp3A_2609 = math.exp %neg3A_2608 : vector<16xf32>
      %add3A_2610 = arith.constant 1.000000e+00 : f32
      %add3A_2611 = vector.broadcast %add3A_2610 : f32 to vector<16xf32>
      %add3A_2612 = arith.addf %add3A_2611, %exp3A_2609 : vector<16xf32>
      %div3A_2613 = arith.constant 1.000000e+00 : f32
      %div3A_2614 = vector.broadcast %div3A_2613 : f32 to vector<16xf32>
      %div3A_2615 = arith.divf %div3A_2614, %add3A_2612 : vector<16xf32>
      %mul3A_2616 = arith.mulf %exp3A_2594, %div3A_2605 : vector<16xf32>
      %mul3A_2617 = arith.mulf %exp3A_2595, %div3A_2615 : vector<16xf32>
      %add3A_2618 = arith.addf %mul3A_2616, %mul3A_2617 : vector<16xf32>
      %swap3A_2619 = arith.constant 144 : index
      %swap3A_2620 = tpu.vector_load %arg25[%swap3A_2619] {strides = array<i32>} : memref<256xf32, #tpu.memory_space<vmem>>, vector<16xf32>,
      tpu.vector_store %arg25[%swap3A_2619], %add3A_2618 {strides = array<i32>} : memref<256xf32, #tpu.memory_space<vmem>>, vector<16xf32>,
      %add3A_2621 = arith.addf %exp3A_2594, %exp3A_2595 : vector<16xf32>
      %swap3A_2622 = arith.constant 144 : index
      %swap3A_2623 = tpu.vector_load %arg26[%swap3A_2622] {strides = array<i32>} : memref<256xf32, #tpu.memory_space<vmem>>, vector<16xf32>,
      tpu.vector_store %arg26[%swap3A_2622], %add3A_2621 {strides = array<i32>} : memref<256xf32, #tpu.memory_space<vmem>>, vector<16xf32>,
      %mul3A_2624 = arith.constant 16 : i32
      %mul3A_2625 = arith.muli %scan3A_434, %mul3A_2624 : i32
      %add3A_2626 = arith.constant 10 : i32
      %add3A_2627 = arith.addi %mul3A_2625, %add3A_2626 : i32
      %dma_wait3A_2628 = arith.constant 0 : i32
      %dma_wait3A_2629 = arith.constant 0 : i32
      %dma_wait3A_2630 = tpu.memref_slice %arg4[%dma_wait3A_2628, %dma_wait3A_2629] : memref<32x1000000xf32, #tpu.memory_space<hbm>> -> memref<32x128xf32, #tpu.memory_space<hbm>>
      %dma_wait3A_2631 = arith.constant 0 : i32
      %dma_wait3A_2632 = arith.constant 0 : i32
      %dma_wait3A_2633 = tpu.memref_slice %arg4[%dma_wait3A_2631, %dma_wait3A_2632] : memref<32x1000000xf32, #tpu.memory_space<hbm>> -> memref<32x128xf32, #tpu.memory_space<hbm>>
      tpu.wait_dma2 semaphore(%arg30 : memref<!tpu.dma_semaphore, #tpu.memory_space<semaphore_mem>>) src(%dma_wait3A_2633 : memref<32x128xf32, #tpu.memory_space<hbm>>) dst(%arg11 : memref<32x128xf32, #tpu.memory_space<vmem>>)
      %dma_wait3A_2634 = arith.constant 0 : i32
      %dma_wait3A_2635 = arith.constant 0 : i32
      %dma_wait3A_2636 = tpu.memref_slice %arg5[%dma_wait3A_2634, %dma_wait3A_2635] : memref<32x1000000xf32, #tpu.memory_space<hbm>> -> memref<32x128xf32, #tpu.memory_space<hbm>>
      %dma_wait3A_2637 = arith.constant 0 : i32
      %dma_wait3A_2638 = arith.constant 0 : i32
      %dma_wait3A_2639 = tpu.memref_slice %arg5[%dma_wait3A_2637, %dma_wait3A_2638] : memref<32x1000000xf32, #tpu.memory_space<hbm>> -> memref<32x128xf32, #tpu.memory_space<hbm>>
      tpu.wait_dma2 semaphore(%arg38 : memref<!tpu.dma_semaphore, #tpu.memory_space<semaphore_mem>>) src(%dma_wait3A_2639 : memref<32x128xf32, #tpu.memory_space<hbm>>) dst(%arg19 : memref<32x128xf32, #tpu.memory_space<vmem>>)
      %mul3A_2640 = arith.constant 16 : i32
      %mul3A_2641 = arith.muli %scan3A_434, %mul3A_2640 : i32
      %get3A_2642 = arith.index_cast %mul3A_2641 : i32 to index
      %get3A_2643 = tpu.vector_load %arg7[%get3A_2642] {strides = array<i32>} : memref<512xi32, #tpu.memory_space<vmem>>, vector<16xi32>,
      %mul3A_2644 = arith.constant 16 : i32
      %mul3A_2645 = arith.muli %scan3A_434, %mul3A_2644 : i32
      %get3A_2646 = arith.index_cast %mul3A_2645 : i32 to index
      %get3A_2647 = tpu.vector_load %arg8[%get3A_2646] {strides = array<i32>} : memref<512xi32, #tpu.memory_space<vmem>>, vector<16xi32>,
      %broadcast_in_dim3A_2648 = arith.constant 10 : i32
      %broadcast_in_dim3A_2649 = vector.broadcast %broadcast_in_dim3A_2648 : i32 to vector<16xi32>
      %lt3A_2650 = arith.constant 0 : i32
      %lt3A_2651 = vector.broadcast %lt3A_2650 : i32 to vector<16xi32>
      %lt3A_2652 = arith.cmpi slt, %broadcast_in_dim3A_2649, %lt3A_2651 : vector<16xi32>
      %add3A_2653 = arith.constant 16 : i32
      %add3A_2654 = vector.broadcast %add3A_2653 : i32 to vector<16xi32>
      %add3A_2655 = arith.addi %broadcast_in_dim3A_2649, %add3A_2654 : vector<16xi32>
      %select_n3A_2656 = arith.select %lt3A_2652, %add3A_2655, %broadcast_in_dim3A_2649 : vector<16xi1>, vector<16xi32>
      %broadcast_in_dim3A_2657 = vector.shape_cast %select_n3A_2656 : vector<16xi32> to vector<16x1xi32>
      %gather3A_2658 = vector.shape_cast %broadcast_in_dim3A_2657 : vector<16x1xi32> to vector<16xi32>
      %gather3A_2659 = tpu.dynamic_gather %get3A_2643[%gather3A_2658] in [0] : vector<16xi32>, vector<16xi32> -> vector<16xi32>
      %and3A_2660 = arith.constant 127 : i32
      %and3A_2661 = vector.broadcast %and3A_2660 : i32 to vector<16xi32>
      %and3A_2662 = arith.andi %gather3A_2659, %and3A_2661 : vector<16xi32>
      %lt3A_2663 = arith.constant 0 : i32
      %lt3A_2664 = vector.broadcast %lt3A_2663 : i32 to vector<16xi32>
      %lt3A_2665 = arith.cmpi slt, %broadcast_in_dim3A_2649, %lt3A_2664 : vector<16xi32>
      %add3A_2666 = arith.constant 16 : i32
      %add3A_2667 = vector.broadcast %add3A_2666 : i32 to vector<16xi32>
      %add3A_2668 = arith.addi %broadcast_in_dim3A_2649, %add3A_2667 : vector<16xi32>
      %select_n3A_2669 = arith.select %lt3A_2665, %add3A_2668, %broadcast_in_dim3A_2649 : vector<16xi1>, vector<16xi32>
      %broadcast_in_dim3A_2670 = vector.shape_cast %select_n3A_2669 : vector<16xi32> to vector<16x1xi32>
      %gather3A_2671 = vector.shape_cast %broadcast_in_dim3A_2670 : vector<16x1xi32> to vector<16xi32>
      %gather3A_2672 = tpu.dynamic_gather %get3A_2647[%gather3A_2671] in [0] : vector<16xi32>, vector<16xi32> -> vector<16xi32>
      %and3A_2673 = arith.constant 127 : i32
      %and3A_2674 = vector.broadcast %and3A_2673 : i32 to vector<16xi32>
      %and3A_2675 = arith.andi %gather3A_2672, %and3A_2674 : vector<16xi32>
      %gather3A_2676 = tpu.vector_load_idx %arg11[%iota3A, %and3A_2662] : memref<32x128xf32, #tpu.memory_space<vmem>>[vector<16xi32>, vector<16xi32>], vector<16xf32>,
      %add3A_2677 = arith.constant 16 : i32
      %add3A_2678 = vector.broadcast %add3A_2677 : i32 to vector<16xi32>
      %add3A_2679 = arith.addi %iota3A, %add3A_2678 : vector<16xi32>
      %gather3A_2680 = tpu.vector_load_idx %arg11[%add3A_2679, %and3A_2662] : memref<32x128xf32, #tpu.memory_space<vmem>>[vector<16xi32>, vector<16xi32>], vector<16xf32>,
      %gather3A_2681 = tpu.vector_load_idx %arg19[%iota3A, %and3A_2675] : memref<32x128xf32, #tpu.memory_space<vmem>>[vector<16xi32>, vector<16xi32>], vector<16xf32>,
      %add3A_2682 = arith.constant 16 : i32
      %add3A_2683 = vector.broadcast %add3A_2682 : i32 to vector<16xi32>
      %add3A_2684 = arith.addi %iota3A, %add3A_2683 : vector<16xi32>
      %gather3A_2685 = tpu.vector_load_idx %arg19[%add3A_2684, %and3A_2675] : memref<32x128xf32, #tpu.memory_space<vmem>>[vector<16xi32>, vector<16xi32>], vector<16xf32>,
      %add3A_2686 = arith.constant 8 : i32
      %add3A_2687 = arith.addi %add3A_2627, %add3A_2686 : i32
      %min3A_2688 = arith.constant 511 : i32
      %min3A_2689 = arith.minsi %add3A_2687, %min3A_2688 : i32
      %jit3A_2690 = arith.constant 16 : i32
      %div3A_2691 = arith.divsi %min3A_2689, %jit3A_2690 : i32
      %sign3A_2692 = arith.constant 0 : i32
      %sign3A_2693 = arith.cmpi sgt, %min3A_2689, %sign3A_2692 : i32
      %sign3A_2694 = arith.extui %sign3A_2693 : i1 to i32
      %sign3A_2695 = arith.constant 0 : i32
      %sign3A_2696 = arith.cmpi slt, %min3A_2689, %sign3A_2695 : i32
      %sign3A_2697 = arith.extui %sign3A_2696 : i1 to i32
      %sign3A_2698 = arith.subi %sign3A_2694, %sign3A_2697 : i32
      %sign3A_2699 = arith.constant 0 : i32
      %sign3A_2700 = arith.cmpi sgt, %jit3A_2690, %sign3A_2699 : i32
      %sign3A_2701 = arith.extui %sign3A_2700 : i1 to i32
      %sign3A_2702 = arith.constant 0 : i32
      %sign3A_2703 = arith.cmpi slt, %jit3A_2690, %sign3A_2702 : i32
      %sign3A_2704 = arith.extui %sign3A_2703 : i1 to i32
      %sign3A_2705 = arith.subi %sign3A_2701, %sign3A_2704 : i32
      %ne3A_2706 = arith.cmpi ne, %sign3A_2698, %sign3A_2705 : i32
      %rem3A_2707 = arith.remsi %min3A_2689, %jit3A_2690 : i32
      %ne3A_2708 = arith.constant 0 : i32
      %ne3A_2709 = arith.cmpi ne, %rem3A_2707, %ne3A_2708 : i32
      %and3A_2710 = arith.andi %ne3A_2706, %ne3A_2709 : i1
      %sub3A_2711 = arith.constant 1 : i32
      %sub3A_2712 = arith.subi %div3A_2691, %sub3A_2711 : i32
      %select_n3A_2713 = arith.select %and3A_2710, %sub3A_2712, %div3A_2691 : i32
      %mul3A_2714 = arith.constant 16 : i32
      %mul3A_2715 = arith.muli %select_n3A_2713, %mul3A_2714 : i32
      %get3A_2716 = arith.index_cast %mul3A_2715 : i32 to index
      %get3A_2717 = tpu.vector_load %arg7[%get3A_2716] {strides = array<i32>} : memref<512xi32, #tpu.memory_space<vmem>>, vector<16xi32>,
      %jit3A_2718 = arith.constant 16 : i32
      %eq3A_2719 = arith.constant 0 : i32
      %eq3A_2720 = arith.cmpi eq, %jit3A_2718, %eq3A_2719 : i32
      %jit3A_2721 = arith.constant 1 : i32
      %select_n3A_2722 = arith.select %eq3A_2720, %jit3A_2721, %jit3A_2718 : i32
      %rem3A_2723 = arith.remsi %min3A_2689, %select_n3A_2722 : i32
      %ne3A_2724 = arith.constant 0 : i32
      %ne3A_2725 = arith.cmpi ne, %rem3A_2723, %ne3A_2724 : i32
      %lt3A_2726 = arith.constant 0 : i32
      %lt3A_2727 = arith.cmpi slt, %rem3A_2723, %lt3A_2726 : i32
      %lt3A_2728 = arith.constant 0 : i32
      %lt3A_2729 = arith.cmpi slt, %select_n3A_2722, %lt3A_2728 : i32
      %ne3A_2730 = arith.xori %lt3A_2727, %lt3A_2729 : i1
      %and3A_2731 = arith.andi %ne3A_2730, %ne3A_2725 : i1
      %add3A_2732 = arith.addi %rem3A_2723, %select_n3A_2722 : i32
      %select_n3A_2733 = arith.select %and3A_2731, %add3A_2732, %rem3A_2723 : i32
      %eq3A_2734 = vector.broadcast %select_n3A_2733 : i32 to vector<16xi32>
      %eq3A_2735 = arith.cmpi eq, %iota3A, %eq3A_2734 : vector<16xi32>
      %jit3A_2736 = arith.constant 0 : i32
      %broadcast_in_dim3A_2737 = vector.broadcast %jit3A_2736 : i32 to vector<16xi32>
      %select_n3A_2738 = arith.select %eq3A_2735, %get3A_2717, %broadcast_in_dim3A_2737 : vector<16xi1>, vector<16xi32>
      %reduce_sum3A_2739 = arith.constant true
      %reduce_sum3A_2740 = vector.broadcast %reduce_sum3A_2739 : i1 to vector<16xi1>
      %reduce_sum3A_2741 = tpu.scan <sum>, %select_n3A_2738 masked %reduce_sum3A_2740 : vector<16xi32>, vector<16xi1> -> vector<16xi32>
      %reduce_sum3A_2742 = vector.extract %reduce_sum3A_2741[15] : i32 from vector<16xi32>
      %shift_right_logical3A_2743 = arith.constant 7 : i32
      %shift_right_logical3A_2744 = arith.shrui %reduce_sum3A_2742, %shift_right_logical3A_2743 : i32
      %jit3A_2745 = arith.constant 16 : i32
      %div3A_2746 = arith.divsi %min3A_2689, %jit3A_2745 : i32
      %sign3A_2747 = arith.constant 0 : i32
      %sign3A_2748 = arith.cmpi sgt, %min3A_2689, %sign3A_2747 : i32
      %sign3A_2749 = arith.extui %sign3A_2748 : i1 to i32
      %sign3A_2750 = arith.constant 0 : i32
      %sign3A_2751 = arith.cmpi slt, %min3A_2689, %sign3A_2750 : i32
      %sign3A_2752 = arith.extui %sign3A_2751 : i1 to i32
      %sign3A_2753 = arith.subi %sign3A_2749, %sign3A_2752 : i32
      %sign3A_2754 = arith.constant 0 : i32
      %sign3A_2755 = arith.cmpi sgt, %jit3A_2745, %sign3A_2754 : i32
      %sign3A_2756 = arith.extui %sign3A_2755 : i1 to i32
      %sign3A_2757 = arith.constant 0 : i32
      %sign3A_2758 = arith.cmpi slt, %jit3A_2745, %sign3A_2757 : i32
      %sign3A_2759 = arith.extui %sign3A_2758 : i1 to i32
      %sign3A_2760 = arith.subi %sign3A_2756, %sign3A_2759 : i32
      %ne3A_2761 = arith.cmpi ne, %sign3A_2753, %sign3A_2760 : i32
      %rem3A_2762 = arith.remsi %min3A_2689, %jit3A_2745 : i32
      %ne3A_2763 = arith.constant 0 : i32
      %ne3A_2764 = arith.cmpi ne, %rem3A_2762, %ne3A_2763 : i32
      %and3A_2765 = arith.andi %ne3A_2761, %ne3A_2764 : i1
      %sub3A_2766 = arith.constant 1 : i32
      %sub3A_2767 = arith.subi %div3A_2746, %sub3A_2766 : i32
      %select_n3A_2768 = arith.select %and3A_2765, %sub3A_2767, %div3A_2746 : i32
      %mul3A_2769 = arith.constant 16 : i32
      %mul3A_2770 = arith.muli %select_n3A_2768, %mul3A_2769 : i32
      %get3A_2771 = arith.index_cast %mul3A_2770 : i32 to index
      %get3A_2772 = tpu.vector_load %arg8[%get3A_2771] {strides = array<i32>} : memref<512xi32, #tpu.memory_space<vmem>>, vector<16xi32>,
      %jit3A_2773 = arith.constant 16 : i32
      %eq3A_2774 = arith.constant 0 : i32
      %eq3A_2775 = arith.cmpi eq, %jit3A_2773, %eq3A_2774 : i32
      %jit3A_2776 = arith.constant 1 : i32
      %select_n3A_2777 = arith.select %eq3A_2775, %jit3A_2776, %jit3A_2773 : i32
      %rem3A_2778 = arith.remsi %min3A_2689, %select_n3A_2777 : i32
      %ne3A_2779 = arith.constant 0 : i32
      %ne3A_2780 = arith.cmpi ne, %rem3A_2778, %ne3A_2779 : i32
      %lt3A_2781 = arith.constant 0 : i32
      %lt3A_2782 = arith.cmpi slt, %rem3A_2778, %lt3A_2781 : i32
      %lt3A_2783 = arith.constant 0 : i32
      %lt3A_2784 = arith.cmpi slt, %select_n3A_2777, %lt3A_2783 : i32
      %ne3A_2785 = arith.xori %lt3A_2782, %lt3A_2784 : i1
      %and3A_2786 = arith.andi %ne3A_2785, %ne3A_2780 : i1
      %add3A_2787 = arith.addi %rem3A_2778, %select_n3A_2777 : i32
      %select_n3A_2788 = arith.select %and3A_2786, %add3A_2787, %rem3A_2778 : i32
      %eq3A_2789 = vector.broadcast %select_n3A_2788 : i32 to vector<16xi32>
      %eq3A_2790 = arith.cmpi eq, %iota3A, %eq3A_2789 : vector<16xi32>
      %jit3A_2791 = arith.constant 0 : i32
      %broadcast_in_dim3A_2792 = vector.broadcast %jit3A_2791 : i32 to vector<16xi32>
      %select_n3A_2793 = arith.select %eq3A_2790, %get3A_2772, %broadcast_in_dim3A_2792 : vector<16xi1>, vector<16xi32>
      %reduce_sum3A_2794 = arith.constant true
      %reduce_sum3A_2795 = vector.broadcast %reduce_sum3A_2794 : i1 to vector<16xi1>
      %reduce_sum3A_2796 = tpu.scan <sum>, %select_n3A_2793 masked %reduce_sum3A_2795 : vector<16xi32>, vector<16xi1> -> vector<16xi32>
      %reduce_sum3A_2797 = vector.extract %reduce_sum3A_2796[15] : i32 from vector<16xi32>
      %shift_right_logical3A_2798 = arith.constant 7 : i32
      %shift_right_logical3A_2799 = arith.shrui %reduce_sum3A_2797, %shift_right_logical3A_2798 : i32
      %mul3A_2800 = arith.constant 128 : i32
      %mul3A_2801 = arith.muli %shift_right_logical3A_2744, %mul3A_2800 : i32
      %multiple_of3A_2802 = tpu.assume_multiple %mul3A_2801, 128 : i32
      %dma_start3A_2803 = arith.constant 0 : i32
      %dma_start3A_2804 = tpu.memref_slice %arg4[%dma_start3A_2803, %multiple_of3A_2802] : memref<32x1000000xf32, #tpu.memory_space<hbm>> -> memref<32x128xf32, #tpu.memory_space<hbm>>
      %dma_start3A_2805 = arith.constant 0 : i32
      %dma_start3A_2806 = tpu.memref_slice %arg4[%dma_start3A_2805, %multiple_of3A_2802] : memref<32x1000000xf32, #tpu.memory_space<hbm>> -> memref<32x128xf32, #tpu.memory_space<hbm>>
      tpu.enqueue_dma source(%dma_start3A_2806 : memref<32x128xf32, #tpu.memory_space<hbm>>) target(%arg11 : memref<32x128xf32, #tpu.memory_space<vmem>>) target_semaphore(%arg30 : memref<!tpu.dma_semaphore, #tpu.memory_space<semaphore_mem>>)
      %mul3A_2807 = arith.constant 128 : i32
      %mul3A_2808 = arith.muli %shift_right_logical3A_2799, %mul3A_2807 : i32
      %multiple_of3A_2809 = tpu.assume_multiple %mul3A_2808, 128 : i32
      %dma_start3A_2810 = arith.constant 0 : i32
      %dma_start3A_2811 = tpu.memref_slice %arg5[%dma_start3A_2810, %multiple_of3A_2809] : memref<32x1000000xf32, #tpu.memory_space<hbm>> -> memref<32x128xf32, #tpu.memory_space<hbm>>
      %dma_start3A_2812 = arith.constant 0 : i32
      %dma_start3A_2813 = tpu.memref_slice %arg5[%dma_start3A_2812, %multiple_of3A_2809] : memref<32x1000000xf32, #tpu.memory_space<hbm>> -> memref<32x128xf32, #tpu.memory_space<hbm>>
      tpu.enqueue_dma source(%dma_start3A_2813 : memref<32x128xf32, #tpu.memory_space<hbm>>) target(%arg19 : memref<32x128xf32, #tpu.memory_space<vmem>>) target_semaphore(%arg38 : memref<!tpu.dma_semaphore, #tpu.memory_space<semaphore_mem>>)
      %exp3A_2814 = math.exp %gather3A_2681 : vector<16xf32>
      %exp3A_2815 = math.exp %gather3A_2685 : vector<16xf32>
      %neg3A_2816 = arith.constant 0.000000e+00 : f32
      %neg3A_2817 = vector.broadcast %neg3A_2816 : f32 to vector<16xf32>
      %neg3A_2818 = arith.subf %neg3A_2817, %gather3A_2676 : vector<16xf32>
      %exp3A_2819 = math.exp %neg3A_2818 : vector<16xf32>
      %add3A_2820 = arith.constant 1.000000e+00 : f32
      %add3A_2821 = vector.broadcast %add3A_2820 : f32 to vector<16xf32>
      %add3A_2822 = arith.addf %add3A_2821, %exp3A_2819 : vector<16xf32>
      %div3A_2823 = arith.constant 1.000000e+00 : f32
      %div3A_2824 = vector.broadcast %div3A_2823 : f32 to vector<16xf32>
      %div3A_2825 = arith.divf %div3A_2824, %add3A_2822 : vector<16xf32>
      %neg3A_2826 = arith.constant 0.000000e+00 : f32
      %neg3A_2827 = vector.broadcast %neg3A_2826 : f32 to vector<16xf32>
      %neg3A_2828 = arith.subf %neg3A_2827, %gather3A_2680 : vector<16xf32>
      %exp3A_2829 = math.exp %neg3A_2828 : vector<16xf32>
      %add3A_2830 = arith.constant 1.000000e+00 : f32
      %add3A_2831 = vector.broadcast %add3A_2830 : f32 to vector<16xf32>
      %add3A_2832 = arith.addf %add3A_2831, %exp3A_2829 : vector<16xf32>
      %div3A_2833 = arith.constant 1.000000e+00 : f32
      %div3A_2834 = vector.broadcast %div3A_2833 : f32 to vector<16xf32>
      %div3A_2835 = arith.divf %div3A_2834, %add3A_2832 : vector<16xf32>
      %mul3A_2836 = arith.mulf %exp3A_2814, %div3A_2825 : vector<16xf32>
      %mul3A_2837 = arith.mulf %exp3A_2815, %div3A_2835 : vector<16xf32>
      %add3A_2838 = arith.addf %mul3A_2836, %mul3A_2837 : vector<16xf32>
      %swap3A_2839 = arith.constant 160 : index
      %swap3A_2840 = tpu.vector_load %arg25[%swap3A_2839] {strides = array<i32>} : memref<256xf32, #tpu.memory_space<vmem>>, vector<16xf32>,
      tpu.vector_store %arg25[%swap3A_2839], %add3A_2838 {strides = array<i32>} : memref<256xf32, #tpu.memory_space<vmem>>, vector<16xf32>,
      %add3A_2841 = arith.addf %exp3A_2814, %exp3A_2815 : vector<16xf32>
      %swap3A_2842 = arith.constant 160 : index
      %swap3A_2843 = tpu.vector_load %arg26[%swap3A_2842] {strides = array<i32>} : memref<256xf32, #tpu.memory_space<vmem>>, vector<16xf32>,
      tpu.vector_store %arg26[%swap3A_2842], %add3A_2841 {strides = array<i32>} : memref<256xf32, #tpu.memory_space<vmem>>, vector<16xf32>,
      %mul3A_2844 = arith.constant 16 : i32
      %mul3A_2845 = arith.muli %scan3A_434, %mul3A_2844 : i32
      %add3A_2846 = arith.constant 11 : i32
      %add3A_2847 = arith.addi %mul3A_2845, %add3A_2846 : i32
      %dma_wait3A_2848 = arith.constant 0 : i32
      %dma_wait3A_2849 = arith.constant 0 : i32
      %dma_wait3A_2850 = tpu.memref_slice %arg4[%dma_wait3A_2848, %dma_wait3A_2849] : memref<32x1000000xf32, #tpu.memory_space<hbm>> -> memref<32x128xf32, #tpu.memory_space<hbm>>
      %dma_wait3A_2851 = arith.constant 0 : i32
      %dma_wait3A_2852 = arith.constant 0 : i32
      %dma_wait3A_2853 = tpu.memref_slice %arg4[%dma_wait3A_2851, %dma_wait3A_2852] : memref<32x1000000xf32, #tpu.memory_space<hbm>> -> memref<32x128xf32, #tpu.memory_space<hbm>>
      tpu.wait_dma2 semaphore(%arg31 : memref<!tpu.dma_semaphore, #tpu.memory_space<semaphore_mem>>) src(%dma_wait3A_2853 : memref<32x128xf32, #tpu.memory_space<hbm>>) dst(%arg12 : memref<32x128xf32, #tpu.memory_space<vmem>>)
      %dma_wait3A_2854 = arith.constant 0 : i32
      %dma_wait3A_2855 = arith.constant 0 : i32
      %dma_wait3A_2856 = tpu.memref_slice %arg5[%dma_wait3A_2854, %dma_wait3A_2855] : memref<32x1000000xf32, #tpu.memory_space<hbm>> -> memref<32x128xf32, #tpu.memory_space<hbm>>
      %dma_wait3A_2857 = arith.constant 0 : i32
      %dma_wait3A_2858 = arith.constant 0 : i32
      %dma_wait3A_2859 = tpu.memref_slice %arg5[%dma_wait3A_2857, %dma_wait3A_2858] : memref<32x1000000xf32, #tpu.memory_space<hbm>> -> memref<32x128xf32, #tpu.memory_space<hbm>>
      tpu.wait_dma2 semaphore(%arg39 : memref<!tpu.dma_semaphore, #tpu.memory_space<semaphore_mem>>) src(%dma_wait3A_2859 : memref<32x128xf32, #tpu.memory_space<hbm>>) dst(%arg20 : memref<32x128xf32, #tpu.memory_space<vmem>>)
      %mul3A_2860 = arith.constant 16 : i32
      %mul3A_2861 = arith.muli %scan3A_434, %mul3A_2860 : i32
      %get3A_2862 = arith.index_cast %mul3A_2861 : i32 to index
      %get3A_2863 = tpu.vector_load %arg7[%get3A_2862] {strides = array<i32>} : memref<512xi32, #tpu.memory_space<vmem>>, vector<16xi32>,
      %mul3A_2864 = arith.constant 16 : i32
      %mul3A_2865 = arith.muli %scan3A_434, %mul3A_2864 : i32
      %get3A_2866 = arith.index_cast %mul3A_2865 : i32 to index
      %get3A_2867 = tpu.vector_load %arg8[%get3A_2866] {strides = array<i32>} : memref<512xi32, #tpu.memory_space<vmem>>, vector<16xi32>,
      %broadcast_in_dim3A_2868 = arith.constant 11 : i32
      %broadcast_in_dim3A_2869 = vector.broadcast %broadcast_in_dim3A_2868 : i32 to vector<16xi32>
      %lt3A_2870 = arith.constant 0 : i32
      %lt3A_2871 = vector.broadcast %lt3A_2870 : i32 to vector<16xi32>
      %lt3A_2872 = arith.cmpi slt, %broadcast_in_dim3A_2869, %lt3A_2871 : vector<16xi32>
      %add3A_2873 = arith.constant 16 : i32
      %add3A_2874 = vector.broadcast %add3A_2873 : i32 to vector<16xi32>
      %add3A_2875 = arith.addi %broadcast_in_dim3A_2869, %add3A_2874 : vector<16xi32>
      %select_n3A_2876 = arith.select %lt3A_2872, %add3A_2875, %broadcast_in_dim3A_2869 : vector<16xi1>, vector<16xi32>
      %broadcast_in_dim3A_2877 = vector.shape_cast %select_n3A_2876 : vector<16xi32> to vector<16x1xi32>
      %gather3A_2878 = vector.shape_cast %broadcast_in_dim3A_2877 : vector<16x1xi32> to vector<16xi32>
      %gather3A_2879 = tpu.dynamic_gather %get3A_2863[%gather3A_2878] in [0] : vector<16xi32>, vector<16xi32> -> vector<16xi32>
      %and3A_2880 = arith.constant 127 : i32
      %and3A_2881 = vector.broadcast %and3A_2880 : i32 to vector<16xi32>
      %and3A_2882 = arith.andi %gather3A_2879, %and3A_2881 : vector<16xi32>
      %lt3A_2883 = arith.constant 0 : i32
      %lt3A_2884 = vector.broadcast %lt3A_2883 : i32 to vector<16xi32>
      %lt3A_2885 = arith.cmpi slt, %broadcast_in_dim3A_2869, %lt3A_2884 : vector<16xi32>
      %add3A_2886 = arith.constant 16 : i32
      %add3A_2887 = vector.broadcast %add3A_2886 : i32 to vector<16xi32>
      %add3A_2888 = arith.addi %broadcast_in_dim3A_2869, %add3A_2887 : vector<16xi32>
      %select_n3A_2889 = arith.select %lt3A_2885, %add3A_2888, %broadcast_in_dim3A_2869 : vector<16xi1>, vector<16xi32>
      %broadcast_in_dim3A_2890 = vector.shape_cast %select_n3A_2889 : vector<16xi32> to vector<16x1xi32>
      %gather3A_2891 = vector.shape_cast %broadcast_in_dim3A_2890 : vector<16x1xi32> to vector<16xi32>
      %gather3A_2892 = tpu.dynamic_gather %get3A_2867[%gather3A_2891] in [0] : vector<16xi32>, vector<16xi32> -> vector<16xi32>
      %and3A_2893 = arith.constant 127 : i32
      %and3A_2894 = vector.broadcast %and3A_2893 : i32 to vector<16xi32>
      %and3A_2895 = arith.andi %gather3A_2892, %and3A_2894 : vector<16xi32>
      %gather3A_2896 = tpu.vector_load_idx %arg12[%iota3A, %and3A_2882] : memref<32x128xf32, #tpu.memory_space<vmem>>[vector<16xi32>, vector<16xi32>], vector<16xf32>,
      %add3A_2897 = arith.constant 16 : i32
      %add3A_2898 = vector.broadcast %add3A_2897 : i32 to vector<16xi32>
      %add3A_2899 = arith.addi %iota3A, %add3A_2898 : vector<16xi32>
      %gather3A_2900 = tpu.vector_load_idx %arg12[%add3A_2899, %and3A_2882] : memref<32x128xf32, #tpu.memory_space<vmem>>[vector<16xi32>, vector<16xi32>], vector<16xf32>,
      %gather3A_2901 = tpu.vector_load_idx %arg20[%iota3A, %and3A_2895] : memref<32x128xf32, #tpu.memory_space<vmem>>[vector<16xi32>, vector<16xi32>], vector<16xf32>,
      %add3A_2902 = arith.constant 16 : i32
      %add3A_2903 = vector.broadcast %add3A_2902 : i32 to vector<16xi32>
      %add3A_2904 = arith.addi %iota3A, %add3A_2903 : vector<16xi32>
      %gather3A_2905 = tpu.vector_load_idx %arg20[%add3A_2904, %and3A_2895] : memref<32x128xf32, #tpu.memory_space<vmem>>[vector<16xi32>, vector<16xi32>], vector<16xf32>,
      %add3A_2906 = arith.constant 8 : i32
      %add3A_2907 = arith.addi %add3A_2847, %add3A_2906 : i32
      %min3A_2908 = arith.constant 511 : i32
      %min3A_2909 = arith.minsi %add3A_2907, %min3A_2908 : i32
      %jit3A_2910 = arith.constant 16 : i32
      %div3A_2911 = arith.divsi %min3A_2909, %jit3A_2910 : i32
      %sign3A_2912 = arith.constant 0 : i32
      %sign3A_2913 = arith.cmpi sgt, %min3A_2909, %sign3A_2912 : i32
      %sign3A_2914 = arith.extui %sign3A_2913 : i1 to i32
      %sign3A_2915 = arith.constant 0 : i32
      %sign3A_2916 = arith.cmpi slt, %min3A_2909, %sign3A_2915 : i32
      %sign3A_2917 = arith.extui %sign3A_2916 : i1 to i32
      %sign3A_2918 = arith.subi %sign3A_2914, %sign3A_2917 : i32
      %sign3A_2919 = arith.constant 0 : i32
      %sign3A_2920 = arith.cmpi sgt, %jit3A_2910, %sign3A_2919 : i32
      %sign3A_2921 = arith.extui %sign3A_2920 : i1 to i32
      %sign3A_2922 = arith.constant 0 : i32
      %sign3A_2923 = arith.cmpi slt, %jit3A_2910, %sign3A_2922 : i32
      %sign3A_2924 = arith.extui %sign3A_2923 : i1 to i32
      %sign3A_2925 = arith.subi %sign3A_2921, %sign3A_2924 : i32
      %ne3A_2926 = arith.cmpi ne, %sign3A_2918, %sign3A_2925 : i32
      %rem3A_2927 = arith.remsi %min3A_2909, %jit3A_2910 : i32
      %ne3A_2928 = arith.constant 0 : i32
      %ne3A_2929 = arith.cmpi ne, %rem3A_2927, %ne3A_2928 : i32
      %and3A_2930 = arith.andi %ne3A_2926, %ne3A_2929 : i1
      %sub3A_2931 = arith.constant 1 : i32
      %sub3A_2932 = arith.subi %div3A_2911, %sub3A_2931 : i32
      %select_n3A_2933 = arith.select %and3A_2930, %sub3A_2932, %div3A_2911 : i32
      %mul3A_2934 = arith.constant 16 : i32
      %mul3A_2935 = arith.muli %select_n3A_2933, %mul3A_2934 : i32
      %get3A_2936 = arith.index_cast %mul3A_2935 : i32 to index
      %get3A_2937 = tpu.vector_load %arg7[%get3A_2936] {strides = array<i32>} : memref<512xi32, #tpu.memory_space<vmem>>, vector<16xi32>,
      %jit3A_2938 = arith.constant 16 : i32
      %eq3A_2939 = arith.constant 0 : i32
      %eq3A_2940 = arith.cmpi eq, %jit3A_2938, %eq3A_2939 : i32
      %jit3A_2941 = arith.constant 1 : i32
      %select_n3A_2942 = arith.select %eq3A_2940, %jit3A_2941, %jit3A_2938 : i32
      %rem3A_2943 = arith.remsi %min3A_2909, %select_n3A_2942 : i32
      %ne3A_2944 = arith.constant 0 : i32
      %ne3A_2945 = arith.cmpi ne, %rem3A_2943, %ne3A_2944 : i32
      %lt3A_2946 = arith.constant 0 : i32
      %lt3A_2947 = arith.cmpi slt, %rem3A_2943, %lt3A_2946 : i32
      %lt3A_2948 = arith.constant 0 : i32
      %lt3A_2949 = arith.cmpi slt, %select_n3A_2942, %lt3A_2948 : i32
      %ne3A_2950 = arith.xori %lt3A_2947, %lt3A_2949 : i1
      %and3A_2951 = arith.andi %ne3A_2950, %ne3A_2945 : i1
      %add3A_2952 = arith.addi %rem3A_2943, %select_n3A_2942 : i32
      %select_n3A_2953 = arith.select %and3A_2951, %add3A_2952, %rem3A_2943 : i32
      %eq3A_2954 = vector.broadcast %select_n3A_2953 : i32 to vector<16xi32>
      %eq3A_2955 = arith.cmpi eq, %iota3A, %eq3A_2954 : vector<16xi32>
      %jit3A_2956 = arith.constant 0 : i32
      %broadcast_in_dim3A_2957 = vector.broadcast %jit3A_2956 : i32 to vector<16xi32>
      %select_n3A_2958 = arith.select %eq3A_2955, %get3A_2937, %broadcast_in_dim3A_2957 : vector<16xi1>, vector<16xi32>
      %reduce_sum3A_2959 = arith.constant true
      %reduce_sum3A_2960 = vector.broadcast %reduce_sum3A_2959 : i1 to vector<16xi1>
      %reduce_sum3A_2961 = tpu.scan <sum>, %select_n3A_2958 masked %reduce_sum3A_2960 : vector<16xi32>, vector<16xi1> -> vector<16xi32>
      %reduce_sum3A_2962 = vector.extract %reduce_sum3A_2961[15] : i32 from vector<16xi32>
      %shift_right_logical3A_2963 = arith.constant 7 : i32
      %shift_right_logical3A_2964 = arith.shrui %reduce_sum3A_2962, %shift_right_logical3A_2963 : i32
      %jit3A_2965 = arith.constant 16 : i32
      %div3A_2966 = arith.divsi %min3A_2909, %jit3A_2965 : i32
      %sign3A_2967 = arith.constant 0 : i32
      %sign3A_2968 = arith.cmpi sgt, %min3A_2909, %sign3A_2967 : i32
      %sign3A_2969 = arith.extui %sign3A_2968 : i1 to i32
      %sign3A_2970 = arith.constant 0 : i32
      %sign3A_2971 = arith.cmpi slt, %min3A_2909, %sign3A_2970 : i32
      %sign3A_2972 = arith.extui %sign3A_2971 : i1 to i32
      %sign3A_2973 = arith.subi %sign3A_2969, %sign3A_2972 : i32
      %sign3A_2974 = arith.constant 0 : i32
      %sign3A_2975 = arith.cmpi sgt, %jit3A_2965, %sign3A_2974 : i32
      %sign3A_2976 = arith.extui %sign3A_2975 : i1 to i32
      %sign3A_2977 = arith.constant 0 : i32
      %sign3A_2978 = arith.cmpi slt, %jit3A_2965, %sign3A_2977 : i32
      %sign3A_2979 = arith.extui %sign3A_2978 : i1 to i32
      %sign3A_2980 = arith.subi %sign3A_2976, %sign3A_2979 : i32
      %ne3A_2981 = arith.cmpi ne, %sign3A_2973, %sign3A_2980 : i32
      %rem3A_2982 = arith.remsi %min3A_2909, %jit3A_2965 : i32
      %ne3A_2983 = arith.constant 0 : i32
      %ne3A_2984 = arith.cmpi ne, %rem3A_2982, %ne3A_2983 : i32
      %and3A_2985 = arith.andi %ne3A_2981, %ne3A_2984 : i1
      %sub3A_2986 = arith.constant 1 : i32
      %sub3A_2987 = arith.subi %div3A_2966, %sub3A_2986 : i32
      %select_n3A_2988 = arith.select %and3A_2985, %sub3A_2987, %div3A_2966 : i32
      %mul3A_2989 = arith.constant 16 : i32
      %mul3A_2990 = arith.muli %select_n3A_2988, %mul3A_2989 : i32
      %get3A_2991 = arith.index_cast %mul3A_2990 : i32 to index
      %get3A_2992 = tpu.vector_load %arg8[%get3A_2991] {strides = array<i32>} : memref<512xi32, #tpu.memory_space<vmem>>, vector<16xi32>,
      %jit3A_2993 = arith.constant 16 : i32
      %eq3A_2994 = arith.constant 0 : i32
      %eq3A_2995 = arith.cmpi eq, %jit3A_2993, %eq3A_2994 : i32
      %jit3A_2996 = arith.constant 1 : i32
      %select_n3A_2997 = arith.select %eq3A_2995, %jit3A_2996, %jit3A_2993 : i32
      %rem3A_2998 = arith.remsi %min3A_2909, %select_n3A_2997 : i32
      %ne3A_2999 = arith.constant 0 : i32
      %ne3A_3000 = arith.cmpi ne, %rem3A_2998, %ne3A_2999 : i32
      %lt3A_3001 = arith.constant 0 : i32
      %lt3A_3002 = arith.cmpi slt, %rem3A_2998, %lt3A_3001 : i32
      %lt3A_3003 = arith.constant 0 : i32
      %lt3A_3004 = arith.cmpi slt, %select_n3A_2997, %lt3A_3003 : i32
      %ne3A_3005 = arith.xori %lt3A_3002, %lt3A_3004 : i1
      %and3A_3006 = arith.andi %ne3A_3005, %ne3A_3000 : i1
      %add3A_3007 = arith.addi %rem3A_2998, %select_n3A_2997 : i32
      %select_n3A_3008 = arith.select %and3A_3006, %add3A_3007, %rem3A_2998 : i32
      %eq3A_3009 = vector.broadcast %select_n3A_3008 : i32 to vector<16xi32>
      %eq3A_3010 = arith.cmpi eq, %iota3A, %eq3A_3009 : vector<16xi32>
      %jit3A_3011 = arith.constant 0 : i32
      %broadcast_in_dim3A_3012 = vector.broadcast %jit3A_3011 : i32 to vector<16xi32>
      %select_n3A_3013 = arith.select %eq3A_3010, %get3A_2992, %broadcast_in_dim3A_3012 : vector<16xi1>, vector<16xi32>
      %reduce_sum3A_3014 = arith.constant true
      %reduce_sum3A_3015 = vector.broadcast %reduce_sum3A_3014 : i1 to vector<16xi1>
      %reduce_sum3A_3016 = tpu.scan <sum>, %select_n3A_3013 masked %reduce_sum3A_3015 : vector<16xi32>, vector<16xi1> -> vector<16xi32>
      %reduce_sum3A_3017 = vector.extract %reduce_sum3A_3016[15] : i32 from vector<16xi32>
      %shift_right_logical3A_3018 = arith.constant 7 : i32
      %shift_right_logical3A_3019 = arith.shrui %reduce_sum3A_3017, %shift_right_logical3A_3018 : i32
      %mul3A_3020 = arith.constant 128 : i32
      %mul3A_3021 = arith.muli %shift_right_logical3A_2964, %mul3A_3020 : i32
      %multiple_of3A_3022 = tpu.assume_multiple %mul3A_3021, 128 : i32
      %dma_start3A_3023 = arith.constant 0 : i32
      %dma_start3A_3024 = tpu.memref_slice %arg4[%dma_start3A_3023, %multiple_of3A_3022] : memref<32x1000000xf32, #tpu.memory_space<hbm>> -> memref<32x128xf32, #tpu.memory_space<hbm>>
      %dma_start3A_3025 = arith.constant 0 : i32
      %dma_start3A_3026 = tpu.memref_slice %arg4[%dma_start3A_3025, %multiple_of3A_3022] : memref<32x1000000xf32, #tpu.memory_space<hbm>> -> memref<32x128xf32, #tpu.memory_space<hbm>>
      tpu.enqueue_dma source(%dma_start3A_3026 : memref<32x128xf32, #tpu.memory_space<hbm>>) target(%arg12 : memref<32x128xf32, #tpu.memory_space<vmem>>) target_semaphore(%arg31 : memref<!tpu.dma_semaphore, #tpu.memory_space<semaphore_mem>>)
      %mul3A_3027 = arith.constant 128 : i32
      %mul3A_3028 = arith.muli %shift_right_logical3A_3019, %mul3A_3027 : i32
      %multiple_of3A_3029 = tpu.assume_multiple %mul3A_3028, 128 : i32
      %dma_start3A_3030 = arith.constant 0 : i32
      %dma_start3A_3031 = tpu.memref_slice %arg5[%dma_start3A_3030, %multiple_of3A_3029] : memref<32x1000000xf32, #tpu.memory_space<hbm>> -> memref<32x128xf32, #tpu.memory_space<hbm>>
      %dma_start3A_3032 = arith.constant 0 : i32
      %dma_start3A_3033 = tpu.memref_slice %arg5[%dma_start3A_3032, %multiple_of3A_3029] : memref<32x1000000xf32, #tpu.memory_space<hbm>> -> memref<32x128xf32, #tpu.memory_space<hbm>>
      tpu.enqueue_dma source(%dma_start3A_3033 : memref<32x128xf32, #tpu.memory_space<hbm>>) target(%arg20 : memref<32x128xf32, #tpu.memory_space<vmem>>) target_semaphore(%arg39 : memref<!tpu.dma_semaphore, #tpu.memory_space<semaphore_mem>>)
      %exp3A_3034 = math.exp %gather3A_2901 : vector<16xf32>
      %exp3A_3035 = math.exp %gather3A_2905 : vector<16xf32>
      %neg3A_3036 = arith.constant 0.000000e+00 : f32
      %neg3A_3037 = vector.broadcast %neg3A_3036 : f32 to vector<16xf32>
      %neg3A_3038 = arith.subf %neg3A_3037, %gather3A_2896 : vector<16xf32>
      %exp3A_3039 = math.exp %neg3A_3038 : vector<16xf32>
      %add3A_3040 = arith.constant 1.000000e+00 : f32
      %add3A_3041 = vector.broadcast %add3A_3040 : f32 to vector<16xf32>
      %add3A_3042 = arith.addf %add3A_3041, %exp3A_3039 : vector<16xf32>
      %div3A_3043 = arith.constant 1.000000e+00 : f32
      %div3A_3044 = vector.broadcast %div3A_3043 : f32 to vector<16xf32>
      %div3A_3045 = arith.divf %div3A_3044, %add3A_3042 : vector<16xf32>
      %neg3A_3046 = arith.constant 0.000000e+00 : f32
      %neg3A_3047 = vector.broadcast %neg3A_3046 : f32 to vector<16xf32>
      %neg3A_3048 = arith.subf %neg3A_3047, %gather3A_2900 : vector<16xf32>
      %exp3A_3049 = math.exp %neg3A_3048 : vector<16xf32>
      %add3A_3050 = arith.constant 1.000000e+00 : f32
      %add3A_3051 = vector.broadcast %add3A_3050 : f32 to vector<16xf32>
      %add3A_3052 = arith.addf %add3A_3051, %exp3A_3049 : vector<16xf32>
      %div3A_3053 = arith.constant 1.000000e+00 : f32
      %div3A_3054 = vector.broadcast %div3A_3053 : f32 to vector<16xf32>
      %div3A_3055 = arith.divf %div3A_3054, %add3A_3052 : vector<16xf32>
      %mul3A_3056 = arith.mulf %exp3A_3034, %div3A_3045 : vector<16xf32>
      %mul3A_3057 = arith.mulf %exp3A_3035, %div3A_3055 : vector<16xf32>
      %add3A_3058 = arith.addf %mul3A_3056, %mul3A_3057 : vector<16xf32>
      %swap3A_3059 = arith.constant 176 : index
      %swap3A_3060 = tpu.vector_load %arg25[%swap3A_3059] {strides = array<i32>} : memref<256xf32, #tpu.memory_space<vmem>>, vector<16xf32>,
      tpu.vector_store %arg25[%swap3A_3059], %add3A_3058 {strides = array<i32>} : memref<256xf32, #tpu.memory_space<vmem>>, vector<16xf32>,
      %add3A_3061 = arith.addf %exp3A_3034, %exp3A_3035 : vector<16xf32>
      %swap3A_3062 = arith.constant 176 : index
      %swap3A_3063 = tpu.vector_load %arg26[%swap3A_3062] {strides = array<i32>} : memref<256xf32, #tpu.memory_space<vmem>>, vector<16xf32>,
      tpu.vector_store %arg26[%swap3A_3062], %add3A_3061 {strides = array<i32>} : memref<256xf32, #tpu.memory_space<vmem>>, vector<16xf32>,
      %mul3A_3064 = arith.constant 16 : i32
      %mul3A_3065 = arith.muli %scan3A_434, %mul3A_3064 : i32
      %add3A_3066 = arith.constant 12 : i32
      %add3A_3067 = arith.addi %mul3A_3065, %add3A_3066 : i32
      %dma_wait3A_3068 = arith.constant 0 : i32
      %dma_wait3A_3069 = arith.constant 0 : i32
      %dma_wait3A_3070 = tpu.memref_slice %arg4[%dma_wait3A_3068, %dma_wait3A_3069] : memref<32x1000000xf32, #tpu.memory_space<hbm>> -> memref<32x128xf32, #tpu.memory_space<hbm>>
      %dma_wait3A_3071 = arith.constant 0 : i32
      %dma_wait3A_3072 = arith.constant 0 : i32
      %dma_wait3A_3073 = tpu.memref_slice %arg4[%dma_wait3A_3071, %dma_wait3A_3072] : memref<32x1000000xf32, #tpu.memory_space<hbm>> -> memref<32x128xf32, #tpu.memory_space<hbm>>
      tpu.wait_dma2 semaphore(%arg32 : memref<!tpu.dma_semaphore, #tpu.memory_space<semaphore_mem>>) src(%dma_wait3A_3073 : memref<32x128xf32, #tpu.memory_space<hbm>>) dst(%arg13 : memref<32x128xf32, #tpu.memory_space<vmem>>)
      %dma_wait3A_3074 = arith.constant 0 : i32
      %dma_wait3A_3075 = arith.constant 0 : i32
      %dma_wait3A_3076 = tpu.memref_slice %arg5[%dma_wait3A_3074, %dma_wait3A_3075] : memref<32x1000000xf32, #tpu.memory_space<hbm>> -> memref<32x128xf32, #tpu.memory_space<hbm>>
      %dma_wait3A_3077 = arith.constant 0 : i32
      %dma_wait3A_3078 = arith.constant 0 : i32
      %dma_wait3A_3079 = tpu.memref_slice %arg5[%dma_wait3A_3077, %dma_wait3A_3078] : memref<32x1000000xf32, #tpu.memory_space<hbm>> -> memref<32x128xf32, #tpu.memory_space<hbm>>
      tpu.wait_dma2 semaphore(%arg40 : memref<!tpu.dma_semaphore, #tpu.memory_space<semaphore_mem>>) src(%dma_wait3A_3079 : memref<32x128xf32, #tpu.memory_space<hbm>>) dst(%arg21 : memref<32x128xf32, #tpu.memory_space<vmem>>)
      %mul3A_3080 = arith.constant 16 : i32
      %mul3A_3081 = arith.muli %scan3A_434, %mul3A_3080 : i32
      %get3A_3082 = arith.index_cast %mul3A_3081 : i32 to index
      %get3A_3083 = tpu.vector_load %arg7[%get3A_3082] {strides = array<i32>} : memref<512xi32, #tpu.memory_space<vmem>>, vector<16xi32>,
      %mul3A_3084 = arith.constant 16 : i32
      %mul3A_3085 = arith.muli %scan3A_434, %mul3A_3084 : i32
      %get3A_3086 = arith.index_cast %mul3A_3085 : i32 to index
      %get3A_3087 = tpu.vector_load %arg8[%get3A_3086] {strides = array<i32>} : memref<512xi32, #tpu.memory_space<vmem>>, vector<16xi32>,
      %broadcast_in_dim3A_3088 = arith.constant 12 : i32
      %broadcast_in_dim3A_3089 = vector.broadcast %broadcast_in_dim3A_3088 : i32 to vector<16xi32>
      %lt3A_3090 = arith.constant 0 : i32
      %lt3A_3091 = vector.broadcast %lt3A_3090 : i32 to vector<16xi32>
      %lt3A_3092 = arith.cmpi slt, %broadcast_in_dim3A_3089, %lt3A_3091 : vector<16xi32>
      %add3A_3093 = arith.constant 16 : i32
      %add3A_3094 = vector.broadcast %add3A_3093 : i32 to vector<16xi32>
      %add3A_3095 = arith.addi %broadcast_in_dim3A_3089, %add3A_3094 : vector<16xi32>
      %select_n3A_3096 = arith.select %lt3A_3092, %add3A_3095, %broadcast_in_dim3A_3089 : vector<16xi1>, vector<16xi32>
      %broadcast_in_dim3A_3097 = vector.shape_cast %select_n3A_3096 : vector<16xi32> to vector<16x1xi32>
      %gather3A_3098 = vector.shape_cast %broadcast_in_dim3A_3097 : vector<16x1xi32> to vector<16xi32>
      %gather3A_3099 = tpu.dynamic_gather %get3A_3083[%gather3A_3098] in [0] : vector<16xi32>, vector<16xi32> -> vector<16xi32>
      %and3A_3100 = arith.constant 127 : i32
      %and3A_3101 = vector.broadcast %and3A_3100 : i32 to vector<16xi32>
      %and3A_3102 = arith.andi %gather3A_3099, %and3A_3101 : vector<16xi32>
      %lt3A_3103 = arith.constant 0 : i32
      %lt3A_3104 = vector.broadcast %lt3A_3103 : i32 to vector<16xi32>
      %lt3A_3105 = arith.cmpi slt, %broadcast_in_dim3A_3089, %lt3A_3104 : vector<16xi32>
      %add3A_3106 = arith.constant 16 : i32
      %add3A_3107 = vector.broadcast %add3A_3106 : i32 to vector<16xi32>
      %add3A_3108 = arith.addi %broadcast_in_dim3A_3089, %add3A_3107 : vector<16xi32>
      %select_n3A_3109 = arith.select %lt3A_3105, %add3A_3108, %broadcast_in_dim3A_3089 : vector<16xi1>, vector<16xi32>
      %broadcast_in_dim3A_3110 = vector.shape_cast %select_n3A_3109 : vector<16xi32> to vector<16x1xi32>
      %gather3A_3111 = vector.shape_cast %broadcast_in_dim3A_3110 : vector<16x1xi32> to vector<16xi32>
      %gather3A_3112 = tpu.dynamic_gather %get3A_3087[%gather3A_3111] in [0] : vector<16xi32>, vector<16xi32> -> vector<16xi32>
      %and3A_3113 = arith.constant 127 : i32
      %and3A_3114 = vector.broadcast %and3A_3113 : i32 to vector<16xi32>
      %and3A_3115 = arith.andi %gather3A_3112, %and3A_3114 : vector<16xi32>
      %gather3A_3116 = tpu.vector_load_idx %arg13[%iota3A, %and3A_3102] : memref<32x128xf32, #tpu.memory_space<vmem>>[vector<16xi32>, vector<16xi32>], vector<16xf32>,
      %add3A_3117 = arith.constant 16 : i32
      %add3A_3118 = vector.broadcast %add3A_3117 : i32 to vector<16xi32>
      %add3A_3119 = arith.addi %iota3A, %add3A_3118 : vector<16xi32>
      %gather3A_3120 = tpu.vector_load_idx %arg13[%add3A_3119, %and3A_3102] : memref<32x128xf32, #tpu.memory_space<vmem>>[vector<16xi32>, vector<16xi32>], vector<16xf32>,
      %gather3A_3121 = tpu.vector_load_idx %arg21[%iota3A, %and3A_3115] : memref<32x128xf32, #tpu.memory_space<vmem>>[vector<16xi32>, vector<16xi32>], vector<16xf32>,
      %add3A_3122 = arith.constant 16 : i32
      %add3A_3123 = vector.broadcast %add3A_3122 : i32 to vector<16xi32>
      %add3A_3124 = arith.addi %iota3A, %add3A_3123 : vector<16xi32>
      %gather3A_3125 = tpu.vector_load_idx %arg21[%add3A_3124, %and3A_3115] : memref<32x128xf32, #tpu.memory_space<vmem>>[vector<16xi32>, vector<16xi32>], vector<16xf32>,
      %add3A_3126 = arith.constant 8 : i32
      %add3A_3127 = arith.addi %add3A_3067, %add3A_3126 : i32
      %min3A_3128 = arith.constant 511 : i32
      %min3A_3129 = arith.minsi %add3A_3127, %min3A_3128 : i32
      %jit3A_3130 = arith.constant 16 : i32
      %div3A_3131 = arith.divsi %min3A_3129, %jit3A_3130 : i32
      %sign3A_3132 = arith.constant 0 : i32
      %sign3A_3133 = arith.cmpi sgt, %min3A_3129, %sign3A_3132 : i32
      %sign3A_3134 = arith.extui %sign3A_3133 : i1 to i32
      %sign3A_3135 = arith.constant 0 : i32
      %sign3A_3136 = arith.cmpi slt, %min3A_3129, %sign3A_3135 : i32
      %sign3A_3137 = arith.extui %sign3A_3136 : i1 to i32
      %sign3A_3138 = arith.subi %sign3A_3134, %sign3A_3137 : i32
      %sign3A_3139 = arith.constant 0 : i32
      %sign3A_3140 = arith.cmpi sgt, %jit3A_3130, %sign3A_3139 : i32
      %sign3A_3141 = arith.extui %sign3A_3140 : i1 to i32
      %sign3A_3142 = arith.constant 0 : i32
      %sign3A_3143 = arith.cmpi slt, %jit3A_3130, %sign3A_3142 : i32
      %sign3A_3144 = arith.extui %sign3A_3143 : i1 to i32
      %sign3A_3145 = arith.subi %sign3A_3141, %sign3A_3144 : i32
      %ne3A_3146 = arith.cmpi ne, %sign3A_3138, %sign3A_3145 : i32
      %rem3A_3147 = arith.remsi %min3A_3129, %jit3A_3130 : i32
      %ne3A_3148 = arith.constant 0 : i32
      %ne3A_3149 = arith.cmpi ne, %rem3A_3147, %ne3A_3148 : i32
      %and3A_3150 = arith.andi %ne3A_3146, %ne3A_3149 : i1
      %sub3A_3151 = arith.constant 1 : i32
      %sub3A_3152 = arith.subi %div3A_3131, %sub3A_3151 : i32
      %select_n3A_3153 = arith.select %and3A_3150, %sub3A_3152, %div3A_3131 : i32
      %mul3A_3154 = arith.constant 16 : i32
      %mul3A_3155 = arith.muli %select_n3A_3153, %mul3A_3154 : i32
      %get3A_3156 = arith.index_cast %mul3A_3155 : i32 to index
      %get3A_3157 = tpu.vector_load %arg7[%get3A_3156] {strides = array<i32>} : memref<512xi32, #tpu.memory_space<vmem>>, vector<16xi32>,
      %jit3A_3158 = arith.constant 16 : i32
      %eq3A_3159 = arith.constant 0 : i32
      %eq3A_3160 = arith.cmpi eq, %jit3A_3158, %eq3A_3159 : i32
      %jit3A_3161 = arith.constant 1 : i32
      %select_n3A_3162 = arith.select %eq3A_3160, %jit3A_3161, %jit3A_3158 : i32
      %rem3A_3163 = arith.remsi %min3A_3129, %select_n3A_3162 : i32
      %ne3A_3164 = arith.constant 0 : i32
      %ne3A_3165 = arith.cmpi ne, %rem3A_3163, %ne3A_3164 : i32
      %lt3A_3166 = arith.constant 0 : i32
      %lt3A_3167 = arith.cmpi slt, %rem3A_3163, %lt3A_3166 : i32
      %lt3A_3168 = arith.constant 0 : i32
      %lt3A_3169 = arith.cmpi slt, %select_n3A_3162, %lt3A_3168 : i32
      %ne3A_3170 = arith.xori %lt3A_3167, %lt3A_3169 : i1
      %and3A_3171 = arith.andi %ne3A_3170, %ne3A_3165 : i1
      %add3A_3172 = arith.addi %rem3A_3163, %select_n3A_3162 : i32
      %select_n3A_3173 = arith.select %and3A_3171, %add3A_3172, %rem3A_3163 : i32
      %eq3A_3174 = vector.broadcast %select_n3A_3173 : i32 to vector<16xi32>
      %eq3A_3175 = arith.cmpi eq, %iota3A, %eq3A_3174 : vector<16xi32>
      %jit3A_3176 = arith.constant 0 : i32
      %broadcast_in_dim3A_3177 = vector.broadcast %jit3A_3176 : i32 to vector<16xi32>
      %select_n3A_3178 = arith.select %eq3A_3175, %get3A_3157, %broadcast_in_dim3A_3177 : vector<16xi1>, vector<16xi32>
      %reduce_sum3A_3179 = arith.constant true
      %reduce_sum3A_3180 = vector.broadcast %reduce_sum3A_3179 : i1 to vector<16xi1>
      %reduce_sum3A_3181 = tpu.scan <sum>, %select_n3A_3178 masked %reduce_sum3A_3180 : vector<16xi32>, vector<16xi1> -> vector<16xi32>
      %reduce_sum3A_3182 = vector.extract %reduce_sum3A_3181[15] : i32 from vector<16xi32>
      %shift_right_logical3A_3183 = arith.constant 7 : i32
      %shift_right_logical3A_3184 = arith.shrui %reduce_sum3A_3182, %shift_right_logical3A_3183 : i32
      %jit3A_3185 = arith.constant 16 : i32
      %div3A_3186 = arith.divsi %min3A_3129, %jit3A_3185 : i32
      %sign3A_3187 = arith.constant 0 : i32
      %sign3A_3188 = arith.cmpi sgt, %min3A_3129, %sign3A_3187 : i32
      %sign3A_3189 = arith.extui %sign3A_3188 : i1 to i32
      %sign3A_3190 = arith.constant 0 : i32
      %sign3A_3191 = arith.cmpi slt, %min3A_3129, %sign3A_3190 : i32
      %sign3A_3192 = arith.extui %sign3A_3191 : i1 to i32
      %sign3A_3193 = arith.subi %sign3A_3189, %sign3A_3192 : i32
      %sign3A_3194 = arith.constant 0 : i32
      %sign3A_3195 = arith.cmpi sgt, %jit3A_3185, %sign3A_3194 : i32
      %sign3A_3196 = arith.extui %sign3A_3195 : i1 to i32
      %sign3A_3197 = arith.constant 0 : i32
      %sign3A_3198 = arith.cmpi slt, %jit3A_3185, %sign3A_3197 : i32
      %sign3A_3199 = arith.extui %sign3A_3198 : i1 to i32
      %sign3A_3200 = arith.subi %sign3A_3196, %sign3A_3199 : i32
      %ne3A_3201 = arith.cmpi ne, %sign3A_3193, %sign3A_3200 : i32
      %rem3A_3202 = arith.remsi %min3A_3129, %jit3A_3185 : i32
      %ne3A_3203 = arith.constant 0 : i32
      %ne3A_3204 = arith.cmpi ne, %rem3A_3202, %ne3A_3203 : i32
      %and3A_3205 = arith.andi %ne3A_3201, %ne3A_3204 : i1
      %sub3A_3206 = arith.constant 1 : i32
      %sub3A_3207 = arith.subi %div3A_3186, %sub3A_3206 : i32
      %select_n3A_3208 = arith.select %and3A_3205, %sub3A_3207, %div3A_3186 : i32
      %mul3A_3209 = arith.constant 16 : i32
      %mul3A_3210 = arith.muli %select_n3A_3208, %mul3A_3209 : i32
      %get3A_3211 = arith.index_cast %mul3A_3210 : i32 to index
      %get3A_3212 = tpu.vector_load %arg8[%get3A_3211] {strides = array<i32>} : memref<512xi32, #tpu.memory_space<vmem>>, vector<16xi32>,
      %jit3A_3213 = arith.constant 16 : i32
      %eq3A_3214 = arith.constant 0 : i32
      %eq3A_3215 = arith.cmpi eq, %jit3A_3213, %eq3A_3214 : i32
      %jit3A_3216 = arith.constant 1 : i32
      %select_n3A_3217 = arith.select %eq3A_3215, %jit3A_3216, %jit3A_3213 : i32
      %rem3A_3218 = arith.remsi %min3A_3129, %select_n3A_3217 : i32
      %ne3A_3219 = arith.constant 0 : i32
      %ne3A_3220 = arith.cmpi ne, %rem3A_3218, %ne3A_3219 : i32
      %lt3A_3221 = arith.constant 0 : i32
      %lt3A_3222 = arith.cmpi slt, %rem3A_3218, %lt3A_3221 : i32
      %lt3A_3223 = arith.constant 0 : i32
      %lt3A_3224 = arith.cmpi slt, %select_n3A_3217, %lt3A_3223 : i32
      %ne3A_3225 = arith.xori %lt3A_3222, %lt3A_3224 : i1
      %and3A_3226 = arith.andi %ne3A_3225, %ne3A_3220 : i1
      %add3A_3227 = arith.addi %rem3A_3218, %select_n3A_3217 : i32
      %select_n3A_3228 = arith.select %and3A_3226, %add3A_3227, %rem3A_3218 : i32
      %eq3A_3229 = vector.broadcast %select_n3A_3228 : i32 to vector<16xi32>
      %eq3A_3230 = arith.cmpi eq, %iota3A, %eq3A_3229 : vector<16xi32>
      %jit3A_3231 = arith.constant 0 : i32
      %broadcast_in_dim3A_3232 = vector.broadcast %jit3A_3231 : i32 to vector<16xi32>
      %select_n3A_3233 = arith.select %eq3A_3230, %get3A_3212, %broadcast_in_dim3A_3232 : vector<16xi1>, vector<16xi32>
      %reduce_sum3A_3234 = arith.constant true
      %reduce_sum3A_3235 = vector.broadcast %reduce_sum3A_3234 : i1 to vector<16xi1>
      %reduce_sum3A_3236 = tpu.scan <sum>, %select_n3A_3233 masked %reduce_sum3A_3235 : vector<16xi32>, vector<16xi1> -> vector<16xi32>
      %reduce_sum3A_3237 = vector.extract %reduce_sum3A_3236[15] : i32 from vector<16xi32>
      %shift_right_logical3A_3238 = arith.constant 7 : i32
      %shift_right_logical3A_3239 = arith.shrui %reduce_sum3A_3237, %shift_right_logical3A_3238 : i32
      %mul3A_3240 = arith.constant 128 : i32
      %mul3A_3241 = arith.muli %shift_right_logical3A_3184, %mul3A_3240 : i32
      %multiple_of3A_3242 = tpu.assume_multiple %mul3A_3241, 128 : i32
      %dma_start3A_3243 = arith.constant 0 : i32
      %dma_start3A_3244 = tpu.memref_slice %arg4[%dma_start3A_3243, %multiple_of3A_3242] : memref<32x1000000xf32, #tpu.memory_space<hbm>> -> memref<32x128xf32, #tpu.memory_space<hbm>>
      %dma_start3A_3245 = arith.constant 0 : i32
      %dma_start3A_3246 = tpu.memref_slice %arg4[%dma_start3A_3245, %multiple_of3A_3242] : memref<32x1000000xf32, #tpu.memory_space<hbm>> -> memref<32x128xf32, #tpu.memory_space<hbm>>
      tpu.enqueue_dma source(%dma_start3A_3246 : memref<32x128xf32, #tpu.memory_space<hbm>>) target(%arg13 : memref<32x128xf32, #tpu.memory_space<vmem>>) target_semaphore(%arg32 : memref<!tpu.dma_semaphore, #tpu.memory_space<semaphore_mem>>)
      %mul3A_3247 = arith.constant 128 : i32
      %mul3A_3248 = arith.muli %shift_right_logical3A_3239, %mul3A_3247 : i32
      %multiple_of3A_3249 = tpu.assume_multiple %mul3A_3248, 128 : i32
      %dma_start3A_3250 = arith.constant 0 : i32
      %dma_start3A_3251 = tpu.memref_slice %arg5[%dma_start3A_3250, %multiple_of3A_3249] : memref<32x1000000xf32, #tpu.memory_space<hbm>> -> memref<32x128xf32, #tpu.memory_space<hbm>>
      %dma_start3A_3252 = arith.constant 0 : i32
      %dma_start3A_3253 = tpu.memref_slice %arg5[%dma_start3A_3252, %multiple_of3A_3249] : memref<32x1000000xf32, #tpu.memory_space<hbm>> -> memref<32x128xf32, #tpu.memory_space<hbm>>
      tpu.enqueue_dma source(%dma_start3A_3253 : memref<32x128xf32, #tpu.memory_space<hbm>>) target(%arg21 : memref<32x128xf32, #tpu.memory_space<vmem>>) target_semaphore(%arg40 : memref<!tpu.dma_semaphore, #tpu.memory_space<semaphore_mem>>)
      %exp3A_3254 = math.exp %gather3A_3121 : vector<16xf32>
      %exp3A_3255 = math.exp %gather3A_3125 : vector<16xf32>
      %neg3A_3256 = arith.constant 0.000000e+00 : f32
      %neg3A_3257 = vector.broadcast %neg3A_3256 : f32 to vector<16xf32>
      %neg3A_3258 = arith.subf %neg3A_3257, %gather3A_3116 : vector<16xf32>
      %exp3A_3259 = math.exp %neg3A_3258 : vector<16xf32>
      %add3A_3260 = arith.constant 1.000000e+00 : f32
      %add3A_3261 = vector.broadcast %add3A_3260 : f32 to vector<16xf32>
      %add3A_3262 = arith.addf %add3A_3261, %exp3A_3259 : vector<16xf32>
      %div3A_3263 = arith.constant 1.000000e+00 : f32
      %div3A_3264 = vector.broadcast %div3A_3263 : f32 to vector<16xf32>
      %div3A_3265 = arith.divf %div3A_3264, %add3A_3262 : vector<16xf32>
      %neg3A_3266 = arith.constant 0.000000e+00 : f32
      %neg3A_3267 = vector.broadcast %neg3A_3266 : f32 to vector<16xf32>
      %neg3A_3268 = arith.subf %neg3A_3267, %gather3A_3120 : vector<16xf32>
      %exp3A_3269 = math.exp %neg3A_3268 : vector<16xf32>
      %add3A_3270 = arith.constant 1.000000e+00 : f32
      %add3A_3271 = vector.broadcast %add3A_3270 : f32 to vector<16xf32>
      %add3A_3272 = arith.addf %add3A_3271, %exp3A_3269 : vector<16xf32>
      %div3A_3273 = arith.constant 1.000000e+00 : f32
      %div3A_3274 = vector.broadcast %div3A_3273 : f32 to vector<16xf32>
      %div3A_3275 = arith.divf %div3A_3274, %add3A_3272 : vector<16xf32>
      %mul3A_3276 = arith.mulf %exp3A_3254, %div3A_3265 : vector<16xf32>
      %mul3A_3277 = arith.mulf %exp3A_3255, %div3A_3275 : vector<16xf32>
      %add3A_3278 = arith.addf %mul3A_3276, %mul3A_3277 : vector<16xf32>
      %swap3A_3279 = arith.constant 192 : index
      %swap3A_3280 = tpu.vector_load %arg25[%swap3A_3279] {strides = array<i32>} : memref<256xf32, #tpu.memory_space<vmem>>, vector<16xf32>,
      tpu.vector_store %arg25[%swap3A_3279], %add3A_3278 {strides = array<i32>} : memref<256xf32, #tpu.memory_space<vmem>>, vector<16xf32>,
      %add3A_3281 = arith.addf %exp3A_3254, %exp3A_3255 : vector<16xf32>
      %swap3A_3282 = arith.constant 192 : index
      %swap3A_3283 = tpu.vector_load %arg26[%swap3A_3282] {strides = array<i32>} : memref<256xf32, #tpu.memory_space<vmem>>, vector<16xf32>,
      tpu.vector_store %arg26[%swap3A_3282], %add3A_3281 {strides = array<i32>} : memref<256xf32, #tpu.memory_space<vmem>>, vector<16xf32>,
      %mul3A_3284 = arith.constant 16 : i32
      %mul3A_3285 = arith.muli %scan3A_434, %mul3A_3284 : i32
      %add3A_3286 = arith.constant 13 : i32
      %add3A_3287 = arith.addi %mul3A_3285, %add3A_3286 : i32
      %dma_wait3A_3288 = arith.constant 0 : i32
      %dma_wait3A_3289 = arith.constant 0 : i32
      %dma_wait3A_3290 = tpu.memref_slice %arg4[%dma_wait3A_3288, %dma_wait3A_3289] : memref<32x1000000xf32, #tpu.memory_space<hbm>> -> memref<32x128xf32, #tpu.memory_space<hbm>>
      %dma_wait3A_3291 = arith.constant 0 : i32
      %dma_wait3A_3292 = arith.constant 0 : i32
      %dma_wait3A_3293 = tpu.memref_slice %arg4[%dma_wait3A_3291, %dma_wait3A_3292] : memref<32x1000000xf32, #tpu.memory_space<hbm>> -> memref<32x128xf32, #tpu.memory_space<hbm>>
      tpu.wait_dma2 semaphore(%arg33 : memref<!tpu.dma_semaphore, #tpu.memory_space<semaphore_mem>>) src(%dma_wait3A_3293 : memref<32x128xf32, #tpu.memory_space<hbm>>) dst(%arg14 : memref<32x128xf32, #tpu.memory_space<vmem>>)
      %dma_wait3A_3294 = arith.constant 0 : i32
      %dma_wait3A_3295 = arith.constant 0 : i32
      %dma_wait3A_3296 = tpu.memref_slice %arg5[%dma_wait3A_3294, %dma_wait3A_3295] : memref<32x1000000xf32, #tpu.memory_space<hbm>> -> memref<32x128xf32, #tpu.memory_space<hbm>>
      %dma_wait3A_3297 = arith.constant 0 : i32
      %dma_wait3A_3298 = arith.constant 0 : i32
      %dma_wait3A_3299 = tpu.memref_slice %arg5[%dma_wait3A_3297, %dma_wait3A_3298] : memref<32x1000000xf32, #tpu.memory_space<hbm>> -> memref<32x128xf32, #tpu.memory_space<hbm>>
      tpu.wait_dma2 semaphore(%arg41 : memref<!tpu.dma_semaphore, #tpu.memory_space<semaphore_mem>>) src(%dma_wait3A_3299 : memref<32x128xf32, #tpu.memory_space<hbm>>) dst(%arg22 : memref<32x128xf32, #tpu.memory_space<vmem>>)
      %mul3A_3300 = arith.constant 16 : i32
      %mul3A_3301 = arith.muli %scan3A_434, %mul3A_3300 : i32
      %get3A_3302 = arith.index_cast %mul3A_3301 : i32 to index
      %get3A_3303 = tpu.vector_load %arg7[%get3A_3302] {strides = array<i32>} : memref<512xi32, #tpu.memory_space<vmem>>, vector<16xi32>,
      %mul3A_3304 = arith.constant 16 : i32
      %mul3A_3305 = arith.muli %scan3A_434, %mul3A_3304 : i32
      %get3A_3306 = arith.index_cast %mul3A_3305 : i32 to index
      %get3A_3307 = tpu.vector_load %arg8[%get3A_3306] {strides = array<i32>} : memref<512xi32, #tpu.memory_space<vmem>>, vector<16xi32>,
      %broadcast_in_dim3A_3308 = arith.constant 13 : i32
      %broadcast_in_dim3A_3309 = vector.broadcast %broadcast_in_dim3A_3308 : i32 to vector<16xi32>
      %lt3A_3310 = arith.constant 0 : i32
      %lt3A_3311 = vector.broadcast %lt3A_3310 : i32 to vector<16xi32>
      %lt3A_3312 = arith.cmpi slt, %broadcast_in_dim3A_3309, %lt3A_3311 : vector<16xi32>
      %add3A_3313 = arith.constant 16 : i32
      %add3A_3314 = vector.broadcast %add3A_3313 : i32 to vector<16xi32>
      %add3A_3315 = arith.addi %broadcast_in_dim3A_3309, %add3A_3314 : vector<16xi32>
      %select_n3A_3316 = arith.select %lt3A_3312, %add3A_3315, %broadcast_in_dim3A_3309 : vector<16xi1>, vector<16xi32>
      %broadcast_in_dim3A_3317 = vector.shape_cast %select_n3A_3316 : vector<16xi32> to vector<16x1xi32>
      %gather3A_3318 = vector.shape_cast %broadcast_in_dim3A_3317 : vector<16x1xi32> to vector<16xi32>
      %gather3A_3319 = tpu.dynamic_gather %get3A_3303[%gather3A_3318] in [0] : vector<16xi32>, vector<16xi32> -> vector<16xi32>
      %and3A_3320 = arith.constant 127 : i32
      %and3A_3321 = vector.broadcast %and3A_3320 : i32 to vector<16xi32>
      %and3A_3322 = arith.andi %gather3A_3319, %and3A_3321 : vector<16xi32>
      %lt3A_3323 = arith.constant 0 : i32
      %lt3A_3324 = vector.broadcast %lt3A_3323 : i32 to vector<16xi32>
      %lt3A_3325 = arith.cmpi slt, %broadcast_in_dim3A_3309, %lt3A_3324 : vector<16xi32>
      %add3A_3326 = arith.constant 16 : i32
      %add3A_3327 = vector.broadcast %add3A_3326 : i32 to vector<16xi32>
      %add3A_3328 = arith.addi %broadcast_in_dim3A_3309, %add3A_3327 : vector<16xi32>
      %select_n3A_3329 = arith.select %lt3A_3325, %add3A_3328, %broadcast_in_dim3A_3309 : vector<16xi1>, vector<16xi32>
      %broadcast_in_dim3A_3330 = vector.shape_cast %select_n3A_3329 : vector<16xi32> to vector<16x1xi32>
      %gather3A_3331 = vector.shape_cast %broadcast_in_dim3A_3330 : vector<16x1xi32> to vector<16xi32>
      %gather3A_3332 = tpu.dynamic_gather %get3A_3307[%gather3A_3331] in [0] : vector<16xi32>, vector<16xi32> -> vector<16xi32>
      %and3A_3333 = arith.constant 127 : i32
      %and3A_3334 = vector.broadcast %and3A_3333 : i32 to vector<16xi32>
      %and3A_3335 = arith.andi %gather3A_3332, %and3A_3334 : vector<16xi32>
      %gather3A_3336 = tpu.vector_load_idx %arg14[%iota3A, %and3A_3322] : memref<32x128xf32, #tpu.memory_space<vmem>>[vector<16xi32>, vector<16xi32>], vector<16xf32>,
      %add3A_3337 = arith.constant 16 : i32
      %add3A_3338 = vector.broadcast %add3A_3337 : i32 to vector<16xi32>
      %add3A_3339 = arith.addi %iota3A, %add3A_3338 : vector<16xi32>
      %gather3A_3340 = tpu.vector_load_idx %arg14[%add3A_3339, %and3A_3322] : memref<32x128xf32, #tpu.memory_space<vmem>>[vector<16xi32>, vector<16xi32>], vector<16xf32>,
      %gather3A_3341 = tpu.vector_load_idx %arg22[%iota3A, %and3A_3335] : memref<32x128xf32, #tpu.memory_space<vmem>>[vector<16xi32>, vector<16xi32>], vector<16xf32>,
      %add3A_3342 = arith.constant 16 : i32
      %add3A_3343 = vector.broadcast %add3A_3342 : i32 to vector<16xi32>
      %add3A_3344 = arith.addi %iota3A, %add3A_3343 : vector<16xi32>
      %gather3A_3345 = tpu.vector_load_idx %arg22[%add3A_3344, %and3A_3335] : memref<32x128xf32, #tpu.memory_space<vmem>>[vector<16xi32>, vector<16xi32>], vector<16xf32>,
      %add3A_3346 = arith.constant 8 : i32
      %add3A_3347 = arith.addi %add3A_3287, %add3A_3346 : i32
      %min3A_3348 = arith.constant 511 : i32
      %min3A_3349 = arith.minsi %add3A_3347, %min3A_3348 : i32
      %jit3A_3350 = arith.constant 16 : i32
      %div3A_3351 = arith.divsi %min3A_3349, %jit3A_3350 : i32
      %sign3A_3352 = arith.constant 0 : i32
      %sign3A_3353 = arith.cmpi sgt, %min3A_3349, %sign3A_3352 : i32
      %sign3A_3354 = arith.extui %sign3A_3353 : i1 to i32
      %sign3A_3355 = arith.constant 0 : i32
      %sign3A_3356 = arith.cmpi slt, %min3A_3349, %sign3A_3355 : i32
      %sign3A_3357 = arith.extui %sign3A_3356 : i1 to i32
      %sign3A_3358 = arith.subi %sign3A_3354, %sign3A_3357 : i32
      %sign3A_3359 = arith.constant 0 : i32
      %sign3A_3360 = arith.cmpi sgt, %jit3A_3350, %sign3A_3359 : i32
      %sign3A_3361 = arith.extui %sign3A_3360 : i1 to i32
      %sign3A_3362 = arith.constant 0 : i32
      %sign3A_3363 = arith.cmpi slt, %jit3A_3350, %sign3A_3362 : i32
      %sign3A_3364 = arith.extui %sign3A_3363 : i1 to i32
      %sign3A_3365 = arith.subi %sign3A_3361, %sign3A_3364 : i32
      %ne3A_3366 = arith.cmpi ne, %sign3A_3358, %sign3A_3365 : i32
      %rem3A_3367 = arith.remsi %min3A_3349, %jit3A_3350 : i32
      %ne3A_3368 = arith.constant 0 : i32
      %ne3A_3369 = arith.cmpi ne, %rem3A_3367, %ne3A_3368 : i32
      %and3A_3370 = arith.andi %ne3A_3366, %ne3A_3369 : i1
      %sub3A_3371 = arith.constant 1 : i32
      %sub3A_3372 = arith.subi %div3A_3351, %sub3A_3371 : i32
      %select_n3A_3373 = arith.select %and3A_3370, %sub3A_3372, %div3A_3351 : i32
      %mul3A_3374 = arith.constant 16 : i32
      %mul3A_3375 = arith.muli %select_n3A_3373, %mul3A_3374 : i32
      %get3A_3376 = arith.index_cast %mul3A_3375 : i32 to index
      %get3A_3377 = tpu.vector_load %arg7[%get3A_3376] {strides = array<i32>} : memref<512xi32, #tpu.memory_space<vmem>>, vector<16xi32>,
      %jit3A_3378 = arith.constant 16 : i32
      %eq3A_3379 = arith.constant 0 : i32
      %eq3A_3380 = arith.cmpi eq, %jit3A_3378, %eq3A_3379 : i32
      %jit3A_3381 = arith.constant 1 : i32
      %select_n3A_3382 = arith.select %eq3A_3380, %jit3A_3381, %jit3A_3378 : i32
      %rem3A_3383 = arith.remsi %min3A_3349, %select_n3A_3382 : i32
      %ne3A_3384 = arith.constant 0 : i32
      %ne3A_3385 = arith.cmpi ne, %rem3A_3383, %ne3A_3384 : i32
      %lt3A_3386 = arith.constant 0 : i32
      %lt3A_3387 = arith.cmpi slt, %rem3A_3383, %lt3A_3386 : i32
      %lt3A_3388 = arith.constant 0 : i32
      %lt3A_3389 = arith.cmpi slt, %select_n3A_3382, %lt3A_3388 : i32
      %ne3A_3390 = arith.xori %lt3A_3387, %lt3A_3389 : i1
      %and3A_3391 = arith.andi %ne3A_3390, %ne3A_3385 : i1
      %add3A_3392 = arith.addi %rem3A_3383, %select_n3A_3382 : i32
      %select_n3A_3393 = arith.select %and3A_3391, %add3A_3392, %rem3A_3383 : i32
      %eq3A_3394 = vector.broadcast %select_n3A_3393 : i32 to vector<16xi32>
      %eq3A_3395 = arith.cmpi eq, %iota3A, %eq3A_3394 : vector<16xi32>
      %jit3A_3396 = arith.constant 0 : i32
      %broadcast_in_dim3A_3397 = vector.broadcast %jit3A_3396 : i32 to vector<16xi32>
      %select_n3A_3398 = arith.select %eq3A_3395, %get3A_3377, %broadcast_in_dim3A_3397 : vector<16xi1>, vector<16xi32>
      %reduce_sum3A_3399 = arith.constant true
      %reduce_sum3A_3400 = vector.broadcast %reduce_sum3A_3399 : i1 to vector<16xi1>
      %reduce_sum3A_3401 = tpu.scan <sum>, %select_n3A_3398 masked %reduce_sum3A_3400 : vector<16xi32>, vector<16xi1> -> vector<16xi32>
      %reduce_sum3A_3402 = vector.extract %reduce_sum3A_3401[15] : i32 from vector<16xi32>
      %shift_right_logical3A_3403 = arith.constant 7 : i32
      %shift_right_logical3A_3404 = arith.shrui %reduce_sum3A_3402, %shift_right_logical3A_3403 : i32
      %jit3A_3405 = arith.constant 16 : i32
      %div3A_3406 = arith.divsi %min3A_3349, %jit3A_3405 : i32
      %sign3A_3407 = arith.constant 0 : i32
      %sign3A_3408 = arith.cmpi sgt, %min3A_3349, %sign3A_3407 : i32
      %sign3A_3409 = arith.extui %sign3A_3408 : i1 to i32
      %sign3A_3410 = arith.constant 0 : i32
      %sign3A_3411 = arith.cmpi slt, %min3A_3349, %sign3A_3410 : i32
      %sign3A_3412 = arith.extui %sign3A_3411 : i1 to i32
      %sign3A_3413 = arith.subi %sign3A_3409, %sign3A_3412 : i32
      %sign3A_3414 = arith.constant 0 : i32
      %sign3A_3415 = arith.cmpi sgt, %jit3A_3405, %sign3A_3414 : i32
      %sign3A_3416 = arith.extui %sign3A_3415 : i1 to i32
      %sign3A_3417 = arith.constant 0 : i32
      %sign3A_3418 = arith.cmpi slt, %jit3A_3405, %sign3A_3417 : i32
      %sign3A_3419 = arith.extui %sign3A_3418 : i1 to i32
      %sign3A_3420 = arith.subi %sign3A_3416, %sign3A_3419 : i32
      %ne3A_3421 = arith.cmpi ne, %sign3A_3413, %sign3A_3420 : i32
      %rem3A_3422 = arith.remsi %min3A_3349, %jit3A_3405 : i32
      %ne3A_3423 = arith.constant 0 : i32
      %ne3A_3424 = arith.cmpi ne, %rem3A_3422, %ne3A_3423 : i32
      %and3A_3425 = arith.andi %ne3A_3421, %ne3A_3424 : i1
      %sub3A_3426 = arith.constant 1 : i32
      %sub3A_3427 = arith.subi %div3A_3406, %sub3A_3426 : i32
      %select_n3A_3428 = arith.select %and3A_3425, %sub3A_3427, %div3A_3406 : i32
      %mul3A_3429 = arith.constant 16 : i32
      %mul3A_3430 = arith.muli %select_n3A_3428, %mul3A_3429 : i32
      %get3A_3431 = arith.index_cast %mul3A_3430 : i32 to index
      %get3A_3432 = tpu.vector_load %arg8[%get3A_3431] {strides = array<i32>} : memref<512xi32, #tpu.memory_space<vmem>>, vector<16xi32>,
      %jit3A_3433 = arith.constant 16 : i32
      %eq3A_3434 = arith.constant 0 : i32
      %eq3A_3435 = arith.cmpi eq, %jit3A_3433, %eq3A_3434 : i32
      %jit3A_3436 = arith.constant 1 : i32
      %select_n3A_3437 = arith.select %eq3A_3435, %jit3A_3436, %jit3A_3433 : i32
      %rem3A_3438 = arith.remsi %min3A_3349, %select_n3A_3437 : i32
      %ne3A_3439 = arith.constant 0 : i32
      %ne3A_3440 = arith.cmpi ne, %rem3A_3438, %ne3A_3439 : i32
      %lt3A_3441 = arith.constant 0 : i32
      %lt3A_3442 = arith.cmpi slt, %rem3A_3438, %lt3A_3441 : i32
      %lt3A_3443 = arith.constant 0 : i32
      %lt3A_3444 = arith.cmpi slt, %select_n3A_3437, %lt3A_3443 : i32
      %ne3A_3445 = arith.xori %lt3A_3442, %lt3A_3444 : i1
      %and3A_3446 = arith.andi %ne3A_3445, %ne3A_3440 : i1
      %add3A_3447 = arith.addi %rem3A_3438, %select_n3A_3437 : i32
      %select_n3A_3448 = arith.select %and3A_3446, %add3A_3447, %rem3A_3438 : i32
      %eq3A_3449 = vector.broadcast %select_n3A_3448 : i32 to vector<16xi32>
      %eq3A_3450 = arith.cmpi eq, %iota3A, %eq3A_3449 : vector<16xi32>
      %jit3A_3451 = arith.constant 0 : i32
      %broadcast_in_dim3A_3452 = vector.broadcast %jit3A_3451 : i32 to vector<16xi32>
      %select_n3A_3453 = arith.select %eq3A_3450, %get3A_3432, %broadcast_in_dim3A_3452 : vector<16xi1>, vector<16xi32>
      %reduce_sum3A_3454 = arith.constant true
      %reduce_sum3A_3455 = vector.broadcast %reduce_sum3A_3454 : i1 to vector<16xi1>
      %reduce_sum3A_3456 = tpu.scan <sum>, %select_n3A_3453 masked %reduce_sum3A_3455 : vector<16xi32>, vector<16xi1> -> vector<16xi32>
      %reduce_sum3A_3457 = vector.extract %reduce_sum3A_3456[15] : i32 from vector<16xi32>
      %shift_right_logical3A_3458 = arith.constant 7 : i32
      %shift_right_logical3A_3459 = arith.shrui %reduce_sum3A_3457, %shift_right_logical3A_3458 : i32
      %mul3A_3460 = arith.constant 128 : i32
      %mul3A_3461 = arith.muli %shift_right_logical3A_3404, %mul3A_3460 : i32
      %multiple_of3A_3462 = tpu.assume_multiple %mul3A_3461, 128 : i32
      %dma_start3A_3463 = arith.constant 0 : i32
      %dma_start3A_3464 = tpu.memref_slice %arg4[%dma_start3A_3463, %multiple_of3A_3462] : memref<32x1000000xf32, #tpu.memory_space<hbm>> -> memref<32x128xf32, #tpu.memory_space<hbm>>
      %dma_start3A_3465 = arith.constant 0 : i32
      %dma_start3A_3466 = tpu.memref_slice %arg4[%dma_start3A_3465, %multiple_of3A_3462] : memref<32x1000000xf32, #tpu.memory_space<hbm>> -> memref<32x128xf32, #tpu.memory_space<hbm>>
      tpu.enqueue_dma source(%dma_start3A_3466 : memref<32x128xf32, #tpu.memory_space<hbm>>) target(%arg14 : memref<32x128xf32, #tpu.memory_space<vmem>>) target_semaphore(%arg33 : memref<!tpu.dma_semaphore, #tpu.memory_space<semaphore_mem>>)
      %mul3A_3467 = arith.constant 128 : i32
      %mul3A_3468 = arith.muli %shift_right_logical3A_3459, %mul3A_3467 : i32
      %multiple_of3A_3469 = tpu.assume_multiple %mul3A_3468, 128 : i32
      %dma_start3A_3470 = arith.constant 0 : i32
      %dma_start3A_3471 = tpu.memref_slice %arg5[%dma_start3A_3470, %multiple_of3A_3469] : memref<32x1000000xf32, #tpu.memory_space<hbm>> -> memref<32x128xf32, #tpu.memory_space<hbm>>
      %dma_start3A_3472 = arith.constant 0 : i32
      %dma_start3A_3473 = tpu.memref_slice %arg5[%dma_start3A_3472, %multiple_of3A_3469] : memref<32x1000000xf32, #tpu.memory_space<hbm>> -> memref<32x128xf32, #tpu.memory_space<hbm>>
      tpu.enqueue_dma source(%dma_start3A_3473 : memref<32x128xf32, #tpu.memory_space<hbm>>) target(%arg22 : memref<32x128xf32, #tpu.memory_space<vmem>>) target_semaphore(%arg41 : memref<!tpu.dma_semaphore, #tpu.memory_space<semaphore_mem>>)
      %exp3A_3474 = math.exp %gather3A_3341 : vector<16xf32>
      %exp3A_3475 = math.exp %gather3A_3345 : vector<16xf32>
      %neg3A_3476 = arith.constant 0.000000e+00 : f32
      %neg3A_3477 = vector.broadcast %neg3A_3476 : f32 to vector<16xf32>
      %neg3A_3478 = arith.subf %neg3A_3477, %gather3A_3336 : vector<16xf32>
      %exp3A_3479 = math.exp %neg3A_3478 : vector<16xf32>
      %add3A_3480 = arith.constant 1.000000e+00 : f32
      %add3A_3481 = vector.broadcast %add3A_3480 : f32 to vector<16xf32>
      %add3A_3482 = arith.addf %add3A_3481, %exp3A_3479 : vector<16xf32>
      %div3A_3483 = arith.constant 1.000000e+00 : f32
      %div3A_3484 = vector.broadcast %div3A_3483 : f32 to vector<16xf32>
      %div3A_3485 = arith.divf %div3A_3484, %add3A_3482 : vector<16xf32>
      %neg3A_3486 = arith.constant 0.000000e+00 : f32
      %neg3A_3487 = vector.broadcast %neg3A_3486 : f32 to vector<16xf32>
      %neg3A_3488 = arith.subf %neg3A_3487, %gather3A_3340 : vector<16xf32>
      %exp3A_3489 = math.exp %neg3A_3488 : vector<16xf32>
      %add3A_3490 = arith.constant 1.000000e+00 : f32
      %add3A_3491 = vector.broadcast %add3A_3490 : f32 to vector<16xf32>
      %add3A_3492 = arith.addf %add3A_3491, %exp3A_3489 : vector<16xf32>
      %div3A_3493 = arith.constant 1.000000e+00 : f32
      %div3A_3494 = vector.broadcast %div3A_3493 : f32 to vector<16xf32>
      %div3A_3495 = arith.divf %div3A_3494, %add3A_3492 : vector<16xf32>
      %mul3A_3496 = arith.mulf %exp3A_3474, %div3A_3485 : vector<16xf32>
      %mul3A_3497 = arith.mulf %exp3A_3475, %div3A_3495 : vector<16xf32>
      %add3A_3498 = arith.addf %mul3A_3496, %mul3A_3497 : vector<16xf32>
      %swap3A_3499 = arith.constant 208 : index
      %swap3A_3500 = tpu.vector_load %arg25[%swap3A_3499] {strides = array<i32>} : memref<256xf32, #tpu.memory_space<vmem>>, vector<16xf32>,
      tpu.vector_store %arg25[%swap3A_3499], %add3A_3498 {strides = array<i32>} : memref<256xf32, #tpu.memory_space<vmem>>, vector<16xf32>,
      %add3A_3501 = arith.addf %exp3A_3474, %exp3A_3475 : vector<16xf32>
      %swap3A_3502 = arith.constant 208 : index
      %swap3A_3503 = tpu.vector_load %arg26[%swap3A_3502] {strides = array<i32>} : memref<256xf32, #tpu.memory_space<vmem>>, vector<16xf32>,
      tpu.vector_store %arg26[%swap3A_3502], %add3A_3501 {strides = array<i32>} : memref<256xf32, #tpu.memory_space<vmem>>, vector<16xf32>,
      %mul3A_3504 = arith.constant 16 : i32
      %mul3A_3505 = arith.muli %scan3A_434, %mul3A_3504 : i32
      %add3A_3506 = arith.constant 14 : i32
      %add3A_3507 = arith.addi %mul3A_3505, %add3A_3506 : i32
      %dma_wait3A_3508 = arith.constant 0 : i32
      %dma_wait3A_3509 = arith.constant 0 : i32
      %dma_wait3A_3510 = tpu.memref_slice %arg4[%dma_wait3A_3508, %dma_wait3A_3509] : memref<32x1000000xf32, #tpu.memory_space<hbm>> -> memref<32x128xf32, #tpu.memory_space<hbm>>
      %dma_wait3A_3511 = arith.constant 0 : i32
      %dma_wait3A_3512 = arith.constant 0 : i32
      %dma_wait3A_3513 = tpu.memref_slice %arg4[%dma_wait3A_3511, %dma_wait3A_3512] : memref<32x1000000xf32, #tpu.memory_space<hbm>> -> memref<32x128xf32, #tpu.memory_space<hbm>>
      tpu.wait_dma2 semaphore(%arg34 : memref<!tpu.dma_semaphore, #tpu.memory_space<semaphore_mem>>) src(%dma_wait3A_3513 : memref<32x128xf32, #tpu.memory_space<hbm>>) dst(%arg15 : memref<32x128xf32, #tpu.memory_space<vmem>>)
      %dma_wait3A_3514 = arith.constant 0 : i32
      %dma_wait3A_3515 = arith.constant 0 : i32
      %dma_wait3A_3516 = tpu.memref_slice %arg5[%dma_wait3A_3514, %dma_wait3A_3515] : memref<32x1000000xf32, #tpu.memory_space<hbm>> -> memref<32x128xf32, #tpu.memory_space<hbm>>
      %dma_wait3A_3517 = arith.constant 0 : i32
      %dma_wait3A_3518 = arith.constant 0 : i32
      %dma_wait3A_3519 = tpu.memref_slice %arg5[%dma_wait3A_3517, %dma_wait3A_3518] : memref<32x1000000xf32, #tpu.memory_space<hbm>> -> memref<32x128xf32, #tpu.memory_space<hbm>>
      tpu.wait_dma2 semaphore(%arg42 : memref<!tpu.dma_semaphore, #tpu.memory_space<semaphore_mem>>) src(%dma_wait3A_3519 : memref<32x128xf32, #tpu.memory_space<hbm>>) dst(%arg23 : memref<32x128xf32, #tpu.memory_space<vmem>>)
      %mul3A_3520 = arith.constant 16 : i32
      %mul3A_3521 = arith.muli %scan3A_434, %mul3A_3520 : i32
      %get3A_3522 = arith.index_cast %mul3A_3521 : i32 to index
      %get3A_3523 = tpu.vector_load %arg7[%get3A_3522] {strides = array<i32>} : memref<512xi32, #tpu.memory_space<vmem>>, vector<16xi32>,
      %mul3A_3524 = arith.constant 16 : i32
      %mul3A_3525 = arith.muli %scan3A_434, %mul3A_3524 : i32
      %get3A_3526 = arith.index_cast %mul3A_3525 : i32 to index
      %get3A_3527 = tpu.vector_load %arg8[%get3A_3526] {strides = array<i32>} : memref<512xi32, #tpu.memory_space<vmem>>, vector<16xi32>,
      %broadcast_in_dim3A_3528 = arith.constant 14 : i32
      %broadcast_in_dim3A_3529 = vector.broadcast %broadcast_in_dim3A_3528 : i32 to vector<16xi32>
      %lt3A_3530 = arith.constant 0 : i32
      %lt3A_3531 = vector.broadcast %lt3A_3530 : i32 to vector<16xi32>
      %lt3A_3532 = arith.cmpi slt, %broadcast_in_dim3A_3529, %lt3A_3531 : vector<16xi32>
      %add3A_3533 = arith.constant 16 : i32
      %add3A_3534 = vector.broadcast %add3A_3533 : i32 to vector<16xi32>
      %add3A_3535 = arith.addi %broadcast_in_dim3A_3529, %add3A_3534 : vector<16xi32>
      %select_n3A_3536 = arith.select %lt3A_3532, %add3A_3535, %broadcast_in_dim3A_3529 : vector<16xi1>, vector<16xi32>
      %broadcast_in_dim3A_3537 = vector.shape_cast %select_n3A_3536 : vector<16xi32> to vector<16x1xi32>
      %gather3A_3538 = vector.shape_cast %broadcast_in_dim3A_3537 : vector<16x1xi32> to vector<16xi32>
      %gather3A_3539 = tpu.dynamic_gather %get3A_3523[%gather3A_3538] in [0] : vector<16xi32>, vector<16xi32> -> vector<16xi32>
      %and3A_3540 = arith.constant 127 : i32
      %and3A_3541 = vector.broadcast %and3A_3540 : i32 to vector<16xi32>
      %and3A_3542 = arith.andi %gather3A_3539, %and3A_3541 : vector<16xi32>
      %lt3A_3543 = arith.constant 0 : i32
      %lt3A_3544 = vector.broadcast %lt3A_3543 : i32 to vector<16xi32>
      %lt3A_3545 = arith.cmpi slt, %broadcast_in_dim3A_3529, %lt3A_3544 : vector<16xi32>
      %add3A_3546 = arith.constant 16 : i32
      %add3A_3547 = vector.broadcast %add3A_3546 : i32 to vector<16xi32>
      %add3A_3548 = arith.addi %broadcast_in_dim3A_3529, %add3A_3547 : vector<16xi32>
      %select_n3A_3549 = arith.select %lt3A_3545, %add3A_3548, %broadcast_in_dim3A_3529 : vector<16xi1>, vector<16xi32>
      %broadcast_in_dim3A_3550 = vector.shape_cast %select_n3A_3549 : vector<16xi32> to vector<16x1xi32>
      %gather3A_3551 = vector.shape_cast %broadcast_in_dim3A_3550 : vector<16x1xi32> to vector<16xi32>
      %gather3A_3552 = tpu.dynamic_gather %get3A_3527[%gather3A_3551] in [0] : vector<16xi32>, vector<16xi32> -> vector<16xi32>
      %and3A_3553 = arith.constant 127 : i32
      %and3A_3554 = vector.broadcast %and3A_3553 : i32 to vector<16xi32>
      %and3A_3555 = arith.andi %gather3A_3552, %and3A_3554 : vector<16xi32>
      %gather3A_3556 = tpu.vector_load_idx %arg15[%iota3A, %and3A_3542] : memref<32x128xf32, #tpu.memory_space<vmem>>[vector<16xi32>, vector<16xi32>], vector<16xf32>,
      %add3A_3557 = arith.constant 16 : i32
      %add3A_3558 = vector.broadcast %add3A_3557 : i32 to vector<16xi32>
      %add3A_3559 = arith.addi %iota3A, %add3A_3558 : vector<16xi32>
      %gather3A_3560 = tpu.vector_load_idx %arg15[%add3A_3559, %and3A_3542] : memref<32x128xf32, #tpu.memory_space<vmem>>[vector<16xi32>, vector<16xi32>], vector<16xf32>,
      %gather3A_3561 = tpu.vector_load_idx %arg23[%iota3A, %and3A_3555] : memref<32x128xf32, #tpu.memory_space<vmem>>[vector<16xi32>, vector<16xi32>], vector<16xf32>,
      %add3A_3562 = arith.constant 16 : i32
      %add3A_3563 = vector.broadcast %add3A_3562 : i32 to vector<16xi32>
      %add3A_3564 = arith.addi %iota3A, %add3A_3563 : vector<16xi32>
      %gather3A_3565 = tpu.vector_load_idx %arg23[%add3A_3564, %and3A_3555] : memref<32x128xf32, #tpu.memory_space<vmem>>[vector<16xi32>, vector<16xi32>], vector<16xf32>,
      %add3A_3566 = arith.constant 8 : i32
      %add3A_3567 = arith.addi %add3A_3507, %add3A_3566 : i32
      %min3A_3568 = arith.constant 511 : i32
      %min3A_3569 = arith.minsi %add3A_3567, %min3A_3568 : i32
      %jit3A_3570 = arith.constant 16 : i32
      %div3A_3571 = arith.divsi %min3A_3569, %jit3A_3570 : i32
      %sign3A_3572 = arith.constant 0 : i32
      %sign3A_3573 = arith.cmpi sgt, %min3A_3569, %sign3A_3572 : i32
      %sign3A_3574 = arith.extui %sign3A_3573 : i1 to i32
      %sign3A_3575 = arith.constant 0 : i32
      %sign3A_3576 = arith.cmpi slt, %min3A_3569, %sign3A_3575 : i32
      %sign3A_3577 = arith.extui %sign3A_3576 : i1 to i32
      %sign3A_3578 = arith.subi %sign3A_3574, %sign3A_3577 : i32
      %sign3A_3579 = arith.constant 0 : i32
      %sign3A_3580 = arith.cmpi sgt, %jit3A_3570, %sign3A_3579 : i32
      %sign3A_3581 = arith.extui %sign3A_3580 : i1 to i32
      %sign3A_3582 = arith.constant 0 : i32
      %sign3A_3583 = arith.cmpi slt, %jit3A_3570, %sign3A_3582 : i32
      %sign3A_3584 = arith.extui %sign3A_3583 : i1 to i32
      %sign3A_3585 = arith.subi %sign3A_3581, %sign3A_3584 : i32
      %ne3A_3586 = arith.cmpi ne, %sign3A_3578, %sign3A_3585 : i32
      %rem3A_3587 = arith.remsi %min3A_3569, %jit3A_3570 : i32
      %ne3A_3588 = arith.constant 0 : i32
      %ne3A_3589 = arith.cmpi ne, %rem3A_3587, %ne3A_3588 : i32
      %and3A_3590 = arith.andi %ne3A_3586, %ne3A_3589 : i1
      %sub3A_3591 = arith.constant 1 : i32
      %sub3A_3592 = arith.subi %div3A_3571, %sub3A_3591 : i32
      %select_n3A_3593 = arith.select %and3A_3590, %sub3A_3592, %div3A_3571 : i32
      %mul3A_3594 = arith.constant 16 : i32
      %mul3A_3595 = arith.muli %select_n3A_3593, %mul3A_3594 : i32
      %get3A_3596 = arith.index_cast %mul3A_3595 : i32 to index
      %get3A_3597 = tpu.vector_load %arg7[%get3A_3596] {strides = array<i32>} : memref<512xi32, #tpu.memory_space<vmem>>, vector<16xi32>,
      %jit3A_3598 = arith.constant 16 : i32
      %eq3A_3599 = arith.constant 0 : i32
      %eq3A_3600 = arith.cmpi eq, %jit3A_3598, %eq3A_3599 : i32
      %jit3A_3601 = arith.constant 1 : i32
      %select_n3A_3602 = arith.select %eq3A_3600, %jit3A_3601, %jit3A_3598 : i32
      %rem3A_3603 = arith.remsi %min3A_3569, %select_n3A_3602 : i32
      %ne3A_3604 = arith.constant 0 : i32
      %ne3A_3605 = arith.cmpi ne, %rem3A_3603, %ne3A_3604 : i32
      %lt3A_3606 = arith.constant 0 : i32
      %lt3A_3607 = arith.cmpi slt, %rem3A_3603, %lt3A_3606 : i32
      %lt3A_3608 = arith.constant 0 : i32
      %lt3A_3609 = arith.cmpi slt, %select_n3A_3602, %lt3A_3608 : i32
      %ne3A_3610 = arith.xori %lt3A_3607, %lt3A_3609 : i1
      %and3A_3611 = arith.andi %ne3A_3610, %ne3A_3605 : i1
      %add3A_3612 = arith.addi %rem3A_3603, %select_n3A_3602 : i32
      %select_n3A_3613 = arith.select %and3A_3611, %add3A_3612, %rem3A_3603 : i32
      %eq3A_3614 = vector.broadcast %select_n3A_3613 : i32 to vector<16xi32>
      %eq3A_3615 = arith.cmpi eq, %iota3A, %eq3A_3614 : vector<16xi32>
      %jit3A_3616 = arith.constant 0 : i32
      %broadcast_in_dim3A_3617 = vector.broadcast %jit3A_3616 : i32 to vector<16xi32>
      %select_n3A_3618 = arith.select %eq3A_3615, %get3A_3597, %broadcast_in_dim3A_3617 : vector<16xi1>, vector<16xi32>
      %reduce_sum3A_3619 = arith.constant true
      %reduce_sum3A_3620 = vector.broadcast %reduce_sum3A_3619 : i1 to vector<16xi1>
      %reduce_sum3A_3621 = tpu.scan <sum>, %select_n3A_3618 masked %reduce_sum3A_3620 : vector<16xi32>, vector<16xi1> -> vector<16xi32>
      %reduce_sum3A_3622 = vector.extract %reduce_sum3A_3621[15] : i32 from vector<16xi32>
      %shift_right_logical3A_3623 = arith.constant 7 : i32
      %shift_right_logical3A_3624 = arith.shrui %reduce_sum3A_3622, %shift_right_logical3A_3623 : i32
      %jit3A_3625 = arith.constant 16 : i32
      %div3A_3626 = arith.divsi %min3A_3569, %jit3A_3625 : i32
      %sign3A_3627 = arith.constant 0 : i32
      %sign3A_3628 = arith.cmpi sgt, %min3A_3569, %sign3A_3627 : i32
      %sign3A_3629 = arith.extui %sign3A_3628 : i1 to i32
      %sign3A_3630 = arith.constant 0 : i32
      %sign3A_3631 = arith.cmpi slt, %min3A_3569, %sign3A_3630 : i32
      %sign3A_3632 = arith.extui %sign3A_3631 : i1 to i32
      %sign3A_3633 = arith.subi %sign3A_3629, %sign3A_3632 : i32
      %sign3A_3634 = arith.constant 0 : i32
      %sign3A_3635 = arith.cmpi sgt, %jit3A_3625, %sign3A_3634 : i32
      %sign3A_3636 = arith.extui %sign3A_3635 : i1 to i32
      %sign3A_3637 = arith.constant 0 : i32
      %sign3A_3638 = arith.cmpi slt, %jit3A_3625, %sign3A_3637 : i32
      %sign3A_3639 = arith.extui %sign3A_3638 : i1 to i32
      %sign3A_3640 = arith.subi %sign3A_3636, %sign3A_3639 : i32
      %ne3A_3641 = arith.cmpi ne, %sign3A_3633, %sign3A_3640 : i32
      %rem3A_3642 = arith.remsi %min3A_3569, %jit3A_3625 : i32
      %ne3A_3643 = arith.constant 0 : i32
      %ne3A_3644 = arith.cmpi ne, %rem3A_3642, %ne3A_3643 : i32
      %and3A_3645 = arith.andi %ne3A_3641, %ne3A_3644 : i1
      %sub3A_3646 = arith.constant 1 : i32
      %sub3A_3647 = arith.subi %div3A_3626, %sub3A_3646 : i32
      %select_n3A_3648 = arith.select %and3A_3645, %sub3A_3647, %div3A_3626 : i32
      %mul3A_3649 = arith.constant 16 : i32
      %mul3A_3650 = arith.muli %select_n3A_3648, %mul3A_3649 : i32
      %get3A_3651 = arith.index_cast %mul3A_3650 : i32 to index
      %get3A_3652 = tpu.vector_load %arg8[%get3A_3651] {strides = array<i32>} : memref<512xi32, #tpu.memory_space<vmem>>, vector<16xi32>,
      %jit3A_3653 = arith.constant 16 : i32
      %eq3A_3654 = arith.constant 0 : i32
      %eq3A_3655 = arith.cmpi eq, %jit3A_3653, %eq3A_3654 : i32
      %jit3A_3656 = arith.constant 1 : i32
      %select_n3A_3657 = arith.select %eq3A_3655, %jit3A_3656, %jit3A_3653 : i32
      %rem3A_3658 = arith.remsi %min3A_3569, %select_n3A_3657 : i32
      %ne3A_3659 = arith.constant 0 : i32
      %ne3A_3660 = arith.cmpi ne, %rem3A_3658, %ne3A_3659 : i32
      %lt3A_3661 = arith.constant 0 : i32
      %lt3A_3662 = arith.cmpi slt, %rem3A_3658, %lt3A_3661 : i32
      %lt3A_3663 = arith.constant 0 : i32
      %lt3A_3664 = arith.cmpi slt, %select_n3A_3657, %lt3A_3663 : i32
      %ne3A_3665 = arith.xori %lt3A_3662, %lt3A_3664 : i1
      %and3A_3666 = arith.andi %ne3A_3665, %ne3A_3660 : i1
      %add3A_3667 = arith.addi %rem3A_3658, %select_n3A_3657 : i32
      %select_n3A_3668 = arith.select %and3A_3666, %add3A_3667, %rem3A_3658 : i32
      %eq3A_3669 = vector.broadcast %select_n3A_3668 : i32 to vector<16xi32>
      %eq3A_3670 = arith.cmpi eq, %iota3A, %eq3A_3669 : vector<16xi32>
      %jit3A_3671 = arith.constant 0 : i32
      %broadcast_in_dim3A_3672 = vector.broadcast %jit3A_3671 : i32 to vector<16xi32>
      %select_n3A_3673 = arith.select %eq3A_3670, %get3A_3652, %broadcast_in_dim3A_3672 : vector<16xi1>, vector<16xi32>
      %reduce_sum3A_3674 = arith.constant true
      %reduce_sum3A_3675 = vector.broadcast %reduce_sum3A_3674 : i1 to vector<16xi1>
      %reduce_sum3A_3676 = tpu.scan <sum>, %select_n3A_3673 masked %reduce_sum3A_3675 : vector<16xi32>, vector<16xi1> -> vector<16xi32>
      %reduce_sum3A_3677 = vector.extract %reduce_sum3A_3676[15] : i32 from vector<16xi32>
      %shift_right_logical3A_3678 = arith.constant 7 : i32
      %shift_right_logical3A_3679 = arith.shrui %reduce_sum3A_3677, %shift_right_logical3A_3678 : i32
      %mul3A_3680 = arith.constant 128 : i32
      %mul3A_3681 = arith.muli %shift_right_logical3A_3624, %mul3A_3680 : i32
      %multiple_of3A_3682 = tpu.assume_multiple %mul3A_3681, 128 : i32
      %dma_start3A_3683 = arith.constant 0 : i32
      %dma_start3A_3684 = tpu.memref_slice %arg4[%dma_start3A_3683, %multiple_of3A_3682] : memref<32x1000000xf32, #tpu.memory_space<hbm>> -> memref<32x128xf32, #tpu.memory_space<hbm>>
      %dma_start3A_3685 = arith.constant 0 : i32
      %dma_start3A_3686 = tpu.memref_slice %arg4[%dma_start3A_3685, %multiple_of3A_3682] : memref<32x1000000xf32, #tpu.memory_space<hbm>> -> memref<32x128xf32, #tpu.memory_space<hbm>>
      tpu.enqueue_dma source(%dma_start3A_3686 : memref<32x128xf32, #tpu.memory_space<hbm>>) target(%arg15 : memref<32x128xf32, #tpu.memory_space<vmem>>) target_semaphore(%arg34 : memref<!tpu.dma_semaphore, #tpu.memory_space<semaphore_mem>>)
      %mul3A_3687 = arith.constant 128 : i32
      %mul3A_3688 = arith.muli %shift_right_logical3A_3679, %mul3A_3687 : i32
      %multiple_of3A_3689 = tpu.assume_multiple %mul3A_3688, 128 : i32
      %dma_start3A_3690 = arith.constant 0 : i32
      %dma_start3A_3691 = tpu.memref_slice %arg5[%dma_start3A_3690, %multiple_of3A_3689] : memref<32x1000000xf32, #tpu.memory_space<hbm>> -> memref<32x128xf32, #tpu.memory_space<hbm>>
      %dma_start3A_3692 = arith.constant 0 : i32
      %dma_start3A_3693 = tpu.memref_slice %arg5[%dma_start3A_3692, %multiple_of3A_3689] : memref<32x1000000xf32, #tpu.memory_space<hbm>> -> memref<32x128xf32, #tpu.memory_space<hbm>>
      tpu.enqueue_dma source(%dma_start3A_3693 : memref<32x128xf32, #tpu.memory_space<hbm>>) target(%arg23 : memref<32x128xf32, #tpu.memory_space<vmem>>) target_semaphore(%arg42 : memref<!tpu.dma_semaphore, #tpu.memory_space<semaphore_mem>>)
      %exp3A_3694 = math.exp %gather3A_3561 : vector<16xf32>
      %exp3A_3695 = math.exp %gather3A_3565 : vector<16xf32>
      %neg3A_3696 = arith.constant 0.000000e+00 : f32
      %neg3A_3697 = vector.broadcast %neg3A_3696 : f32 to vector<16xf32>
      %neg3A_3698 = arith.subf %neg3A_3697, %gather3A_3556 : vector<16xf32>
      %exp3A_3699 = math.exp %neg3A_3698 : vector<16xf32>
      %add3A_3700 = arith.constant 1.000000e+00 : f32
      %add3A_3701 = vector.broadcast %add3A_3700 : f32 to vector<16xf32>
      %add3A_3702 = arith.addf %add3A_3701, %exp3A_3699 : vector<16xf32>
      %div3A_3703 = arith.constant 1.000000e+00 : f32
      %div3A_3704 = vector.broadcast %div3A_3703 : f32 to vector<16xf32>
      %div3A_3705 = arith.divf %div3A_3704, %add3A_3702 : vector<16xf32>
      %neg3A_3706 = arith.constant 0.000000e+00 : f32
      %neg3A_3707 = vector.broadcast %neg3A_3706 : f32 to vector<16xf32>
      %neg3A_3708 = arith.subf %neg3A_3707, %gather3A_3560 : vector<16xf32>
      %exp3A_3709 = math.exp %neg3A_3708 : vector<16xf32>
      %add3A_3710 = arith.constant 1.000000e+00 : f32
      %add3A_3711 = vector.broadcast %add3A_3710 : f32 to vector<16xf32>
      %add3A_3712 = arith.addf %add3A_3711, %exp3A_3709 : vector<16xf32>
      %div3A_3713 = arith.constant 1.000000e+00 : f32
      %div3A_3714 = vector.broadcast %div3A_3713 : f32 to vector<16xf32>
      %div3A_3715 = arith.divf %div3A_3714, %add3A_3712 : vector<16xf32>
      %mul3A_3716 = arith.mulf %exp3A_3694, %div3A_3705 : vector<16xf32>
      %mul3A_3717 = arith.mulf %exp3A_3695, %div3A_3715 : vector<16xf32>
      %add3A_3718 = arith.addf %mul3A_3716, %mul3A_3717 : vector<16xf32>
      %swap3A_3719 = arith.constant 224 : index
      %swap3A_3720 = tpu.vector_load %arg25[%swap3A_3719] {strides = array<i32>} : memref<256xf32, #tpu.memory_space<vmem>>, vector<16xf32>,
      tpu.vector_store %arg25[%swap3A_3719], %add3A_3718 {strides = array<i32>} : memref<256xf32, #tpu.memory_space<vmem>>, vector<16xf32>,
      %add3A_3721 = arith.addf %exp3A_3694, %exp3A_3695 : vector<16xf32>
      %swap3A_3722 = arith.constant 224 : index
      %swap3A_3723 = tpu.vector_load %arg26[%swap3A_3722] {strides = array<i32>} : memref<256xf32, #tpu.memory_space<vmem>>, vector<16xf32>,
      tpu.vector_store %arg26[%swap3A_3722], %add3A_3721 {strides = array<i32>} : memref<256xf32, #tpu.memory_space<vmem>>, vector<16xf32>,
      %mul3A_3724 = arith.constant 16 : i32
      %mul3A_3725 = arith.muli %scan3A_434, %mul3A_3724 : i32
      %add3A_3726 = arith.constant 15 : i32
      %add3A_3727 = arith.addi %mul3A_3725, %add3A_3726 : i32
      %dma_wait3A_3728 = arith.constant 0 : i32
      %dma_wait3A_3729 = arith.constant 0 : i32
      %dma_wait3A_3730 = tpu.memref_slice %arg4[%dma_wait3A_3728, %dma_wait3A_3729] : memref<32x1000000xf32, #tpu.memory_space<hbm>> -> memref<32x128xf32, #tpu.memory_space<hbm>>
      %dma_wait3A_3731 = arith.constant 0 : i32
      %dma_wait3A_3732 = arith.constant 0 : i32
      %dma_wait3A_3733 = tpu.memref_slice %arg4[%dma_wait3A_3731, %dma_wait3A_3732] : memref<32x1000000xf32, #tpu.memory_space<hbm>> -> memref<32x128xf32, #tpu.memory_space<hbm>>
      tpu.wait_dma2 semaphore(%arg35 : memref<!tpu.dma_semaphore, #tpu.memory_space<semaphore_mem>>) src(%dma_wait3A_3733 : memref<32x128xf32, #tpu.memory_space<hbm>>) dst(%arg16 : memref<32x128xf32, #tpu.memory_space<vmem>>)
      %dma_wait3A_3734 = arith.constant 0 : i32
      %dma_wait3A_3735 = arith.constant 0 : i32
      %dma_wait3A_3736 = tpu.memref_slice %arg5[%dma_wait3A_3734, %dma_wait3A_3735] : memref<32x1000000xf32, #tpu.memory_space<hbm>> -> memref<32x128xf32, #tpu.memory_space<hbm>>
      %dma_wait3A_3737 = arith.constant 0 : i32
      %dma_wait3A_3738 = arith.constant 0 : i32
      %dma_wait3A_3739 = tpu.memref_slice %arg5[%dma_wait3A_3737, %dma_wait3A_3738] : memref<32x1000000xf32, #tpu.memory_space<hbm>> -> memref<32x128xf32, #tpu.memory_space<hbm>>
      tpu.wait_dma2 semaphore(%arg43 : memref<!tpu.dma_semaphore, #tpu.memory_space<semaphore_mem>>) src(%dma_wait3A_3739 : memref<32x128xf32, #tpu.memory_space<hbm>>) dst(%arg24 : memref<32x128xf32, #tpu.memory_space<vmem>>)
      %mul3A_3740 = arith.constant 16 : i32
      %mul3A_3741 = arith.muli %scan3A_434, %mul3A_3740 : i32
      %get3A_3742 = arith.index_cast %mul3A_3741 : i32 to index
      %get3A_3743 = tpu.vector_load %arg7[%get3A_3742] {strides = array<i32>} : memref<512xi32, #tpu.memory_space<vmem>>, vector<16xi32>,
      %mul3A_3744 = arith.constant 16 : i32
      %mul3A_3745 = arith.muli %scan3A_434, %mul3A_3744 : i32
      %get3A_3746 = arith.index_cast %mul3A_3745 : i32 to index
      %get3A_3747 = tpu.vector_load %arg8[%get3A_3746] {strides = array<i32>} : memref<512xi32, #tpu.memory_space<vmem>>, vector<16xi32>,
      %broadcast_in_dim3A_3748 = arith.constant 15 : i32
      %broadcast_in_dim3A_3749 = vector.broadcast %broadcast_in_dim3A_3748 : i32 to vector<16xi32>
      %lt3A_3750 = arith.constant 0 : i32
      %lt3A_3751 = vector.broadcast %lt3A_3750 : i32 to vector<16xi32>
      %lt3A_3752 = arith.cmpi slt, %broadcast_in_dim3A_3749, %lt3A_3751 : vector<16xi32>
      %add3A_3753 = arith.constant 16 : i32
      %add3A_3754 = vector.broadcast %add3A_3753 : i32 to vector<16xi32>
      %add3A_3755 = arith.addi %broadcast_in_dim3A_3749, %add3A_3754 : vector<16xi32>
      %select_n3A_3756 = arith.select %lt3A_3752, %add3A_3755, %broadcast_in_dim3A_3749 : vector<16xi1>, vector<16xi32>
      %broadcast_in_dim3A_3757 = vector.shape_cast %select_n3A_3756 : vector<16xi32> to vector<16x1xi32>
      %gather3A_3758 = vector.shape_cast %broadcast_in_dim3A_3757 : vector<16x1xi32> to vector<16xi32>
      %gather3A_3759 = tpu.dynamic_gather %get3A_3743[%gather3A_3758] in [0] : vector<16xi32>, vector<16xi32> -> vector<16xi32>
      %and3A_3760 = arith.constant 127 : i32
      %and3A_3761 = vector.broadcast %and3A_3760 : i32 to vector<16xi32>
      %and3A_3762 = arith.andi %gather3A_3759, %and3A_3761 : vector<16xi32>
      %lt3A_3763 = arith.constant 0 : i32
      %lt3A_3764 = vector.broadcast %lt3A_3763 : i32 to vector<16xi32>
      %lt3A_3765 = arith.cmpi slt, %broadcast_in_dim3A_3749, %lt3A_3764 : vector<16xi32>
      %add3A_3766 = arith.constant 16 : i32
      %add3A_3767 = vector.broadcast %add3A_3766 : i32 to vector<16xi32>
      %add3A_3768 = arith.addi %broadcast_in_dim3A_3749, %add3A_3767 : vector<16xi32>
      %select_n3A_3769 = arith.select %lt3A_3765, %add3A_3768, %broadcast_in_dim3A_3749 : vector<16xi1>, vector<16xi32>
      %broadcast_in_dim3A_3770 = vector.shape_cast %select_n3A_3769 : vector<16xi32> to vector<16x1xi32>
      %gather3A_3771 = vector.shape_cast %broadcast_in_dim3A_3770 : vector<16x1xi32> to vector<16xi32>
      %gather3A_3772 = tpu.dynamic_gather %get3A_3747[%gather3A_3771] in [0] : vector<16xi32>, vector<16xi32> -> vector<16xi32>
      %and3A_3773 = arith.constant 127 : i32
      %and3A_3774 = vector.broadcast %and3A_3773 : i32 to vector<16xi32>
      %and3A_3775 = arith.andi %gather3A_3772, %and3A_3774 : vector<16xi32>
      %gather3A_3776 = tpu.vector_load_idx %arg16[%iota3A, %and3A_3762] : memref<32x128xf32, #tpu.memory_space<vmem>>[vector<16xi32>, vector<16xi32>], vector<16xf32>,
      %add3A_3777 = arith.constant 16 : i32
      %add3A_3778 = vector.broadcast %add3A_3777 : i32 to vector<16xi32>
      %add3A_3779 = arith.addi %iota3A, %add3A_3778 : vector<16xi32>
      %gather3A_3780 = tpu.vector_load_idx %arg16[%add3A_3779, %and3A_3762] : memref<32x128xf32, #tpu.memory_space<vmem>>[vector<16xi32>, vector<16xi32>], vector<16xf32>,
      %gather3A_3781 = tpu.vector_load_idx %arg24[%iota3A, %and3A_3775] : memref<32x128xf32, #tpu.memory_space<vmem>>[vector<16xi32>, vector<16xi32>], vector<16xf32>,
      %add3A_3782 = arith.constant 16 : i32
      %add3A_3783 = vector.broadcast %add3A_3782 : i32 to vector<16xi32>
      %add3A_3784 = arith.addi %iota3A, %add3A_3783 : vector<16xi32>
      %gather3A_3785 = tpu.vector_load_idx %arg24[%add3A_3784, %and3A_3775] : memref<32x128xf32, #tpu.memory_space<vmem>>[vector<16xi32>, vector<16xi32>], vector<16xf32>,
      %add3A_3786 = arith.constant 8 : i32
      %add3A_3787 = arith.addi %add3A_3727, %add3A_3786 : i32
      %min3A_3788 = arith.constant 511 : i32
      %min3A_3789 = arith.minsi %add3A_3787, %min3A_3788 : i32
      %jit3A_3790 = arith.constant 16 : i32
      %div3A_3791 = arith.divsi %min3A_3789, %jit3A_3790 : i32
      %sign3A_3792 = arith.constant 0 : i32
      %sign3A_3793 = arith.cmpi sgt, %min3A_3789, %sign3A_3792 : i32
      %sign3A_3794 = arith.extui %sign3A_3793 : i1 to i32
      %sign3A_3795 = arith.constant 0 : i32
      %sign3A_3796 = arith.cmpi slt, %min3A_3789, %sign3A_3795 : i32
      %sign3A_3797 = arith.extui %sign3A_3796 : i1 to i32
      %sign3A_3798 = arith.subi %sign3A_3794, %sign3A_3797 : i32
      %sign3A_3799 = arith.constant 0 : i32
      %sign3A_3800 = arith.cmpi sgt, %jit3A_3790, %sign3A_3799 : i32
      %sign3A_3801 = arith.extui %sign3A_3800 : i1 to i32
      %sign3A_3802 = arith.constant 0 : i32
      %sign3A_3803 = arith.cmpi slt, %jit3A_3790, %sign3A_3802 : i32
      %sign3A_3804 = arith.extui %sign3A_3803 : i1 to i32
      %sign3A_3805 = arith.subi %sign3A_3801, %sign3A_3804 : i32
      %ne3A_3806 = arith.cmpi ne, %sign3A_3798, %sign3A_3805 : i32
      %rem3A_3807 = arith.remsi %min3A_3789, %jit3A_3790 : i32
      %ne3A_3808 = arith.constant 0 : i32
      %ne3A_3809 = arith.cmpi ne, %rem3A_3807, %ne3A_3808 : i32
      %and3A_3810 = arith.andi %ne3A_3806, %ne3A_3809 : i1
      %sub3A_3811 = arith.constant 1 : i32
      %sub3A_3812 = arith.subi %div3A_3791, %sub3A_3811 : i32
      %select_n3A_3813 = arith.select %and3A_3810, %sub3A_3812, %div3A_3791 : i32
      %mul3A_3814 = arith.constant 16 : i32
      %mul3A_3815 = arith.muli %select_n3A_3813, %mul3A_3814 : i32
      %get3A_3816 = arith.index_cast %mul3A_3815 : i32 to index
      %get3A_3817 = tpu.vector_load %arg7[%get3A_3816] {strides = array<i32>} : memref<512xi32, #tpu.memory_space<vmem>>, vector<16xi32>,
      %jit3A_3818 = arith.constant 16 : i32
      %eq3A_3819 = arith.constant 0 : i32
      %eq3A_3820 = arith.cmpi eq, %jit3A_3818, %eq3A_3819 : i32
      %jit3A_3821 = arith.constant 1 : i32
      %select_n3A_3822 = arith.select %eq3A_3820, %jit3A_3821, %jit3A_3818 : i32
      %rem3A_3823 = arith.remsi %min3A_3789, %select_n3A_3822 : i32
      %ne3A_3824 = arith.constant 0 : i32
      %ne3A_3825 = arith.cmpi ne, %rem3A_3823, %ne3A_3824 : i32
      %lt3A_3826 = arith.constant 0 : i32
      %lt3A_3827 = arith.cmpi slt, %rem3A_3823, %lt3A_3826 : i32
      %lt3A_3828 = arith.constant 0 : i32
      %lt3A_3829 = arith.cmpi slt, %select_n3A_3822, %lt3A_3828 : i32
      %ne3A_3830 = arith.xori %lt3A_3827, %lt3A_3829 : i1
      %and3A_3831 = arith.andi %ne3A_3830, %ne3A_3825 : i1
      %add3A_3832 = arith.addi %rem3A_3823, %select_n3A_3822 : i32
      %select_n3A_3833 = arith.select %and3A_3831, %add3A_3832, %rem3A_3823 : i32
      %eq3A_3834 = vector.broadcast %select_n3A_3833 : i32 to vector<16xi32>
      %eq3A_3835 = arith.cmpi eq, %iota3A, %eq3A_3834 : vector<16xi32>
      %jit3A_3836 = arith.constant 0 : i32
      %broadcast_in_dim3A_3837 = vector.broadcast %jit3A_3836 : i32 to vector<16xi32>
      %select_n3A_3838 = arith.select %eq3A_3835, %get3A_3817, %broadcast_in_dim3A_3837 : vector<16xi1>, vector<16xi32>
      %reduce_sum3A_3839 = arith.constant true
      %reduce_sum3A_3840 = vector.broadcast %reduce_sum3A_3839 : i1 to vector<16xi1>
      %reduce_sum3A_3841 = tpu.scan <sum>, %select_n3A_3838 masked %reduce_sum3A_3840 : vector<16xi32>, vector<16xi1> -> vector<16xi32>
      %reduce_sum3A_3842 = vector.extract %reduce_sum3A_3841[15] : i32 from vector<16xi32>
      %shift_right_logical3A_3843 = arith.constant 7 : i32
      %shift_right_logical3A_3844 = arith.shrui %reduce_sum3A_3842, %shift_right_logical3A_3843 : i32
      %jit3A_3845 = arith.constant 16 : i32
      %div3A_3846 = arith.divsi %min3A_3789, %jit3A_3845 : i32
      %sign3A_3847 = arith.constant 0 : i32
      %sign3A_3848 = arith.cmpi sgt, %min3A_3789, %sign3A_3847 : i32
      %sign3A_3849 = arith.extui %sign3A_3848 : i1 to i32
      %sign3A_3850 = arith.constant 0 : i32
      %sign3A_3851 = arith.cmpi slt, %min3A_3789, %sign3A_3850 : i32
      %sign3A_3852 = arith.extui %sign3A_3851 : i1 to i32
      %sign3A_3853 = arith.subi %sign3A_3849, %sign3A_3852 : i32
      %sign3A_3854 = arith.constant 0 : i32
      %sign3A_3855 = arith.cmpi sgt, %jit3A_3845, %sign3A_3854 : i32
      %sign3A_3856 = arith.extui %sign3A_3855 : i1 to i32
      %sign3A_3857 = arith.constant 0 : i32
      %sign3A_3858 = arith.cmpi slt, %jit3A_3845, %sign3A_3857 : i32
      %sign3A_3859 = arith.extui %sign3A_3858 : i1 to i32
      %sign3A_3860 = arith.subi %sign3A_3856, %sign3A_3859 : i32
      %ne3A_3861 = arith.cmpi ne, %sign3A_3853, %sign3A_3860 : i32
      %rem3A_3862 = arith.remsi %min3A_3789, %jit3A_3845 : i32
      %ne3A_3863 = arith.constant 0 : i32
      %ne3A_3864 = arith.cmpi ne, %rem3A_3862, %ne3A_3863 : i32
      %and3A_3865 = arith.andi %ne3A_3861, %ne3A_3864 : i1
      %sub3A_3866 = arith.constant 1 : i32
      %sub3A_3867 = arith.subi %div3A_3846, %sub3A_3866 : i32
      %select_n3A_3868 = arith.select %and3A_3865, %sub3A_3867, %div3A_3846 : i32
      %mul3A_3869 = arith.constant 16 : i32
      %mul3A_3870 = arith.muli %select_n3A_3868, %mul3A_3869 : i32
      %get3A_3871 = arith.index_cast %mul3A_3870 : i32 to index
      %get3A_3872 = tpu.vector_load %arg8[%get3A_3871] {strides = array<i32>} : memref<512xi32, #tpu.memory_space<vmem>>, vector<16xi32>,
      %jit3A_3873 = arith.constant 16 : i32
      %eq3A_3874 = arith.constant 0 : i32
      %eq3A_3875 = arith.cmpi eq, %jit3A_3873, %eq3A_3874 : i32
      %jit3A_3876 = arith.constant 1 : i32
      %select_n3A_3877 = arith.select %eq3A_3875, %jit3A_3876, %jit3A_3873 : i32
      %rem3A_3878 = arith.remsi %min3A_3789, %select_n3A_3877 : i32
      %ne3A_3879 = arith.constant 0 : i32
      %ne3A_3880 = arith.cmpi ne, %rem3A_3878, %ne3A_3879 : i32
      %lt3A_3881 = arith.constant 0 : i32
      %lt3A_3882 = arith.cmpi slt, %rem3A_3878, %lt3A_3881 : i32
      %lt3A_3883 = arith.constant 0 : i32
      %lt3A_3884 = arith.cmpi slt, %select_n3A_3877, %lt3A_3883 : i32
      %ne3A_3885 = arith.xori %lt3A_3882, %lt3A_3884 : i1
      %and3A_3886 = arith.andi %ne3A_3885, %ne3A_3880 : i1
      %add3A_3887 = arith.addi %rem3A_3878, %select_n3A_3877 : i32
      %select_n3A_3888 = arith.select %and3A_3886, %add3A_3887, %rem3A_3878 : i32
      %eq3A_3889 = vector.broadcast %select_n3A_3888 : i32 to vector<16xi32>
      %eq3A_3890 = arith.cmpi eq, %iota3A, %eq3A_3889 : vector<16xi32>
      %jit3A_3891 = arith.constant 0 : i32
      %broadcast_in_dim3A_3892 = vector.broadcast %jit3A_3891 : i32 to vector<16xi32>
      %select_n3A_3893 = arith.select %eq3A_3890, %get3A_3872, %broadcast_in_dim3A_3892 : vector<16xi1>, vector<16xi32>
      %reduce_sum3A_3894 = arith.constant true
      %reduce_sum3A_3895 = vector.broadcast %reduce_sum3A_3894 : i1 to vector<16xi1>
      %reduce_sum3A_3896 = tpu.scan <sum>, %select_n3A_3893 masked %reduce_sum3A_3895 : vector<16xi32>, vector<16xi1> -> vector<16xi32>
      %reduce_sum3A_3897 = vector.extract %reduce_sum3A_3896[15] : i32 from vector<16xi32>
      %shift_right_logical3A_3898 = arith.constant 7 : i32
      %shift_right_logical3A_3899 = arith.shrui %reduce_sum3A_3897, %shift_right_logical3A_3898 : i32
      %mul3A_3900 = arith.constant 128 : i32
      %mul3A_3901 = arith.muli %shift_right_logical3A_3844, %mul3A_3900 : i32
      %multiple_of3A_3902 = tpu.assume_multiple %mul3A_3901, 128 : i32
      %dma_start3A_3903 = arith.constant 0 : i32
      %dma_start3A_3904 = tpu.memref_slice %arg4[%dma_start3A_3903, %multiple_of3A_3902] : memref<32x1000000xf32, #tpu.memory_space<hbm>> -> memref<32x128xf32, #tpu.memory_space<hbm>>
      %dma_start3A_3905 = arith.constant 0 : i32
      %dma_start3A_3906 = tpu.memref_slice %arg4[%dma_start3A_3905, %multiple_of3A_3902] : memref<32x1000000xf32, #tpu.memory_space<hbm>> -> memref<32x128xf32, #tpu.memory_space<hbm>>
      tpu.enqueue_dma source(%dma_start3A_3906 : memref<32x128xf32, #tpu.memory_space<hbm>>) target(%arg16 : memref<32x128xf32, #tpu.memory_space<vmem>>) target_semaphore(%arg35 : memref<!tpu.dma_semaphore, #tpu.memory_space<semaphore_mem>>)
      %mul3A_3907 = arith.constant 128 : i32
      %mul3A_3908 = arith.muli %shift_right_logical3A_3899, %mul3A_3907 : i32
      %multiple_of3A_3909 = tpu.assume_multiple %mul3A_3908, 128 : i32
      %dma_start3A_3910 = arith.constant 0 : i32
      %dma_start3A_3911 = tpu.memref_slice %arg5[%dma_start3A_3910, %multiple_of3A_3909] : memref<32x1000000xf32, #tpu.memory_space<hbm>> -> memref<32x128xf32, #tpu.memory_space<hbm>>
      %dma_start3A_3912 = arith.constant 0 : i32
      %dma_start3A_3913 = tpu.memref_slice %arg5[%dma_start3A_3912, %multiple_of3A_3909] : memref<32x1000000xf32, #tpu.memory_space<hbm>> -> memref<32x128xf32, #tpu.memory_space<hbm>>
      tpu.enqueue_dma source(%dma_start3A_3913 : memref<32x128xf32, #tpu.memory_space<hbm>>) target(%arg24 : memref<32x128xf32, #tpu.memory_space<vmem>>) target_semaphore(%arg43 : memref<!tpu.dma_semaphore, #tpu.memory_space<semaphore_mem>>)
      %exp3A_3914 = math.exp %gather3A_3781 : vector<16xf32>
      %exp3A_3915 = math.exp %gather3A_3785 : vector<16xf32>
      %neg3A_3916 = arith.constant 0.000000e+00 : f32
      %neg3A_3917 = vector.broadcast %neg3A_3916 : f32 to vector<16xf32>
      %neg3A_3918 = arith.subf %neg3A_3917, %gather3A_3776 : vector<16xf32>
      %exp3A_3919 = math.exp %neg3A_3918 : vector<16xf32>
      %add3A_3920 = arith.constant 1.000000e+00 : f32
      %add3A_3921 = vector.broadcast %add3A_3920 : f32 to vector<16xf32>
      %add3A_3922 = arith.addf %add3A_3921, %exp3A_3919 : vector<16xf32>
      %div3A_3923 = arith.constant 1.000000e+00 : f32
      %div3A_3924 = vector.broadcast %div3A_3923 : f32 to vector<16xf32>
      %div3A_3925 = arith.divf %div3A_3924, %add3A_3922 : vector<16xf32>
      %neg3A_3926 = arith.constant 0.000000e+00 : f32
      %neg3A_3927 = vector.broadcast %neg3A_3926 : f32 to vector<16xf32>
      %neg3A_3928 = arith.subf %neg3A_3927, %gather3A_3780 : vector<16xf32>
      %exp3A_3929 = math.exp %neg3A_3928 : vector<16xf32>
      %add3A_3930 = arith.constant 1.000000e+00 : f32
      %add3A_3931 = vector.broadcast %add3A_3930 : f32 to vector<16xf32>
      %add3A_3932 = arith.addf %add3A_3931, %exp3A_3929 : vector<16xf32>
      %div3A_3933 = arith.constant 1.000000e+00 : f32
      %div3A_3934 = vector.broadcast %div3A_3933 : f32 to vector<16xf32>
      %div3A_3935 = arith.divf %div3A_3934, %add3A_3932 : vector<16xf32>
      %mul3A_3936 = arith.mulf %exp3A_3914, %div3A_3925 : vector<16xf32>
      %mul3A_3937 = arith.mulf %exp3A_3915, %div3A_3935 : vector<16xf32>
      %add3A_3938 = arith.addf %mul3A_3936, %mul3A_3937 : vector<16xf32>
      %swap3A_3939 = arith.constant 240 : index
      %swap3A_3940 = tpu.vector_load %arg25[%swap3A_3939] {strides = array<i32>} : memref<256xf32, #tpu.memory_space<vmem>>, vector<16xf32>,
      tpu.vector_store %arg25[%swap3A_3939], %add3A_3938 {strides = array<i32>} : memref<256xf32, #tpu.memory_space<vmem>>, vector<16xf32>,
      %add3A_3941 = arith.addf %exp3A_3914, %exp3A_3915 : vector<16xf32>
      %swap3A_3942 = arith.constant 240 : index
      %swap3A_3943 = tpu.vector_load %arg26[%swap3A_3942] {strides = array<i32>} : memref<256xf32, #tpu.memory_space<vmem>>, vector<16xf32>,
      tpu.vector_store %arg26[%swap3A_3942], %add3A_3941 {strides = array<i32>} : memref<256xf32, #tpu.memory_space<vmem>>, vector<16xf32>,
      %broadcast_in_dim3A_3944 = arith.constant 0.000000e+00 : f32
      %broadcast_in_dim3A_3945 = vector.broadcast %broadcast_in_dim3A_3944 : f32 to vector<16xf32>
      %broadcast_in_dim3A_3946 = arith.constant 0.000000e+00 : f32
      %broadcast_in_dim3A_3947 = vector.broadcast %broadcast_in_dim3A_3946 : f32 to vector<16xf32>
      %add3A_3948 = arith.constant 0 : i32
      %add3A_3949 = vector.broadcast %add3A_3948 : i32 to vector<16xi32>
      %add3A_3950 = arith.addi %mul3A_332, %add3A_3949 : vector<16xi32>
      %gather3A_3951 = tpu.vector_load_idx %arg25[%add3A_3950] : memref<256xf32, #tpu.memory_space<vmem>>[vector<16xi32>], vector<16xf32>,
      %add3A_3952 = arith.addf %broadcast_in_dim3A_3945, %gather3A_3951 : vector<16xf32>
      %add3A_3953 = arith.constant 0 : i32
      %add3A_3954 = vector.broadcast %add3A_3953 : i32 to vector<16xi32>
      %add3A_3955 = arith.addi %mul3A_332, %add3A_3954 : vector<16xi32>
      %gather3A_3956 = tpu.vector_load_idx %arg26[%add3A_3955] : memref<256xf32, #tpu.memory_space<vmem>>[vector<16xi32>], vector<16xf32>,
      %add3A_3957 = arith.addf %broadcast_in_dim3A_3947, %gather3A_3956 : vector<16xf32>
      %add3A_3958 = arith.constant 1 : i32
      %add3A_3959 = vector.broadcast %add3A_3958 : i32 to vector<16xi32>
      %add3A_3960 = arith.addi %mul3A_332, %add3A_3959 : vector<16xi32>
      %gather3A_3961 = tpu.vector_load_idx %arg25[%add3A_3960] : memref<256xf32, #tpu.memory_space<vmem>>[vector<16xi32>], vector<16xf32>,
      %add3A_3962 = arith.addf %add3A_3952, %gather3A_3961 : vector<16xf32>
      %add3A_3963 = arith.constant 1 : i32
      %add3A_3964 = vector.broadcast %add3A_3963 : i32 to vector<16xi32>
      %add3A_3965 = arith.addi %mul3A_332, %add3A_3964 : vector<16xi32>
      %gather3A_3966 = tpu.vector_load_idx %arg26[%add3A_3965] : memref<256xf32, #tpu.memory_space<vmem>>[vector<16xi32>], vector<16xf32>,
      %add3A_3967 = arith.addf %add3A_3957, %gather3A_3966 : vector<16xf32>
      %add3A_3968 = arith.constant 2 : i32
      %add3A_3969 = vector.broadcast %add3A_3968 : i32 to vector<16xi32>
      %add3A_3970 = arith.addi %mul3A_332, %add3A_3969 : vector<16xi32>
      %gather3A_3971 = tpu.vector_load_idx %arg25[%add3A_3970] : memref<256xf32, #tpu.memory_space<vmem>>[vector<16xi32>], vector<16xf32>,
      %add3A_3972 = arith.addf %add3A_3962, %gather3A_3971 : vector<16xf32>
      %add3A_3973 = arith.constant 2 : i32
      %add3A_3974 = vector.broadcast %add3A_3973 : i32 to vector<16xi32>
      %add3A_3975 = arith.addi %mul3A_332, %add3A_3974 : vector<16xi32>
      %gather3A_3976 = tpu.vector_load_idx %arg26[%add3A_3975] : memref<256xf32, #tpu.memory_space<vmem>>[vector<16xi32>], vector<16xf32>,
      %add3A_3977 = arith.addf %add3A_3967, %gather3A_3976 : vector<16xf32>
      %add3A_3978 = arith.constant 3 : i32
      %add3A_3979 = vector.broadcast %add3A_3978 : i32 to vector<16xi32>
      %add3A_3980 = arith.addi %mul3A_332, %add3A_3979 : vector<16xi32>
      %gather3A_3981 = tpu.vector_load_idx %arg25[%add3A_3980] : memref<256xf32, #tpu.memory_space<vmem>>[vector<16xi32>], vector<16xf32>,
      %add3A_3982 = arith.addf %add3A_3972, %gather3A_3981 : vector<16xf32>
      %add3A_3983 = arith.constant 3 : i32
      %add3A_3984 = vector.broadcast %add3A_3983 : i32 to vector<16xi32>
      %add3A_3985 = arith.addi %mul3A_332, %add3A_3984 : vector<16xi32>
      %gather3A_3986 = tpu.vector_load_idx %arg26[%add3A_3985] : memref<256xf32, #tpu.memory_space<vmem>>[vector<16xi32>], vector<16xf32>,
      %add3A_3987 = arith.addf %add3A_3977, %gather3A_3986 : vector<16xf32>
      %add3A_3988 = arith.constant 4 : i32
      %add3A_3989 = vector.broadcast %add3A_3988 : i32 to vector<16xi32>
      %add3A_3990 = arith.addi %mul3A_332, %add3A_3989 : vector<16xi32>
      %gather3A_3991 = tpu.vector_load_idx %arg25[%add3A_3990] : memref<256xf32, #tpu.memory_space<vmem>>[vector<16xi32>], vector<16xf32>,
      %add3A_3992 = arith.addf %add3A_3982, %gather3A_3991 : vector<16xf32>
      %add3A_3993 = arith.constant 4 : i32
      %add3A_3994 = vector.broadcast %add3A_3993 : i32 to vector<16xi32>
      %add3A_3995 = arith.addi %mul3A_332, %add3A_3994 : vector<16xi32>
      %gather3A_3996 = tpu.vector_load_idx %arg26[%add3A_3995] : memref<256xf32, #tpu.memory_space<vmem>>[vector<16xi32>], vector<16xf32>,
      %add3A_3997 = arith.addf %add3A_3987, %gather3A_3996 : vector<16xf32>
      %add3A_3998 = arith.constant 5 : i32
      %add3A_3999 = vector.broadcast %add3A_3998 : i32 to vector<16xi32>
      %add3A_4000 = arith.addi %mul3A_332, %add3A_3999 : vector<16xi32>
      %gather3A_4001 = tpu.vector_load_idx %arg25[%add3A_4000] : memref<256xf32, #tpu.memory_space<vmem>>[vector<16xi32>], vector<16xf32>,
      %add3A_4002 = arith.addf %add3A_3992, %gather3A_4001 : vector<16xf32>
      %add3A_4003 = arith.constant 5 : i32
      %add3A_4004 = vector.broadcast %add3A_4003 : i32 to vector<16xi32>
      %add3A_4005 = arith.addi %mul3A_332, %add3A_4004 : vector<16xi32>
      %gather3A_4006 = tpu.vector_load_idx %arg26[%add3A_4005] : memref<256xf32, #tpu.memory_space<vmem>>[vector<16xi32>], vector<16xf32>,
      %add3A_4007 = arith.addf %add3A_3997, %gather3A_4006 : vector<16xf32>
      %add3A_4008 = arith.constant 6 : i32
      %add3A_4009 = vector.broadcast %add3A_4008 : i32 to vector<16xi32>
      %add3A_4010 = arith.addi %mul3A_332, %add3A_4009 : vector<16xi32>
      %gather3A_4011 = tpu.vector_load_idx %arg25[%add3A_4010] : memref<256xf32, #tpu.memory_space<vmem>>[vector<16xi32>], vector<16xf32>,
      %add3A_4012 = arith.addf %add3A_4002, %gather3A_4011 : vector<16xf32>
      %add3A_4013 = arith.constant 6 : i32
      %add3A_4014 = vector.broadcast %add3A_4013 : i32 to vector<16xi32>
      %add3A_4015 = arith.addi %mul3A_332, %add3A_4014 : vector<16xi32>
      %gather3A_4016 = tpu.vector_load_idx %arg26[%add3A_4015] : memref<256xf32, #tpu.memory_space<vmem>>[vector<16xi32>], vector<16xf32>,
      %add3A_4017 = arith.addf %add3A_4007, %gather3A_4016 : vector<16xf32>
      %add3A_4018 = arith.constant 7 : i32
      %add3A_4019 = vector.broadcast %add3A_4018 : i32 to vector<16xi32>
      %add3A_4020 = arith.addi %mul3A_332, %add3A_4019 : vector<16xi32>
      %gather3A_4021 = tpu.vector_load_idx %arg25[%add3A_4020] : memref<256xf32, #tpu.memory_space<vmem>>[vector<16xi32>], vector<16xf32>,
      %add3A_4022 = arith.addf %add3A_4012, %gather3A_4021 : vector<16xf32>
      %add3A_4023 = arith.constant 7 : i32
      %add3A_4024 = vector.broadcast %add3A_4023 : i32 to vector<16xi32>
      %add3A_4025 = arith.addi %mul3A_332, %add3A_4024 : vector<16xi32>
      %gather3A_4026 = tpu.vector_load_idx %arg26[%add3A_4025] : memref<256xf32, #tpu.memory_space<vmem>>[vector<16xi32>], vector<16xf32>,
      %add3A_4027 = arith.addf %add3A_4017, %gather3A_4026 : vector<16xf32>
      %add3A_4028 = arith.constant 8 : i32
      %add3A_4029 = vector.broadcast %add3A_4028 : i32 to vector<16xi32>
      %add3A_4030 = arith.addi %mul3A_332, %add3A_4029 : vector<16xi32>
      %gather3A_4031 = tpu.vector_load_idx %arg25[%add3A_4030] : memref<256xf32, #tpu.memory_space<vmem>>[vector<16xi32>], vector<16xf32>,
      %add3A_4032 = arith.addf %add3A_4022, %gather3A_4031 : vector<16xf32>
      %add3A_4033 = arith.constant 8 : i32
      %add3A_4034 = vector.broadcast %add3A_4033 : i32 to vector<16xi32>
      %add3A_4035 = arith.addi %mul3A_332, %add3A_4034 : vector<16xi32>
      %gather3A_4036 = tpu.vector_load_idx %arg26[%add3A_4035] : memref<256xf32, #tpu.memory_space<vmem>>[vector<16xi32>], vector<16xf32>,
      %add3A_4037 = arith.addf %add3A_4027, %gather3A_4036 : vector<16xf32>
      %add3A_4038 = arith.constant 9 : i32
      %add3A_4039 = vector.broadcast %add3A_4038 : i32 to vector<16xi32>
      %add3A_4040 = arith.addi %mul3A_332, %add3A_4039 : vector<16xi32>
      %gather3A_4041 = tpu.vector_load_idx %arg25[%add3A_4040] : memref<256xf32, #tpu.memory_space<vmem>>[vector<16xi32>], vector<16xf32>,
      %add3A_4042 = arith.addf %add3A_4032, %gather3A_4041 : vector<16xf32>
      %add3A_4043 = arith.constant 9 : i32
      %add3A_4044 = vector.broadcast %add3A_4043 : i32 to vector<16xi32>
      %add3A_4045 = arith.addi %mul3A_332, %add3A_4044 : vector<16xi32>
      %gather3A_4046 = tpu.vector_load_idx %arg26[%add3A_4045] : memref<256xf32, #tpu.memory_space<vmem>>[vector<16xi32>], vector<16xf32>,
      %add3A_4047 = arith.addf %add3A_4037, %gather3A_4046 : vector<16xf32>
      %add3A_4048 = arith.constant 10 : i32
      %add3A_4049 = vector.broadcast %add3A_4048 : i32 to vector<16xi32>
      %add3A_4050 = arith.addi %mul3A_332, %add3A_4049 : vector<16xi32>
      %gather3A_4051 = tpu.vector_load_idx %arg25[%add3A_4050] : memref<256xf32, #tpu.memory_space<vmem>>[vector<16xi32>], vector<16xf32>,
      %add3A_4052 = arith.addf %add3A_4042, %gather3A_4051 : vector<16xf32>
      %add3A_4053 = arith.constant 10 : i32
      %add3A_4054 = vector.broadcast %add3A_4053 : i32 to vector<16xi32>
      %add3A_4055 = arith.addi %mul3A_332, %add3A_4054 : vector<16xi32>
      %gather3A_4056 = tpu.vector_load_idx %arg26[%add3A_4055] : memref<256xf32, #tpu.memory_space<vmem>>[vector<16xi32>], vector<16xf32>,
      %add3A_4057 = arith.addf %add3A_4047, %gather3A_4056 : vector<16xf32>
      %add3A_4058 = arith.constant 11 : i32
      %add3A_4059 = vector.broadcast %add3A_4058 : i32 to vector<16xi32>
      %add3A_4060 = arith.addi %mul3A_332, %add3A_4059 : vector<16xi32>
      %gather3A_4061 = tpu.vector_load_idx %arg25[%add3A_4060] : memref<256xf32, #tpu.memory_space<vmem>>[vector<16xi32>], vector<16xf32>,
      %add3A_4062 = arith.addf %add3A_4052, %gather3A_4061 : vector<16xf32>
      %add3A_4063 = arith.constant 11 : i32
      %add3A_4064 = vector.broadcast %add3A_4063 : i32 to vector<16xi32>
      %add3A_4065 = arith.addi %mul3A_332, %add3A_4064 : vector<16xi32>
      %gather3A_4066 = tpu.vector_load_idx %arg26[%add3A_4065] : memref<256xf32, #tpu.memory_space<vmem>>[vector<16xi32>], vector<16xf32>,
      %add3A_4067 = arith.addf %add3A_4057, %gather3A_4066 : vector<16xf32>
      %add3A_4068 = arith.constant 12 : i32
      %add3A_4069 = vector.broadcast %add3A_4068 : i32 to vector<16xi32>
      %add3A_4070 = arith.addi %mul3A_332, %add3A_4069 : vector<16xi32>
      %gather3A_4071 = tpu.vector_load_idx %arg25[%add3A_4070] : memref<256xf32, #tpu.memory_space<vmem>>[vector<16xi32>], vector<16xf32>,
      %add3A_4072 = arith.addf %add3A_4062, %gather3A_4071 : vector<16xf32>
      %add3A_4073 = arith.constant 12 : i32
      %add3A_4074 = vector.broadcast %add3A_4073 : i32 to vector<16xi32>
      %add3A_4075 = arith.addi %mul3A_332, %add3A_4074 : vector<16xi32>
      %gather3A_4076 = tpu.vector_load_idx %arg26[%add3A_4075] : memref<256xf32, #tpu.memory_space<vmem>>[vector<16xi32>], vector<16xf32>,
      %add3A_4077 = arith.addf %add3A_4067, %gather3A_4076 : vector<16xf32>
      %add3A_4078 = arith.constant 13 : i32
      %add3A_4079 = vector.broadcast %add3A_4078 : i32 to vector<16xi32>
      %add3A_4080 = arith.addi %mul3A_332, %add3A_4079 : vector<16xi32>
      %gather3A_4081 = tpu.vector_load_idx %arg25[%add3A_4080] : memref<256xf32, #tpu.memory_space<vmem>>[vector<16xi32>], vector<16xf32>,
      %add3A_4082 = arith.addf %add3A_4072, %gather3A_4081 : vector<16xf32>
      %add3A_4083 = arith.constant 13 : i32
      %add3A_4084 = vector.broadcast %add3A_4083 : i32 to vector<16xi32>
      %add3A_4085 = arith.addi %mul3A_332, %add3A_4084 : vector<16xi32>
      %gather3A_4086 = tpu.vector_load_idx %arg26[%add3A_4085] : memref<256xf32, #tpu.memory_space<vmem>>[vector<16xi32>], vector<16xf32>,
      %add3A_4087 = arith.addf %add3A_4077, %gather3A_4086 : vector<16xf32>
      %add3A_4088 = arith.constant 14 : i32
      %add3A_4089 = vector.broadcast %add3A_4088 : i32 to vector<16xi32>
      %add3A_4090 = arith.addi %mul3A_332, %add3A_4089 : vector<16xi32>
      %gather3A_4091 = tpu.vector_load_idx %arg25[%add3A_4090] : memref<256xf32, #tpu.memory_space<vmem>>[vector<16xi32>], vector<16xf32>,
      %add3A_4092 = arith.addf %add3A_4082, %gather3A_4091 : vector<16xf32>
      %add3A_4093 = arith.constant 14 : i32
      %add3A_4094 = vector.broadcast %add3A_4093 : i32 to vector<16xi32>
      %add3A_4095 = arith.addi %mul3A_332, %add3A_4094 : vector<16xi32>
      %gather3A_4096 = tpu.vector_load_idx %arg26[%add3A_4095] : memref<256xf32, #tpu.memory_space<vmem>>[vector<16xi32>], vector<16xf32>,
      %add3A_4097 = arith.addf %add3A_4087, %gather3A_4096 : vector<16xf32>
      %add3A_4098 = arith.constant 15 : i32
      %add3A_4099 = vector.broadcast %add3A_4098 : i32 to vector<16xi32>
      %add3A_4100 = arith.addi %mul3A_332, %add3A_4099 : vector<16xi32>
      %gather3A_4101 = tpu.vector_load_idx %arg25[%add3A_4100] : memref<256xf32, #tpu.memory_space<vmem>>[vector<16xi32>], vector<16xf32>,
      %add3A_4102 = arith.addf %add3A_4092, %gather3A_4101 : vector<16xf32>
      %add3A_4103 = arith.constant 15 : i32
      %add3A_4104 = vector.broadcast %add3A_4103 : i32 to vector<16xi32>
      %add3A_4105 = arith.addi %mul3A_332, %add3A_4104 : vector<16xi32>
      %gather3A_4106 = tpu.vector_load_idx %arg26[%add3A_4105] : memref<256xf32, #tpu.memory_space<vmem>>[vector<16xi32>], vector<16xf32>,
      %add3A_4107 = arith.addf %add3A_4097, %gather3A_4106 : vector<16xf32>
      %div3A_4108 = arith.divf %add3A_4102, %add3A_4107 : vector<16xf32>
      %mul3A_4109 = arith.constant 16 : i32
      %mul3A_4110 = arith.muli %scan3A_434, %mul3A_4109 : i32
      %swap3A_4111 = arith.index_cast %mul3A_4110 : i32 to index
      %swap3A_4112 = tpu.vector_load %arg27[%swap3A_4111] {strides = array<i32>} : memref<512xf32, #tpu.memory_space<vmem>>, vector<16xf32>,
      tpu.vector_store %arg27[%swap3A_4111], %div3A_4108 {strides = array<i32>} : memref<512xf32, #tpu.memory_space<vmem>>, vector<16xf32>,
      %scan3A_4113 = arith.constant 0 : i32
      scf.yield %scan3A_4113 : i32
    }
    %scan3A_338 = arith.constant 32 : i32
    %dma_wait3A = arith.constant 0 : i32
    %dma_wait3A_339 = arith.constant 0 : i32
    %dma_wait3A_340 = tpu.memref_slice %arg4[%dma_wait3A, %dma_wait3A_339] : memref<32x1000000xf32, #tpu.memory_space<hbm>> -> memref<32x128xf32, #tpu.memory_space<hbm>>
    %dma_wait3A_341 = arith.constant 0 : i32
    %dma_wait3A_342 = arith.constant 0 : i32
    %dma_wait3A_343 = tpu.memref_slice %arg4[%dma_wait3A_341, %dma_wait3A_342] : memref<32x1000000xf32, #tpu.memory_space<hbm>> -> memref<32x128xf32, #tpu.memory_space<hbm>>
    tpu.wait_dma2 semaphore(%arg28 : memref<!tpu.dma_semaphore, #tpu.memory_space<semaphore_mem>>) src(%dma_wait3A_343 : memref<32x128xf32, #tpu.memory_space<hbm>>) dst(%arg9 : memref<32x128xf32, #tpu.memory_space<vmem>>)
    %dma_wait3A_344 = arith.constant 0 : i32
    %dma_wait3A_345 = arith.constant 0 : i32
    %dma_wait3A_346 = tpu.memref_slice %arg5[%dma_wait3A_344, %dma_wait3A_345] : memref<32x1000000xf32, #tpu.memory_space<hbm>> -> memref<32x128xf32, #tpu.memory_space<hbm>>
    %dma_wait3A_347 = arith.constant 0 : i32
    %dma_wait3A_348 = arith.constant 0 : i32
    %dma_wait3A_349 = tpu.memref_slice %arg5[%dma_wait3A_347, %dma_wait3A_348] : memref<32x1000000xf32, #tpu.memory_space<hbm>> -> memref<32x128xf32, #tpu.memory_space<hbm>>
    tpu.wait_dma2 semaphore(%arg36 : memref<!tpu.dma_semaphore, #tpu.memory_space<semaphore_mem>>) src(%dma_wait3A_349 : memref<32x128xf32, #tpu.memory_space<hbm>>) dst(%arg17 : memref<32x128xf32, #tpu.memory_space<vmem>>)
    %dma_wait3A_350 = arith.constant 0 : i32
    %dma_wait3A_351 = arith.constant 0 : i32
    %dma_wait3A_352 = tpu.memref_slice %arg4[%dma_wait3A_350, %dma_wait3A_351] : memref<32x1000000xf32, #tpu.memory_space<hbm>> -> memref<32x128xf32, #tpu.memory_space<hbm>>
    %dma_wait3A_353 = arith.constant 0 : i32
    %dma_wait3A_354 = arith.constant 0 : i32
    %dma_wait3A_355 = tpu.memref_slice %arg4[%dma_wait3A_353, %dma_wait3A_354] : memref<32x1000000xf32, #tpu.memory_space<hbm>> -> memref<32x128xf32, #tpu.memory_space<hbm>>
    tpu.wait_dma2 semaphore(%arg29 : memref<!tpu.dma_semaphore, #tpu.memory_space<semaphore_mem>>) src(%dma_wait3A_355 : memref<32x128xf32, #tpu.memory_space<hbm>>) dst(%arg10 : memref<32x128xf32, #tpu.memory_space<vmem>>)
    %dma_wait3A_356 = arith.constant 0 : i32
    %dma_wait3A_357 = arith.constant 0 : i32
    %dma_wait3A_358 = tpu.memref_slice %arg5[%dma_wait3A_356, %dma_wait3A_357] : memref<32x1000000xf32, #tpu.memory_space<hbm>> -> memref<32x128xf32, #tpu.memory_space<hbm>>
    %dma_wait3A_359 = arith.constant 0 : i32
    %dma_wait3A_360 = arith.constant 0 : i32
    %dma_wait3A_361 = tpu.memref_slice %arg5[%dma_wait3A_359, %dma_wait3A_360] : memref<32x1000000xf32, #tpu.memory_space<hbm>> -> memref<32x128xf32, #tpu.memory_space<hbm>>
    tpu.wait_dma2 semaphore(%arg37 : memref<!tpu.dma_semaphore, #tpu.memory_space<semaphore_mem>>) src(%dma_wait3A_361 : memref<32x128xf32, #tpu.memory_space<hbm>>) dst(%arg18 : memref<32x128xf32, #tpu.memory_space<vmem>>)
    %dma_wait3A_362 = arith.constant 0 : i32
    %dma_wait3A_363 = arith.constant 0 : i32
    %dma_wait3A_364 = tpu.memref_slice %arg4[%dma_wait3A_362, %dma_wait3A_363] : memref<32x1000000xf32, #tpu.memory_space<hbm>> -> memref<32x128xf32, #tpu.memory_space<hbm>>
    %dma_wait3A_365 = arith.constant 0 : i32
    %dma_wait3A_366 = arith.constant 0 : i32
    %dma_wait3A_367 = tpu.memref_slice %arg4[%dma_wait3A_365, %dma_wait3A_366] : memref<32x1000000xf32, #tpu.memory_space<hbm>> -> memref<32x128xf32, #tpu.memory_space<hbm>>
    tpu.wait_dma2 semaphore(%arg30 : memref<!tpu.dma_semaphore, #tpu.memory_space<semaphore_mem>>) src(%dma_wait3A_367 : memref<32x128xf32, #tpu.memory_space<hbm>>) dst(%arg11 : memref<32x128xf32, #tpu.memory_space<vmem>>)
    %dma_wait3A_368 = arith.constant 0 : i32
    %dma_wait3A_369 = arith.constant 0 : i32
    %dma_wait3A_370 = tpu.memref_slice %arg5[%dma_wait3A_368, %dma_wait3A_369] : memref<32x1000000xf32, #tpu.memory_space<hbm>> -> memref<32x128xf32, #tpu.memory_space<hbm>>
    %dma_wait3A_371 = arith.constant 0 : i32
    %dma_wait3A_372 = arith.constant 0 : i32
    %dma_wait3A_373 = tpu.memref_slice %arg5[%dma_wait3A_371, %dma_wait3A_372] : memref<32x1000000xf32, #tpu.memory_space<hbm>> -> memref<32x128xf32, #tpu.memory_space<hbm>>
    tpu.wait_dma2 semaphore(%arg38 : memref<!tpu.dma_semaphore, #tpu.memory_space<semaphore_mem>>) src(%dma_wait3A_373 : memref<32x128xf32, #tpu.memory_space<hbm>>) dst(%arg19 : memref<32x128xf32, #tpu.memory_space<vmem>>)
    %dma_wait3A_374 = arith.constant 0 : i32
    %dma_wait3A_375 = arith.constant 0 : i32
    %dma_wait3A_376 = tpu.memref_slice %arg4[%dma_wait3A_374, %dma_wait3A_375] : memref<32x1000000xf32, #tpu.memory_space<hbm>> -> memref<32x128xf32, #tpu.memory_space<hbm>>
    %dma_wait3A_377 = arith.constant 0 : i32
    %dma_wait3A_378 = arith.constant 0 : i32
    %dma_wait3A_379 = tpu.memref_slice %arg4[%dma_wait3A_377, %dma_wait3A_378] : memref<32x1000000xf32, #tpu.memory_space<hbm>> -> memref<32x128xf32, #tpu.memory_space<hbm>>
    tpu.wait_dma2 semaphore(%arg31 : memref<!tpu.dma_semaphore, #tpu.memory_space<semaphore_mem>>) src(%dma_wait3A_379 : memref<32x128xf32, #tpu.memory_space<hbm>>) dst(%arg12 : memref<32x128xf32, #tpu.memory_space<vmem>>)
    %dma_wait3A_380 = arith.constant 0 : i32
    %dma_wait3A_381 = arith.constant 0 : i32
    %dma_wait3A_382 = tpu.memref_slice %arg5[%dma_wait3A_380, %dma_wait3A_381] : memref<32x1000000xf32, #tpu.memory_space<hbm>> -> memref<32x128xf32, #tpu.memory_space<hbm>>
    %dma_wait3A_383 = arith.constant 0 : i32
    %dma_wait3A_384 = arith.constant 0 : i32
    %dma_wait3A_385 = tpu.memref_slice %arg5[%dma_wait3A_383, %dma_wait3A_384] : memref<32x1000000xf32, #tpu.memory_space<hbm>> -> memref<32x128xf32, #tpu.memory_space<hbm>>
    tpu.wait_dma2 semaphore(%arg39 : memref<!tpu.dma_semaphore, #tpu.memory_space<semaphore_mem>>) src(%dma_wait3A_385 : memref<32x128xf32, #tpu.memory_space<hbm>>) dst(%arg20 : memref<32x128xf32, #tpu.memory_space<vmem>>)
    %dma_wait3A_386 = arith.constant 0 : i32
    %dma_wait3A_387 = arith.constant 0 : i32
    %dma_wait3A_388 = tpu.memref_slice %arg4[%dma_wait3A_386, %dma_wait3A_387] : memref<32x1000000xf32, #tpu.memory_space<hbm>> -> memref<32x128xf32, #tpu.memory_space<hbm>>
    %dma_wait3A_389 = arith.constant 0 : i32
    %dma_wait3A_390 = arith.constant 0 : i32
    %dma_wait3A_391 = tpu.memref_slice %arg4[%dma_wait3A_389, %dma_wait3A_390] : memref<32x1000000xf32, #tpu.memory_space<hbm>> -> memref<32x128xf32, #tpu.memory_space<hbm>>
    tpu.wait_dma2 semaphore(%arg32 : memref<!tpu.dma_semaphore, #tpu.memory_space<semaphore_mem>>) src(%dma_wait3A_391 : memref<32x128xf32, #tpu.memory_space<hbm>>) dst(%arg13 : memref<32x128xf32, #tpu.memory_space<vmem>>)
    %dma_wait3A_392 = arith.constant 0 : i32
    %dma_wait3A_393 = arith.constant 0 : i32
    %dma_wait3A_394 = tpu.memref_slice %arg5[%dma_wait3A_392, %dma_wait3A_393] : memref<32x1000000xf32, #tpu.memory_space<hbm>> -> memref<32x128xf32, #tpu.memory_space<hbm>>
    %dma_wait3A_395 = arith.constant 0 : i32
    %dma_wait3A_396 = arith.constant 0 : i32
    %dma_wait3A_397 = tpu.memref_slice %arg5[%dma_wait3A_395, %dma_wait3A_396] : memref<32x1000000xf32, #tpu.memory_space<hbm>> -> memref<32x128xf32, #tpu.memory_space<hbm>>
    tpu.wait_dma2 semaphore(%arg40 : memref<!tpu.dma_semaphore, #tpu.memory_space<semaphore_mem>>) src(%dma_wait3A_397 : memref<32x128xf32, #tpu.memory_space<hbm>>) dst(%arg21 : memref<32x128xf32, #tpu.memory_space<vmem>>)
    %dma_wait3A_398 = arith.constant 0 : i32
    %dma_wait3A_399 = arith.constant 0 : i32
    %dma_wait3A_400 = tpu.memref_slice %arg4[%dma_wait3A_398, %dma_wait3A_399] : memref<32x1000000xf32, #tpu.memory_space<hbm>> -> memref<32x128xf32, #tpu.memory_space<hbm>>
    %dma_wait3A_401 = arith.constant 0 : i32
    %dma_wait3A_402 = arith.constant 0 : i32
    %dma_wait3A_403 = tpu.memref_slice %arg4[%dma_wait3A_401, %dma_wait3A_402] : memref<32x1000000xf32, #tpu.memory_space<hbm>> -> memref<32x128xf32, #tpu.memory_space<hbm>>
    tpu.wait_dma2 semaphore(%arg33 : memref<!tpu.dma_semaphore, #tpu.memory_space<semaphore_mem>>) src(%dma_wait3A_403 : memref<32x128xf32, #tpu.memory_space<hbm>>) dst(%arg14 : memref<32x128xf32, #tpu.memory_space<vmem>>)
    %dma_wait3A_404 = arith.constant 0 : i32
    %dma_wait3A_405 = arith.constant 0 : i32
    %dma_wait3A_406 = tpu.memref_slice %arg5[%dma_wait3A_404, %dma_wait3A_405] : memref<32x1000000xf32, #tpu.memory_space<hbm>> -> memref<32x128xf32, #tpu.memory_space<hbm>>
    %dma_wait3A_407 = arith.constant 0 : i32
    %dma_wait3A_408 = arith.constant 0 : i32
    %dma_wait3A_409 = tpu.memref_slice %arg5[%dma_wait3A_407, %dma_wait3A_408] : memref<32x1000000xf32, #tpu.memory_space<hbm>> -> memref<32x128xf32, #tpu.memory_space<hbm>>
    tpu.wait_dma2 semaphore(%arg41 : memref<!tpu.dma_semaphore, #tpu.memory_space<semaphore_mem>>) src(%dma_wait3A_409 : memref<32x128xf32, #tpu.memory_space<hbm>>) dst(%arg22 : memref<32x128xf32, #tpu.memory_space<vmem>>)
    %dma_wait3A_410 = arith.constant 0 : i32
    %dma_wait3A_411 = arith.constant 0 : i32
    %dma_wait3A_412 = tpu.memref_slice %arg4[%dma_wait3A_410, %dma_wait3A_411] : memref<32x1000000xf32, #tpu.memory_space<hbm>> -> memref<32x128xf32, #tpu.memory_space<hbm>>
    %dma_wait3A_413 = arith.constant 0 : i32
    %dma_wait3A_414 = arith.constant 0 : i32
    %dma_wait3A_415 = tpu.memref_slice %arg4[%dma_wait3A_413, %dma_wait3A_414] : memref<32x1000000xf32, #tpu.memory_space<hbm>> -> memref<32x128xf32, #tpu.memory_space<hbm>>
    tpu.wait_dma2 semaphore(%arg34 : memref<!tpu.dma_semaphore, #tpu.memory_space<semaphore_mem>>) src(%dma_wait3A_415 : memref<32x128xf32, #tpu.memory_space<hbm>>) dst(%arg15 : memref<32x128xf32, #tpu.memory_space<vmem>>)
    %dma_wait3A_416 = arith.constant 0 : i32
    %dma_wait3A_417 = arith.constant 0 : i32
    %dma_wait3A_418 = tpu.memref_slice %arg5[%dma_wait3A_416, %dma_wait3A_417] : memref<32x1000000xf32, #tpu.memory_space<hbm>> -> memref<32x128xf32, #tpu.memory_space<hbm>>
    %dma_wait3A_419 = arith.constant 0 : i32
    %dma_wait3A_420 = arith.constant 0 : i32
    %dma_wait3A_421 = tpu.memref_slice %arg5[%dma_wait3A_419, %dma_wait3A_420] : memref<32x1000000xf32, #tpu.memory_space<hbm>> -> memref<32x128xf32, #tpu.memory_space<hbm>>
    tpu.wait_dma2 semaphore(%arg42 : memref<!tpu.dma_semaphore, #tpu.memory_space<semaphore_mem>>) src(%dma_wait3A_421 : memref<32x128xf32, #tpu.memory_space<hbm>>) dst(%arg23 : memref<32x128xf32, #tpu.memory_space<vmem>>)
    %dma_wait3A_422 = arith.constant 0 : i32
    %dma_wait3A_423 = arith.constant 0 : i32
    %dma_wait3A_424 = tpu.memref_slice %arg4[%dma_wait3A_422, %dma_wait3A_423] : memref<32x1000000xf32, #tpu.memory_space<hbm>> -> memref<32x128xf32, #tpu.memory_space<hbm>>
    %dma_wait3A_425 = arith.constant 0 : i32
    %dma_wait3A_426 = arith.constant 0 : i32
    %dma_wait3A_427 = tpu.memref_slice %arg4[%dma_wait3A_425, %dma_wait3A_426] : memref<32x1000000xf32, #tpu.memory_space<hbm>> -> memref<32x128xf32, #tpu.memory_space<hbm>>
    tpu.wait_dma2 semaphore(%arg35 : memref<!tpu.dma_semaphore, #tpu.memory_space<semaphore_mem>>) src(%dma_wait3A_427 : memref<32x128xf32, #tpu.memory_space<hbm>>) dst(%arg16 : memref<32x128xf32, #tpu.memory_space<vmem>>)
    %dma_wait3A_428 = arith.constant 0 : i32
    %dma_wait3A_429 = arith.constant 0 : i32
    %dma_wait3A_430 = tpu.memref_slice %arg5[%dma_wait3A_428, %dma_wait3A_429] : memref<32x1000000xf32, #tpu.memory_space<hbm>> -> memref<32x128xf32, #tpu.memory_space<hbm>>
    %dma_wait3A_431 = arith.constant 0 : i32
    %dma_wait3A_432 = arith.constant 0 : i32
    %dma_wait3A_433 = tpu.memref_slice %arg5[%dma_wait3A_431, %dma_wait3A_432] : memref<32x1000000xf32, #tpu.memory_space<hbm>> -> memref<32x128xf32, #tpu.memory_space<hbm>>
    tpu.wait_dma2 semaphore(%arg43 : memref<!tpu.dma_semaphore, #tpu.memory_space<semaphore_mem>>) src(%dma_wait3A_433 : memref<32x128xf32, #tpu.memory_space<hbm>>) dst(%arg24 : memref<32x128xf32, #tpu.memory_space<vmem>>)
    "tpu.region"() ({
      %run_scoped3A = tpu.sem_alloc : memref<!tpu.dma_semaphore, #tpu.memory_space<semaphore_mem>>
      %dma_start3A_434 = tpu.memref_slice %arg6[%mul3A_2] : memref<16384xf32, #tpu.memory_space<hbm>> -> memref<512xf32, #tpu.memory_space<hbm>>
      %dma_start3A_435 = tpu.memref_slice %arg6[%mul3A_2] : memref<16384xf32, #tpu.memory_space<hbm>> -> memref<512xf32, #tpu.memory_space<hbm>>
      tpu.enqueue_dma source(%arg27 : memref<512xf32, #tpu.memory_space<vmem>>) target(%dma_start3A_435 : memref<512xf32, #tpu.memory_space<hbm>>) target_semaphore(%run_scoped3A : memref<!tpu.dma_semaphore, #tpu.memory_space<semaphore_mem>>)
      %dma_wait3A_436 = tpu.memref_slice %arg6[%mul3A_2] : memref<16384xf32, #tpu.memory_space<hbm>> -> memref<512xf32, #tpu.memory_space<hbm>>
      %dma_wait3A_437 = tpu.memref_slice %arg6[%mul3A_2] : memref<16384xf32, #tpu.memory_space<hbm>> -> memref<512xf32, #tpu.memory_space<hbm>>
      tpu.wait_dma2 semaphore(%run_scoped3A : memref<!tpu.dma_semaphore, #tpu.memory_space<semaphore_mem>>) src(%arg27 : memref<512xf32, #tpu.memory_space<vmem>>) dst(%dma_wait3A_437 : memref<512xf32, #tpu.memory_space<hbm>>)
      tpu.yield
    }) : () -> ()
    return
  }
}

</mosaic_0001>

<sc_bundles>
// kernel: kernel.3.cloned.1.call-start
scs
__scs_entry_jumppad:
0x0: {  	(pc) =	sbr.rel $0x88, $3  }
0x1: {  	(tag) =	ssettag $0x0;
	lr =	simm.s32 $0x1  }
0x2: {  	[smem:$0x3F9D] =	sst lr;
	_ =	strace $0xD0000000  }
0x3: {  	_ = 	snop  }
0x4: {  	_ = 	snop  }
0x5: {  	_ = 	snop  }
0x6: {  	_ = 	snop  }
0x7: {  	_ = 	snop  }
__scs_overlays_trampoline_lowered:
0x8: {  	[smem:$0x3FAC] =	sst s0  }
0x9: {  	[smem:$0x3FAD] =	sst s1  }
0xa: {  	[smem:$0x3FAE] =	sst s2  }
0xb: {  	[smem:$0x3FAF] =	sst s3  }
0xc: {  	[smem:$0x3FB0] =	sst s4  }
0xd: {  	[smem:$0x3FB1] =	sst s5  }
0xe: {  	[smem:$0x3FB2] =	sst s6  }
0xf: {  	[smem:$0x3FB3] =	sst s7  }
0x10: {  	[smem:$0x3FB4] =	sst s8  }
0x11: {  	[smem:$0x3FB5] =	sst s9;
	s0 =	simm.s32 @!p0 $0x0  }
0x12: {  	s1 =	sld [smem:$0x3F9B];
	s0 =	simm.s32 @p0 $0x1  }
0x13: {  	[smem:$0x3FB6] =	sst s0;
	s0 =	simm.s32 @!p1 $0x0  }
0x14: {  	s2 =	sld [smem:$0x3F9A];
	s0 =	simm.s32 @p1 $0x1  }
0x15: {  	[smem:$0x3FB7] =	sst s0;
	s0 =	simm.s32 @!p2 $0x0  }
0x16: {  	s3 =	sld [smem:$0x3FDB];
	s0 =	simm.s32 @p2 $0x1  }
0x17: {  	s4 =	simm.s32 $0x1BF5;
	[smem:$0x3FB9] =	sst s0  }
0x18: {  	s0 =	sld [smem:$0x3F9C];
	_ =	swait.ge [sflag:s4], $0x0  }
0x19: {  	s7 =	sld [smem:$0x3F9D]  }
0x1a: {  	s8 =	sadd.s32 $0xFFFFE003, lr  }
0x1b: {  	s9 =	sadd.s32 $0xFFFFFEF7, lr;
	s5 =	simm.s32 $0xFFFFFFFF;
	p2 =	slt.u32 s8, $0xFFFFF086  }
0x1c: {  	p1 =	slt.u32 s9, $0xF7A;
	s5 =	simm.s32 @!p2 $0x0  }
0x1d: {  	s5 =	simm.s32 @p1 $0x1;
	p0 =	seq.s32 s7, s2  }
0x1e: {  	s7 =	smul.u32 @!p0 $0xF7A, s2;
	p2 =	seq.s32 @!p0 s5, $0x0  }
0x1f: {  	s9 =	smul.u32 $0xF7A, s1;
	s8 =	simm.s32 @!p0 $0x1BF5;
	p2 =	por !p2, p0  }
0x20: {  	[sflag:s8] =	ssyncset.s32 @!p0 $0xFFFFF086;
	s6 =	sadd.s32 @!p0 s3, s7;
	s7 =	simm.s32 @!p0 $0x108  }
0x21: {  	s3 =	sadd.s32 s3, s9;
	s6 =	sadd.s32 @!p0 $0x88, s6;
	s7 =	simm.s32 @p2 $0x1082  }
0x22: {  	[simem:s7], [sflag:s8] =	dma.local @!p0 [hbm:s6], $0xF7A  }
0x23: {  	s9 =	sor.u32 $0xD0000000, s2;
	s6 =	simm.s32 $0x108;
	_ =	swait.ge @!p0 [sflag:s8], $0x0  }
0x24: {  	s3 =	sadd.s32 $0x88, s3;
	s6 =	simm.s32 @!p1 $0x1082;
	[sflag:s4] =	ssyncset.s32 $0xFFFFF086  }
0x25: {  	[simem:s6], [sflag:s4] =	dma.local [hbm:s3], $0xF7A  }
0x26: {  	[smem:$0x3F9D] =	sst s1;
	(tag) =	ssettag s2;
	_ =	strace s9  }
0x27: {  	s1 =	sld [smem:$0x3FAD]  }
0x28: {  	s2 =	sld [smem:$0x3FAE]  }
0x29: {  	s4 =	sld [smem:$0x3FB0]  }
0x2a: {  	p0 =	seq.s32 s5, $0x0;
	s5 =	sld [smem:$0x3FB1]  }
0x2b: {  	s6 =	sld [smem:$0x3FB2]  }
0x2c: {  	s7 =	sld [smem:$0x3FB3]  }
0x2d: {  	s3 =	simm.s32 $0x108;
	s8 =	sld [smem:$0x3FB4]  }
0x2e: {  	s3 =	simm.s32 @!p0 $0x1082;
	s9 =	sld [smem:$0x3FB5]  }
0x2f: {  	lr =	sadd.s32 s0, s3;
	s0 =	sld [smem:$0x3FAC]  }
0x30: {  	s3 =	sld [smem:$0x3FAF]  }
0x31: {  	[smem:$0x3FB8] =	sst s10  }
0x32: {  	s10 =	sld [smem:$0x3FB6];
	_ =	sdelay $0x3  }
0x33: {  	p0 =	seq.s32 s10, $0x1;
	s10 =	sld [smem:$0x3FB8];
	_ =	sdelay $0x3  }
0x34: {  	[smem:$0x3FB8] =	sst s10  }
0x35: {  	s10 =	sld [smem:$0x3FB7];
	_ =	sdelay $0x3  }
0x36: {  	p1 =	seq.s32 s10, $0x1;
	s10 =	sld [smem:$0x3FB8];
	_ =	sdelay $0x3  }
0x37: {  	[smem:$0x3FB8] =	sst s10  }
0x38: {  	s10 =	sld [smem:$0x3FB9]  }
0x39: {  	_ = 	snop;
	(pc) =	sbr.ind lr, $3  }
0x3a: {  	_ = 	snop  }
0x3b: {  	_ = 	snop  }
0x3c: {  	p2 =	seq.s32 s10, $0x1;
	s10 =	sld [smem:$0x3FB8]  }
0x3d: {  	_ =	shalt  }
0x3e: {  	_ =	shalt  }
0x3f: {  	_ =	shalt  }
0x40: {  	_ =	shalt  }
0x41: {  	_ =	shalt  }
0x42: {  	_ =	shalt  }
0x43: {  	_ =	shalt  }
0x44: {  	_ =	shalt  }
0x45: {  	_ =	shalt  }
0x46: {  	_ =	shalt  }
0x47: {  	_ =	shalt  }
0x48: {  	_ =	shalt  }
0x49: {  	_ =	shalt  }
0x4a: {  	_ =	shalt  }
0x4b: {  	_ =	shalt  }
0x4c: {  	_ =	shalt  }
0x4d: {  	_ =	shalt  }
0x4e: {  	_ =	shalt  }
0x4f: {  	_ =	shalt  }
0x50: {  	_ =	shalt  }
0x51: {  	_ =	shalt  }
0x52: {  	_ =	shalt  }
0x53: {  	_ =	shalt  }
0x54: {  	_ =	shalt  }
0x55: {  	_ =	shalt  }
0x56: {  	_ =	shalt  }
0x57: {  	_ =	shalt  }
0x58: {  	_ =	shalt  }
0x59: {  	_ =	shalt  }
0x5a: {  	_ =	shalt  }
0x5b: {  	_ =	shalt  }
0x5c: {  	_ =	shalt  }
0x5d: {  	_ =	shalt  }
0x5e: {  	_ =	shalt  }
0x5f: {  	_ =	shalt  }
0x60: {  	_ =	shalt  }
0x61: {  	_ =	shalt  }
0x62: {  	_ =	shalt  }
0x63: {  	_ =	shalt  }
0x64: {  	_ =	shalt  }
0x65: {  	_ =	shalt  }
0x66: {  	_ =	shalt  }
0x67: {  	_ =	shalt  }
0x68: {  	_ =	shalt  }
0x69: {  	_ =	shalt  }
0x6a: {  	_ =	shalt  }
0x6b: {  	_ =	shalt  }
0x6c: {  	_ =	shalt  }
0x6d: {  	_ =	shalt  }
0x6e: {  	_ =	shalt  }
0x6f: {  	_ =	shalt  }
0x70: {  	_ =	shalt  }
0x71: {  	_ =	shalt  }
0x72: {  	_ =	shalt  }
0x73: {  	_ =	shalt  }
0x74: {  	_ =	shalt  }
0x75: {  	_ =	shalt  }
0x76: {  	_ =	shalt  }
0x77: {  	_ =	shalt  }
0x78: {  	_ =	shalt  }
0x79: {  	_ =	shalt  }
0x7a: {  	_ =	shalt  }
0x7b: {  	_ =	shalt  }
0x7c: {  	_ =	shalt  }
0x7d: {  	_ =	shalt  }
0x7e: {  	_ =	shalt  }
0x7f: {  	_ =	shalt  }
0x80: {  	_ =	shalt  }
0x81: {  	_ =	shalt  }
0x82: {  	_ =	shalt  }
0x83: {  	_ =	shalt  }
0x84: {  	_ =	shalt  }
0x85: {  	_ =	shalt  }
0x86: {  	_ =	shalt  }
0x87: {  	_ =	shalt  }
.Lfunc_end0:
.L_simem_size_0:
called_computation_lowered:
.L_overlay_start_0:
0x88: {  	s2 =	sld [smem:$0x3FD9]  }
0x89: {  	s3 =	sld [smem:$0x3FFE];
	_ =	sdelay $0x1  }
0x8a: {  	s1 =	srdreg.scid  }
0x8b: {  	s0 =	sand.u32 $0x1, s1  }
0x8c: {  	s18 =	sshll.u32 s0, $0xA;
	s2 =	sadd.s32 s3, s2  }
0x8d: {  	s2 =	sadd.s32 s2, s18  }
0x8e: {  	[smem:$0x3FC4] =	sst s2  }
0x8f: {  	_ = 	snop  }
0x90: {  	s2 =	sld [smem:$0x3FC9]  }
0x91: {  	s19 =	sld [smem:$0x3FC8]  }
0x92: {  	s4 =	sld [smem:$0x3FC7]  }
0x93: {  	s5 =	sld [smem:$0x3FC6]  }
0x94: {  	s6 =	sld [smem:$0x3FD0];
	(tm) =	ssettm $0x1  }
0x95: {  	s7 =	sld [smem:$0x3FFB];
	_ =	sdelay $0x3  }
0x96: {  	_ =	strace s7  }
0x97: {  	s7 =	sld [smem:$0x3FFC];
	_ =	sdelay $0x3  }
0x98: {  	_ =	strace s7  }
0x99: {  	s7 =	sld [smem:$0x3FFD];
	_ =	sdelay $0x3  }
0x9a: {  	_ =	strace s7  }
0x9b: {  	_ =	strace $0x8FFFFFFF  }
0x9c: {  	s20 =	sld [smem:$0x3FDB];
	_ =	sdelay $0x1  }
0x9d: {  	s8 =	simm.s32 $_scs_section_size  }
0x9e: {  	s9 =	simm.s32 $_size__tile_overlayer_lowered;
	s10 =	simm.s32 $_tile_overlayer_lowered  }
0x9f: {  	s23 =	simm.s32 $0x1BFF;
	s22 =	sshll.u32 s10, $0x1;
	s7 =	sadd.s32 s8, s20  }
0xa0: {  	s11 =	simm.s32 $0x0;
	s21 =	sshll.u32 s9, $0x1;
	s9 =	sadd.s32 s22, s7  }
0xa1: {  	[timem:s11], [sflag:s23] =	dma.local [hbm:s9], s21  }
0xa2: {  	_ =	swait.ge [sflag:s23], s21  }
0xa3: {  	s8 =	ssub.s32 $0x0, s21;
	[sflag:s23] =	ssyncset.done $0x0  }
0xa4: {  	[sflag:s23] =	ssyncadd.s32 s8;
	_ =	sdelay $0x1  }
0xa5: {  	s24 =	simm.s32 $0x1B8B  }
0xa6: {  	_ =	swait.ge [sflag:s24], $0x1  }
0xa7: {  	[sflag:s24] =	ssyncset.done $0x0  }
0xa8: {  	s25 =	simm.s32 $0x1B8E;
	[sflag:s24] =	ssyncadd.s32 $0xFFFFFFFF  }
0xa9: {  	s26 =	simm.s32 $execute0_lowered;
	[smem:$0x3FD2] =	sst s25  }
0xaa: {  	s8 =	sshll.u32 s26, $0x1;
	_ =	strace $0x80000046;
	[dreg:$0x1] =	wrdreg $0xFFFFFFFF  }
0xab: {  	s28 =	simm.s32 $_size_execute0_lowered;
	s7 =	sadd.s32 s7, s8;
	[dreg:$0x0] =	wrdreg $0x0  }
0xac: {  	s8 =	sshll.u32 s28, $0x1;
	[dreg:$0x2] =	wrdreg s7  }
0xad: {  	[dreg:$0x3] =	wrdreg s8  }
0xae: {  	[dreg:$0x4] =	wrdreg $0xC0  }
0xaf: {  	_ =	task [dreg:s11], $0x5FFFF  }
0xb0: {  	[dreg:$0x1] =	wrdreg $0xFFFFFFFF  }
0xb1: {  	[dreg:$0x0] =	wrdreg $0x60  }
0xb2: {  	[dreg:$0x2] =	wrdreg s2  }
0xb3: {  	[dreg:$0x3] =	wrdreg s19  }
0xb4: {  	[dreg:$0x4] =	wrdreg s4  }
0xb5: {  	[dreg:$0x5] =	wrdreg s5  }
0xb6: {  	[dreg:$0x6] =	wrdreg s6  }
0xb7: {  	[dreg:$0x7] =	wrdreg $0x9  }
0xb8: {  	_ =	task.clear_ibuf [dreg:s11], $0x8FFFF;
	_ =	strace $0x90000046  }
0xb9: {  	s29 =	simm.s32 $0x9;
	_ =	strace $0x80000048  }
0xba: {  	_ =	swait.ge [sflag:s29], $0x1  }
0xbb: {  	[sflag:s29] =	ssyncadd.s32 $0xFFFFFFFF  }
0xbc: {  	_ =	strace $0x90000048  }
0xbd: {  	_ =	sfence  }
0xbe: {  	s30 =	sld [smem:$0x0];
	_ =	sdelay $0x2  }
0xbf: {  	s31 =	sshll.u32 s1, $0xD;
	s1 =	sshrl.u32 s1, $0x2  }
0xc0: {  	s3 =	sand.u32 $0x4000, s31;
	s1 =	sadd.s32 s1, s30  }
0xc1: {  	s0 =	sor.u32 s3, s0;
	s1 =	sshll.u32 s1, $0x11  }
0xc2: {  	s0 =	sor.u32 s1, s0  }
0xc3: {  	s0 =	sadd.s32 $0x8F2B, s0  }
0xc4: {  	[sflag:s0] =	ssyncadd.remote.s32 $0x1  }
0xc5: {  	_ =	sfence.sel $0xFFFF  }
0xc6: {  	[dreg:$0x0] =	wrdreg $0xFFFFFFFF;
	(pc) =	sbr.abs _section_cstart, $3  }
0xc7: {  	[dreg:$0x1] =	wrdreg $0xFFFFFFFF  }
0xc8: {  	_ =	task.clear_ibuf [dreg:s11], $0x2FFFF;
	_ =	strace $0x9FFFFFFF  }
0xc9: {  	(tm) =	ssettm $0x7FFFFFFF  }
tec
execute0_lowered:
.L_overlay_start_1:
0x0: {  	(tag) =	ssettag $0x1  }
0x1: {  	s0 =	rddreg [dreg:$0x0]  }
0x2: {  	s3 =	rddreg [dreg:$0x1];
	vm0 =	vmmov $0x1;
	v0 =	vlaneseq.u32  }
0x3: {  	s1 =	rddreg [dreg:$0x2];
	vm2 =	vcmask $0x70C;
	vm3 =	vcmask $0xB10;
	vm4 =	vcmask $0xF14  }
0x4: {  	s2 =	rddreg [dreg:$0x3];
	vm5 =	vcmask $0x1318;
	vm6 =	vcmask $0x171C;
	vm7 =	vcmask $0x1B20  }
0x5: {  	s4 =	rddreg [dreg:$0x4];
	s5 =	srdreg.scid;
	v2 =	vimm.s32 $0x0;
	vm8 =	vcmask $0x1F24;
	v4 =	vimm.s32 $0x1  }
0x6: {  	s19 =	simm.s32 $0x0;
	s8 =	stileid.u32;
	s21 =	simm.s32 $0x11;
	vm9 =	vcmask $0x2328;
	v5 =	vimm.s32 $0x2;
	vm10 =	vcmask $0x272C  }
0x7: {  	s10 =	simm.s32 $0x7A1400;
	s11 =	simm.s32 $0x400;
	s22 =	simm.s32 $0x8400;
	v6 =	vimm.s32 $0x3;
	vm11 =	vcmask $0x2B30;
	v7 =	vimm.s32 $0x4  }
0x8: {  	s23 =	simm.s32 $0x1400;
	vm12 =	vcmask $0x2F34;
	s28 =	simm.s32 $0x3400;
	v8 =	vimm.s32 $0x5;
	vm13 =	vcmask $0x3338;
	s17 =	simm.s32 $0x9  }
0x9: {  	v9 =	vimm.s32 $0x6;
	vm14 =	vcmask $0x373C;
	v10 =	vimm.s32 $0x7;
	s16 =	simm.s32 $0xA;
	s9 =	simm.s32 $0xC;
	s12 =	simm.s32 $0xD  }
0xa: {  	vm15 =	vmmov $0x7fff;
	v11 =	vimm.s32 $0x8;
	v12 =	vimm.s32 $0x9;
	s29 =	simm.s32 $0xF;
	s30 =	simm.s32 $0x8;
	s5 =	sand.u32 $0x1, s5  }
0xb: {  	v13 =	vimm.s32 $0xA;
	v14 =	vimm.s32 $0xB;
	s8 =	sshll.u32 s8, $0x7;
	v1 =	vmul.u32 $0x80, v0;
	s6 =	ssub.s32 $0x2, s5;
	s5 =	sshll.u32 s5, $0x6  }
0xc: {  	v15 =	vimm.s32 $0xC;
	v17 =	vimm.s32 $0xD;
	s31 =	simm.s32 $0x10;
	[smem:$0x7FF] =	sst s19;
	v16 =	vmul.u32 $0x10, v0;
	s5 =	sor.u32 s5, s8  }
0xd: {  	v18 =	vimm.s32 $0xE;
	v19 =	vimm.s32 $0xF;
	_ =	strace $0x80000047;
	s7 =	sshrl.u32 s6, $0x1;
	v3 =	vor.u32 $0x800, v1;
	s0 =	sadd.s32 s0, s5  }
0xe: {  	v20 =	vor.u32 $0x1, v16;
	v21 =	vor.u32 $0x2, v16;
	v22 =	vor.u32 $0x3, v16;
	s8 =	simm.s32 $0x3;
	s24 =	sadd.s32 s3, s5;
	[dreg:$0x6] =	wrdreg s0  }
0xf: {  	v23 =	vor.u32 $0x4, v16;
	v24 =	vor.u32 $0x5, v16;
	v25 =	vor.u32 $0x6, v16;
	s6 =	ssub.s32 s6, s7;
	s25 =	sadd.s32 s4, s5;
	[dreg:$0x7] =	wrdreg s24  }
0x10: {  	v26 =	vor.u32 $0x7, v16;
	v27 =	vor.u32 $0x8, v16;
	v28 =	vor.u32 $0x9, v16;
	s7 =	simm.s32 $0x2;
	[dreg:$0x8] =	wrdreg s25;
	s26 =	smax.u32 s6, $0x1  }
0x11: {  	v29 =	vor.u32 $0xA, v16;
	v30 =	vor.u32 $0xB, v16;
	v31 =	vor.u32 $0xC, v16;
	s25 =	simm.s32 $0x9400;
	s24 =	simm.s32 $0xA400;
	s0 =	simm.s32 $0x0  }
0x12: {  	v32 =	vor.u32 $0xD, v16;
	v33 =	vor.u32 $0xE, v16;
	v34 =	vor.u32 $0xF, v16;
	s6 =	simm.s32 $0xB;
	[dreg:$0x9] =	wrdreg s26;
	s26 =	simm.s32 $0x2400  }
.LBB2_1:
0x13: {  	[dreg:$0xa] =	wrdreg s0  }
0x14: {  	s18 =	rddreg [dreg:$0x6]  }
0x15: {  	[tilespmem:s19], [sflag:$0x11] =	stream.linear.gather [hbm4b:s18+s19], $0x200, $0x38;
	[tilespmem:$0x10800] =	vst v63  }
0x16: {  	_ =	swait.ge [sflag:s21], $0x200  }
0x17: {  	[sflag:s21] =	ssyncset.done $0x0  }
0x18: {  	s18 =	simm.s32 $0x200;
	s20 =	rddreg [dreg:$0x7];
	[sflag:s21] =	ssyncadd.s32 $0xFFFFFE00  }
0x19: {  	[tilespmem:s18], [sflag:$0x11] =	stream.linear.gather [hbm4b:s20+s19], $0x200, $0x38;
	[tilespmem:$0x10800] =	vst v63  }
0x1a: {  	_ =	swait.ge [sflag:s21], $0x200  }
0x1b: {  	[sflag:s21] =	ssyncset.done $0x0  }
0x1c: {  	[sflag:s21] =	ssyncadd.s32 $0xFFFFFE00  }
0x1d: {  	v35 =	vld [tilespmem:$0x0];
	_ =	sdelay $0x1  }
0x1e: {  	v36 =	vld [tilespmem:$0x200];
	_ =	sdelay $0x2  }
0x1f: {  	v35 =	vnsel vm0, $0x0, v35  }
0x20: {  	(xrf0) =	vadd.scan.msk.s32 $0xffff, v35  }
0x21: {  	v50 =	vnsel vm0, $0x0, v36  }
0x22: {  	(xrf0) =	vadd.scan.msk.s32 $0xffff, v50;
	_ =	sdelay $0x3  }
0x23: {  	v51, _, _ =	vpop (xrf0)  }
0x24: {  	(v2sf) =	vpush v51, $0xF  }
0x25: {  	v52, _, _ =	vpop (xrf0)  }
0x26: {  	(v2sf) =	vpush v52, $0xF;
	_ =	sdelay $0xc  }
0x27: {  	s14 =	spop (v2sf)  }
0x28: {  	s19 =	sand.u32 $0xFFFFF80, s14  }
0x29: {  	s15 =	spop (v2sf);
	s19 =	sadd.s32 s1, s19  }
0x2a: {  	[tilespmem:s11], [sflag:$0x1] =	stream.strided.gather [hbm4b:s19+s11], $0x1000, s10, s11, $0x38;
	[tilespmem:$0x10800] =	vst v63  }
0x2b: {  	s19 =	sand.u32 $0xFFFFF80, s15  }
0x2c: {  	s19 =	sadd.s32 s2, s19  }
0x2d: {  	[tilespmem:s22], [sflag:$0x9] =	stream.strided.gather [hbm4b:s19+s11], $0x1000, s10, s11, $0x38;
	[tilespmem:$0x10800] =	vst v63  }
0x2e: {  	v53 =	vld [tilespmem:$0x0];
	_ =	sdelay $0x1  }
0x2f: {  	v54 =	vld [tilespmem:$0x200];
	_ =	sdelay $0x1  }
0x30: {  	vm1 =	vcmask $0x308  }
0x31: {  	v35 =	vsel vm1, $0x0, v53  }
0x32: {  	(xrf0) =	vadd.scan.msk.s32 $0xffff, v35  }
0x33: {  	v55 =	vsel vm1, $0x0, v54  }
0x34: {  	(xrf0) =	vadd.scan.msk.s32 $0xffff, v55;
	_ =	sdelay $0x3  }
0x35: {  	v56, _, _ =	vpop (xrf0)  }
0x36: {  	(v2sf) =	vpush v56, $0xF  }
0x37: {  	v57, _, _ =	vpop (xrf0)  }
0x38: {  	(v2sf) =	vpush v57, $0xF;
	_ =	sdelay $0xc  }
0x39: {  	s20 =	spop (v2sf)  }
0x3a: {  	s19 =	sand.u32 $0xFFFFF80, s20  }
0x3b: {  	s21 =	spop (v2sf);
	s19 =	sadd.s32 s1, s19  }
0x3c: {  	[tilespmem:s23], [sflag:$0x2] =	stream.strided.gather [hbm4b:s19+s11], $0x1000, s10, s11, $0x38;
	[tilespmem:$0x10800] =	vst v63  }
0x3d: {  	s19 =	sand.u32 $0xFFFFF80, s21  }
0x3e: {  	s19 =	sadd.s32 s2, s19  }
0x3f: {  	[tilespmem:s25], [sflag:$0xA] =	stream.strided.gather [hbm4b:s19+s11], $0x1000, s10, s11, $0x38;
	[tilespmem:$0x10800] =	vst v63  }
0x40: {  	v58 =	vld [tilespmem:$0x0];
	_ =	sdelay $0x1  }
0x41: {  	v59 =	vld [tilespmem:$0x200];
	_ =	sdelay $0x2  }
0x42: {  	v35 =	vsel vm2, $0x0, v58  }
0x43: {  	(xrf0) =	vadd.scan.msk.s32 $0xffff, v35  }
0x44: {  	v60 =	vsel vm2, $0x0, v59  }
0x45: {  	(xrf0) =	vadd.scan.msk.s32 $0xffff, v60;
	_ =	sdelay $0x3  }
0x46: {  	v61, _, _ =	vpop (xrf0)  }
0x47: {  	(v2sf) =	vpush v61, $0xF  }
0x48: {  	v62, _, _ =	vpop (xrf0)  }
0x49: {  	(v2sf) =	vpush v62, $0xF;
	_ =	sdelay $0xc  }
0x4a: {  	s0 =	spop (v2sf)  }
0x4b: {  	s19 =	sand.u32 $0xFFFFF80, s0  }
0x4c: {  	s3 =	spop (v2sf);
	s19 =	sadd.s32 s1, s19  }
0x4d: {  	[tilespmem:s26], [sflag:$0x3] =	stream.strided.gather [hbm4b:s19+s11], $0x1000, s10, s11, $0x38;
	[tilespmem:$0x10800] =	vst v63  }
0x4e: {  	s19 =	sand.u32 $0xFFFFF80, s3  }
0x4f: {  	s19 =	sadd.s32 s2, s19  }
0x50: {  	[tilespmem:s24], [sflag:$0xB] =	stream.strided.gather [hbm4b:s19+s11], $0x1000, s10, s11, $0x38;
	[tilespmem:$0x10800] =	vst v63  }
0x51: {  	v63 =	vld [tilespmem:$0x0];
	_ =	sdelay $0x1  }
0x52: {  	v40 =	vld [tilespmem:$0x200];
	_ =	sdelay $0x2  }
0x53: {  	v35 =	vsel vm3, $0x0, v63  }
0x54: {  	(xrf0) =	vadd.scan.msk.s32 $0xffff, v35  }
0x55: {  	v41 =	vsel vm3, $0x0, v40  }
0x56: {  	(xrf0) =	vadd.scan.msk.s32 $0xffff, v41;
	_ =	sdelay $0x3  }
0x57: {  	v42, _, _ =	vpop (xrf0)  }
0x58: {  	(v2sf) =	vpush v42, $0xF  }
0x59: {  	v43, _, _ =	vpop (xrf0)  }
0x5a: {  	(v2sf) =	vpush v43, $0xF;
	_ =	sdelay $0xc  }
0x5b: {  	s4 =	spop (v2sf)  }
0x5c: {  	s19 =	sand.u32 $0xFFFFF80, s4  }
0x5d: {  	s5 =	spop (v2sf);
	s19 =	sadd.s32 s1, s19  }
0x5e: {  	[tilespmem:s28], [sflag:$0x4] =	stream.strided.gather [hbm4b:s19+s11], $0x1000, s10, s11, $0x38;
	[tilespmem:$0x10800] =	vst v63  }
0x5f: {  	s19 =	sand.u32 $0xFFFFF80, s5  }
0x60: {  	s13 =	simm.s32 $0xB400;
	s19 =	sadd.s32 s2, s19  }
0x61: {  	[tilespmem:s13], [sflag:$0xC] =	stream.strided.gather [hbm4b:s19+s11], $0x1000, s10, s11, $0x38;
	[tilespmem:$0x10800] =	vst v63  }
0x62: {  	v44 =	vld [tilespmem:$0x0];
	_ =	sdelay $0x1  }
0x63: {  	v45 =	vld [tilespmem:$0x200];
	_ =	sdelay $0x2  }
0x64: {  	v35 =	vsel vm4, $0x0, v44  }
0x65: {  	(xrf0) =	vadd.scan.msk.s32 $0xffff, v35  }
0x66: {  	v46 =	vsel vm4, $0x0, v45  }
0x67: {  	(xrf0) =	vadd.scan.msk.s32 $0xffff, v46;
	_ =	sdelay $0x3  }
0x68: {  	v47, _, _ =	vpop (xrf0)  }
0x69: {  	(v2sf) =	vpush v47, $0xF  }
0x6a: {  	v48, _, _ =	vpop (xrf0)  }
0x6b: {  	(v2sf) =	vpush v48, $0xF;
	_ =	sdelay $0xc  }
0x6c: {  	s14 =	spop (v2sf)  }
0x6d: {  	s19 =	sand.u32 $0xFFFFF80, s14  }
0x6e: {  	s15 =	simm.s32 $0x4400;
	s20 =	spop (v2sf);
	s19 =	sadd.s32 s1, s19  }
0x6f: {  	[tilespmem:s15], [sflag:$0x5] =	stream.strided.gather [hbm4b:s19+s11], $0x1000, s10, s11, $0x38;
	[tilespmem:$0x10800] =	vst v63  }
0x70: {  	s19 =	sand.u32 $0xFFFFF80, s20  }
0x71: {  	s21 =	simm.s32 $0xC400;
	s19 =	sadd.s32 s2, s19  }
0x72: {  	[tilespmem:s21], [sflag:$0xD] =	stream.strided.gather [hbm4b:s19+s11], $0x1000, s10, s11, $0x38;
	[tilespmem:$0x10800] =	vst v63  }
0x73: {  	v49 =	vld [tilespmem:$0x0];
	_ =	sdelay $0x1  }
0x74: {  	v50 =	vld [tilespmem:$0x200];
	_ =	sdelay $0x2  }
0x75: {  	v35 =	vsel vm5, $0x0, v49  }
0x76: {  	(xrf0) =	vadd.scan.msk.s32 $0xffff, v35  }
0x77: {  	v51 =	vsel vm5, $0x0, v50  }
0x78: {  	(xrf0) =	vadd.scan.msk.s32 $0xffff, v51;
	_ =	sdelay $0x3  }
0x79: {  	v52, _, _ =	vpop (xrf0)  }
0x7a: {  	(v2sf) =	vpush v52, $0xF  }
0x7b: {  	v53, _, _ =	vpop (xrf0)  }
0x7c: {  	(v2sf) =	vpush v53, $0xF;
	_ =	sdelay $0xc  }
0x7d: {  	s24 =	spop (v2sf)  }
0x7e: {  	s19 =	sand.u32 $0xFFFFF80, s24  }
0x7f: {  	s28 =	simm.s32 $0x5400;
	s3 =	spop (v2sf);
	s19 =	sadd.s32 s1, s19  }
0x80: {  	[tilespmem:s28], [sflag:$0x6] =	stream.strided.gather [hbm4b:s19+s11], $0x1000, s10, s11, $0x38;
	[tilespmem:$0x10800] =	vst v63  }
0x81: {  	s19 =	sand.u32 $0xFFFFF80, s3  }
0x82: {  	s4 =	simm.s32 $0xD400;
	s19 =	sadd.s32 s2, s19  }
0x83: {  	[tilespmem:s4], [sflag:$0xE] =	stream.strided.gather [hbm4b:s19+s11], $0x1000, s10, s11, $0x38;
	[tilespmem:$0x10800] =	vst v63  }
0x84: {  	v54 =	vld [tilespmem:$0x0];
	_ =	sdelay $0x1  }
0x85: {  	v55 =	vld [tilespmem:$0x200];
	_ =	sdelay $0x2  }
0x86: {  	v35 =	vsel vm6, $0x0, v54  }
0x87: {  	(xrf0) =	vadd.scan.msk.s32 $0xffff, v35  }
0x88: {  	v56 =	vsel vm6, $0x0, v55  }
0x89: {  	(xrf0) =	vadd.scan.msk.s32 $0xffff, v56;
	_ =	sdelay $0x3  }
0x8a: {  	v57, _, _ =	vpop (xrf0)  }
0x8b: {  	(v2sf) =	vpush v57, $0xF  }
0x8c: {  	v58, _, _ =	vpop (xrf0)  }
0x8d: {  	(v2sf) =	vpush v58, $0xF;
	_ =	sdelay $0xc  }
0x8e: {  	s5 =	spop (v2sf)  }
0x8f: {  	s19 =	sand.u32 $0xFFFFF80, s5  }
0x90: {  	s13 =	simm.s32 $0x6400;
	s14 =	spop (v2sf);
	s19 =	sadd.s32 s1, s19  }
0x91: {  	[tilespmem:s13], [sflag:$0x7] =	stream.strided.gather [hbm4b:s19+s11], $0x1000, s10, s11, $0x38;
	[tilespmem:$0x10800] =	vst v63  }
0x92: {  	s19 =	sand.u32 $0xFFFFF80, s14  }
0x93: {  	s15 =	simm.s32 $0xE400;
	s19 =	sadd.s32 s2, s19  }
0x94: {  	[tilespmem:s15], [sflag:$0xF] =	stream.strided.gather [hbm4b:s19+s11], $0x1000, s10, s11, $0x38;
	[tilespmem:$0x10800] =	vst v63  }
0x95: {  	v59 =	vld [tilespmem:$0x0];
	_ =	sdelay $0x1  }
0x96: {  	v60 =	vld [tilespmem:$0x200];
	_ =	sdelay $0x2  }
0x97: {  	v35 =	vsel vm7, $0x0, v59  }
0x98: {  	(xrf0) =	vadd.scan.msk.s32 $0xffff, v35  }
0x99: {  	v61 =	vsel vm7, $0x0, v60  }
0x9a: {  	(xrf0) =	vadd.scan.msk.s32 $0xffff, v61;
	_ =	sdelay $0x3  }
0x9b: {  	v62, _, _ =	vpop (xrf0)  }
0x9c: {  	(v2sf) =	vpush v62, $0xF  }
0x9d: {  	v63, _, _ =	vpop (xrf0)  }
0x9e: {  	(v2sf) =	vpush v63, $0xF;
	_ =	sdelay $0xc  }
0x9f: {  	s20 =	spop (v2sf)  }
0xa0: {  	s19 =	sand.u32 $0xFFFFF80, s20  }
0xa1: {  	s21 =	simm.s32 $0x7400;
	s24 =	spop (v2sf);
	s19 =	sadd.s32 s1, s19  }
0xa2: {  	[tilespmem:s21], [sflag:$0x8] =	stream.strided.gather [hbm4b:s19+s11], $0x1000, s10, s11, $0x38;
	[tilespmem:$0x10800] =	vst v63  }
0xa3: {  	s19 =	sand.u32 $0xFFFFF80, s24  }
0xa4: {  	s28 =	simm.s32 $0xF400;
	s19 =	sadd.s32 s2, s19  }
0xa5: {  	[tilespmem:s28], [sflag:$0x10] =	stream.strided.gather [hbm4b:s19+s11], $0x1000, s10, s11, $0x38;
	[tilespmem:$0x10800] =	vst v63  }
0xa6: {  	s20 =	simm.s32 $0x0;
	s21 =	simm.s32 $0x0;
	s19 =	simm.s32 $0x10600  }
.LBB2_2:
0xa7: {  	s0 =	simm.s32 $0x1  }
0xa8: {  	_ =	swait.ge [sflag:s0], $0x1000  }
0xa9: {  	[sflag:s0] =	ssyncset.done $0x0  }
0xaa: {  	[sflag:s0] =	ssyncadd.s32 $0xFFFFF000  }
0xab: {  	_ =	swait.ge [sflag:s17], $0x1000  }
0xac: {  	[sflag:s17] =	ssyncset.done $0x0  }
0xad: {  	[sflag:s17] =	ssyncadd.s32 $0xFFFFF000  }
0xae: {  	v35 =	vld [tilespmem:s20+$0x0]  }
0xaf: {  	v36 =	vld [tilespmem:s18+$0x0];
	_ =	sdelay $0x3  }
0xb0: {  	v37 =	vperm.xlane v35, v2  }
0xb1: {  	v38 =	vperm.xlane v36, v2  }
0xb2: {  	v37 =	vand.u32 $0x7F, v37  }
0xb3: {  	v38 =	vand.u32 $0x7F, v38;
	v39 =	vor.u32 v1, v37  }
0xb4: {  	v40 =	vor.u32 v1, v38  }
0xb5: {  	v38 =	vor.u32 v3, v38;
	_ =	sdelay $0x2  }
0xb6: {  	v39 =	vld.idx.msk [tilespmem:v39+s11+$0x0], $0xffff  }
0xb7: {  	v40 =	vld.idx.msk [tilespmem:v40+s22+$0x0], $0xffff  }
0xb8: {  	v38 =	vld.idx.msk [tilespmem:v38+s22+$0x0], $0xffff;
	_ =	sdelay $0x3  }
0xb9: {  	v40 =	vmul.f32 $1.442695020e+00, v40;
	v39 =	vsub.f32 $0.0e+00, v39  }
0xba: {  	v38 =	vmul.f32 $1.442695020e+00, v38  }
0xbb: {  	(erf) = vpow2.f32 v40;
	v39 =	vmul.f32 $1.442695020e+00, v39  }
0xbc: {  	v37 =	vor.u32 v3, v37;
	(erf) = vpow2.f32 v38  }
0xbd: {  	(erf) = vpow2.f32 v39;
	_ =	sdelay $0x3  }
0xbe: {  	v37 =	vld.idx.msk [tilespmem:v37+s11+$0x0], $0xffff;
	_ =	sdelay $0x2  }
0xbf: {  	v62 =	vpop (erf)  }
0xc0: {  	v35 =	vsel vm8, $0x0, v35;
	v63 =	vpop (erf)  }
0xc1: {  	(xrf0) =	vadd.scan.msk.s32 $0xffff, v35;
	v37 =	vsub.f32 $0.0e+00, v37;
	v42 =	vpop (erf)  }
0xc2: {  	v36 =	vsel vm8, $0x0, v36;
	v35 =	vadd.f32 $1.000000000e+00, v42  }
0xc3: {  	(xrf0) =	vadd.scan.msk.s32 $0xffff, v36;
	v37 =	vmul.f32 $1.442695020e+00, v37  }
0xc4: {  	(erf) = vrcp.f32 v35  }
0xc5: {  	(erf) = vpow2.f32 v37;
	_ =	sdelay $0x1  }
0xc6: {  	v43, _, _ =	vpop (xrf0)  }
0xc7: {  	(v2sf) =	vpush v43, $0xF  }
0xc8: {  	v44, _, _ =	vpop (xrf0)  }
0xc9: {  	(v2sf) =	vpush v44, $0xF;
	_ =	sdelay $0x2  }
0xca: {  	v45 =	vpop (erf)  }
0xcb: {  	v46 =	vpop (erf)  }
0xcc: {  	v36 =	vadd.f32 $1.000000000e+00, v46;
	_ =	sdelay $0x1  }
0xcd: {  	(erf) = vrcp.f32 v36;
	_ =	sdelay $0x5  }
0xce: {  	s15 =	spop (v2sf)  }
0xcf: {  	s22 =	sand.u32 $0xFFFFF80, s15  }
0xd0: {  	s3 =	spop (v2sf);
	s22 =	sadd.s32 s1, s22  }
0xd1: {  	[tilespmem:s11], [sflag:$0x1] =	stream.strided.gather [hbm4b:s22+s11], $0x1000, s10, s11, $0x38;
	v36 =	vpop (erf);
	[tilespmem:$0x10800] =	vst v63  }
0xd2: {  	s22 =	sand.u32 $0xFFFFF80, s3;
	v35 =	vmul.f32 v45, v62;
	v36 =	vmul.f32 v36, v63  }
0xd3: {  	s24 =	simm.s32 $0x8400;
	v47 =	vadd.f32 v63, v62;
	s22 =	sadd.s32 s2, s22  }
0xd4: {  	[tilespmem:s24], [sflag:$0x9] =	stream.strided.gather [hbm4b:s22+s11], $0x1000, s10, s11, $0x38;
	v35 =	vadd.f32 v36, v35;
	[tilespmem:$0x10800] =	vst v63  }
0xd5: {  	[tilespmem:$0x10500] =	vst v47  }
0xd6: {  	[tilespmem:$0x10400] =	vst v35  }
0xd7: {  	_ =	swait.ge [sflag:s7], $0x1000  }
0xd8: {  	[sflag:s7] =	ssyncset.done $0x0  }
0xd9: {  	[sflag:s7] =	ssyncadd.s32 $0xFFFFF000  }
0xda: {  	_ =	swait.ge [sflag:s16], $0x1000  }
0xdb: {  	[sflag:s16] =	ssyncset.done $0x0  }
0xdc: {  	[sflag:s16] =	ssyncadd.s32 $0xFFFFF000  }
0xdd: {  	v48 =	vld [tilespmem:s20+$0x0]  }
0xde: {  	v49 =	vld [tilespmem:s18+$0x0];
	_ =	sdelay $0x3  }
0xdf: {  	v50 =	vperm.xlane v48, v4  }
0xe0: {  	v51 =	vperm.xlane v49, v4  }
0xe1: {  	v37 =	vand.u32 $0x7F, v50  }
0xe2: {  	v38 =	vand.u32 $0x7F, v51;
	v52 =	vor.u32 v1, v37  }
0xe3: {  	v53 =	vor.u32 v1, v38  }
0xe4: {  	v38 =	vor.u32 v3, v38;
	_ =	sdelay $0x2  }
0xe5: {  	v39 =	vld.idx.msk [tilespmem:v52+s23+$0x0], $0xffff  }
0xe6: {  	v40 =	vld.idx.msk [tilespmem:v53+s25+$0x0], $0xffff  }
0xe7: {  	v38 =	vld.idx.msk [tilespmem:v38+s25+$0x0], $0xffff;
	_ =	sdelay $0x3  }
0xe8: {  	v40 =	vmul.f32 $1.442695020e+00, v40;
	v39 =	vsub.f32 $0.0e+00, v39  }
0xe9: {  	v38 =	vmul.f32 $1.442695020e+00, v38  }
0xea: {  	(erf) = vpow2.f32 v40;
	v39 =	vmul.f32 $1.442695020e+00, v39  }
0xeb: {  	v37 =	vor.u32 v3, v37;
	(erf) = vpow2.f32 v38  }
0xec: {  	(erf) = vpow2.f32 v39;
	_ =	sdelay $0x3  }
0xed: {  	v37 =	vld.idx.msk [tilespmem:v37+s23+$0x0], $0xffff;
	_ =	sdelay $0x2  }
0xee: {  	v54 =	vpop (erf)  }
0xef: {  	v35 =	vsel vm9, $0x0, v48;
	v55 =	vpop (erf)  }
0xf0: {  	(xrf0) =	vadd.scan.msk.s32 $0xffff, v35;
	v37 =	vsub.f32 $0.0e+00, v37;
	v56 =	vpop (erf)  }
0xf1: {  	v36 =	vsel vm9, $0x0, v49;
	v35 =	vadd.f32 $1.000000000e+00, v56  }
0xf2: {  	(xrf0) =	vadd.scan.msk.s32 $0xffff, v36;
	v37 =	vmul.f32 $1.442695020e+00, v37  }
0xf3: {  	(erf) = vrcp.f32 v35  }
0xf4: {  	(erf) = vpow2.f32 v37;
	_ =	sdelay $0x1  }
0xf5: {  	v57, _, _ =	vpop (xrf0)  }
0xf6: {  	(v2sf) =	vpush v57, $0xF  }
0xf7: {  	v58, _, _ =	vpop (xrf0)  }
0xf8: {  	(v2sf) =	vpush v58, $0xF;
	_ =	sdelay $0x2  }
0xf9: {  	v59 =	vpop (erf)  }
0xfa: {  	v60 =	vpop (erf)  }
0xfb: {  	v36 =	vadd.f32 $1.000000000e+00, v60;
	_ =	sdelay $0x1  }
0xfc: {  	(erf) = vrcp.f32 v36;
	_ =	sdelay $0x5  }
0xfd: {  	s4 =	spop (v2sf)  }
0xfe: {  	s22 =	sand.u32 $0xFFFFF80, s4  }
0xff: {  	s5 =	spop (v2sf);
	s22 =	sadd.s32 s1, s22  }
0x100: {  	[tilespmem:s23], [sflag:$0x2] =	stream.strided.gather [hbm4b:s22+s11], $0x1000, s10, s11, $0x38;
	v36 =	vpop (erf);
	[tilespmem:$0x10800] =	vst v63  }
0x101: {  	s22 =	sand.u32 $0xFFFFF80, s5;
	v35 =	vmul.f32 v59, v54;
	v36 =	vmul.f32 v36, v55  }
0x102: {  	v61 =	vadd.f32 v55, v54;
	s22 =	sadd.s32 s2, s22  }
0x103: {  	[tilespmem:s25], [sflag:$0xA] =	stream.strided.gather [hbm4b:s22+s11], $0x1000, s10, s11, $0x38;
	v35 =	vadd.f32 v36, v35;
	[tilespmem:$0x10800] =	vst v63  }
0x104: {  	[tilespmem:$0x10510] =	vst v61  }
0x105: {  	[tilespmem:$0x10410] =	vst v35  }
0x106: {  	_ =	swait.ge [sflag:s8], $0x1000  }
0x107: {  	[sflag:s8] =	ssyncset.done $0x0  }
0x108: {  	[sflag:s8] =	ssyncadd.s32 $0xFFFFF000  }
0x109: {  	_ =	swait.ge [sflag:s6], $0x1000  }
0x10a: {  	[sflag:s6] =	ssyncset.done $0x0  }
0x10b: {  	[sflag:s6] =	ssyncadd.s32 $0xFFFFF000  }
0x10c: {  	v62 =	vld [tilespmem:s20+$0x0]  }
0x10d: {  	v63 =	vld [tilespmem:s18+$0x0];
	_ =	sdelay $0x3  }
0x10e: {  	v42 =	vperm.xlane v62, v5  }
0x10f: {  	v43 =	vperm.xlane v63, v5  }
0x110: {  	v37 =	vand.u32 $0x7F, v42  }
0x111: {  	v38 =	vand.u32 $0x7F, v43;
	v44 =	vor.u32 v1, v37  }
0x112: {  	v45 =	vor.u32 v1, v38  }
0x113: {  	v38 =	vor.u32 v3, v38;
	_ =	sdelay $0x2  }
0x114: {  	s28 =	simm.s32 $0xA400;
	v39 =	vld.idx.msk [tilespmem:v44+s26+$0x0], $0xffff  }
0x115: {  	v35 =	vsel vm10, $0x0, v62;
	v40 =	vld.idx.msk [tilespmem:v45+s28+$0x0], $0xffff  }
0x116: {  	(xrf0) =	vadd.scan.msk.s32 $0xffff, v35;
	v46 =	vld.idx.msk [tilespmem:v38+s28+$0x0], $0xffff  }
0x117: {  	v36 =	vsel vm10, $0x0, v63  }
0x118: {  	(xrf0) =	vadd.scan.msk.s32 $0xffff, v36;
	_ =	sdelay $0x1  }
0x119: {  	v47 =	vmul.f32 $1.442695020e+00, v40;
	v48 =	vsub.f32 $0.0e+00, v39  }
0x11a: {  	v35 =	vmul.f32 $1.442695020e+00, v46  }
0x11b: {  	v49, _, _ =	vpop (xrf0);
	(erf) = vpow2.f32 v47;
	v50 =	vmul.f32 $1.442695020e+00, v48  }
0x11c: {  	(v2sf) =	vpush v49, $0xF;
	(erf) = vpow2.f32 v35  }
0x11d: {  	v51, _, _ =	vpop (xrf0);
	(erf) = vpow2.f32 v50  }
0x11e: {  	(v2sf) =	vpush v51, $0xF;
	_ =	sdelay $0x5  }
0x11f: {  	v52 =	vpop (erf)  }
0x120: {  	v53 =	vor.u32 v3, v37;
	v54 =	vpop (erf)  }
0x121: {  	v55 =	vpop (erf)  }
0x122: {  	v38 =	vadd.f32 $1.000000000e+00, v55;
	_ =	sdelay $0x1  }
0x123: {  	(erf) = vrcp.f32 v38  }
0x124: {  	v36 =	vld.idx.msk [tilespmem:v53+s26+$0x0], $0xffff  }
0x125: {  	s13 =	spop (v2sf)  }
0x126: {  	s22 =	sand.u32 $0xFFFFF80, s13  }
0x127: {  	s14 =	spop (v2sf);
	s22 =	sadd.s32 s1, s22  }
0x128: {  	[tilespmem:s26], [sflag:$0x3] =	stream.strided.gather [hbm4b:s22+s11], $0x1000, s10, s11, $0x38;
	[tilespmem:$0x10800] =	vst v63  }
0x129: {  	v36 =	vsub.f32 $0.0e+00, v36;
	s22 =	sand.u32 $0xFFFFF80, s14  }
0x12a: {  	s22 =	sadd.s32 s2, s22  }
0x12b: {  	v36 =	vmul.f32 $1.442695020e+00, v36;
	[tilespmem:s28], [sflag:$0xB] =	stream.strided.gather [hbm4b:s22+s11], $0x1000, s10, s11, $0x38;
	[tilespmem:$0x10800] =	vst v63  }
0x12c: {  	v38 =	vpop (erf)  }
0x12d: {  	(erf) = vpow2.f32 v36;
	_ =	sdelay $0x8  }
0x12e: {  	v36 =	vpop (erf)  }
0x12f: {  	v36 =	vadd.f32 $1.000000000e+00, v36;
	_ =	sdelay $0x1  }
0x130: {  	(erf) = vrcp.f32 v36;
	_ =	sdelay $0x8  }
0x131: {  	v36 =	vpop (erf)  }
0x132: {  	v38 =	vmul.f32 v38, v52;
	v36 =	vmul.f32 v36, v54  }
0x133: {  	v35 =	vadd.f32 v54, v52  }
0x134: {  	v36 =	vadd.f32 v36, v38  }
0x135: {  	[tilespmem:$0x10520] =	vst v35  }
0x136: {  	s4 =	simm.s32 $0x4;
	[tilespmem:$0x10420] =	vst v36  }
0x137: {  	_ =	swait.ge [sflag:s4], $0x1000  }
0x138: {  	[sflag:s4] =	ssyncset.done $0x0  }
0x139: {  	[sflag:s4] =	ssyncadd.s32 $0xFFFFF000  }
0x13a: {  	_ =	swait.ge [sflag:s9], $0x1000  }
0x13b: {  	[sflag:s9] =	ssyncset.done $0x0  }
0x13c: {  	[sflag:s9] =	ssyncadd.s32 $0xFFFFF000  }
0x13d: {  	v56 =	vld [tilespmem:s20+$0x0]  }
0x13e: {  	v57 =	vld [tilespmem:s18+$0x0];
	_ =	sdelay $0x3  }
0x13f: {  	v58 =	vperm.xlane v56, v6  }
0x140: {  	v59 =	vperm.xlane v57, v6  }
0x141: {  	v37 =	vand.u32 $0x7F, v58  }
0x142: {  	v38 =	vand.u32 $0x7F, v59;
	v60 =	vor.u32 v1, v37  }
0x143: {  	v61 =	vor.u32 v1, v38  }
0x144: {  	v38 =	vor.u32 v3, v38;
	_ =	sdelay $0x1  }
0x145: {  	s28 =	simm.s32 $0x3400  }
0x146: {  	s5 =	simm.s32 $0xB400;
	v39 =	vld.idx.msk [tilespmem:v60+s28+$0x0], $0xffff  }
0x147: {  	v40 =	vld.idx.msk [tilespmem:v61+s5+$0x0], $0xffff  }
0x148: {  	v38 =	vld.idx.msk [tilespmem:v38+s5+$0x0], $0xffff;
	_ =	sdelay $0x3  }
0x149: {  	v40 =	vmul.f32 $1.442695020e+00, v40;
	v39 =	vsub.f32 $0.0e+00, v39  }
0x14a: {  	v38 =	vmul.f32 $1.442695020e+00, v38  }
0x14b: {  	(erf) = vpow2.f32 v40;
	v39 =	vmul.f32 $1.442695020e+00, v39  }
0x14c: {  	v37 =	vor.u32 v3, v37;
	(erf) = vpow2.f32 v38  }
0x14d: {  	(erf) = vpow2.f32 v39;
	_ =	sdelay $0x3  }
0x14e: {  	v37 =	vld.idx.msk [tilespmem:v37+s28+$0x0], $0xffff;
	_ =	sdelay $0x2  }
0x14f: {  	v62 =	vpop (erf)  }
0x150: {  	v35 =	vsel vm11, $0x0, v56;
	v63 =	vpop (erf)  }
0x151: {  	(xrf0) =	vadd.scan.msk.s32 $0xffff, v35;
	v37 =	vsub.f32 $0.0e+00, v37;
	v42 =	vpop (erf)  }
0x152: {  	v36 =	vsel vm11, $0x0, v57;
	v35 =	vadd.f32 $1.000000000e+00, v42  }
0x153: {  	(xrf0) =	vadd.scan.msk.s32 $0xffff, v36;
	v37 =	vmul.f32 $1.442695020e+00, v37  }
0x154: {  	(erf) = vrcp.f32 v35  }
0x155: {  	(erf) = vpow2.f32 v37;
	_ =	sdelay $0x1  }
0x156: {  	v43, _, _ =	vpop (xrf0)  }
0x157: {  	(v2sf) =	vpush v43, $0xF  }
0x158: {  	v44, _, _ =	vpop (xrf0)  }
0x159: {  	(v2sf) =	vpush v44, $0xF;
	_ =	sdelay $0x2  }
0x15a: {  	v45 =	vpop (erf)  }
0x15b: {  	v46 =	vpop (erf)  }
0x15c: {  	v36 =	vadd.f32 $1.000000000e+00, v46;
	_ =	sdelay $0x1  }
0x15d: {  	(erf) = vrcp.f32 v36;
	_ =	sdelay $0x5  }
0x15e: {  	s15 =	spop (v2sf)  }
0x15f: {  	s22 =	sand.u32 $0xFFFFF80, s15  }
0x160: {  	s23 =	spop (v2sf);
	s22 =	sadd.s32 s1, s22  }
0x161: {  	[tilespmem:s28], [sflag:$0x4] =	stream.strided.gather [hbm4b:s22+s11], $0x1000, s10, s11, $0x38;
	v36 =	vpop (erf);
	[tilespmem:$0x10800] =	vst v63  }
0x162: {  	s22 =	sand.u32 $0xFFFFF80, s23;
	v35 =	vmul.f32 v45, v62;
	v36 =	vmul.f32 v36, v63  }
0x163: {  	v47 =	vadd.f32 v63, v62;
	s22 =	sadd.s32 s2, s22  }
0x164: {  	[tilespmem:s5], [sflag:$0xC] =	stream.strided.gather [hbm4b:s22+s11], $0x1000, s10, s11, $0x38;
	v35 =	vadd.f32 v36, v35;
	[tilespmem:$0x10800] =	vst v63  }
0x165: {  	[tilespmem:$0x10530] =	vst v47  }
0x166: {  	s3 =	simm.s32 $0x5;
	[tilespmem:$0x10430] =	vst v35  }
0x167: {  	_ =	swait.ge [sflag:s3], $0x1000  }
0x168: {  	[sflag:s3] =	ssyncset.done $0x0  }
0x169: {  	[sflag:s3] =	ssyncadd.s32 $0xFFFFF000  }
0x16a: {  	_ =	swait.ge [sflag:s12], $0x1000  }
0x16b: {  	[sflag:s12] =	ssyncset.done $0x0  }
0x16c: {  	[sflag:s12] =	ssyncadd.s32 $0xFFFFF000  }
0x16d: {  	v48 =	vld [tilespmem:s20+$0x0]  }
0x16e: {  	v49 =	vld [tilespmem:s18+$0x0];
	_ =	sdelay $0x3  }
0x16f: {  	v50 =	vperm.xlane v48, v7  }
0x170: {  	v51 =	vperm.xlane v49, v7  }
0x171: {  	v37 =	vand.u32 $0x7F, v50  }
0x172: {  	v38 =	vand.u32 $0x7F, v51;
	v52 =	vor.u32 v1, v37  }
0x173: {  	v53 =	vor.u32 v1, v38  }
0x174: {  	v38 =	vor.u32 v3, v38;
	_ =	sdelay $0x1  }
0x175: {  	s13 =	simm.s32 $0x4400  }
0x176: {  	s25 =	simm.s32 $0xC400;
	v39 =	vld.idx.msk [tilespmem:v52+s13+$0x0], $0xffff  }
0x177: {  	v40 =	vld.idx.msk [tilespmem:v53+s25+$0x0], $0xffff  }
0x178: {  	v38 =	vld.idx.msk [tilespmem:v38+s25+$0x0], $0xffff;
	_ =	sdelay $0x3  }
0x179: {  	v40 =	vmul.f32 $1.442695020e+00, v40;
	v39 =	vsub.f32 $0.0e+00, v39  }
0x17a: {  	v38 =	vmul.f32 $1.442695020e+00, v38  }
0x17b: {  	(erf) = vpow2.f32 v40;
	v39 =	vmul.f32 $1.442695020e+00, v39  }
0x17c: {  	v37 =	vor.u32 v3, v37;
	(erf) = vpow2.f32 v38  }
0x17d: {  	(erf) = vpow2.f32 v39;
	_ =	sdelay $0x2  }
0x17e: {  	s14 =	simm.s32 $0x4400  }
0x17f: {  	v37 =	vld.idx.msk [tilespmem:v37+s14+$0x0], $0xffff;
	_ =	sdelay $0x2  }
0x180: {  	v54 =	vpop (erf)  }
0x181: {  	v35 =	vsel vm12, $0x0, v48;
	v55 =	vpop (erf)  }
0x182: {  	(xrf0) =	vadd.scan.msk.s32 $0xffff, v35;
	v37 =	vsub.f32 $0.0e+00, v37;
	v56 =	vpop (erf)  }
0x183: {  	v36 =	vsel vm12, $0x0, v49;
	v35 =	vadd.f32 $1.000000000e+00, v56  }
0x184: {  	(xrf0) =	vadd.scan.msk.s32 $0xffff, v36;
	v37 =	vmul.f32 $1.442695020e+00, v37  }
0x185: {  	(erf) = vrcp.f32 v35  }
0x186: {  	(erf) = vpow2.f32 v37;
	_ =	sdelay $0x1  }
0x187: {  	v57, _, _ =	vpop (xrf0)  }
0x188: {  	(v2sf) =	vpush v57, $0xF  }
0x189: {  	v58, _, _ =	vpop (xrf0)  }
0x18a: {  	(v2sf) =	vpush v58, $0xF;
	_ =	sdelay $0x2  }
0x18b: {  	v59 =	vpop (erf)  }
0x18c: {  	v60 =	vpop (erf)  }
0x18d: {  	v36 =	vadd.f32 $1.000000000e+00, v60;
	_ =	sdelay $0x1  }
0x18e: {  	(erf) = vrcp.f32 v36;
	_ =	sdelay $0x5  }
0x18f: {  	s15 =	spop (v2sf)  }
0x190: {  	s22 =	sand.u32 $0xFFFFF80, s15  }
0x191: {  	s23 =	spop (v2sf);
	s22 =	sadd.s32 s1, s22  }
0x192: {  	[tilespmem:s14], [sflag:$0x5] =	stream.strided.gather [hbm4b:s22+s11], $0x1000, s10, s11, $0x38;
	v36 =	vpop (erf);
	[tilespmem:$0x10800] =	vst v63  }
0x193: {  	s22 =	sand.u32 $0xFFFFF80, s23;
	v35 =	vmul.f32 v59, v54;
	v36 =	vmul.f32 v36, v55  }
0x194: {  	s26 =	simm.s32 $0xC400;
	v61 =	vadd.f32 v55, v54;
	s22 =	sadd.s32 s2, s22  }
0x195: {  	[tilespmem:s26], [sflag:$0xD] =	stream.strided.gather [hbm4b:s22+s11], $0x1000, s10, s11, $0x38;
	v35 =	vadd.f32 v36, v35;
	[tilespmem:$0x10800] =	vst v63  }
0x196: {  	[tilespmem:$0x10540] =	vst v61  }
0x197: {  	s13 =	simm.s32 $0x6;
	[tilespmem:$0x10440] =	vst v35  }
0x198: {  	_ =	swait.ge [sflag:s13], $0x1000  }
0x199: {  	[sflag:s13] =	ssyncset.done $0x0  }
0x19a: {  	s14 =	simm.s32 $0xE;
	[sflag:s13] =	ssyncadd.s32 $0xFFFFF000  }
0x19b: {  	_ =	swait.ge [sflag:s14], $0x1000  }
0x19c: {  	[sflag:s14] =	ssyncset.done $0x0  }
0x19d: {  	[sflag:s14] =	ssyncadd.s32 $0xFFFFF000  }
0x19e: {  	v62 =	vld [tilespmem:s20+$0x0]  }
0x19f: {  	v63 =	vld [tilespmem:s18+$0x0];
	_ =	sdelay $0x3  }
0x1a0: {  	v44 =	vperm.xlane v62, v8  }
0x1a1: {  	v45 =	vperm.xlane v63, v8  }
0x1a2: {  	v37 =	vand.u32 $0x7F, v44  }
0x1a3: {  	v38 =	vand.u32 $0x7F, v45;
	v46 =	vor.u32 v1, v37  }
0x1a4: {  	v47 =	vor.u32 v1, v38  }
0x1a5: {  	v38 =	vor.u32 v3, v38;
	_ =	sdelay $0x1  }
0x1a6: {  	s15 =	simm.s32 $0x5400  }
0x1a7: {  	s25 =	simm.s32 $0xD400;
	v39 =	vld.idx.msk [tilespmem:v46+s15+$0x0], $0xffff  }
0x1a8: {  	v40 =	vld.idx.msk [tilespmem:v47+s25+$0x0], $0xffff  }
0x1a9: {  	v38 =	vld.idx.msk [tilespmem:v38+s25+$0x0], $0xffff;
	_ =	sdelay $0x3  }
0x1aa: {  	v40 =	vmul.f32 $1.442695020e+00, v40;
	v39 =	vsub.f32 $0.0e+00, v39  }
0x1ab: {  	v38 =	vmul.f32 $1.442695020e+00, v38  }
0x1ac: {  	(erf) = vpow2.f32 v40;
	v39 =	vmul.f32 $1.442695020e+00, v39  }
0x1ad: {  	v37 =	vor.u32 v3, v37;
	(erf) = vpow2.f32 v38  }
0x1ae: {  	(erf) = vpow2.f32 v39;
	_ =	sdelay $0x2  }
0x1af: {  	s23 =	simm.s32 $0x5400  }
0x1b0: {  	v37 =	vld.idx.msk [tilespmem:v37+s23+$0x0], $0xffff;
	_ =	sdelay $0x2  }
0x1b1: {  	v48 =	vpop (erf)  }
0x1b2: {  	v35 =	vsel vm13, $0x0, v62;
	v49 =	vpop (erf)  }
0x1b3: {  	(xrf0) =	vadd.scan.msk.s32 $0xffff, v35;
	v37 =	vsub.f32 $0.0e+00, v37;
	v50 =	vpop (erf)  }
0x1b4: {  	v36 =	vsel vm13, $0x0, v63;
	v35 =	vadd.f32 $1.000000000e+00, v50  }
0x1b5: {  	(xrf0) =	vadd.scan.msk.s32 $0xffff, v36;
	v37 =	vmul.f32 $1.442695020e+00, v37  }
0x1b6: {  	(erf) = vrcp.f32 v35  }
0x1b7: {  	(erf) = vpow2.f32 v37;
	_ =	sdelay $0x1  }
0x1b8: {  	v51, _, _ =	vpop (xrf0)  }
0x1b9: {  	(v2sf) =	vpush v51, $0xF  }
0x1ba: {  	v52, _, _ =	vpop (xrf0)  }
0x1bb: {  	(v2sf) =	vpush v52, $0xF;
	_ =	sdelay $0x2  }
0x1bc: {  	v53 =	vpop (erf)  }
0x1bd: {  	v54 =	vpop (erf)  }
0x1be: {  	v36 =	vadd.f32 $1.000000000e+00, v54;
	_ =	sdelay $0x1  }
0x1bf: {  	(erf) = vrcp.f32 v36;
	_ =	sdelay $0x5  }
0x1c0: {  	s26 =	spop (v2sf)  }
0x1c1: {  	s22 =	sand.u32 $0xFFFFF80, s26  }
0x1c2: {  	s25 =	spop (v2sf);
	s22 =	sadd.s32 s1, s22  }
0x1c3: {  	[tilespmem:s23], [sflag:$0x6] =	stream.strided.gather [hbm4b:s22+s11], $0x1000, s10, s11, $0x38;
	v36 =	vpop (erf);
	[tilespmem:$0x10800] =	vst v63  }
0x1c4: {  	s22 =	sand.u32 $0xFFFFF80, s25;
	v35 =	vmul.f32 v53, v48;
	v36 =	vmul.f32 v36, v49  }
0x1c5: {  	s15 =	simm.s32 $0xD400;
	v55 =	vadd.f32 v49, v48;
	s22 =	sadd.s32 s2, s22  }
0x1c6: {  	[tilespmem:s15], [sflag:$0xE] =	stream.strided.gather [hbm4b:s22+s11], $0x1000, s10, s11, $0x38;
	v35 =	vadd.f32 v36, v35;
	[tilespmem:$0x10800] =	vst v63  }
0x1c7: {  	[tilespmem:$0x10550] =	vst v55  }
0x1c8: {  	s15 =	simm.s32 $0x7;
	[tilespmem:$0x10450] =	vst v35  }
0x1c9: {  	_ =	swait.ge [sflag:s15], $0x1000  }
0x1ca: {  	[sflag:s15] =	ssyncset.done $0x0  }
0x1cb: {  	[sflag:s15] =	ssyncadd.s32 $0xFFFFF000  }
0x1cc: {  	_ =	swait.ge [sflag:s29], $0x1000  }
0x1cd: {  	[sflag:s29] =	ssyncset.done $0x0  }
0x1ce: {  	[sflag:s29] =	ssyncadd.s32 $0xFFFFF000  }
0x1cf: {  	v56 =	vld [tilespmem:s20+$0x0]  }
0x1d0: {  	v57 =	vld [tilespmem:s18+$0x0];
	_ =	sdelay $0x3  }
0x1d1: {  	v58 =	vperm.xlane v56, v9  }
0x1d2: {  	v59 =	vperm.xlane v57, v9  }
0x1d3: {  	v37 =	vand.u32 $0x7F, v58  }
0x1d4: {  	v38 =	vand.u32 $0x7F, v59;
	v60 =	vor.u32 v1, v37  }
0x1d5: {  	v61 =	vor.u32 v1, v38  }
0x1d6: {  	v38 =	vor.u32 v3, v38;
	_ =	sdelay $0x1  }
0x1d7: {  	s26 =	simm.s32 $0x6400  }
0x1d8: {  	s23 =	simm.s32 $0xE400;
	v39 =	vld.idx.msk [tilespmem:v60+s26+$0x0], $0xffff  }
0x1d9: {  	v40 =	vld.idx.msk [tilespmem:v61+s23+$0x0], $0xffff  }
0x1da: {  	v38 =	vld.idx.msk [tilespmem:v38+s23+$0x0], $0xffff;
	_ =	sdelay $0x3  }
0x1db: {  	v40 =	vmul.f32 $1.442695020e+00, v40;
	v39 =	vsub.f32 $0.0e+00, v39  }
0x1dc: {  	v38 =	vmul.f32 $1.442695020e+00, v38  }
0x1dd: {  	(erf) = vpow2.f32 v40;
	v39 =	vmul.f32 $1.442695020e+00, v39  }
0x1de: {  	v37 =	vor.u32 v3, v37;
	(erf) = vpow2.f32 v38  }
0x1df: {  	(erf) = vpow2.f32 v39;
	_ =	sdelay $0x2  }
0x1e0: {  	s25 =	simm.s32 $0x6400  }
0x1e1: {  	v37 =	vld.idx.msk [tilespmem:v37+s25+$0x0], $0xffff;
	_ =	sdelay $0x2  }
0x1e2: {  	v35 =	vsel vm14, $0x0, v56;
	v62 =	vpop (erf)  }
0x1e3: {  	(xrf0) =	vadd.scan.msk.s32 $0xffff, v35;
	v63 =	vpop (erf)  }
0x1e4: {  	v37 =	vsub.f32 $0.0e+00, v37;
	v42 =	vpop (erf)  }
0x1e5: {  	v35 =	vadd.f32 $1.000000000e+00, v42  }
0x1e6: {  	v36 =	vsel vm14, $0x0, v57;
	v37 =	vmul.f32 $1.442695020e+00, v37  }
0x1e7: {  	(xrf0) =	vadd.scan.msk.s32 $0xffff, v36;
	(erf) = vrcp.f32 v35  }
0x1e8: {  	(erf) = vpow2.f32 v37  }
0x1e9: {  	v43, _, _ =	vpop (xrf0)  }
0x1ea: {  	(v2sf) =	vpush v43, $0xF;
	_ =	sdelay $0x2  }
0x1eb: {  	v44, _, _ =	vpop (xrf0)  }
0x1ec: {  	(v2sf) =	vpush v44, $0xF;
	_ =	sdelay $0x1  }
0x1ed: {  	v45 =	vpop (erf)  }
0x1ee: {  	v46 =	vpop (erf)  }
0x1ef: {  	v36 =	vadd.f32 $1.000000000e+00, v46;
	_ =	sdelay $0x1  }
0x1f0: {  	(erf) = vrcp.f32 v36;
	_ =	sdelay $0x4  }
0x1f1: {  	s26 =	spop (v2sf)  }
0x1f2: {  	s22 =	sand.u32 $0xFFFFF80, s26  }
0x1f3: {  	s22 =	sadd.s32 s1, s22  }
0x1f4: {  	[tilespmem:s25], [sflag:$0x7] =	stream.strided.gather [hbm4b:s22+s11], $0x1000, s10, s11, $0x38;
	[tilespmem:$0x10800] =	vst v63  }
0x1f5: {  	s25 =	spop (v2sf);
	v36 =	vpop (erf)  }
0x1f6: {  	s22 =	sand.u32 $0xFFFFF80, s25;
	v35 =	vmul.f32 v45, v62;
	v36 =	vmul.f32 v36, v63  }
0x1f7: {  	s23 =	simm.s32 $0xE400;
	v47 =	vadd.f32 v63, v62;
	s22 =	sadd.s32 s2, s22  }
0x1f8: {  	[tilespmem:s23], [sflag:$0xF] =	stream.strided.gather [hbm4b:s22+s11], $0x1000, s10, s11, $0x38;
	v35 =	vadd.f32 v36, v35;
	[tilespmem:$0x10800] =	vst v63  }
0x1f9: {  	[tilespmem:$0x10560] =	vst v47  }
0x1fa: {  	[tilespmem:$0x10460] =	vst v35  }
0x1fb: {  	_ =	swait.ge [sflag:s30], $0x1000  }
0x1fc: {  	[sflag:s30] =	ssyncset.done $0x0  }
0x1fd: {  	[sflag:s30] =	ssyncadd.s32 $0xFFFFF000  }
0x1fe: {  	_ =	swait.ge [sflag:s31], $0x1000  }
0x1ff: {  	[sflag:s31] =	ssyncset.done $0x0  }
0x200: {  	[sflag:s31] =	ssyncadd.s32 $0xFFFFF000  }
0x201: {  	v48 =	vld [tilespmem:s20+$0x0]  }
0x202: {  	v49 =	vld [tilespmem:s18+$0x0];
	_ =	sdelay $0x3  }
0x203: {  	v50 =	vperm.xlane v48, v10  }
0x204: {  	v51 =	vperm.xlane v49, v10  }
0x205: {  	v37 =	vand.u32 $0x7F, v50  }
0x206: {  	v38 =	vand.u32 $0x7F, v51;
	v52 =	vor.u32 v1, v37  }
0x207: {  	v53 =	vor.u32 v1, v38  }
0x208: {  	v38 =	vor.u32 v3, v38;
	_ =	sdelay $0x1  }
0x209: {  	s26 =	simm.s32 $0x7400  }
0x20a: {  	s23 =	simm.s32 $0xF400;
	v39 =	vld.idx.msk [tilespmem:v52+s26+$0x0], $0xffff  }
0x20b: {  	v40 =	vld.idx.msk [tilespmem:v53+s23+$0x0], $0xffff  }
0x20c: {  	v38 =	vld.idx.msk [tilespmem:v38+s23+$0x0], $0xffff;
	_ =	sdelay $0x3  }
0x20d: {  	v40 =	vmul.f32 $1.442695020e+00, v40;
	v39 =	vsub.f32 $0.0e+00, v39  }
0x20e: {  	v38 =	vmul.f32 $1.442695020e+00, v38  }
0x20f: {  	(erf) = vpow2.f32 v40;
	v39 =	vmul.f32 $1.442695020e+00, v39  }
0x210: {  	v37 =	vor.u32 v3, v37;
	(erf) = vpow2.f32 v38  }
0x211: {  	(erf) = vpow2.f32 v39;
	_ =	sdelay $0x2  }
0x212: {  	s25 =	simm.s32 $0x7400  }
0x213: {  	v37 =	vld.idx.msk [tilespmem:v37+s25+$0x0], $0xffff;
	_ =	sdelay $0x2  }
0x214: {  	v54 =	vpop (erf)  }
0x215: {  	v35 =	vsel vm15, $0x0, v48;
	v55 =	vpop (erf)  }
0x216: {  	(xrf0) =	vadd.scan.msk.s32 $0xffff, v35;
	v37 =	vsub.f32 $0.0e+00, v37;
	v56 =	vpop (erf)  }
0x217: {  	v36 =	vsel vm15, $0x0, v49;
	v35 =	vadd.f32 $1.000000000e+00, v56  }
0x218: {  	(xrf0) =	vadd.scan.msk.s32 $0xffff, v36;
	v37 =	vmul.f32 $1.442695020e+00, v37  }
0x219: {  	(erf) = vrcp.f32 v35  }
0x21a: {  	(erf) = vpow2.f32 v37;
	_ =	sdelay $0x1  }
0x21b: {  	v57, _, _ =	vpop (xrf0)  }
0x21c: {  	(v2sf) =	vpush v57, $0xF  }
0x21d: {  	v58, _, _ =	vpop (xrf0)  }
0x21e: {  	(v2sf) =	vpush v58, $0xF;
	_ =	sdelay $0x2  }
0x21f: {  	v59 =	vpop (erf)  }
0x220: {  	v60 =	vpop (erf)  }
0x221: {  	v36 =	vadd.f32 $1.000000000e+00, v60;
	_ =	sdelay $0x1  }
0x222: {  	(erf) = vrcp.f32 v36;
	_ =	sdelay $0x5  }
0x223: {  	s26 =	spop (v2sf)  }
0x224: {  	s22 =	sand.u32 $0xFFFFF80, s26  }
0x225: {  	s26 =	spop (v2sf);
	s22 =	sadd.s32 s1, s22  }
0x226: {  	[tilespmem:s25], [sflag:$0x8] =	stream.strided.gather [hbm4b:s22+s11], $0x1000, s10, s11, $0x38;
	v36 =	vpop (erf);
	[tilespmem:$0x10800] =	vst v63  }
0x227: {  	s22 =	sand.u32 $0xFFFFF80, s26;
	v35 =	vmul.f32 v59, v54;
	v36 =	vmul.f32 v36, v55  }
0x228: {  	s23 =	simm.s32 $0xF400;
	v61 =	vadd.f32 v55, v54;
	s22 =	sadd.s32 s2, s22  }
0x229: {  	[tilespmem:s23], [sflag:$0x10] =	stream.strided.gather [hbm4b:s22+s11], $0x1000, s10, s11, $0x38;
	v35 =	vadd.f32 v36, v35;
	[tilespmem:$0x10800] =	vst v63  }
0x22a: {  	[tilespmem:$0x10570] =	vst v61  }
0x22b: {  	[tilespmem:$0x10470] =	vst v35  }
0x22c: {  	_ =	swait.ge [sflag:s0], $0x1000  }
0x22d: {  	[sflag:s0] =	ssyncset.done $0x0  }
0x22e: {  	[sflag:s0] =	ssyncadd.s32 $0xFFFFF000  }
0x22f: {  	_ =	swait.ge [sflag:s17], $0x1000  }
0x230: {  	[sflag:s17] =	ssyncset.done $0x0  }
0x231: {  	[sflag:s17] =	ssyncadd.s32 $0xFFFFF000  }
0x232: {  	v62 =	vld [tilespmem:s20+$0x0]  }
0x233: {  	v63 =	vld [tilespmem:s18+$0x0];
	_ =	sdelay $0x3  }
0x234: {  	v35 =	vperm.xlane v62, v11  }
0x235: {  	v36 =	vperm.xlane v63, v11  }
0x236: {  	v35 =	vand.u32 $0x7F, v35  }
0x237: {  	v36 =	vand.u32 $0x7F, v36;
	v40 =	vor.u32 v1, v35  }
0x238: {  	v41 =	vor.u32 v1, v36  }
0x239: {  	v36 =	vor.u32 v3, v36;
	_ =	sdelay $0x2  }
0x23a: {  	v37 =	vld.idx.msk [tilespmem:v40+s11+$0x0], $0xffff  }
0x23b: {  	v38 =	vld.idx.msk [tilespmem:v41+s24+$0x0], $0xffff  }
0x23c: {  	v36 =	vld.idx.msk [tilespmem:v36+s24+$0x0], $0xffff;
	_ =	sdelay $0x3  }
0x23d: {  	v38 =	vmul.f32 $1.442695020e+00, v38;
	v37 =	vsub.f32 $0.0e+00, v37  }
0x23e: {  	v36 =	vmul.f32 $1.442695020e+00, v36  }
0x23f: {  	(erf) = vpow2.f32 v38;
	v37 =	vmul.f32 $1.442695020e+00, v37  }
0x240: {  	v35 =	vor.u32 v3, v35;
	(erf) = vpow2.f32 v36  }
0x241: {  	s22 =	smin.u32 s21, $0x1EF;
	(erf) = vpow2.f32 v37  }
0x242: {  	s0 =	sadd.s32 $0x10, s22  }
0x243: {  	s23 =	sand.u32 $0x3F0, s0  }
0x244: {  	v42 =	vld [tilespmem:s23+$0x0]  }
0x245: {  	v35 =	vld.idx.msk [tilespmem:v35+s11+$0x0], $0xffff  }
0x246: {  	s22 =	sand.u32 $0xF, s22;
	v44 =	vld [tilespmem:s23+$0x200]  }
0x247: {  	v43 =	vmov s22  }
0x248: {  	vm1 =	veq.s32 v43, v0;
	v38 =	vpop (erf)  }
0x249: {  	v36 =	vnsel vm1, $0x0, v42;
	v45 =	vpop (erf)  }
0x24a: {  	v35 =	vsub.f32 $0.0e+00, v35;
	(xrf0) =	vadd.scan.msk.s32 $0xffff, v36;
	v46 =	vpop (erf)  }
0x24b: {  	v37 =	vnsel vm1, $0x0, v44;
	v36 =	vadd.f32 $1.000000000e+00, v46  }
0x24c: {  	v35 =	vmul.f32 $1.442695020e+00, v35;
	(xrf0) =	vadd.scan.msk.s32 $0xffff, v37  }
0x24d: {  	(erf) = vrcp.f32 v36  }
0x24e: {  	(erf) = vpow2.f32 v35;
	_ =	sdelay $0x1  }
0x24f: {  	v47, _, _ =	vpop (xrf0)  }
0x250: {  	(v2sf) =	vpush v47, $0xF  }
0x251: {  	v48, _, _ =	vpop (xrf0)  }
0x252: {  	(v2sf) =	vpush v48, $0xF;
	_ =	sdelay $0x2  }
0x253: {  	v49 =	vpop (erf)  }
0x254: {  	v50 =	vpop (erf)  }
0x255: {  	v36 =	vadd.f32 $1.000000000e+00, v50;
	_ =	sdelay $0x1  }
0x256: {  	(erf) = vrcp.f32 v36;
	_ =	sdelay $0x5  }
0x257: {  	s23 =	spop (v2sf)  }
0x258: {  	s22 =	sand.u32 $0xFFFFF80, s23  }
0x259: {  	s0 =	spop (v2sf);
	s22 =	sadd.s32 s1, s22  }
0x25a: {  	[tilespmem:s11], [sflag:$0x1] =	stream.strided.gather [hbm4b:s22+s11], $0x1000, s10, s11, $0x38;
	v36 =	vpop (erf);
	[tilespmem:$0x10800] =	vst v63  }
0x25b: {  	v35 =	vmul.f32 v49, v38;
	s22 =	sand.u32 $0xFFFFF80, s0;
	v36 =	vmul.f32 v36, v45  }
0x25c: {  	v51 =	vadd.f32 v45, v38;
	s22 =	sadd.s32 s2, s22  }
0x25d: {  	[tilespmem:s24], [sflag:$0x9] =	stream.strided.gather [hbm4b:s22+s11], $0x1000, s10, s11, $0x38;
	v35 =	vadd.f32 v36, v35;
	[tilespmem:$0x10800] =	vst v63  }
0x25e: {  	[tilespmem:$0x10580] =	vst v51  }
0x25f: {  	[tilespmem:$0x10480] =	vst v35  }
0x260: {  	_ =	swait.ge [sflag:s7], $0x1000  }
0x261: {  	[sflag:s7] =	ssyncset.done $0x0  }
0x262: {  	[sflag:s7] =	ssyncadd.s32 $0xFFFFF000  }
0x263: {  	_ =	swait.ge [sflag:s16], $0x1000  }
0x264: {  	[sflag:s16] =	ssyncset.done $0x0  }
0x265: {  	[sflag:s16] =	ssyncadd.s32 $0xFFFFF000  }
0x266: {  	v52 =	vld [tilespmem:s20+$0x0]  }
0x267: {  	v53 =	vld [tilespmem:s18+$0x0];
	_ =	sdelay $0x3  }
0x268: {  	v35 =	vperm.xlane v52, v12  }
0x269: {  	v36 =	vperm.xlane v53, v12  }
0x26a: {  	v35 =	vand.u32 $0x7F, v35  }
0x26b: {  	v36 =	vand.u32 $0x7F, v36;
	v54 =	vor.u32 v1, v35  }
0x26c: {  	v55 =	vor.u32 v1, v36  }
0x26d: {  	v36 =	vor.u32 v3, v36;
	_ =	sdelay $0x1  }
0x26e: {  	s25 =	simm.s32 $0x1400  }
0x26f: {  	s26 =	simm.s32 $0x9400;
	v37 =	vld.idx.msk [tilespmem:v54+s25+$0x0], $0xffff  }
0x270: {  	v38 =	vld.idx.msk [tilespmem:v55+s26+$0x0], $0xffff  }
0x271: {  	v36 =	vld.idx.msk [tilespmem:v36+s26+$0x0], $0xffff;
	_ =	sdelay $0x3  }
0x272: {  	v38 =	vmul.f32 $1.442695020e+00, v38;
	v37 =	vsub.f32 $0.0e+00, v37  }
0x273: {  	v36 =	vmul.f32 $1.442695020e+00, v36  }
0x274: {  	(erf) = vpow2.f32 v38;
	v37 =	vmul.f32 $1.442695020e+00, v37  }
0x275: {  	v35 =	vor.u32 v3, v35;
	(erf) = vpow2.f32 v36  }
0x276: {  	s23 =	smin.u32 s21, $0x1EE;
	(erf) = vpow2.f32 v37  }
0x277: {  	s22 =	sadd.s32 $0x11, s23  }
0x278: {  	s0 =	sand.u32 $0x3F0, s22  }
0x279: {  	v56 =	vld [tilespmem:s0+$0x0]  }
0x27a: {  	v35 =	vld.idx.msk [tilespmem:v35+s25+$0x0], $0xffff  }
0x27b: {  	s22 =	sand.u32 $0xF, s22;
	v58 =	vld [tilespmem:s0+$0x200]  }
0x27c: {  	v57 =	vmov s22  }
0x27d: {  	vm1 =	veq.s32 v57, v0;
	v38 =	vpop (erf)  }
0x27e: {  	v36 =	vnsel vm1, $0x0, v56;
	v59 =	vpop (erf)  }
0x27f: {  	v35 =	vsub.f32 $0.0e+00, v35;
	(xrf0) =	vadd.scan.msk.s32 $0xffff, v36;
	v60 =	vpop (erf)  }
0x280: {  	v37 =	vnsel vm1, $0x0, v58;
	v36 =	vadd.f32 $1.000000000e+00, v60  }
0x281: {  	v35 =	vmul.f32 $1.442695020e+00, v35;
	(xrf0) =	vadd.scan.msk.s32 $0xffff, v37  }
0x282: {  	(erf) = vrcp.f32 v36  }
0x283: {  	(erf) = vpow2.f32 v35;
	_ =	sdelay $0x1  }
0x284: {  	v61, _, _ =	vpop (xrf0)  }
0x285: {  	(v2sf) =	vpush v61, $0xF  }
0x286: {  	v62, _, _ =	vpop (xrf0)  }
0x287: {  	(v2sf) =	vpush v62, $0xF;
	_ =	sdelay $0x2  }
0x288: {  	v63 =	vpop (erf)  }
0x289: {  	v40 =	vpop (erf)  }
0x28a: {  	v36 =	vadd.f32 $1.000000000e+00, v40;
	_ =	sdelay $0x1  }
0x28b: {  	(erf) = vrcp.f32 v36;
	_ =	sdelay $0x5  }
0x28c: {  	s23 =	spop (v2sf)  }
0x28d: {  	s22 =	sand.u32 $0xFFFFF80, s23  }
0x28e: {  	s0 =	spop (v2sf);
	s22 =	sadd.s32 s1, s22  }
0x28f: {  	[tilespmem:s25], [sflag:$0x2] =	stream.strided.gather [hbm4b:s22+s11], $0x1000, s10, s11, $0x38;
	v36 =	vpop (erf);
	[tilespmem:$0x10800] =	vst v63  }
0x290: {  	v35 =	vmul.f32 v63, v38;
	s22 =	sand.u32 $0xFFFFF80, s0;
	v36 =	vmul.f32 v36, v59  }
0x291: {  	v41 =	vadd.f32 v59, v38;
	s25 =	simm.s32 $0x9400;
	s22 =	sadd.s32 s2, s22  }
0x292: {  	[tilespmem:s25], [sflag:$0xA] =	stream.strided.gather [hbm4b:s22+s11], $0x1000, s10, s11, $0x38;
	v35 =	vadd.f32 v36, v35;
	[tilespmem:$0x10800] =	vst v63  }
0x293: {  	[tilespmem:$0x10590] =	vst v41  }
0x294: {  	[tilespmem:$0x10490] =	vst v35  }
0x295: {  	_ =	swait.ge [sflag:s8], $0x1000  }
0x296: {  	[sflag:s8] =	ssyncset.done $0x0  }
0x297: {  	[sflag:s8] =	ssyncadd.s32 $0xFFFFF000  }
0x298: {  	_ =	swait.ge [sflag:s6], $0x1000  }
0x299: {  	[sflag:s6] =	ssyncset.done $0x0  }
0x29a: {  	[sflag:s6] =	ssyncadd.s32 $0xFFFFF000  }
0x29b: {  	v42 =	vld [tilespmem:s20+$0x0]  }
0x29c: {  	v43 =	vld [tilespmem:s18+$0x0];
	_ =	sdelay $0x3  }
0x29d: {  	v35 =	vperm.xlane v42, v13  }
0x29e: {  	v36 =	vperm.xlane v43, v13  }
0x29f: {  	v35 =	vand.u32 $0x7F, v35  }
0x2a0: {  	v36 =	vand.u32 $0x7F, v36;
	v44 =	vor.u32 v1, v35  }
0x2a1: {  	v45 =	vor.u32 v1, v36  }
0x2a2: {  	v36 =	vor.u32 v3, v36;
	_ =	sdelay $0x1  }
0x2a3: {  	s26 =	simm.s32 $0x2400  }
0x2a4: {  	s24 =	simm.s32 $0xA400;
	v37 =	vld.idx.msk [tilespmem:v44+s26+$0x0], $0xffff  }
0x2a5: {  	v38 =	vld.idx.msk [tilespmem:v45+s24+$0x0], $0xffff  }
0x2a6: {  	v36 =	vld.idx.msk [tilespmem:v36+s24+$0x0], $0xffff;
	_ =	sdelay $0x3  }
0x2a7: {  	v38 =	vmul.f32 $1.442695020e+00, v38;
	v37 =	vsub.f32 $0.0e+00, v37  }
0x2a8: {  	v36 =	vmul.f32 $1.442695020e+00, v36  }
0x2a9: {  	(erf) = vpow2.f32 v38;
	v37 =	vmul.f32 $1.442695020e+00, v37  }
0x2aa: {  	v35 =	vor.u32 v3, v35;
	(erf) = vpow2.f32 v36  }
0x2ab: {  	s23 =	smin.u32 s21, $0x1ED;
	(erf) = vpow2.f32 v37  }
0x2ac: {  	s22 =	sadd.s32 $0x12, s23  }
0x2ad: {  	s0 =	sand.u32 $0x3F0, s22  }
0x2ae: {  	v46 =	vld [tilespmem:s0+$0x0]  }
0x2af: {  	v35 =	vld.idx.msk [tilespmem:v35+s26+$0x0], $0xffff  }
0x2b0: {  	s22 =	sand.u32 $0xF, s22;
	v48 =	vld [tilespmem:s0+$0x200]  }
0x2b1: {  	v47 =	vmov s22  }
0x2b2: {  	vm1 =	veq.s32 v47, v0;
	v38 =	vpop (erf)  }
0x2b3: {  	v36 =	vnsel vm1, $0x0, v46;
	v49 =	vpop (erf)  }
0x2b4: {  	v35 =	vsub.f32 $0.0e+00, v35;
	(xrf0) =	vadd.scan.msk.s32 $0xffff, v36;
	v50 =	vpop (erf)  }
0x2b5: {  	v37 =	vnsel vm1, $0x0, v48;
	v36 =	vadd.f32 $1.000000000e+00, v50  }
0x2b6: {  	v35 =	vmul.f32 $1.442695020e+00, v35;
	(xrf0) =	vadd.scan.msk.s32 $0xffff, v37  }
0x2b7: {  	(erf) = vrcp.f32 v36  }
0x2b8: {  	(erf) = vpow2.f32 v35;
	_ =	sdelay $0x1  }
0x2b9: {  	v51, _, _ =	vpop (xrf0)  }
0x2ba: {  	(v2sf) =	vpush v51, $0xF  }
0x2bb: {  	v52, _, _ =	vpop (xrf0)  }
0x2bc: {  	(v2sf) =	vpush v52, $0xF;
	_ =	sdelay $0x2  }
0x2bd: {  	v53 =	vpop (erf)  }
0x2be: {  	v54 =	vpop (erf)  }
0x2bf: {  	v36 =	vadd.f32 $1.000000000e+00, v54;
	_ =	sdelay $0x1  }
0x2c0: {  	(erf) = vrcp.f32 v36;
	_ =	sdelay $0x5  }
0x2c1: {  	s0 =	spop (v2sf)  }
0x2c2: {  	s22 =	sand.u32 $0xFFFFF80, s0  }
0x2c3: {  	s23 =	spop (v2sf);
	s22 =	sadd.s32 s1, s22  }
0x2c4: {  	[tilespmem:s26], [sflag:$0x3] =	stream.strided.gather [hbm4b:s22+s11], $0x1000, s10, s11, $0x38;
	v36 =	vpop (erf);
	[tilespmem:$0x10800] =	vst v63  }
0x2c5: {  	v35 =	vmul.f32 v53, v38;
	s22 =	sand.u32 $0xFFFFF80, s23;
	v36 =	vmul.f32 v36, v49  }
0x2c6: {  	v55 =	vadd.f32 v49, v38;
	s22 =	sadd.s32 s2, s22  }
0x2c7: {  	[tilespmem:s24], [sflag:$0xB] =	stream.strided.gather [hbm4b:s22+s11], $0x1000, s10, s11, $0x38;
	v35 =	vadd.f32 v36, v35;
	[tilespmem:$0x10800] =	vst v63  }
0x2c8: {  	[tilespmem:$0x105A0] =	vst v55  }
0x2c9: {  	[tilespmem:$0x104A0] =	vst v35  }
0x2ca: {  	_ =	swait.ge [sflag:s4], $0x1000  }
0x2cb: {  	[sflag:s4] =	ssyncset.done $0x0  }
0x2cc: {  	[sflag:s4] =	ssyncadd.s32 $0xFFFFF000  }
0x2cd: {  	_ =	swait.ge [sflag:s9], $0x1000  }
0x2ce: {  	[sflag:s9] =	ssyncset.done $0x0  }
0x2cf: {  	[sflag:s9] =	ssyncadd.s32 $0xFFFFF000  }
0x2d0: {  	v56 =	vld [tilespmem:s20+$0x0]  }
0x2d1: {  	v57 =	vld [tilespmem:s18+$0x0];
	_ =	sdelay $0x3  }
0x2d2: {  	v35 =	vperm.xlane v56, v14  }
0x2d3: {  	v36 =	vperm.xlane v57, v14  }
0x2d4: {  	v35 =	vand.u32 $0x7F, v35  }
0x2d5: {  	v36 =	vand.u32 $0x7F, v36;
	v58 =	vor.u32 v1, v35  }
0x2d6: {  	v59 =	vor.u32 v1, v36  }
0x2d7: {  	v36 =	vor.u32 v3, v36;
	_ =	sdelay $0x2  }
0x2d8: {  	v37 =	vld.idx.msk [tilespmem:v58+s28+$0x0], $0xffff  }
0x2d9: {  	v38 =	vld.idx.msk [tilespmem:v59+s5+$0x0], $0xffff  }
0x2da: {  	v36 =	vld.idx.msk [tilespmem:v36+s5+$0x0], $0xffff;
	_ =	sdelay $0x3  }
0x2db: {  	v38 =	vmul.f32 $1.442695020e+00, v38;
	v37 =	vsub.f32 $0.0e+00, v37  }
0x2dc: {  	v36 =	vmul.f32 $1.442695020e+00, v36  }
0x2dd: {  	(erf) = vpow2.f32 v38;
	v37 =	vmul.f32 $1.442695020e+00, v37  }
0x2de: {  	v35 =	vor.u32 v3, v35;
	(erf) = vpow2.f32 v36  }
0x2df: {  	s0 =	smin.u32 s21, $0x1EC;
	(erf) = vpow2.f32 v37  }
0x2e0: {  	s22 =	sadd.s32 $0x13, s0  }
0x2e1: {  	s4 =	sand.u32 $0x3F0, s22  }
0x2e2: {  	v60 =	vld [tilespmem:s4+$0x0]  }
0x2e3: {  	v35 =	vld.idx.msk [tilespmem:v35+s28+$0x0], $0xffff  }
0x2e4: {  	s22 =	sand.u32 $0xF, s22;
	v62 =	vld [tilespmem:s4+$0x200]  }
0x2e5: {  	v61 =	vmov s22  }
0x2e6: {  	vm1 =	veq.s32 v61, v0;
	v38 =	vpop (erf)  }
0x2e7: {  	v36 =	vnsel vm1, $0x0, v60;
	v63 =	vpop (erf)  }
0x2e8: {  	v35 =	vsub.f32 $0.0e+00, v35;
	(xrf0) =	vadd.scan.msk.s32 $0xffff, v36;
	v40 =	vpop (erf)  }
0x2e9: {  	v37 =	vnsel vm1, $0x0, v62;
	v36 =	vadd.f32 $1.000000000e+00, v40  }
0x2ea: {  	v35 =	vmul.f32 $1.442695020e+00, v35;
	(xrf0) =	vadd.scan.msk.s32 $0xffff, v37  }
0x2eb: {  	(erf) = vrcp.f32 v36  }
0x2ec: {  	(erf) = vpow2.f32 v35;
	_ =	sdelay $0x1  }
0x2ed: {  	v41, _, _ =	vpop (xrf0)  }
0x2ee: {  	(v2sf) =	vpush v41, $0xF  }
0x2ef: {  	v42, _, _ =	vpop (xrf0)  }
0x2f0: {  	(v2sf) =	vpush v42, $0xF;
	_ =	sdelay $0x2  }
0x2f1: {  	v43 =	vpop (erf)  }
0x2f2: {  	v44 =	vpop (erf)  }
0x2f3: {  	v36 =	vadd.f32 $1.000000000e+00, v44;
	_ =	sdelay $0x1  }
0x2f4: {  	(erf) = vrcp.f32 v36;
	_ =	sdelay $0x5  }
0x2f5: {  	s0 =	spop (v2sf)  }
0x2f6: {  	s22 =	sand.u32 $0xFFFFF80, s0  }
0x2f7: {  	s4 =	spop (v2sf);
	s22 =	sadd.s32 s1, s22  }
0x2f8: {  	[tilespmem:s28], [sflag:$0x4] =	stream.strided.gather [hbm4b:s22+s11], $0x1000, s10, s11, $0x38;
	v36 =	vpop (erf);
	[tilespmem:$0x10800] =	vst v63  }
0x2f9: {  	v35 =	vmul.f32 v43, v38;
	s22 =	sand.u32 $0xFFFFF80, s4;
	v36 =	vmul.f32 v36, v63  }
0x2fa: {  	v45 =	vadd.f32 v63, v38;
	s22 =	sadd.s32 s2, s22  }
0x2fb: {  	[tilespmem:s5], [sflag:$0xC] =	stream.strided.gather [hbm4b:s22+s11], $0x1000, s10, s11, $0x38;
	v35 =	vadd.f32 v36, v35;
	[tilespmem:$0x10800] =	vst v63  }
0x2fc: {  	[tilespmem:$0x105B0] =	vst v45  }
0x2fd: {  	[tilespmem:$0x104B0] =	vst v35  }
0x2fe: {  	_ =	swait.ge [sflag:s3], $0x1000  }
0x2ff: {  	[sflag:s3] =	ssyncset.done $0x0  }
0x300: {  	[sflag:s3] =	ssyncadd.s32 $0xFFFFF000  }
0x301: {  	_ =	swait.ge [sflag:s12], $0x1000  }
0x302: {  	[sflag:s12] =	ssyncset.done $0x0  }
0x303: {  	[sflag:s12] =	ssyncadd.s32 $0xFFFFF000  }
0x304: {  	v46 =	vld [tilespmem:s20+$0x0]  }
0x305: {  	v47 =	vld [tilespmem:s18+$0x0];
	_ =	sdelay $0x3  }
0x306: {  	v35 =	vperm.xlane v46, v15  }
0x307: {  	v36 =	vperm.xlane v47, v15  }
0x308: {  	v35 =	vand.u32 $0x7F, v35  }
0x309: {  	v36 =	vand.u32 $0x7F, v36;
	v48 =	vor.u32 v1, v35  }
0x30a: {  	v49 =	vor.u32 v1, v36  }
0x30b: {  	v36 =	vor.u32 v3, v36;
	_ =	sdelay $0x1  }
0x30c: {  	s5 =	simm.s32 $0x4400  }
0x30d: {  	s22 =	simm.s32 $0xC400;
	v37 =	vld.idx.msk [tilespmem:v48+s5+$0x0], $0xffff  }
0x30e: {  	v38 =	vld.idx.msk [tilespmem:v49+s22+$0x0], $0xffff  }
0x30f: {  	v36 =	vld.idx.msk [tilespmem:v36+s22+$0x0], $0xffff;
	_ =	sdelay $0x3  }
0x310: {  	v38 =	vmul.f32 $1.442695020e+00, v38;
	v37 =	vsub.f32 $0.0e+00, v37  }
0x311: {  	v36 =	vmul.f32 $1.442695020e+00, v36  }
0x312: {  	(erf) = vpow2.f32 v38;
	v37 =	vmul.f32 $1.442695020e+00, v37  }
0x313: {  	s23 =	smin.u32 s21, $0x1EB;
	v35 =	vor.u32 v3, v35;
	(erf) = vpow2.f32 v36  }
0x314: {  	s22 =	sadd.s32 $0x14, s23;
	(erf) = vpow2.f32 v37  }
0x315: {  	s23 =	sand.u32 $0x3F0, s22  }
0x316: {  	v50 =	vld [tilespmem:s23+$0x0];
	_ =	sdelay $0x1  }
0x317: {  	v35 =	vld.idx.msk [tilespmem:v35+s5+$0x0], $0xffff;
	s22 =	sand.u32 $0xF, s22  }
0x318: {  	v51 =	vmov s22  }
0x319: {  	v52 =	vld [tilespmem:s23+$0x200];
	vm1 =	veq.s32 v51, v0  }
0x31a: {  	v36 =	vnsel vm1, $0x0, v50;
	v38 =	vpop (erf)  }
0x31b: {  	(xrf0) =	vadd.scan.msk.s32 $0xffff, v36;
	v53 =	vpop (erf)  }
0x31c: {  	v35 =	vsub.f32 $0.0e+00, v35;
	v54 =	vpop (erf)  }
0x31d: {  	v36 =	vadd.f32 $1.000000000e+00, v54  }
0x31e: {  	v35 =	vmul.f32 $1.442695020e+00, v35;
	v37 =	vnsel vm1, $0x0, v52  }
0x31f: {  	(xrf0) =	vadd.scan.msk.s32 $0xffff, v37;
	(erf) = vrcp.f32 v36  }
0x320: {  	(erf) = vpow2.f32 v35  }
0x321: {  	v55, _, _ =	vpop (xrf0)  }
0x322: {  	(v2sf) =	vpush v55, $0xF;
	_ =	sdelay $0x2  }
0x323: {  	v56, _, _ =	vpop (xrf0)  }
0x324: {  	(v2sf) =	vpush v56, $0xF;
	_ =	sdelay $0x1  }
0x325: {  	v57 =	vpop (erf)  }
0x326: {  	v58 =	vpop (erf)  }
0x327: {  	v36 =	vadd.f32 $1.000000000e+00, v58;
	_ =	sdelay $0x1  }
0x328: {  	(erf) = vrcp.f32 v36;
	_ =	sdelay $0x4  }
0x329: {  	s23 =	spop (v2sf)  }
0x32a: {  	s22 =	sand.u32 $0xFFFFF80, s23  }
0x32b: {  	s5 =	simm.s32 $0x4400;
	s22 =	sadd.s32 s1, s22  }
0x32c: {  	[tilespmem:s5], [sflag:$0x5] =	stream.strided.gather [hbm4b:s22+s11], $0x1000, s10, s11, $0x38;
	[tilespmem:$0x10800] =	vst v63  }
0x32d: {  	s5 =	spop (v2sf);
	v36 =	vpop (erf)  }
0x32e: {  	v35 =	vmul.f32 v57, v38;
	s22 =	sand.u32 $0xFFFFF80, s5;
	v36 =	vmul.f32 v36, v53  }
0x32f: {  	s4 =	simm.s32 $0xC400;
	v59 =	vadd.f32 v53, v38;
	s22 =	sadd.s32 s2, s22  }
0x330: {  	[tilespmem:s4], [sflag:$0xD] =	stream.strided.gather [hbm4b:s22+s11], $0x1000, s10, s11, $0x38;
	v35 =	vadd.f32 v36, v35;
	[tilespmem:$0x10800] =	vst v63  }
0x331: {  	[tilespmem:$0x105C0] =	vst v59  }
0x332: {  	[tilespmem:$0x104C0] =	vst v35  }
0x333: {  	_ =	swait.ge [sflag:s13], $0x1000  }
0x334: {  	[sflag:s13] =	ssyncset.done $0x0  }
0x335: {  	[sflag:s13] =	ssyncadd.s32 $0xFFFFF000  }
0x336: {  	_ =	swait.ge [sflag:s14], $0x1000  }
0x337: {  	[sflag:s14] =	ssyncset.done $0x0  }
0x338: {  	[sflag:s14] =	ssyncadd.s32 $0xFFFFF000  }
0x339: {  	v60 =	vld [tilespmem:s20+$0x0]  }
0x33a: {  	v61 =	vld [tilespmem:s18+$0x0];
	_ =	sdelay $0x3  }
0x33b: {  	v35 =	vperm.xlane v60, v17  }
0x33c: {  	v36 =	vperm.xlane v61, v17  }
0x33d: {  	v35 =	vand.u32 $0x7F, v35  }
0x33e: {  	v36 =	vand.u32 $0x7F, v36;
	v62 =	vor.u32 v1, v35  }
0x33f: {  	v63 =	vor.u32 v1, v36  }
0x340: {  	v36 =	vor.u32 v3, v36;
	_ =	sdelay $0x1  }
0x341: {  	s14 =	simm.s32 $0x5400  }
0x342: {  	s22 =	simm.s32 $0xD400;
	v37 =	vld.idx.msk [tilespmem:v62+s14+$0x0], $0xffff  }
0x343: {  	v38 =	vld.idx.msk [tilespmem:v63+s22+$0x0], $0xffff  }
0x344: {  	v36 =	vld.idx.msk [tilespmem:v36+s22+$0x0], $0xffff;
	_ =	sdelay $0x3  }
0x345: {  	v38 =	vmul.f32 $1.442695020e+00, v38;
	v37 =	vsub.f32 $0.0e+00, v37  }
0x346: {  	v36 =	vmul.f32 $1.442695020e+00, v36  }
0x347: {  	(erf) = vpow2.f32 v38;
	v37 =	vmul.f32 $1.442695020e+00, v37  }
0x348: {  	s23 =	smin.u32 s21, $0x1EA;
	v35 =	vor.u32 v3, v35;
	(erf) = vpow2.f32 v36  }
0x349: {  	s22 =	sadd.s32 $0x15, s23;
	(erf) = vpow2.f32 v37  }
0x34a: {  	s13 =	sand.u32 $0x3F0, s22  }
0x34b: {  	v40 =	vld [tilespmem:s13+$0x0];
	_ =	sdelay $0x1  }
0x34c: {  	v35 =	vld.idx.msk [tilespmem:v35+s14+$0x0], $0xffff;
	s22 =	sand.u32 $0xF, s22  }
0x34d: {  	v41 =	vmov s22  }
0x34e: {  	v42 =	vld [tilespmem:s13+$0x200];
	vm1 =	veq.s32 v41, v0  }
0x34f: {  	v36 =	vnsel vm1, $0x0, v40;
	v38 =	vpop (erf)  }
0x350: {  	(xrf0) =	vadd.scan.msk.s32 $0xffff, v36;
	v43 =	vpop (erf)  }
0x351: {  	v35 =	vsub.f32 $0.0e+00, v35;
	v44 =	vpop (erf)  }
0x352: {  	v36 =	vadd.f32 $1.000000000e+00, v44  }
0x353: {  	v35 =	vmul.f32 $1.442695020e+00, v35;
	v37 =	vnsel vm1, $0x0, v42  }
0x354: {  	(xrf0) =	vadd.scan.msk.s32 $0xffff, v37;
	(erf) = vrcp.f32 v36  }
0x355: {  	(erf) = vpow2.f32 v35  }
0x356: {  	v45, _, _ =	vpop (xrf0)  }
0x357: {  	(v2sf) =	vpush v45, $0xF;
	_ =	sdelay $0x2  }
0x358: {  	v46, _, _ =	vpop (xrf0)  }
0x359: {  	(v2sf) =	vpush v46, $0xF;
	_ =	sdelay $0x1  }
0x35a: {  	v47 =	vpop (erf)  }
0x35b: {  	v48 =	vpop (erf)  }
0x35c: {  	v36 =	vadd.f32 $1.000000000e+00, v48;
	_ =	sdelay $0x1  }
0x35d: {  	(erf) = vrcp.f32 v36;
	_ =	sdelay $0x4  }
0x35e: {  	s13 =	spop (v2sf)  }
0x35f: {  	s22 =	sand.u32 $0xFFFFF80, s13  }
0x360: {  	s14 =	simm.s32 $0x5400;
	s22 =	sadd.s32 s1, s22  }
0x361: {  	[tilespmem:s14], [sflag:$0x6] =	stream.strided.gather [hbm4b:s22+s11], $0x1000, s10, s11, $0x38;
	[tilespmem:$0x10800] =	vst v63  }
0x362: {  	s14 =	spop (v2sf);
	v36 =	vpop (erf)  }
0x363: {  	v35 =	vmul.f32 v47, v38;
	s22 =	sand.u32 $0xFFFFF80, s14;
	v36 =	vmul.f32 v36, v43  }
0x364: {  	s4 =	simm.s32 $0xD400;
	v49 =	vadd.f32 v43, v38;
	s22 =	sadd.s32 s2, s22  }
0x365: {  	[tilespmem:s4], [sflag:$0xE] =	stream.strided.gather [hbm4b:s22+s11], $0x1000, s10, s11, $0x38;
	v35 =	vadd.f32 v36, v35;
	[tilespmem:$0x10800] =	vst v63  }
0x366: {  	[tilespmem:$0x105D0] =	vst v49  }
0x367: {  	[tilespmem:$0x104D0] =	vst v35  }
0x368: {  	_ =	swait.ge [sflag:s15], $0x1000  }
0x369: {  	[sflag:s15] =	ssyncset.done $0x0  }
0x36a: {  	[sflag:s15] =	ssyncadd.s32 $0xFFFFF000  }
0x36b: {  	_ =	swait.ge [sflag:s29], $0x1000  }
0x36c: {  	[sflag:s29] =	ssyncset.done $0x0  }
0x36d: {  	[sflag:s29] =	ssyncadd.s32 $0xFFFFF000  }
0x36e: {  	v50 =	vld [tilespmem:s20+$0x0]  }
0x36f: {  	v51 =	vld [tilespmem:s18+$0x0];
	_ =	sdelay $0x3  }
0x370: {  	v35 =	vperm.xlane v50, v18  }
0x371: {  	v36 =	vperm.xlane v51, v18  }
0x372: {  	v35 =	vand.u32 $0x7F, v35  }
0x373: {  	v36 =	vand.u32 $0x7F, v36;
	v52 =	vor.u32 v1, v35  }
0x374: {  	v53 =	vor.u32 v1, v36  }
0x375: {  	v36 =	vor.u32 v3, v36;
	_ =	sdelay $0x1  }
0x376: {  	s23 =	simm.s32 $0x6400  }
0x377: {  	s13 =	simm.s32 $0xE400;
	v37 =	vld.idx.msk [tilespmem:v52+s23+$0x0], $0xffff  }
0x378: {  	v38 =	vld.idx.msk [tilespmem:v53+s13+$0x0], $0xffff  }
0x379: {  	v36 =	vld.idx.msk [tilespmem:v36+s13+$0x0], $0xffff;
	_ =	sdelay $0x3  }
0x37a: {  	v38 =	vmul.f32 $1.442695020e+00, v38;
	v37 =	vsub.f32 $0.0e+00, v37  }
0x37b: {  	v36 =	vmul.f32 $1.442695020e+00, v36  }
0x37c: {  	(erf) = vpow2.f32 v38;
	v37 =	vmul.f32 $1.442695020e+00, v37  }
0x37d: {  	v35 =	vor.u32 v3, v35;
	(erf) = vpow2.f32 v36  }
0x37e: {  	s14 =	smin.u32 s21, $0x1E9;
	(erf) = vpow2.f32 v37  }
0x37f: {  	s22 =	sadd.s32 $0x16, s14  }
0x380: {  	s15 =	sand.u32 $0x3F0, s22  }
0x381: {  	v54 =	vld [tilespmem:s15+$0x0]  }
0x382: {  	v35 =	vld.idx.msk [tilespmem:v35+s23+$0x0], $0xffff  }
0x383: {  	s22 =	sand.u32 $0xF, s22;
	v56 =	vld [tilespmem:s15+$0x200]  }
0x384: {  	v55 =	vmov s22  }
0x385: {  	vm1 =	veq.s32 v55, v0;
	v38 =	vpop (erf)  }
0x386: {  	v36 =	vnsel vm1, $0x0, v54;
	v57 =	vpop (erf)  }
0x387: {  	v35 =	vsub.f32 $0.0e+00, v35;
	(xrf0) =	vadd.scan.msk.s32 $0xffff, v36;
	v58 =	vpop (erf)  }
0x388: {  	v37 =	vnsel vm1, $0x0, v56;
	v36 =	vadd.f32 $1.000000000e+00, v58  }
0x389: {  	v35 =	vmul.f32 $1.442695020e+00, v35;
	(xrf0) =	vadd.scan.msk.s32 $0xffff, v37  }
0x38a: {  	(erf) = vrcp.f32 v36  }
0x38b: {  	(erf) = vpow2.f32 v35;
	_ =	sdelay $0x1  }
0x38c: {  	v59, _, _ =	vpop (xrf0)  }
0x38d: {  	(v2sf) =	vpush v59, $0xF  }
0x38e: {  	v60, _, _ =	vpop (xrf0)  }
0x38f: {  	(v2sf) =	vpush v60, $0xF;
	_ =	sdelay $0x2  }
0x390: {  	v61 =	vpop (erf)  }
0x391: {  	v62 =	vpop (erf)  }
0x392: {  	v36 =	vadd.f32 $1.000000000e+00, v62;
	_ =	sdelay $0x1  }
0x393: {  	(erf) = vrcp.f32 v36;
	_ =	sdelay $0x5  }
0x394: {  	s14 =	spop (v2sf)  }
0x395: {  	s22 =	sand.u32 $0xFFFFF80, s14  }
0x396: {  	s13 =	simm.s32 $0x6400;
	s15 =	spop (v2sf);
	s22 =	sadd.s32 s1, s22  }
0x397: {  	[tilespmem:s13], [sflag:$0x7] =	stream.strided.gather [hbm4b:s22+s11], $0x1000, s10, s11, $0x38;
	v36 =	vpop (erf);
	[tilespmem:$0x10800] =	vst v63  }
0x398: {  	v35 =	vmul.f32 v61, v38;
	s22 =	sand.u32 $0xFFFFF80, s15;
	v36 =	vmul.f32 v36, v57  }
0x399: {  	s4 =	simm.s32 $0xE400;
	v63 =	vadd.f32 v57, v38;
	s22 =	sadd.s32 s2, s22  }
0x39a: {  	[tilespmem:s4], [sflag:$0xF] =	stream.strided.gather [hbm4b:s22+s11], $0x1000, s10, s11, $0x38;
	v35 =	vadd.f32 v36, v35;
	[tilespmem:$0x10800] =	vst v63  }
0x39b: {  	[tilespmem:$0x105E0] =	vst v63  }
0x39c: {  	[tilespmem:$0x104E0] =	vst v35  }
0x39d: {  	_ =	swait.ge [sflag:s30], $0x1000  }
0x39e: {  	[sflag:s30] =	ssyncset.done $0x0  }
0x39f: {  	[sflag:s30] =	ssyncadd.s32 $0xFFFFF000  }
0x3a0: {  	_ =	swait.ge [sflag:s31], $0x1000  }
0x3a1: {  	[sflag:s31] =	ssyncset.done $0x0  }
0x3a2: {  	[sflag:s31] =	ssyncadd.s32 $0xFFFFF000  }
0x3a3: {  	v40 =	vld [tilespmem:s20+$0x0]  }
0x3a4: {  	v41 =	vld [tilespmem:s18+$0x0];
	_ =	sdelay $0x3  }
0x3a5: {  	v35 =	vperm.xlane v40, v19  }
0x3a6: {  	v36 =	vperm.xlane v41, v19  }
0x3a7: {  	v35 =	vand.u32 $0x7F, v35  }
0x3a8: {  	v36 =	vand.u32 $0x7F, v36;
	v42 =	vor.u32 v1, v35  }
0x3a9: {  	v43 =	vor.u32 v1, v36  }
0x3aa: {  	v36 =	vor.u32 v3, v36;
	_ =	sdelay $0x1  }
0x3ab: {  	s23 =	simm.s32 $0x7400  }
0x3ac: {  	s13 =	simm.s32 $0xF400;
	v37 =	vld.idx.msk [tilespmem:v42+s23+$0x0], $0xffff  }
0x3ad: {  	v38 =	vld.idx.msk [tilespmem:v43+s13+$0x0], $0xffff  }
0x3ae: {  	v36 =	vld.idx.msk [tilespmem:v36+s13+$0x0], $0xffff;
	_ =	sdelay $0x3  }
0x3af: {  	v38 =	vmul.f32 $1.442695020e+00, v38;
	v37 =	vsub.f32 $0.0e+00, v37  }
0x3b0: {  	v36 =	vmul.f32 $1.442695020e+00, v36  }
0x3b1: {  	(erf) = vpow2.f32 v38;
	v37 =	vmul.f32 $1.442695020e+00, v37  }
0x3b2: {  	v35 =	vor.u32 v3, v35;
	(erf) = vpow2.f32 v36  }
0x3b3: {  	s14 =	smin.u32 s21, $0x1E8;
	(erf) = vpow2.f32 v37  }
0x3b4: {  	s22 =	sadd.s32 $0x17, s14  }
0x3b5: {  	s15 =	sand.u32 $0x3F0, s22  }
0x3b6: {  	v44 =	vld [tilespmem:s15+$0x0]  }
0x3b7: {  	v35 =	vld.idx.msk [tilespmem:v35+s23+$0x0], $0xffff  }
0x3b8: {  	s22 =	sand.u32 $0xF, s22;
	v46 =	vld [tilespmem:s15+$0x200]  }
0x3b9: {  	v45 =	vmov s22  }
0x3ba: {  	vm1 =	veq.s32 v45, v0;
	v38 =	vpop (erf)  }
0x3bb: {  	v36 =	vnsel vm1, $0x0, v44;
	v47 =	vpop (erf)  }
0x3bc: {  	v35 =	vsub.f32 $0.0e+00, v35;
	(xrf0) =	vadd.scan.msk.s32 $0xffff, v36;
	v48 =	vpop (erf)  }
0x3bd: {  	v37 =	vnsel vm1, $0x0, v46;
	v36 =	vadd.f32 $1.000000000e+00, v48  }
0x3be: {  	v35 =	vmul.f32 $1.442695020e+00, v35;
	(xrf0) =	vadd.scan.msk.s32 $0xffff, v37  }
0x3bf: {  	(erf) = vrcp.f32 v36  }
0x3c0: {  	(erf) = vpow2.f32 v35;
	_ =	sdelay $0x1  }
0x3c1: {  	v49, _, _ =	vpop (xrf0)  }
0x3c2: {  	(v2sf) =	vpush v49, $0xF  }
0x3c3: {  	v50, _, _ =	vpop (xrf0)  }
0x3c4: {  	(v2sf) =	vpush v50, $0xF;
	_ =	sdelay $0x2  }
0x3c5: {  	v51 =	vpop (erf)  }
0x3c6: {  	v52 =	vpop (erf)  }
0x3c7: {  	v36 =	vadd.f32 $1.000000000e+00, v52;
	_ =	sdelay $0x1  }
0x3c8: {  	(erf) = vrcp.f32 v36;
	_ =	sdelay $0x5  }
0x3c9: {  	s14 =	spop (v2sf)  }
0x3ca: {  	s22 =	sand.u32 $0xFFFFF80, s14  }
0x3cb: {  	s13 =	simm.s32 $0x7400;
	s15 =	spop (v2sf);
	s22 =	sadd.s32 s1, s22  }
0x3cc: {  	[tilespmem:s13], [sflag:$0x8] =	stream.strided.gather [hbm4b:s22+s11], $0x1000, s10, s11, $0x38;
	v36 =	vpop (erf);
	[tilespmem:$0x10800] =	vst v63  }
0x3cd: {  	v35 =	vmul.f32 v51, v38;
	s22 =	sand.u32 $0xFFFFF80, s15;
	v36 =	vmul.f32 v36, v47  }
0x3ce: {  	s4 =	simm.s32 $0xF400;
	v53 =	vadd.f32 v47, v38;
	s22 =	sadd.s32 s2, s22  }
0x3cf: {  	[tilespmem:s4], [sflag:$0x10] =	stream.strided.gather [hbm4b:s22+s11], $0x1000, s10, s11, $0x38;
	v35 =	vadd.f32 v36, v35;
	[tilespmem:$0x10800] =	vst v63  }
0x3d0: {  	[tilespmem:$0x105F0] =	vst v53  }
0x3d1: {  	s3 =	simm.s32 $0x10500;
	[tilespmem:$0x104F0] =	vst v35  }
0x3d2: {  	v35 =	vld.idx.msk [tilespmem:v16+s3+$0x0], $0xffff;
	_ =	sdelay $0x1  }
0x3d3: {  	v36 =	vld.idx.msk [tilespmem:v20+s3+$0x0], $0xffff;
	_ =	sdelay $0x1  }
0x3d4: {  	v54 =	vld.idx.msk [tilespmem:v21+s3+$0x0], $0xffff  }
0x3d5: {  	v35 =	vadd.f32 $0.0e+00, v35  }
0x3d6: {  	v55 =	vld.idx.msk [tilespmem:v22+s3+$0x0], $0xffff  }
0x3d7: {  	v35 =	vadd.f32 v36, v35  }
0x3d8: {  	s0 =	simm.s32 $0x10400;
	v56 =	vld.idx.msk [tilespmem:v23+s3+$0x0], $0xffff  }
0x3d9: {  	v57 =	vld.idx.msk [tilespmem:v16+s0+$0x0], $0xffff;
	v35 =	vadd.f32 v54, v35  }
0x3da: {  	v58 =	vld.idx.msk [tilespmem:v24+s3+$0x0], $0xffff  }
0x3db: {  	v59 =	vld.idx.msk [tilespmem:v20+s0+$0x0], $0xffff;
	v35 =	vadd.f32 v55, v35  }
0x3dc: {  	v60 =	vld.idx.msk [tilespmem:v25+s3+$0x0], $0xffff  }
0x3dd: {  	v41 =	vld.idx.msk [tilespmem:v21+s0+$0x0], $0xffff;
	v35 =	vadd.f32 v56, v35  }
0x3de: {  	v61 =	vld.idx.msk [tilespmem:v26+s3+$0x0], $0xffff  }
0x3df: {  	v42 =	vld.idx.msk [tilespmem:v22+s0+$0x0], $0xffff;
	v39 =	vadd.f32 $0.0e+00, v57;
	v35 =	vadd.f32 v58, v35  }
0x3e0: {  	v62 =	vld.idx.msk [tilespmem:v27+s3+$0x0], $0xffff  }
0x3e1: {  	v63 =	vld.idx.msk [tilespmem:v23+s0+$0x0], $0xffff;
	v39 =	vadd.f32 v59, v39;
	v35 =	vadd.f32 v60, v35  }
0x3e2: {  	v45 =	vld.idx.msk [tilespmem:v28+s3+$0x0], $0xffff  }
0x3e3: {  	v46 =	vld.idx.msk [tilespmem:v24+s0+$0x0], $0xffff;
	v39 =	vadd.f32 v41, v39;
	v35 =	vadd.f32 v61, v35  }
0x3e4: {  	v47 =	vld.idx.msk [tilespmem:v29+s3+$0x0], $0xffff  }
0x3e5: {  	v48 =	vld.idx.msk [tilespmem:v25+s0+$0x0], $0xffff;
	v39 =	vadd.f32 v42, v39;
	v35 =	vadd.f32 v62, v35  }
0x3e6: {  	v49 =	vld.idx.msk [tilespmem:v30+s3+$0x0], $0xffff  }
0x3e7: {  	v50 =	vld.idx.msk [tilespmem:v26+s0+$0x0], $0xffff;
	v39 =	vadd.f32 v63, v39;
	v35 =	vadd.f32 v45, v35  }
0x3e8: {  	v51 =	vld.idx.msk [tilespmem:v31+s3+$0x0], $0xffff  }
0x3e9: {  	v52 =	vld.idx.msk [tilespmem:v27+s0+$0x0], $0xffff;
	v39 =	vadd.f32 v46, v39;
	v35 =	vadd.f32 v47, v35  }
0x3ea: {  	v53 =	vld.idx.msk [tilespmem:v32+s3+$0x0], $0xffff  }
0x3eb: {  	v54 =	vld.idx.msk [tilespmem:v28+s0+$0x0], $0xffff;
	v39 =	vadd.f32 v48, v39;
	v35 =	vadd.f32 v49, v35  }
0x3ec: {  	v55 =	vld.idx.msk [tilespmem:v33+s3+$0x0], $0xffff  }
0x3ed: {  	v57 =	vld.idx.msk [tilespmem:v34+s3+$0x0], $0xffff;
	v39 =	vadd.f32 v50, v39;
	v35 =	vadd.f32 v51, v35  }
0x3ee: {  	v56 =	vld.idx.msk [tilespmem:v29+s0+$0x0], $0xffff  }
0x3ef: {  	v39 =	vadd.f32 v52, v39;
	v35 =	vadd.f32 v53, v35  }
0x3f0: {  	v58 =	vld.idx.msk [tilespmem:v30+s0+$0x0], $0xffff  }
0x3f1: {  	v39 =	vadd.f32 v54, v39;
	v35 =	vadd.f32 v55, v35  }
0x3f2: {  	v59 =	vld.idx.msk [tilespmem:v31+s0+$0x0], $0xffff  }
0x3f3: {  	v39 =	vadd.f32 v56, v39;
	v35 =	vadd.f32 v57, v35  }
0x3f4: {  	v60 =	vld.idx.msk [tilespmem:v32+s0+$0x0], $0xffff  }
0x3f5: {  	v36 =	vadd.f32 v58, v39;
	(erf) = vrcp.f32 v35  }
0x3f6: {  	v61 =	vld.idx.msk [tilespmem:v33+s0+$0x0], $0xffff  }
0x3f7: {  	v36 =	vadd.f32 v59, v36  }
0x3f8: {  	v62 =	vld.idx.msk [tilespmem:v34+s0+$0x0], $0xffff  }
0x3f9: {  	v36 =	vadd.f32 v60, v36;
	_ =	sdelay $0x1  }
0x3fa: {  	v35 =	vadd.f32 v61, v36  }
0x3fb: {  	p0 =	sne.s32 s21, $0x1F0  }
.Ltmp0:
0x3fc: {  	v35 =	vadd.f32 v62, v35;
	(pc) =	sbr.rel @p0 .LBB2_2-.Ltmp0, $4  }
0x3fd: {  	v63 =	vpop (erf)  }
0x3fe: {  	v35 =	vmul.f32 v63, v35  }
0x3ff: {  	s21 =	sadd.s32 $0x10, s21;
	s20 =	sadd.s32 $0x10, s20;
	s18 =	sadd.s32 $0x10, s18  }
0x400: {  	s23 =	simm.s32 $0x1400;
	s22 =	simm.s32 $0x8400;
	[tilespmem:s19+$0x0] =	vst v35;
	s19 =	sadd.s32 $0x10, s19  }
0x401: {  	s0 =	simm.s32 $0x1  }
0x402: {  	_ =	swait.ge [sflag:s0], $0x1000  }
0x403: {  	[sflag:s0] =	ssyncset.done $0x0  }
0x404: {  	s3 =	simm.s32 $0x9;
	[sflag:s0] =	ssyncadd.s32 $0xFFFFF000  }
0x405: {  	_ =	swait.ge [sflag:s3], $0x1000  }
0x406: {  	[sflag:s3] =	ssyncset.done $0x0  }
0x407: {  	s4 =	simm.s32 $0x2;
	[sflag:s3] =	ssyncadd.s32 $0xFFFFF000  }
0x408: {  	_ =	swait.ge [sflag:s4], $0x1000  }
0x409: {  	[sflag:s4] =	ssyncset.done $0x0  }
0x40a: {  	s5 =	simm.s32 $0xA;
	[sflag:s4] =	ssyncadd.s32 $0xFFFFF000  }
0x40b: {  	_ =	swait.ge [sflag:s5], $0x1000  }
0x40c: {  	[sflag:s5] =	ssyncset.done $0x0  }
0x40d: {  	s13 =	simm.s32 $0x3;
	[sflag:s5] =	ssyncadd.s32 $0xFFFFF000  }
0x40e: {  	_ =	swait.ge [sflag:s13], $0x1000  }
0x40f: {  	[sflag:s13] =	ssyncset.done $0x0  }
0x410: {  	s14 =	simm.s32 $0xB;
	[sflag:s13] =	ssyncadd.s32 $0xFFFFF000  }
0x411: {  	_ =	swait.ge [sflag:s14], $0x1000  }
0x412: {  	[sflag:s14] =	ssyncset.done $0x0  }
0x413: {  	s15 =	simm.s32 $0x4;
	[sflag:s14] =	ssyncadd.s32 $0xFFFFF000  }
0x414: {  	_ =	swait.ge [sflag:s15], $0x1000  }
0x415: {  	[sflag:s15] =	ssyncset.done $0x0  }
0x416: {  	s18 =	simm.s32 $0xC;
	[sflag:s15] =	ssyncadd.s32 $0xFFFFF000  }
0x417: {  	_ =	swait.ge [sflag:s18], $0x1000  }
0x418: {  	[sflag:s18] =	ssyncset.done $0x0  }
0x419: {  	s19 =	simm.s32 $0x5;
	[sflag:s18] =	ssyncadd.s32 $0xFFFFF000  }
0x41a: {  	_ =	swait.ge [sflag:s19], $0x1000  }
0x41b: {  	[sflag:s19] =	ssyncset.done $0x0  }
0x41c: {  	s20 =	simm.s32 $0xD;
	[sflag:s19] =	ssyncadd.s32 $0xFFFFF000  }
0x41d: {  	_ =	swait.ge [sflag:s20], $0x1000  }
0x41e: {  	[sflag:s20] =	ssyncset.done $0x0  }
0x41f: {  	s21 =	simm.s32 $0x6;
	[sflag:s20] =	ssyncadd.s32 $0xFFFFF000  }
0x420: {  	_ =	swait.ge [sflag:s21], $0x1000  }
0x421: {  	[sflag:s21] =	ssyncset.done $0x0  }
0x422: {  	s3 =	simm.s32 $0xE;
	[sflag:s21] =	ssyncadd.s32 $0xFFFFF000  }
0x423: {  	_ =	swait.ge [sflag:s3], $0x1000  }
0x424: {  	[sflag:s3] =	ssyncset.done $0x0  }
0x425: {  	s4 =	simm.s32 $0x7;
	[sflag:s3] =	ssyncadd.s32 $0xFFFFF000  }
0x426: {  	_ =	swait.ge [sflag:s4], $0x1000  }
0x427: {  	[sflag:s4] =	ssyncset.done $0x0  }
0x428: {  	s5 =	simm.s32 $0xF;
	[sflag:s4] =	ssyncadd.s32 $0xFFFFF000  }
0x429: {  	_ =	swait.ge [sflag:s5], $0x1000  }
0x42a: {  	[sflag:s5] =	ssyncset.done $0x0  }
0x42b: {  	s13 =	simm.s32 $0x8;
	[sflag:s5] =	ssyncadd.s32 $0xFFFFF000  }
0x42c: {  	_ =	swait.ge [sflag:s13], $0x1000  }
0x42d: {  	[sflag:s13] =	ssyncset.done $0x0  }
0x42e: {  	s14 =	simm.s32 $0x10;
	[sflag:s13] =	ssyncadd.s32 $0xFFFFF000  }
0x42f: {  	_ =	swait.ge [sflag:s14], $0x1000  }
0x430: {  	s15 =	simm.s32 $0x10600;
	s19 =	simm.s32 $0x0;
	[sflag:s14] =	ssyncset.done $0x0  }
0x431: {  	s21 =	simm.s32 $0x11;
	s18 =	rddreg [dreg:$0x8];
	[sflag:s14] =	ssyncadd.s32 $0xFFFFF000  }
0x432: {  	[hbm4b:s18+s19] =	stream.linear.scatter [tilespmem:s15], [sflag:$0x11], $0x200, $0x38;
	[tilespmem:$0x10800] =	vst v63  }
0x433: {  	_ =	swait.ge [sflag:s21], $0x200  }
0x434: {  	s18 =	rddreg [dreg:$0xa]  }
0x435: {  	s20 =	rddreg [dreg:$0x9];
	s0 =	sadd.s32 $0x1, s18  }
0x436: {  	p0 =	sne.s32 s0, s20  }
.Ltmp1:
0x437: {  	_ = 	snop;
	(pc) =	sbr.rel @p0 .LBB2_1-.Ltmp1, $3  }
0x438: {  	_ =	sdelay $0x1  }
0x439: {  	[sflag:s21] =	ssyncset.done $0x0  }
0x43a: {  	[sflag:s21] =	ssyncadd.s32 $0xFFFFFE00  }
0x43b: {  	_ =	sfence.sel $0x180000  }
0x43c: {  	[bflag:$0x0] =	sbarrier.arrive $0xFFFF  }
0x43d: {  	_ =	strace $0x90000047  }
0x43e: {  	s0 =	stileid.u32;
	[bflag:$0x2] =	sbarrier.arrive $0xFFFF  }
0x43f: {  	p0 =	sne.s32 s0, $0x0;
	s0 =	rddreg [dreg:$0x5]  }
0x440: {  	s0 =	sadd.s32 @!p0 $0x100000, s0  }
0x441: {  	[sflag:s0] =	ssyncadd.tile.s32 @!p0 $0x1;
	_ =	shalt  }
.Lfunc_end2:
_tile_overlayer_lowered:
.L_overlay_start_2:
0x442: {  	(tag) =	ssettag $0x2  }
0x443: {  	s0 =	rddreg [dreg:$0x0];
	s2 =	stileid.u32  }
0x444: {  	s1 =	rddreg [dreg:$0x1];
	p0 =	sne.s32 s2, $0x0  }
0x445: {  	s3 =	rddreg [dreg:$0x2];
	[bflag:$0x3] =	sbarrier.arrive $0xFFFF;
	s2 =	simm.s32 @!p0 $0x1C11  }
0x446: {  	[timem:s3], [sflag:s2] =	dma.local @!p0 [hbm:s0], s1  }
0x447: {  	s0 =	simm.s32 @!p0 $0x11  }
0x448: {  	_ =	swait.ge @!p0 [sflag:s0], s1  }
0x449: {  	s1 =	ssub.s32 @!p0 $0x0, s1;
	[sflag:s0] =	ssyncset.done @!p0 $0x0  }
0x44a: {  	[sflag:s0] =	ssyncadd.s32 @!p0 s1  }
0x44b: {  	[bflag:$0x3] =	sbarrier.arrive $0xFFFF  }
0x44c: {  	_ =	shalt  }

</sc_bundles>
